<compile_context>
chip_gen: v7x
topology: tpu7x:2x2x1
jax: 0.10.2.dev20260603
libtpu: 0.0.44.dev20260713+nightly
codegen_flags: <defaults>
</compile_context>

<pallas_src>
import functools

import jax
import jax.numpy as jnp
from jax import lax
from jax.experimental import pallas as pl
from jax.experimental.pallas import tpu as pltpu
from jax.experimental.pallas import tpu_sc as plsc

_N = 4096
_D = 256
_K = 8
_ROWS = 256
_R_SC = 1536
_R_TC = _N - _R_SC

_KS0 = 0
_KS1 = 42
_KS2 = 0x1BD11BDA ^ _KS0 ^ _KS1
_KS = (_KS0, _KS1, _KS2)


def _threefry_bits(j_u32):
    rot = ((13, 15, 26, 6), (17, 29, 16, 24))

    def rotl(v, r):
        return lax.shift_left(v, jnp.uint32(r)) | lax.shift_right_logical(
            v, jnp.uint32(32 - r))

    x1 = j_u32 + jnp.uint32(_KS1)
    x0 = x1
    x1 = rotl(x1, rot[0][0]) ^ x0
    first = True
    for i in range(5):
        for r in rot[i % 2]:
            if first:
                first = False
                continue
            x0 = x0 + x1
            x1 = rotl(x1, r) ^ x0
        x0 = x0 + jnp.uint32(_KS[(i + 1) % 3])
        x1 = x1 + jnp.uint32((_KS[(i + 2) % 3] + i + 1) & 0xFFFFFFFF)
    return x0 ^ x1



_SC_NW = 32
_SC_ROWS_PER_W = _R_SC // _SC_NW
_SC_CHUNK_ROWS = 4
_SC_CHUNKS = _SC_ROWS_PER_W // _SC_CHUNK_ROWS
_SC_CHUNK_ELEMS = _SC_CHUNK_ROWS * _N
_SC_UNROLL = 16


def _sc_bits_body(out_hbm, buf):
    nc = 2
    wid = lax.axis_index("s") * nc + lax.axis_index("c")
    iota = lax.iota(jnp.int32, 16)
    w_base = wid * (_SC_ROWS_PER_W * _N)

    @pl.loop(0, _SC_CHUNKS)
    def _chunk(ch):
        ch_base = w_base + ch * _SC_CHUNK_ELEMS

        @pl.loop(0, _SC_CHUNK_ELEMS // (16 * _SC_UNROLL))
        def _vec(t):
            for u in range(_SC_UNROLL):
                off = t * (16 * _SC_UNROLL) + u * 16
                j = ((_R_TC * _N) + ch_base + off + iota).astype(jnp.uint32)
                buf[pl.ds(off, 16)] = _threefry_bits(j)

        pltpu.sync_copy(buf, out_hbm.at[pl.ds(ch_base, _SC_CHUNK_ELEMS)])


_sc_bits = functools.partial(
    pl.kernel,
    mesh=plsc.VectorSubcoreMesh(core_axis_name="c", subcore_axis_name="s"),
    out_type=jax.ShapeDtypeStruct((_R_SC * _N,), jnp.uint32),
    scratch_types=[pltpu.VMEM((_SC_CHUNK_ELEMS,), jnp.uint32)],
)(_sc_bits_body)



def _scores_topk(t_ref, xb_ref, xt_ref, sqr_ref, sqc_ref, bits, vals_ref,
                 idx_ref, col):
    xb = xb_ref[...]
    xt = xt_ref[...]

    g = jax.lax.dot_general(xb, xt, (((1,), (0,)), ((), ())),
                            preferred_element_type=jnp.float32)
    sq_r = sqr_ref[...]
    sq_c = sqc_ref[...]
    dist = jnp.maximum((sq_r + sq_c) - 2.0 * g, 0.0)

    fb = lax.shift_right_logical(bits, jnp.uint32(9)) | jnp.uint32(0x3F800000)
    u = jnp.maximum(lax.bitcast_convert_type(fb, jnp.float32) - 1.0, 0.0)
    q = u + 1e-8

    s = jnp.exp(jnp.clip(t_ref[0], -5.0, 5.0))
    score = jnp.log(-jnp.log(q)) - dist * s

    big = jnp.int32(_N)
    neg_inf = jnp.float32(-jnp.inf)
    sc = score
    for k in range(_K):
        m = jnp.max(sc, axis=1, keepdims=True)
        am = jnp.min(jnp.where(sc >= m, col, big), axis=1, keepdims=True)
        vals_ref[:, k:k + 1] = m
        idx_ref[:, k:k + 1] = am
        if k + 1 < _K:
            sc = jnp.where(col == am, neg_inf, sc)


def _body_tc(t_ref, xb_ref, xt_ref, sqr_ref, sqc_ref, vals_ref, idx_ref):
    i = pl.program_id(0)
    row = lax.broadcasted_iota(jnp.int32, (_ROWS, _N), 0)
    col = lax.broadcasted_iota(jnp.int32, (_ROWS, _N), 1)
    j = ((i * _ROWS + row) * _N + col).astype(jnp.uint32)
    bits = _threefry_bits(j)
    _scores_topk(t_ref, xb_ref, xt_ref, sqr_ref, sqc_ref, bits, vals_ref,
                 idx_ref, col)


def _body_scbits(t_ref, xb_ref, xt_ref, sqr_ref, sqc_ref, bits_ref, vals_ref,
                 idx_ref):
    col = lax.broadcasted_iota(jnp.int32, (_ROWS, _N), 1)
    _scores_topk(t_ref, xb_ref, xt_ref, sqr_ref, sqc_ref, bits_ref[...],
                 vals_ref, idx_ref, col)


@jax.jit
def kernel(x, A, temperature):
    del A
    x2d = x[0] if x.ndim == 3 else x
    xt = x2d.T
    t_arr = jnp.reshape(temperature.astype(jnp.float32), (1,))
    sq = jnp.sum(x2d * x2d, axis=-1)
    sq_r = sq[:, None]
    sq_c = sq[None, :]

    bits_hi = _sc_bits().reshape(_R_SC, _N)

    vals_lo, idx_lo = pl.pallas_call(
        _body_tc,
        grid=(_R_TC // _ROWS,),
        in_specs=[
            pl.BlockSpec(memory_space=pltpu.SMEM),
            pl.BlockSpec((_ROWS, _D), lambda i: (i, 0)),
            pl.BlockSpec((_D, _N), lambda i: (0, 0)),
            pl.BlockSpec((_ROWS, 1), lambda i: (i, 0)),
            pl.BlockSpec((1, _N), lambda i: (0, 0)),
        ],
        out_specs=[
            pl.BlockSpec((_ROWS, _K), lambda i: (i, 0)),
            pl.BlockSpec((_ROWS, _K), lambda i: (i, 0)),
        ],
        out_shape=[
            jax.ShapeDtypeStruct((_R_TC, _K), jnp.float32),
            jax.ShapeDtypeStruct((_R_TC, _K), jnp.int32),
        ],
        compiler_params=pltpu.CompilerParams(
            dimension_semantics=("arbitrary",),
        ),
    )(t_arr, x2d, xt, sq_r, sq_c)

    vals_hi, idx_hi = pl.pallas_call(
        _body_scbits,
        grid=(_R_SC // _ROWS,),
        in_specs=[
            pl.BlockSpec(memory_space=pltpu.SMEM),
            pl.BlockSpec((_ROWS, _D), lambda i: (i + _R_TC // _ROWS, 0)),
            pl.BlockSpec((_D, _N), lambda i: (0, 0)),
            pl.BlockSpec((_ROWS, 1), lambda i: (i + _R_TC // _ROWS, 0)),
            pl.BlockSpec((1, _N), lambda i: (0, 0)),
            pl.BlockSpec((_ROWS, _N), lambda i: (i, 0)),
        ],
        out_specs=[
            pl.BlockSpec((_ROWS, _K), lambda i: (i, 0)),
            pl.BlockSpec((_ROWS, _K), lambda i: (i, 0)),
        ],
        out_shape=[
            jax.ShapeDtypeStruct((_R_SC, _K), jnp.float32),
            jax.ShapeDtypeStruct((_R_SC, _K), jnp.int32),
        ],
        compiler_params=pltpu.CompilerParams(
            dimension_semantics=("arbitrary",),
        ),
    )(t_arr, x2d, xt, sq_r, sq_c, bits_hi)

    vals = jnp.concatenate([vals_lo, vals_hi], axis=0)
    idx = jnp.concatenate([idx_lo, idx_hi], axis=0)
    rows = jnp.broadcast_to(jnp.arange(_N, dtype=jnp.int32)[:, None],
                            (_N, _K))
    edges_hat = jnp.stack([idx.reshape(-1), rows.reshape(-1)], axis=0)
    x_out = x2d[None] if x.ndim != 3 else x
    return (x_out, edges_hat, vals[None])

# --- scband reference (transcript-rebuilt; emitter-appended) ---
"""Pipeline reference for scband-dgm-d-26328149524712 (READ-ONLY COPY).

The authoritative reference and input builder live on the scoring server;
editing this copy changes nothing except your own understanding.
"""

import jax, jax.numpy as jnp
import numpy as np

K = 8


def pairwise_euclidean_distances(x):
    # x: [b, n, d]; returns squared euclidean distance matrix [b, n, n] (matches torch.cdist(x,x)**2)
    sq = jnp.sum(x * x, axis=-1)
    D = sq[:, :, None] + sq[:, None, :] - 2.0 * jnp.einsum('bnd,bmd->bnm', x, x)
    D = jnp.maximum(D, 0.0)
    return D, x


def setup_inputs(seed: int = 0) -> dict:
    key = jax.random.key(seed)
    k1, _ = jax.random.split(key)
    x = jax.random.normal(k1, (1, 4096, 256), dtype=jnp.float32)
    A = jnp.zeros((4096, 4096), dtype=jnp.float32)
    # learned parameter of DGM_d (distance='euclidean' -> init 4.0)
    temperature = jnp.asarray(4.0, dtype=jnp.float32)
    return {"x": x, "A": A, "temperature": temperature}


def reference(x, A, temperature):
    # DGM_d.forward with embed_f = identity (lambda x, A: x)
    if x.ndim == 3:
        x = x[0]  # squeeze(0)
    x = x  # embed_f(x, A) -> identity; A unused
    if x.ndim == 2:
        x = x[None]  # unsqueeze(0)
    D, _x = pairwise_euclidean_distances(x)
    b, n, _ = D.shape
    # sample_without_replacement (Gumbel top-k)
    logits = D * jnp.exp(jnp.clip(temperature, -5.0, 5.0))
    q = jax.random.uniform(jax.random.key(42), logits.shape, dtype=jnp.float32) + 1e-08
    lq = logits - jnp.log(-jnp.log(q))
    logprobs, indices = jax.lax.top_k(-lq, K)
    rows = jnp.broadcast_to(jnp.arange(n)[None, :, None], (b, n, K))
    edges = jnp.stack((indices.reshape(b, -1), rows.reshape(b, -1)), axis=-2)  # [b, 2, n*K]
    # sparse=True branch: add batch offsets and flatten to [2, b*n*K]
    offset = (jnp.arange(b) * n)[:, None, None]
    edges_hat = jnp.transpose(edges + offset, (1, 0, 2)).reshape(2, -1)
    return (x, edges_hat, logprobs)

if __name__ == "__main__":
    import jax
    _d = setup_inputs()
    print(jax.jit(kernel)(*tuple(_d.values())))

</pallas_src>

<mosaic_0001>
#map = affine_map<(d0, d1) -> (0)>
module attributes {stable_mosaic.version = 14 : i64} {
  func.func @_sc_bits_body(%arg0: i32, %arg1: i32, %arg2: memref<6291456xi32, #tpu.memory_space<hbm>>, %arg3: memref<16384xi32, #tpu.memory_space<vmem>>) attributes {dimension_semantics = [#tpu.dimension_semantics<core_parallel>, #tpu.dimension_semantics<subcore_parallel>], iteration_bounds = array<i64: 2, 16>, scalar_prefetch = 0 : i64, scratch_operands = 1 : i64, tpu.core_type = #tpu.core_type<sc_vector_subcore>, window_params = [{transform_indices = #map}]} {
    %mul3A = arith.constant 2 : i32
    %mul3A_0 = arith.muli %arg1, %mul3A : i32
    %add3A = arith.addi %mul3A_0, %arg0 : i32
    %iota3A = tpu.iota {dimensions = array<i32: 0>} : vector<16xi32>
    %mul3A_1 = arith.constant 196608 : i32
    %mul3A_2 = arith.muli %add3A, %mul3A_1 : i32
    %scan3A = arith.constant 0 : i32
    %scan3A_3 = arith.constant 12 : i32
    %scan3A_4 = arith.addi %scan3A, %scan3A_3 : i32
    %scan3A_5 = arith.constant 1 : i32
    scf.for %scan3A_7 = %scan3A to %scan3A_4 step %scan3A_5  : i32 {
      %mul3A_8 = arith.constant 1 : i32
      %mul3A_9 = arith.muli %scan3A_7, %mul3A_8 : i32
      %add3A_10 = arith.constant 0 : i32
      %add3A_11 = arith.addi %add3A_10, %mul3A_9 : i32
      %mul3A_12 = arith.constant 16384 : i32
      %mul3A_13 = arith.muli %add3A_11, %mul3A_12 : i32
      %add3A_14 = arith.addi %mul3A_2, %mul3A_13 : i32
      %scan3A_15 = arith.constant 0 : i32
      %scan3A_16 = arith.constant 64 : i32
      %scan3A_17 = arith.addi %scan3A_15, %scan3A_16 : i32
      %scan3A_18 = arith.constant 1 : i32
      scf.for %scan3A_20 = %scan3A_15 to %scan3A_17 step %scan3A_18  : i32 {
        %mul3A_21 = arith.constant 1 : i32
        %mul3A_22 = arith.muli %scan3A_20, %mul3A_21 : i32
        %add3A_23 = arith.constant 0 : i32
        %add3A_24 = arith.addi %add3A_23, %mul3A_22 : i32
        %mul3A_25 = arith.constant 256 : i32
        %mul3A_26 = arith.muli %add3A_24, %mul3A_25 : i32
        %add3A_27 = arith.constant 0 : i32
        %add3A_28 = arith.addi %mul3A_26, %add3A_27 : i32
        %add3A_29 = arith.constant 10485760 : i32
        %add3A_30 = arith.addi %add3A_29, %add3A_14 : i32
        %add3A_31 = arith.addi %add3A_30, %add3A_28 : i32
        %add3A_32 = vector.broadcast %add3A_31 : i32 to vector<16xi32>
        %add3A_33 = arith.addi %add3A_32, %iota3A : vector<16xi32>
        %add3A_34 = arith.constant 42 : i32
        %add3A_35 = vector.broadcast %add3A_34 : i32 to vector<16xi32>
        %add3A_36 = arith.addi %add3A_33, %add3A_35 : vector<16xi32>
        %shift_left3A = arith.constant 13 : i32
        %shift_left3A_37 = vector.broadcast %shift_left3A : i32 to vector<16xi32>
        %shift_left3A_38 = arith.shli %add3A_36, %shift_left3A_37 : vector<16xi32>
        %shift_right_logical3A = arith.constant 19 : i32
        %shift_right_logical3A_39 = vector.broadcast %shift_right_logical3A : i32 to vector<16xi32>
        %shift_right_logical3A_40 = arith.shrui %add3A_36, %shift_right_logical3A_39 : vector<16xi32>
        %or3A = arith.ori %shift_left3A_38, %shift_right_logical3A_40 : vector<16xi32>
        %xor3A = arith.xori %or3A, %add3A_36 : vector<16xi32>
        %add3A_41 = arith.addi %add3A_36, %xor3A : vector<16xi32>
        %shift_left3A_42 = arith.constant 15 : i32
        %shift_left3A_43 = vector.broadcast %shift_left3A_42 : i32 to vector<16xi32>
        %shift_left3A_44 = arith.shli %xor3A, %shift_left3A_43 : vector<16xi32>
        %shift_right_logical3A_45 = arith.constant 17 : i32
        %shift_right_logical3A_46 = vector.broadcast %shift_right_logical3A_45 : i32 to vector<16xi32>
        %shift_right_logical3A_47 = arith.shrui %xor3A, %shift_right_logical3A_46 : vector<16xi32>
        %or3A_48 = arith.ori %shift_left3A_44, %shift_right_logical3A_47 : vector<16xi32>
        %xor3A_49 = arith.xori %or3A_48, %add3A_41 : vector<16xi32>
        %add3A_50 = arith.addi %add3A_41, %xor3A_49 : vector<16xi32>
        %shift_left3A_51 = arith.constant 26 : i32
        %shift_left3A_52 = vector.broadcast %shift_left3A_51 : i32 to vector<16xi32>
        %shift_left3A_53 = arith.shli %xor3A_49, %shift_left3A_52 : vector<16xi32>
        %shift_right_logical3A_54 = arith.constant 6 : i32
        %shift_right_logical3A_55 = vector.broadcast %shift_right_logical3A_54 : i32 to vector<16xi32>
        %shift_right_logical3A_56 = arith.shrui %xor3A_49, %shift_right_logical3A_55 : vector<16xi32>
        %or3A_57 = arith.ori %shift_left3A_53, %shift_right_logical3A_56 : vector<16xi32>
        %xor3A_58 = arith.xori %or3A_57, %add3A_50 : vector<16xi32>
        %add3A_59 = arith.addi %add3A_50, %xor3A_58 : vector<16xi32>
        %shift_left3A_60 = arith.constant 6 : i32
        %shift_left3A_61 = vector.broadcast %shift_left3A_60 : i32 to vector<16xi32>
        %shift_left3A_62 = arith.shli %xor3A_58, %shift_left3A_61 : vector<16xi32>
        %shift_right_logical3A_63 = arith.constant 26 : i32
        %shift_right_logical3A_64 = vector.broadcast %shift_right_logical3A_63 : i32 to vector<16xi32>
        %shift_right_logical3A_65 = arith.shrui %xor3A_58, %shift_right_logical3A_64 : vector<16xi32>
        %or3A_66 = arith.ori %shift_left3A_62, %shift_right_logical3A_65 : vector<16xi32>
        %xor3A_67 = arith.xori %or3A_66, %add3A_59 : vector<16xi32>
        %add3A_68 = arith.constant 42 : i32
        %add3A_69 = vector.broadcast %add3A_68 : i32 to vector<16xi32>
        %add3A_70 = arith.addi %add3A_59, %add3A_69 : vector<16xi32>
        %add3A_71 = arith.constant 466689009 : i32
        %add3A_72 = vector.broadcast %add3A_71 : i32 to vector<16xi32>
        %add3A_73 = arith.addi %xor3A_67, %add3A_72 : vector<16xi32>
        %add3A_74 = arith.addi %add3A_70, %add3A_73 : vector<16xi32>
        %shift_left3A_75 = arith.constant 17 : i32
        %shift_left3A_76 = vector.broadcast %shift_left3A_75 : i32 to vector<16xi32>
        %shift_left3A_77 = arith.shli %add3A_73, %shift_left3A_76 : vector<16xi32>
        %shift_right_logical3A_78 = arith.constant 15 : i32
        %shift_right_logical3A_79 = vector.broadcast %shift_right_logical3A_78 : i32 to vector<16xi32>
        %shift_right_logical3A_80 = arith.shrui %add3A_73, %shift_right_logical3A_79 : vector<16xi32>
        %or3A_81 = arith.ori %shift_left3A_77, %shift_right_logical3A_80 : vector<16xi32>
        %xor3A_82 = arith.xori %or3A_81, %add3A_74 : vector<16xi32>
        %add3A_83 = arith.addi %add3A_74, %xor3A_82 : vector<16xi32>
        %shift_left3A_84 = arith.constant 29 : i32
        %shift_left3A_85 = vector.broadcast %shift_left3A_84 : i32 to vector<16xi32>
        %shift_left3A_86 = arith.shli %xor3A_82, %shift_left3A_85 : vector<16xi32>
        %shift_right_logical3A_87 = arith.constant 3 : i32
        %shift_right_logical3A_88 = vector.broadcast %shift_right_logical3A_87 : i32 to vector<16xi32>
        %shift_right_logical3A_89 = arith.shrui %xor3A_82, %shift_right_logical3A_88 : vector<16xi32>
        %or3A_90 = arith.ori %shift_left3A_86, %shift_right_logical3A_89 : vector<16xi32>
        %xor3A_91 = arith.xori %or3A_90, %add3A_83 : vector<16xi32>
        %add3A_92 = arith.addi %add3A_83, %xor3A_91 : vector<16xi32>
        %shift_left3A_93 = arith.constant 16 : i32
        %shift_left3A_94 = vector.broadcast %shift_left3A_93 : i32 to vector<16xi32>
        %shift_left3A_95 = arith.shli %xor3A_91, %shift_left3A_94 : vector<16xi32>
        %shift_right_logical3A_96 = arith.constant 16 : i32
        %shift_right_logical3A_97 = vector.broadcast %shift_right_logical3A_96 : i32 to vector<16xi32>
        %shift_right_logical3A_98 = arith.shrui %xor3A_91, %shift_right_logical3A_97 : vector<16xi32>
        %or3A_99 = arith.ori %shift_left3A_95, %shift_right_logical3A_98 : vector<16xi32>
        %xor3A_100 = arith.xori %or3A_99, %add3A_92 : vector<16xi32>
        %add3A_101 = arith.addi %add3A_92, %xor3A_100 : vector<16xi32>
        %shift_left3A_102 = arith.constant 24 : i32
        %shift_left3A_103 = vector.broadcast %shift_left3A_102 : i32 to vector<16xi32>
        %shift_left3A_104 = arith.shli %xor3A_100, %shift_left3A_103 : vector<16xi32>
        %shift_right_logical3A_105 = arith.constant 8 : i32
        %shift_right_logical3A_106 = vector.broadcast %shift_right_logical3A_105 : i32 to vector<16xi32>
        %shift_right_logical3A_107 = arith.shrui %xor3A_100, %shift_right_logical3A_106 : vector<16xi32>
        %or3A_108 = arith.ori %shift_left3A_104, %shift_right_logical3A_107 : vector<16xi32>
        %xor3A_109 = arith.xori %or3A_108, %add3A_101 : vector<16xi32>
        %add3A_110 = arith.constant 466689008 : i32
        %add3A_111 = vector.broadcast %add3A_110 : i32 to vector<16xi32>
        %add3A_112 = arith.addi %add3A_101, %add3A_111 : vector<16xi32>
        %add3A_113 = arith.constant 2 : i32
        %add3A_114 = vector.broadcast %add3A_113 : i32 to vector<16xi32>
        %add3A_115 = arith.addi %xor3A_109, %add3A_114 : vector<16xi32>
        %add3A_116 = arith.addi %add3A_112, %add3A_115 : vector<16xi32>
        %shift_left3A_117 = arith.constant 13 : i32
        %shift_left3A_118 = vector.broadcast %shift_left3A_117 : i32 to vector<16xi32>
        %shift_left3A_119 = arith.shli %add3A_115, %shift_left3A_118 : vector<16xi32>
        %shift_right_logical3A_120 = arith.constant 19 : i32
        %shift_right_logical3A_121 = vector.broadcast %shift_right_logical3A_120 : i32 to vector<16xi32>
        %shift_right_logical3A_122 = arith.shrui %add3A_115, %shift_right_logical3A_121 : vector<16xi32>
        %or3A_123 = arith.ori %shift_left3A_119, %shift_right_logical3A_122 : vector<16xi32>
        %xor3A_124 = arith.xori %or3A_123, %add3A_116 : vector<16xi32>
        %add3A_125 = arith.addi %add3A_116, %xor3A_124 : vector<16xi32>
        %shift_left3A_126 = arith.constant 15 : i32
        %shift_left3A_127 = vector.broadcast %shift_left3A_126 : i32 to vector<16xi32>
        %shift_left3A_128 = arith.shli %xor3A_124, %shift_left3A_127 : vector<16xi32>
        %shift_right_logical3A_129 = arith.constant 17 : i32
        %shift_right_logical3A_130 = vector.broadcast %shift_right_logical3A_129 : i32 to vector<16xi32>
        %shift_right_logical3A_131 = arith.shrui %xor3A_124, %shift_right_logical3A_130 : vector<16xi32>
        %or3A_132 = arith.ori %shift_left3A_128, %shift_right_logical3A_131 : vector<16xi32>
        %xor3A_133 = arith.xori %or3A_132, %add3A_125 : vector<16xi32>
        %add3A_134 = arith.addi %add3A_125, %xor3A_133 : vector<16xi32>
        %shift_left3A_135 = arith.constant 26 : i32
        %shift_left3A_136 = vector.broadcast %shift_left3A_135 : i32 to vector<16xi32>
        %shift_left3A_137 = arith.shli %xor3A_133, %shift_left3A_136 : vector<16xi32>
        %shift_right_logical3A_138 = arith.constant 6 : i32
        %shift_right_logical3A_139 = vector.broadcast %shift_right_logical3A_138 : i32 to vector<16xi32>
        %shift_right_logical3A_140 = arith.shrui %xor3A_133, %shift_right_logical3A_139 : vector<16xi32>
        %or3A_141 = arith.ori %shift_left3A_137, %shift_right_logical3A_140 : vector<16xi32>
        %xor3A_142 = arith.xori %or3A_141, %add3A_134 : vector<16xi32>
        %add3A_143 = arith.addi %add3A_134, %xor3A_142 : vector<16xi32>
        %shift_left3A_144 = arith.constant 6 : i32
        %shift_left3A_145 = vector.broadcast %shift_left3A_144 : i32 to vector<16xi32>
        %shift_left3A_146 = arith.shli %xor3A_142, %shift_left3A_145 : vector<16xi32>
        %shift_right_logical3A_147 = arith.constant 26 : i32
        %shift_right_logical3A_148 = vector.broadcast %shift_right_logical3A_147 : i32 to vector<16xi32>
        %shift_right_logical3A_149 = arith.shrui %xor3A_142, %shift_right_logical3A_148 : vector<16xi32>
        %or3A_150 = arith.ori %shift_left3A_146, %shift_right_logical3A_149 : vector<16xi32>
        %xor3A_151 = arith.xori %or3A_150, %add3A_143 : vector<16xi32>
        %add3A_152 = arith.constant 0 : i32
        %add3A_153 = vector.broadcast %add3A_152 : i32 to vector<16xi32>
        %add3A_154 = arith.addi %add3A_143, %add3A_153 : vector<16xi32>
        %add3A_155 = arith.constant 45 : i32
        %add3A_156 = vector.broadcast %add3A_155 : i32 to vector<16xi32>
        %add3A_157 = arith.addi %xor3A_151, %add3A_156 : vector<16xi32>
        %add3A_158 = arith.addi %add3A_154, %add3A_157 : vector<16xi32>
        %shift_left3A_159 = arith.constant 17 : i32
        %shift_left3A_160 = vector.broadcast %shift_left3A_159 : i32 to vector<16xi32>
        %shift_left3A_161 = arith.shli %add3A_157, %shift_left3A_160 : vector<16xi32>
        %shift_right_logical3A_162 = arith.constant 15 : i32
        %shift_right_logical3A_163 = vector.broadcast %shift_right_logical3A_162 : i32 to vector<16xi32>
        %shift_right_logical3A_164 = arith.shrui %add3A_157, %shift_right_logical3A_163 : vector<16xi32>
        %or3A_165 = arith.ori %shift_left3A_161, %shift_right_logical3A_164 : vector<16xi32>
        %xor3A_166 = arith.xori %or3A_165, %add3A_158 : vector<16xi32>
        %add3A_167 = arith.addi %add3A_158, %xor3A_166 : vector<16xi32>
        %shift_left3A_168 = arith.constant 29 : i32
        %shift_left3A_169 = vector.broadcast %shift_left3A_168 : i32 to vector<16xi32>
        %shift_left3A_170 = arith.shli %xor3A_166, %shift_left3A_169 : vector<16xi32>
        %shift_right_logical3A_171 = arith.constant 3 : i32
        %shift_right_logical3A_172 = vector.broadcast %shift_right_logical3A_171 : i32 to vector<16xi32>
        %shift_right_logical3A_173 = arith.shrui %xor3A_166, %shift_right_logical3A_172 : vector<16xi32>
        %or3A_174 = arith.ori %shift_left3A_170, %shift_right_logical3A_173 : vector<16xi32>
        %xor3A_175 = arith.xori %or3A_174, %add3A_167 : vector<16xi32>
        %add3A_176 = arith.addi %add3A_167, %xor3A_175 : vector<16xi32>
        %shift_left3A_177 = arith.constant 16 : i32
        %shift_left3A_178 = vector.broadcast %shift_left3A_177 : i32 to vector<16xi32>
        %shift_left3A_179 = arith.shli %xor3A_175, %shift_left3A_178 : vector<16xi32>
        %shift_right_logical3A_180 = arith.constant 16 : i32
        %shift_right_logical3A_181 = vector.broadcast %shift_right_logical3A_180 : i32 to vector<16xi32>
        %shift_right_logical3A_182 = arith.shrui %xor3A_175, %shift_right_logical3A_181 : vector<16xi32>
        %or3A_183 = arith.ori %shift_left3A_179, %shift_right_logical3A_182 : vector<16xi32>
        %xor3A_184 = arith.xori %or3A_183, %add3A_176 : vector<16xi32>
        %add3A_185 = arith.addi %add3A_176, %xor3A_184 : vector<16xi32>
        %shift_left3A_186 = arith.constant 24 : i32
        %shift_left3A_187 = vector.broadcast %shift_left3A_186 : i32 to vector<16xi32>
        %shift_left3A_188 = arith.shli %xor3A_184, %shift_left3A_187 : vector<16xi32>
        %shift_right_logical3A_189 = arith.constant 8 : i32
        %shift_right_logical3A_190 = vector.broadcast %shift_right_logical3A_189 : i32 to vector<16xi32>
        %shift_right_logical3A_191 = arith.shrui %xor3A_184, %shift_right_logical3A_190 : vector<16xi32>
        %or3A_192 = arith.ori %shift_left3A_188, %shift_right_logical3A_191 : vector<16xi32>
        %xor3A_193 = arith.xori %or3A_192, %add3A_185 : vector<16xi32>
        %add3A_194 = arith.constant 42 : i32
        %add3A_195 = vector.broadcast %add3A_194 : i32 to vector<16xi32>
        %add3A_196 = arith.addi %add3A_185, %add3A_195 : vector<16xi32>
        %add3A_197 = arith.constant 466689012 : i32
        %add3A_198 = vector.broadcast %add3A_197 : i32 to vector<16xi32>
        %add3A_199 = arith.addi %xor3A_193, %add3A_198 : vector<16xi32>
        %add3A_200 = arith.addi %add3A_196, %add3A_199 : vector<16xi32>
        %shift_left3A_201 = arith.constant 13 : i32
        %shift_left3A_202 = vector.broadcast %shift_left3A_201 : i32 to vector<16xi32>
        %shift_left3A_203 = arith.shli %add3A_199, %shift_left3A_202 : vector<16xi32>
        %shift_right_logical3A_204 = arith.constant 19 : i32
        %shift_right_logical3A_205 = vector.broadcast %shift_right_logical3A_204 : i32 to vector<16xi32>
        %shift_right_logical3A_206 = arith.shrui %add3A_199, %shift_right_logical3A_205 : vector<16xi32>
        %or3A_207 = arith.ori %shift_left3A_203, %shift_right_logical3A_206 : vector<16xi32>
        %xor3A_208 = arith.xori %or3A_207, %add3A_200 : vector<16xi32>
        %add3A_209 = arith.addi %add3A_200, %xor3A_208 : vector<16xi32>
        %shift_left3A_210 = arith.constant 15 : i32
        %shift_left3A_211 = vector.broadcast %shift_left3A_210 : i32 to vector<16xi32>
        %shift_left3A_212 = arith.shli %xor3A_208, %shift_left3A_211 : vector<16xi32>
        %shift_right_logical3A_213 = arith.constant 17 : i32
        %shift_right_logical3A_214 = vector.broadcast %shift_right_logical3A_213 : i32 to vector<16xi32>
        %shift_right_logical3A_215 = arith.shrui %xor3A_208, %shift_right_logical3A_214 : vector<16xi32>
        %or3A_216 = arith.ori %shift_left3A_212, %shift_right_logical3A_215 : vector<16xi32>
        %xor3A_217 = arith.xori %or3A_216, %add3A_209 : vector<16xi32>
        %add3A_218 = arith.addi %add3A_209, %xor3A_217 : vector<16xi32>
        %shift_left3A_219 = arith.constant 26 : i32
        %shift_left3A_220 = vector.broadcast %shift_left3A_219 : i32 to vector<16xi32>
        %shift_left3A_221 = arith.shli %xor3A_217, %shift_left3A_220 : vector<16xi32>
        %shift_right_logical3A_222 = arith.constant 6 : i32
        %shift_right_logical3A_223 = vector.broadcast %shift_right_logical3A_222 : i32 to vector<16xi32>
        %shift_right_logical3A_224 = arith.shrui %xor3A_217, %shift_right_logical3A_223 : vector<16xi32>
        %or3A_225 = arith.ori %shift_left3A_221, %shift_right_logical3A_224 : vector<16xi32>
        %xor3A_226 = arith.xori %or3A_225, %add3A_218 : vector<16xi32>
        %add3A_227 = arith.addi %add3A_218, %xor3A_226 : vector<16xi32>
        %shift_left3A_228 = arith.constant 6 : i32
        %shift_left3A_229 = vector.broadcast %shift_left3A_228 : i32 to vector<16xi32>
        %shift_left3A_230 = arith.shli %xor3A_226, %shift_left3A_229 : vector<16xi32>
        %shift_right_logical3A_231 = arith.constant 26 : i32
        %shift_right_logical3A_232 = vector.broadcast %shift_right_logical3A_231 : i32 to vector<16xi32>
        %shift_right_logical3A_233 = arith.shrui %xor3A_226, %shift_right_logical3A_232 : vector<16xi32>
        %or3A_234 = arith.ori %shift_left3A_230, %shift_right_logical3A_233 : vector<16xi32>
        %xor3A_235 = arith.xori %or3A_234, %add3A_227 : vector<16xi32>
        %add3A_236 = arith.constant 466689008 : i32
        %add3A_237 = vector.broadcast %add3A_236 : i32 to vector<16xi32>
        %add3A_238 = arith.addi %add3A_227, %add3A_237 : vector<16xi32>
        %add3A_239 = arith.constant 5 : i32
        %add3A_240 = vector.broadcast %add3A_239 : i32 to vector<16xi32>
        %add3A_241 = arith.addi %xor3A_235, %add3A_240 : vector<16xi32>
        %xor3A_242 = arith.xori %add3A_238, %add3A_241 : vector<16xi32>
        %swap3A = arith.index_cast %add3A_28 : i32 to index
        %swap3A_243 = tpu.vector_load %arg3[%swap3A] {strides = array<i32>} : memref<16384xi32, #tpu.memory_space<vmem>>, vector<16xi32>,
        %swap3A_244 = vector.shape_cast %swap3A_243 : vector<16xi32> to vector<16xi32>
        %swap3A_245 = vector.shape_cast %xor3A_242 : vector<16xi32> to vector<16xi32>
        tpu.vector_store %arg3[%swap3A], %swap3A_245 {strides = array<i32>} : memref<16384xi32, #tpu.memory_space<vmem>>, vector<16xi32>,
        %mul3A_246 = arith.constant 256 : i32
        %mul3A_247 = arith.muli %add3A_24, %mul3A_246 : i32
        %add3A_248 = arith.constant 16 : i32
        %add3A_249 = arith.addi %mul3A_247, %add3A_248 : i32
        %add3A_250 = arith.constant 10485760 : i32
        %add3A_251 = arith.addi %add3A_250, %add3A_14 : i32
        %add3A_252 = arith.addi %add3A_251, %add3A_249 : i32
        %add3A_253 = vector.broadcast %add3A_252 : i32 to vector<16xi32>
        %add3A_254 = arith.addi %add3A_253, %iota3A : vector<16xi32>
        %add3A_255 = arith.constant 42 : i32
        %add3A_256 = vector.broadcast %add3A_255 : i32 to vector<16xi32>
        %add3A_257 = arith.addi %add3A_254, %add3A_256 : vector<16xi32>
        %shift_left3A_258 = arith.constant 13 : i32
        %shift_left3A_259 = vector.broadcast %shift_left3A_258 : i32 to vector<16xi32>
        %shift_left3A_260 = arith.shli %add3A_257, %shift_left3A_259 : vector<16xi32>
        %shift_right_logical3A_261 = arith.constant 19 : i32
        %shift_right_logical3A_262 = vector.broadcast %shift_right_logical3A_261 : i32 to vector<16xi32>
        %shift_right_logical3A_263 = arith.shrui %add3A_257, %shift_right_logical3A_262 : vector<16xi32>
        %or3A_264 = arith.ori %shift_left3A_260, %shift_right_logical3A_263 : vector<16xi32>
        %xor3A_265 = arith.xori %or3A_264, %add3A_257 : vector<16xi32>
        %add3A_266 = arith.addi %add3A_257, %xor3A_265 : vector<16xi32>
        %shift_left3A_267 = arith.constant 15 : i32
        %shift_left3A_268 = vector.broadcast %shift_left3A_267 : i32 to vector<16xi32>
        %shift_left3A_269 = arith.shli %xor3A_265, %shift_left3A_268 : vector<16xi32>
        %shift_right_logical3A_270 = arith.constant 17 : i32
        %shift_right_logical3A_271 = vector.broadcast %shift_right_logical3A_270 : i32 to vector<16xi32>
        %shift_right_logical3A_272 = arith.shrui %xor3A_265, %shift_right_logical3A_271 : vector<16xi32>
        %or3A_273 = arith.ori %shift_left3A_269, %shift_right_logical3A_272 : vector<16xi32>
        %xor3A_274 = arith.xori %or3A_273, %add3A_266 : vector<16xi32>
        %add3A_275 = arith.addi %add3A_266, %xor3A_274 : vector<16xi32>
        %shift_left3A_276 = arith.constant 26 : i32
        %shift_left3A_277 = vector.broadcast %shift_left3A_276 : i32 to vector<16xi32>
        %shift_left3A_278 = arith.shli %xor3A_274, %shift_left3A_277 : vector<16xi32>
        %shift_right_logical3A_279 = arith.constant 6 : i32
        %shift_right_logical3A_280 = vector.broadcast %shift_right_logical3A_279 : i32 to vector<16xi32>
        %shift_right_logical3A_281 = arith.shrui %xor3A_274, %shift_right_logical3A_280 : vector<16xi32>
        %or3A_282 = arith.ori %shift_left3A_278, %shift_right_logical3A_281 : vector<16xi32>
        %xor3A_283 = arith.xori %or3A_282, %add3A_275 : vector<16xi32>
        %add3A_284 = arith.addi %add3A_275, %xor3A_283 : vector<16xi32>
        %shift_left3A_285 = arith.constant 6 : i32
        %shift_left3A_286 = vector.broadcast %shift_left3A_285 : i32 to vector<16xi32>
        %shift_left3A_287 = arith.shli %xor3A_283, %shift_left3A_286 : vector<16xi32>
        %shift_right_logical3A_288 = arith.constant 26 : i32
        %shift_right_logical3A_289 = vector.broadcast %shift_right_logical3A_288 : i32 to vector<16xi32>
        %shift_right_logical3A_290 = arith.shrui %xor3A_283, %shift_right_logical3A_289 : vector<16xi32>
        %or3A_291 = arith.ori %shift_left3A_287, %shift_right_logical3A_290 : vector<16xi32>
        %xor3A_292 = arith.xori %or3A_291, %add3A_284 : vector<16xi32>
        %add3A_293 = arith.constant 42 : i32
        %add3A_294 = vector.broadcast %add3A_293 : i32 to vector<16xi32>
        %add3A_295 = arith.addi %add3A_284, %add3A_294 : vector<16xi32>
        %add3A_296 = arith.constant 466689009 : i32
        %add3A_297 = vector.broadcast %add3A_296 : i32 to vector<16xi32>
        %add3A_298 = arith.addi %xor3A_292, %add3A_297 : vector<16xi32>
        %add3A_299 = arith.addi %add3A_295, %add3A_298 : vector<16xi32>
        %shift_left3A_300 = arith.constant 17 : i32
        %shift_left3A_301 = vector.broadcast %shift_left3A_300 : i32 to vector<16xi32>
        %shift_left3A_302 = arith.shli %add3A_298, %shift_left3A_301 : vector<16xi32>
        %shift_right_logical3A_303 = arith.constant 15 : i32
        %shift_right_logical3A_304 = vector.broadcast %shift_right_logical3A_303 : i32 to vector<16xi32>
        %shift_right_logical3A_305 = arith.shrui %add3A_298, %shift_right_logical3A_304 : vector<16xi32>
        %or3A_306 = arith.ori %shift_left3A_302, %shift_right_logical3A_305 : vector<16xi32>
        %xor3A_307 = arith.xori %or3A_306, %add3A_299 : vector<16xi32>
        %add3A_308 = arith.addi %add3A_299, %xor3A_307 : vector<16xi32>
        %shift_left3A_309 = arith.constant 29 : i32
        %shift_left3A_310 = vector.broadcast %shift_left3A_309 : i32 to vector<16xi32>
        %shift_left3A_311 = arith.shli %xor3A_307, %shift_left3A_310 : vector<16xi32>
        %shift_right_logical3A_312 = arith.constant 3 : i32
        %shift_right_logical3A_313 = vector.broadcast %shift_right_logical3A_312 : i32 to vector<16xi32>
        %shift_right_logical3A_314 = arith.shrui %xor3A_307, %shift_right_logical3A_313 : vector<16xi32>
        %or3A_315 = arith.ori %shift_left3A_311, %shift_right_logical3A_314 : vector<16xi32>
        %xor3A_316 = arith.xori %or3A_315, %add3A_308 : vector<16xi32>
        %add3A_317 = arith.addi %add3A_308, %xor3A_316 : vector<16xi32>
        %shift_left3A_318 = arith.constant 16 : i32
        %shift_left3A_319 = vector.broadcast %shift_left3A_318 : i32 to vector<16xi32>
        %shift_left3A_320 = arith.shli %xor3A_316, %shift_left3A_319 : vector<16xi32>
        %shift_right_logical3A_321 = arith.constant 16 : i32
        %shift_right_logical3A_322 = vector.broadcast %shift_right_logical3A_321 : i32 to vector<16xi32>
        %shift_right_logical3A_323 = arith.shrui %xor3A_316, %shift_right_logical3A_322 : vector<16xi32>
        %or3A_324 = arith.ori %shift_left3A_320, %shift_right_logical3A_323 : vector<16xi32>
        %xor3A_325 = arith.xori %or3A_324, %add3A_317 : vector<16xi32>
        %add3A_326 = arith.addi %add3A_317, %xor3A_325 : vector<16xi32>
        %shift_left3A_327 = arith.constant 24 : i32
        %shift_left3A_328 = vector.broadcast %shift_left3A_327 : i32 to vector<16xi32>
        %shift_left3A_329 = arith.shli %xor3A_325, %shift_left3A_328 : vector<16xi32>
        %shift_right_logical3A_330 = arith.constant 8 : i32
        %shift_right_logical3A_331 = vector.broadcast %shift_right_logical3A_330 : i32 to vector<16xi32>
        %shift_right_logical3A_332 = arith.shrui %xor3A_325, %shift_right_logical3A_331 : vector<16xi32>
        %or3A_333 = arith.ori %shift_left3A_329, %shift_right_logical3A_332 : vector<16xi32>
        %xor3A_334 = arith.xori %or3A_333, %add3A_326 : vector<16xi32>
        %add3A_335 = arith.constant 466689008 : i32
        %add3A_336 = vector.broadcast %add3A_335 : i32 to vector<16xi32>
        %add3A_337 = arith.addi %add3A_326, %add3A_336 : vector<16xi32>
        %add3A_338 = arith.constant 2 : i32
        %add3A_339 = vector.broadcast %add3A_338 : i32 to vector<16xi32>
        %add3A_340 = arith.addi %xor3A_334, %add3A_339 : vector<16xi32>
        %add3A_341 = arith.addi %add3A_337, %add3A_340 : vector<16xi32>
        %shift_left3A_342 = arith.constant 13 : i32
        %shift_left3A_343 = vector.broadcast %shift_left3A_342 : i32 to vector<16xi32>
        %shift_left3A_344 = arith.shli %add3A_340, %shift_left3A_343 : vector<16xi32>
        %shift_right_logical3A_345 = arith.constant 19 : i32
        %shift_right_logical3A_346 = vector.broadcast %shift_right_logical3A_345 : i32 to vector<16xi32>
        %shift_right_logical3A_347 = arith.shrui %add3A_340, %shift_right_logical3A_346 : vector<16xi32>
        %or3A_348 = arith.ori %shift_left3A_344, %shift_right_logical3A_347 : vector<16xi32>
        %xor3A_349 = arith.xori %or3A_348, %add3A_341 : vector<16xi32>
        %add3A_350 = arith.addi %add3A_341, %xor3A_349 : vector<16xi32>
        %shift_left3A_351 = arith.constant 15 : i32
        %shift_left3A_352 = vector.broadcast %shift_left3A_351 : i32 to vector<16xi32>
        %shift_left3A_353 = arith.shli %xor3A_349, %shift_left3A_352 : vector<16xi32>
        %shift_right_logical3A_354 = arith.constant 17 : i32
        %shift_right_logical3A_355 = vector.broadcast %shift_right_logical3A_354 : i32 to vector<16xi32>
        %shift_right_logical3A_356 = arith.shrui %xor3A_349, %shift_right_logical3A_355 : vector<16xi32>
        %or3A_357 = arith.ori %shift_left3A_353, %shift_right_logical3A_356 : vector<16xi32>
        %xor3A_358 = arith.xori %or3A_357, %add3A_350 : vector<16xi32>
        %add3A_359 = arith.addi %add3A_350, %xor3A_358 : vector<16xi32>
        %shift_left3A_360 = arith.constant 26 : i32
        %shift_left3A_361 = vector.broadcast %shift_left3A_360 : i32 to vector<16xi32>
        %shift_left3A_362 = arith.shli %xor3A_358, %shift_left3A_361 : vector<16xi32>
        %shift_right_logical3A_363 = arith.constant 6 : i32
        %shift_right_logical3A_364 = vector.broadcast %shift_right_logical3A_363 : i32 to vector<16xi32>
        %shift_right_logical3A_365 = arith.shrui %xor3A_358, %shift_right_logical3A_364 : vector<16xi32>
        %or3A_366 = arith.ori %shift_left3A_362, %shift_right_logical3A_365 : vector<16xi32>
        %xor3A_367 = arith.xori %or3A_366, %add3A_359 : vector<16xi32>
        %add3A_368 = arith.addi %add3A_359, %xor3A_367 : vector<16xi32>
        %shift_left3A_369 = arith.constant 6 : i32
        %shift_left3A_370 = vector.broadcast %shift_left3A_369 : i32 to vector<16xi32>
        %shift_left3A_371 = arith.shli %xor3A_367, %shift_left3A_370 : vector<16xi32>
        %shift_right_logical3A_372 = arith.constant 26 : i32
        %shift_right_logical3A_373 = vector.broadcast %shift_right_logical3A_372 : i32 to vector<16xi32>
        %shift_right_logical3A_374 = arith.shrui %xor3A_367, %shift_right_logical3A_373 : vector<16xi32>
        %or3A_375 = arith.ori %shift_left3A_371, %shift_right_logical3A_374 : vector<16xi32>
        %xor3A_376 = arith.xori %or3A_375, %add3A_368 : vector<16xi32>
        %add3A_377 = arith.constant 0 : i32
        %add3A_378 = vector.broadcast %add3A_377 : i32 to vector<16xi32>
        %add3A_379 = arith.addi %add3A_368, %add3A_378 : vector<16xi32>
        %add3A_380 = arith.constant 45 : i32
        %add3A_381 = vector.broadcast %add3A_380 : i32 to vector<16xi32>
        %add3A_382 = arith.addi %xor3A_376, %add3A_381 : vector<16xi32>
        %add3A_383 = arith.addi %add3A_379, %add3A_382 : vector<16xi32>
        %shift_left3A_384 = arith.constant 17 : i32
        %shift_left3A_385 = vector.broadcast %shift_left3A_384 : i32 to vector<16xi32>
        %shift_left3A_386 = arith.shli %add3A_382, %shift_left3A_385 : vector<16xi32>
        %shift_right_logical3A_387 = arith.constant 15 : i32
        %shift_right_logical3A_388 = vector.broadcast %shift_right_logical3A_387 : i32 to vector<16xi32>
        %shift_right_logical3A_389 = arith.shrui %add3A_382, %shift_right_logical3A_388 : vector<16xi32>
        %or3A_390 = arith.ori %shift_left3A_386, %shift_right_logical3A_389 : vector<16xi32>
        %xor3A_391 = arith.xori %or3A_390, %add3A_383 : vector<16xi32>
        %add3A_392 = arith.addi %add3A_383, %xor3A_391 : vector<16xi32>
        %shift_left3A_393 = arith.constant 29 : i32
        %shift_left3A_394 = vector.broadcast %shift_left3A_393 : i32 to vector<16xi32>
        %shift_left3A_395 = arith.shli %xor3A_391, %shift_left3A_394 : vector<16xi32>
        %shift_right_logical3A_396 = arith.constant 3 : i32
        %shift_right_logical3A_397 = vector.broadcast %shift_right_logical3A_396 : i32 to vector<16xi32>
        %shift_right_logical3A_398 = arith.shrui %xor3A_391, %shift_right_logical3A_397 : vector<16xi32>
        %or3A_399 = arith.ori %shift_left3A_395, %shift_right_logical3A_398 : vector<16xi32>
        %xor3A_400 = arith.xori %or3A_399, %add3A_392 : vector<16xi32>
        %add3A_401 = arith.addi %add3A_392, %xor3A_400 : vector<16xi32>
        %shift_left3A_402 = arith.constant 16 : i32
        %shift_left3A_403 = vector.broadcast %shift_left3A_402 : i32 to vector<16xi32>
        %shift_left3A_404 = arith.shli %xor3A_400, %shift_left3A_403 : vector<16xi32>
        %shift_right_logical3A_405 = arith.constant 16 : i32
        %shift_right_logical3A_406 = vector.broadcast %shift_right_logical3A_405 : i32 to vector<16xi32>
        %shift_right_logical3A_407 = arith.shrui %xor3A_400, %shift_right_logical3A_406 : vector<16xi32>
        %or3A_408 = arith.ori %shift_left3A_404, %shift_right_logical3A_407 : vector<16xi32>
        %xor3A_409 = arith.xori %or3A_408, %add3A_401 : vector<16xi32>
        %add3A_410 = arith.addi %add3A_401, %xor3A_409 : vector<16xi32>
        %shift_left3A_411 = arith.constant 24 : i32
        %shift_left3A_412 = vector.broadcast %shift_left3A_411 : i32 to vector<16xi32>
        %shift_left3A_413 = arith.shli %xor3A_409, %shift_left3A_412 : vector<16xi32>
        %shift_right_logical3A_414 = arith.constant 8 : i32
        %shift_right_logical3A_415 = vector.broadcast %shift_right_logical3A_414 : i32 to vector<16xi32>
        %shift_right_logical3A_416 = arith.shrui %xor3A_409, %shift_right_logical3A_415 : vector<16xi32>
        %or3A_417 = arith.ori %shift_left3A_413, %shift_right_logical3A_416 : vector<16xi32>
        %xor3A_418 = arith.xori %or3A_417, %add3A_410 : vector<16xi32>
        %add3A_419 = arith.constant 42 : i32
        %add3A_420 = vector.broadcast %add3A_419 : i32 to vector<16xi32>
        %add3A_421 = arith.addi %add3A_410, %add3A_420 : vector<16xi32>
        %add3A_422 = arith.constant 466689012 : i32
        %add3A_423 = vector.broadcast %add3A_422 : i32 to vector<16xi32>
        %add3A_424 = arith.addi %xor3A_418, %add3A_423 : vector<16xi32>
        %add3A_425 = arith.addi %add3A_421, %add3A_424 : vector<16xi32>
        %shift_left3A_426 = arith.constant 13 : i32
        %shift_left3A_427 = vector.broadcast %shift_left3A_426 : i32 to vector<16xi32>
        %shift_left3A_428 = arith.shli %add3A_424, %shift_left3A_427 : vector<16xi32>
        %shift_right_logical3A_429 = arith.constant 19 : i32
        %shift_right_logical3A_430 = vector.broadcast %shift_right_logical3A_429 : i32 to vector<16xi32>
        %shift_right_logical3A_431 = arith.shrui %add3A_424, %shift_right_logical3A_430 : vector<16xi32>
        %or3A_432 = arith.ori %shift_left3A_428, %shift_right_logical3A_431 : vector<16xi32>
        %xor3A_433 = arith.xori %or3A_432, %add3A_425 : vector<16xi32>
        %add3A_434 = arith.addi %add3A_425, %xor3A_433 : vector<16xi32>
        %shift_left3A_435 = arith.constant 15 : i32
        %shift_left3A_436 = vector.broadcast %shift_left3A_435 : i32 to vector<16xi32>
        %shift_left3A_437 = arith.shli %xor3A_433, %shift_left3A_436 : vector<16xi32>
        %shift_right_logical3A_438 = arith.constant 17 : i32
        %shift_right_logical3A_439 = vector.broadcast %shift_right_logical3A_438 : i32 to vector<16xi32>
        %shift_right_logical3A_440 = arith.shrui %xor3A_433, %shift_right_logical3A_439 : vector<16xi32>
        %or3A_441 = arith.ori %shift_left3A_437, %shift_right_logical3A_440 : vector<16xi32>
        %xor3A_442 = arith.xori %or3A_441, %add3A_434 : vector<16xi32>
        %add3A_443 = arith.addi %add3A_434, %xor3A_442 : vector<16xi32>
        %shift_left3A_444 = arith.constant 26 : i32
        %shift_left3A_445 = vector.broadcast %shift_left3A_444 : i32 to vector<16xi32>
        %shift_left3A_446 = arith.shli %xor3A_442, %shift_left3A_445 : vector<16xi32>
        %shift_right_logical3A_447 = arith.constant 6 : i32
        %shift_right_logical3A_448 = vector.broadcast %shift_right_logical3A_447 : i32 to vector<16xi32>
        %shift_right_logical3A_449 = arith.shrui %xor3A_442, %shift_right_logical3A_448 : vector<16xi32>
        %or3A_450 = arith.ori %shift_left3A_446, %shift_right_logical3A_449 : vector<16xi32>
        %xor3A_451 = arith.xori %or3A_450, %add3A_443 : vector<16xi32>
        %add3A_452 = arith.addi %add3A_443, %xor3A_451 : vector<16xi32>
        %shift_left3A_453 = arith.constant 6 : i32
        %shift_left3A_454 = vector.broadcast %shift_left3A_453 : i32 to vector<16xi32>
        %shift_left3A_455 = arith.shli %xor3A_451, %shift_left3A_454 : vector<16xi32>
        %shift_right_logical3A_456 = arith.constant 26 : i32
        %shift_right_logical3A_457 = vector.broadcast %shift_right_logical3A_456 : i32 to vector<16xi32>
        %shift_right_logical3A_458 = arith.shrui %xor3A_451, %shift_right_logical3A_457 : vector<16xi32>
        %or3A_459 = arith.ori %shift_left3A_455, %shift_right_logical3A_458 : vector<16xi32>
        %xor3A_460 = arith.xori %or3A_459, %add3A_452 : vector<16xi32>
        %add3A_461 = arith.constant 466689008 : i32
        %add3A_462 = vector.broadcast %add3A_461 : i32 to vector<16xi32>
        %add3A_463 = arith.addi %add3A_452, %add3A_462 : vector<16xi32>
        %add3A_464 = arith.constant 5 : i32
        %add3A_465 = vector.broadcast %add3A_464 : i32 to vector<16xi32>
        %add3A_466 = arith.addi %xor3A_460, %add3A_465 : vector<16xi32>
        %xor3A_467 = arith.xori %add3A_463, %add3A_466 : vector<16xi32>
        %swap3A_468 = arith.index_cast %add3A_249 : i32 to index
        %swap3A_469 = tpu.vector_load %arg3[%swap3A_468] {strides = array<i32>} : memref<16384xi32, #tpu.memory_space<vmem>>, vector<16xi32>,
        %swap3A_470 = vector.shape_cast %swap3A_469 : vector<16xi32> to vector<16xi32>
        %swap3A_471 = vector.shape_cast %xor3A_467 : vector<16xi32> to vector<16xi32>
        tpu.vector_store %arg3[%swap3A_468], %swap3A_471 {strides = array<i32>} : memref<16384xi32, #tpu.memory_space<vmem>>, vector<16xi32>,
        %mul3A_472 = arith.constant 256 : i32
        %mul3A_473 = arith.muli %add3A_24, %mul3A_472 : i32
        %add3A_474 = arith.constant 32 : i32
        %add3A_475 = arith.addi %mul3A_473, %add3A_474 : i32
        %add3A_476 = arith.constant 10485760 : i32
        %add3A_477 = arith.addi %add3A_476, %add3A_14 : i32
        %add3A_478 = arith.addi %add3A_477, %add3A_475 : i32
        %add3A_479 = vector.broadcast %add3A_478 : i32 to vector<16xi32>
        %add3A_480 = arith.addi %add3A_479, %iota3A : vector<16xi32>
        %add3A_481 = arith.constant 42 : i32
        %add3A_482 = vector.broadcast %add3A_481 : i32 to vector<16xi32>
        %add3A_483 = arith.addi %add3A_480, %add3A_482 : vector<16xi32>
        %shift_left3A_484 = arith.constant 13 : i32
        %shift_left3A_485 = vector.broadcast %shift_left3A_484 : i32 to vector<16xi32>
        %shift_left3A_486 = arith.shli %add3A_483, %shift_left3A_485 : vector<16xi32>
        %shift_right_logical3A_487 = arith.constant 19 : i32
        %shift_right_logical3A_488 = vector.broadcast %shift_right_logical3A_487 : i32 to vector<16xi32>
        %shift_right_logical3A_489 = arith.shrui %add3A_483, %shift_right_logical3A_488 : vector<16xi32>
        %or3A_490 = arith.ori %shift_left3A_486, %shift_right_logical3A_489 : vector<16xi32>
        %xor3A_491 = arith.xori %or3A_490, %add3A_483 : vector<16xi32>
        %add3A_492 = arith.addi %add3A_483, %xor3A_491 : vector<16xi32>
        %shift_left3A_493 = arith.constant 15 : i32
        %shift_left3A_494 = vector.broadcast %shift_left3A_493 : i32 to vector<16xi32>
        %shift_left3A_495 = arith.shli %xor3A_491, %shift_left3A_494 : vector<16xi32>
        %shift_right_logical3A_496 = arith.constant 17 : i32
        %shift_right_logical3A_497 = vector.broadcast %shift_right_logical3A_496 : i32 to vector<16xi32>
        %shift_right_logical3A_498 = arith.shrui %xor3A_491, %shift_right_logical3A_497 : vector<16xi32>
        %or3A_499 = arith.ori %shift_left3A_495, %shift_right_logical3A_498 : vector<16xi32>
        %xor3A_500 = arith.xori %or3A_499, %add3A_492 : vector<16xi32>
        %add3A_501 = arith.addi %add3A_492, %xor3A_500 : vector<16xi32>
        %shift_left3A_502 = arith.constant 26 : i32
        %shift_left3A_503 = vector.broadcast %shift_left3A_502 : i32 to vector<16xi32>
        %shift_left3A_504 = arith.shli %xor3A_500, %shift_left3A_503 : vector<16xi32>
        %shift_right_logical3A_505 = arith.constant 6 : i32
        %shift_right_logical3A_506 = vector.broadcast %shift_right_logical3A_505 : i32 to vector<16xi32>
        %shift_right_logical3A_507 = arith.shrui %xor3A_500, %shift_right_logical3A_506 : vector<16xi32>
        %or3A_508 = arith.ori %shift_left3A_504, %shift_right_logical3A_507 : vector<16xi32>
        %xor3A_509 = arith.xori %or3A_508, %add3A_501 : vector<16xi32>
        %add3A_510 = arith.addi %add3A_501, %xor3A_509 : vector<16xi32>
        %shift_left3A_511 = arith.constant 6 : i32
        %shift_left3A_512 = vector.broadcast %shift_left3A_511 : i32 to vector<16xi32>
        %shift_left3A_513 = arith.shli %xor3A_509, %shift_left3A_512 : vector<16xi32>
        %shift_right_logical3A_514 = arith.constant 26 : i32
        %shift_right_logical3A_515 = vector.broadcast %shift_right_logical3A_514 : i32 to vector<16xi32>
        %shift_right_logical3A_516 = arith.shrui %xor3A_509, %shift_right_logical3A_515 : vector<16xi32>
        %or3A_517 = arith.ori %shift_left3A_513, %shift_right_logical3A_516 : vector<16xi32>
        %xor3A_518 = arith.xori %or3A_517, %add3A_510 : vector<16xi32>
        %add3A_519 = arith.constant 42 : i32
        %add3A_520 = vector.broadcast %add3A_519 : i32 to vector<16xi32>
        %add3A_521 = arith.addi %add3A_510, %add3A_520 : vector<16xi32>
        %add3A_522 = arith.constant 466689009 : i32
        %add3A_523 = vector.broadcast %add3A_522 : i32 to vector<16xi32>
        %add3A_524 = arith.addi %xor3A_518, %add3A_523 : vector<16xi32>
        %add3A_525 = arith.addi %add3A_521, %add3A_524 : vector<16xi32>
        %shift_left3A_526 = arith.constant 17 : i32
        %shift_left3A_527 = vector.broadcast %shift_left3A_526 : i32 to vector<16xi32>
        %shift_left3A_528 = arith.shli %add3A_524, %shift_left3A_527 : vector<16xi32>
        %shift_right_logical3A_529 = arith.constant 15 : i32
        %shift_right_logical3A_530 = vector.broadcast %shift_right_logical3A_529 : i32 to vector<16xi32>
        %shift_right_logical3A_531 = arith.shrui %add3A_524, %shift_right_logical3A_530 : vector<16xi32>
        %or3A_532 = arith.ori %shift_left3A_528, %shift_right_logical3A_531 : vector<16xi32>
        %xor3A_533 = arith.xori %or3A_532, %add3A_525 : vector<16xi32>
        %add3A_534 = arith.addi %add3A_525, %xor3A_533 : vector<16xi32>
        %shift_left3A_535 = arith.constant 29 : i32
        %shift_left3A_536 = vector.broadcast %shift_left3A_535 : i32 to vector<16xi32>
        %shift_left3A_537 = arith.shli %xor3A_533, %shift_left3A_536 : vector<16xi32>
        %shift_right_logical3A_538 = arith.constant 3 : i32
        %shift_right_logical3A_539 = vector.broadcast %shift_right_logical3A_538 : i32 to vector<16xi32>
        %shift_right_logical3A_540 = arith.shrui %xor3A_533, %shift_right_logical3A_539 : vector<16xi32>
        %or3A_541 = arith.ori %shift_left3A_537, %shift_right_logical3A_540 : vector<16xi32>
        %xor3A_542 = arith.xori %or3A_541, %add3A_534 : vector<16xi32>
        %add3A_543 = arith.addi %add3A_534, %xor3A_542 : vector<16xi32>
        %shift_left3A_544 = arith.constant 16 : i32
        %shift_left3A_545 = vector.broadcast %shift_left3A_544 : i32 to vector<16xi32>
        %shift_left3A_546 = arith.shli %xor3A_542, %shift_left3A_545 : vector<16xi32>
        %shift_right_logical3A_547 = arith.constant 16 : i32
        %shift_right_logical3A_548 = vector.broadcast %shift_right_logical3A_547 : i32 to vector<16xi32>
        %shift_right_logical3A_549 = arith.shrui %xor3A_542, %shift_right_logical3A_548 : vector<16xi32>
        %or3A_550 = arith.ori %shift_left3A_546, %shift_right_logical3A_549 : vector<16xi32>
        %xor3A_551 = arith.xori %or3A_550, %add3A_543 : vector<16xi32>
        %add3A_552 = arith.addi %add3A_543, %xor3A_551 : vector<16xi32>
        %shift_left3A_553 = arith.constant 24 : i32
        %shift_left3A_554 = vector.broadcast %shift_left3A_553 : i32 to vector<16xi32>
        %shift_left3A_555 = arith.shli %xor3A_551, %shift_left3A_554 : vector<16xi32>
        %shift_right_logical3A_556 = arith.constant 8 : i32
        %shift_right_logical3A_557 = vector.broadcast %shift_right_logical3A_556 : i32 to vector<16xi32>
        %shift_right_logical3A_558 = arith.shrui %xor3A_551, %shift_right_logical3A_557 : vector<16xi32>
        %or3A_559 = arith.ori %shift_left3A_555, %shift_right_logical3A_558 : vector<16xi32>
        %xor3A_560 = arith.xori %or3A_559, %add3A_552 : vector<16xi32>
        %add3A_561 = arith.constant 466689008 : i32
        %add3A_562 = vector.broadcast %add3A_561 : i32 to vector<16xi32>
        %add3A_563 = arith.addi %add3A_552, %add3A_562 : vector<16xi32>
        %add3A_564 = arith.constant 2 : i32
        %add3A_565 = vector.broadcast %add3A_564 : i32 to vector<16xi32>
        %add3A_566 = arith.addi %xor3A_560, %add3A_565 : vector<16xi32>
        %add3A_567 = arith.addi %add3A_563, %add3A_566 : vector<16xi32>
        %shift_left3A_568 = arith.constant 13 : i32
        %shift_left3A_569 = vector.broadcast %shift_left3A_568 : i32 to vector<16xi32>
        %shift_left3A_570 = arith.shli %add3A_566, %shift_left3A_569 : vector<16xi32>
        %shift_right_logical3A_571 = arith.constant 19 : i32
        %shift_right_logical3A_572 = vector.broadcast %shift_right_logical3A_571 : i32 to vector<16xi32>
        %shift_right_logical3A_573 = arith.shrui %add3A_566, %shift_right_logical3A_572 : vector<16xi32>
        %or3A_574 = arith.ori %shift_left3A_570, %shift_right_logical3A_573 : vector<16xi32>
        %xor3A_575 = arith.xori %or3A_574, %add3A_567 : vector<16xi32>
        %add3A_576 = arith.addi %add3A_567, %xor3A_575 : vector<16xi32>
        %shift_left3A_577 = arith.constant 15 : i32
        %shift_left3A_578 = vector.broadcast %shift_left3A_577 : i32 to vector<16xi32>
        %shift_left3A_579 = arith.shli %xor3A_575, %shift_left3A_578 : vector<16xi32>
        %shift_right_logical3A_580 = arith.constant 17 : i32
        %shift_right_logical3A_581 = vector.broadcast %shift_right_logical3A_580 : i32 to vector<16xi32>
        %shift_right_logical3A_582 = arith.shrui %xor3A_575, %shift_right_logical3A_581 : vector<16xi32>
        %or3A_583 = arith.ori %shift_left3A_579, %shift_right_logical3A_582 : vector<16xi32>
        %xor3A_584 = arith.xori %or3A_583, %add3A_576 : vector<16xi32>
        %add3A_585 = arith.addi %add3A_576, %xor3A_584 : vector<16xi32>
        %shift_left3A_586 = arith.constant 26 : i32
        %shift_left3A_587 = vector.broadcast %shift_left3A_586 : i32 to vector<16xi32>
        %shift_left3A_588 = arith.shli %xor3A_584, %shift_left3A_587 : vector<16xi32>
        %shift_right_logical3A_589 = arith.constant 6 : i32
        %shift_right_logical3A_590 = vector.broadcast %shift_right_logical3A_589 : i32 to vector<16xi32>
        %shift_right_logical3A_591 = arith.shrui %xor3A_584, %shift_right_logical3A_590 : vector<16xi32>
        %or3A_592 = arith.ori %shift_left3A_588, %shift_right_logical3A_591 : vector<16xi32>
        %xor3A_593 = arith.xori %or3A_592, %add3A_585 : vector<16xi32>
        %add3A_594 = arith.addi %add3A_585, %xor3A_593 : vector<16xi32>
        %shift_left3A_595 = arith.constant 6 : i32
        %shift_left3A_596 = vector.broadcast %shift_left3A_595 : i32 to vector<16xi32>
        %shift_left3A_597 = arith.shli %xor3A_593, %shift_left3A_596 : vector<16xi32>
        %shift_right_logical3A_598 = arith.constant 26 : i32
        %shift_right_logical3A_599 = vector.broadcast %shift_right_logical3A_598 : i32 to vector<16xi32>
        %shift_right_logical3A_600 = arith.shrui %xor3A_593, %shift_right_logical3A_599 : vector<16xi32>
        %or3A_601 = arith.ori %shift_left3A_597, %shift_right_logical3A_600 : vector<16xi32>
        %xor3A_602 = arith.xori %or3A_601, %add3A_594 : vector<16xi32>
        %add3A_603 = arith.constant 0 : i32
        %add3A_604 = vector.broadcast %add3A_603 : i32 to vector<16xi32>
        %add3A_605 = arith.addi %add3A_594, %add3A_604 : vector<16xi32>
        %add3A_606 = arith.constant 45 : i32
        %add3A_607 = vector.broadcast %add3A_606 : i32 to vector<16xi32>
        %add3A_608 = arith.addi %xor3A_602, %add3A_607 : vector<16xi32>
        %add3A_609 = arith.addi %add3A_605, %add3A_608 : vector<16xi32>
        %shift_left3A_610 = arith.constant 17 : i32
        %shift_left3A_611 = vector.broadcast %shift_left3A_610 : i32 to vector<16xi32>
        %shift_left3A_612 = arith.shli %add3A_608, %shift_left3A_611 : vector<16xi32>
        %shift_right_logical3A_613 = arith.constant 15 : i32
        %shift_right_logical3A_614 = vector.broadcast %shift_right_logical3A_613 : i32 to vector<16xi32>
        %shift_right_logical3A_615 = arith.shrui %add3A_608, %shift_right_logical3A_614 : vector<16xi32>
        %or3A_616 = arith.ori %shift_left3A_612, %shift_right_logical3A_615 : vector<16xi32>
        %xor3A_617 = arith.xori %or3A_616, %add3A_609 : vector<16xi32>
        %add3A_618 = arith.addi %add3A_609, %xor3A_617 : vector<16xi32>
        %shift_left3A_619 = arith.constant 29 : i32
        %shift_left3A_620 = vector.broadcast %shift_left3A_619 : i32 to vector<16xi32>
        %shift_left3A_621 = arith.shli %xor3A_617, %shift_left3A_620 : vector<16xi32>
        %shift_right_logical3A_622 = arith.constant 3 : i32
        %shift_right_logical3A_623 = vector.broadcast %shift_right_logical3A_622 : i32 to vector<16xi32>
        %shift_right_logical3A_624 = arith.shrui %xor3A_617, %shift_right_logical3A_623 : vector<16xi32>
        %or3A_625 = arith.ori %shift_left3A_621, %shift_right_logical3A_624 : vector<16xi32>
        %xor3A_626 = arith.xori %or3A_625, %add3A_618 : vector<16xi32>
        %add3A_627 = arith.addi %add3A_618, %xor3A_626 : vector<16xi32>
        %shift_left3A_628 = arith.constant 16 : i32
        %shift_left3A_629 = vector.broadcast %shift_left3A_628 : i32 to vector<16xi32>
        %shift_left3A_630 = arith.shli %xor3A_626, %shift_left3A_629 : vector<16xi32>
        %shift_right_logical3A_631 = arith.constant 16 : i32
        %shift_right_logical3A_632 = vector.broadcast %shift_right_logical3A_631 : i32 to vector<16xi32>
        %shift_right_logical3A_633 = arith.shrui %xor3A_626, %shift_right_logical3A_632 : vector<16xi32>
        %or3A_634 = arith.ori %shift_left3A_630, %shift_right_logical3A_633 : vector<16xi32>
        %xor3A_635 = arith.xori %or3A_634, %add3A_627 : vector<16xi32>
        %add3A_636 = arith.addi %add3A_627, %xor3A_635 : vector<16xi32>
        %shift_left3A_637 = arith.constant 24 : i32
        %shift_left3A_638 = vector.broadcast %shift_left3A_637 : i32 to vector<16xi32>
        %shift_left3A_639 = arith.shli %xor3A_635, %shift_left3A_638 : vector<16xi32>
        %shift_right_logical3A_640 = arith.constant 8 : i32
        %shift_right_logical3A_641 = vector.broadcast %shift_right_logical3A_640 : i32 to vector<16xi32>
        %shift_right_logical3A_642 = arith.shrui %xor3A_635, %shift_right_logical3A_641 : vector<16xi32>
        %or3A_643 = arith.ori %shift_left3A_639, %shift_right_logical3A_642 : vector<16xi32>
        %xor3A_644 = arith.xori %or3A_643, %add3A_636 : vector<16xi32>
        %add3A_645 = arith.constant 42 : i32
        %add3A_646 = vector.broadcast %add3A_645 : i32 to vector<16xi32>
        %add3A_647 = arith.addi %add3A_636, %add3A_646 : vector<16xi32>
        %add3A_648 = arith.constant 466689012 : i32
        %add3A_649 = vector.broadcast %add3A_648 : i32 to vector<16xi32>
        %add3A_650 = arith.addi %xor3A_644, %add3A_649 : vector<16xi32>
        %add3A_651 = arith.addi %add3A_647, %add3A_650 : vector<16xi32>
        %shift_left3A_652 = arith.constant 13 : i32
        %shift_left3A_653 = vector.broadcast %shift_left3A_652 : i32 to vector<16xi32>
        %shift_left3A_654 = arith.shli %add3A_650, %shift_left3A_653 : vector<16xi32>
        %shift_right_logical3A_655 = arith.constant 19 : i32
        %shift_right_logical3A_656 = vector.broadcast %shift_right_logical3A_655 : i32 to vector<16xi32>
        %shift_right_logical3A_657 = arith.shrui %add3A_650, %shift_right_logical3A_656 : vector<16xi32>
        %or3A_658 = arith.ori %shift_left3A_654, %shift_right_logical3A_657 : vector<16xi32>
        %xor3A_659 = arith.xori %or3A_658, %add3A_651 : vector<16xi32>
        %add3A_660 = arith.addi %add3A_651, %xor3A_659 : vector<16xi32>
        %shift_left3A_661 = arith.constant 15 : i32
        %shift_left3A_662 = vector.broadcast %shift_left3A_661 : i32 to vector<16xi32>
        %shift_left3A_663 = arith.shli %xor3A_659, %shift_left3A_662 : vector<16xi32>
        %shift_right_logical3A_664 = arith.constant 17 : i32
        %shift_right_logical3A_665 = vector.broadcast %shift_right_logical3A_664 : i32 to vector<16xi32>
        %shift_right_logical3A_666 = arith.shrui %xor3A_659, %shift_right_logical3A_665 : vector<16xi32>
        %or3A_667 = arith.ori %shift_left3A_663, %shift_right_logical3A_666 : vector<16xi32>
        %xor3A_668 = arith.xori %or3A_667, %add3A_660 : vector<16xi32>
        %add3A_669 = arith.addi %add3A_660, %xor3A_668 : vector<16xi32>
        %shift_left3A_670 = arith.constant 26 : i32
        %shift_left3A_671 = vector.broadcast %shift_left3A_670 : i32 to vector<16xi32>
        %shift_left3A_672 = arith.shli %xor3A_668, %shift_left3A_671 : vector<16xi32>
        %shift_right_logical3A_673 = arith.constant 6 : i32
        %shift_right_logical3A_674 = vector.broadcast %shift_right_logical3A_673 : i32 to vector<16xi32>
        %shift_right_logical3A_675 = arith.shrui %xor3A_668, %shift_right_logical3A_674 : vector<16xi32>
        %or3A_676 = arith.ori %shift_left3A_672, %shift_right_logical3A_675 : vector<16xi32>
        %xor3A_677 = arith.xori %or3A_676, %add3A_669 : vector<16xi32>
        %add3A_678 = arith.addi %add3A_669, %xor3A_677 : vector<16xi32>
        %shift_left3A_679 = arith.constant 6 : i32
        %shift_left3A_680 = vector.broadcast %shift_left3A_679 : i32 to vector<16xi32>
        %shift_left3A_681 = arith.shli %xor3A_677, %shift_left3A_680 : vector<16xi32>
        %shift_right_logical3A_682 = arith.constant 26 : i32
        %shift_right_logical3A_683 = vector.broadcast %shift_right_logical3A_682 : i32 to vector<16xi32>
        %shift_right_logical3A_684 = arith.shrui %xor3A_677, %shift_right_logical3A_683 : vector<16xi32>
        %or3A_685 = arith.ori %shift_left3A_681, %shift_right_logical3A_684 : vector<16xi32>
        %xor3A_686 = arith.xori %or3A_685, %add3A_678 : vector<16xi32>
        %add3A_687 = arith.constant 466689008 : i32
        %add3A_688 = vector.broadcast %add3A_687 : i32 to vector<16xi32>
        %add3A_689 = arith.addi %add3A_678, %add3A_688 : vector<16xi32>
        %add3A_690 = arith.constant 5 : i32
        %add3A_691 = vector.broadcast %add3A_690 : i32 to vector<16xi32>
        %add3A_692 = arith.addi %xor3A_686, %add3A_691 : vector<16xi32>
        %xor3A_693 = arith.xori %add3A_689, %add3A_692 : vector<16xi32>
        %swap3A_694 = arith.index_cast %add3A_475 : i32 to index
        %swap3A_695 = tpu.vector_load %arg3[%swap3A_694] {strides = array<i32>} : memref<16384xi32, #tpu.memory_space<vmem>>, vector<16xi32>,
        %swap3A_696 = vector.shape_cast %swap3A_695 : vector<16xi32> to vector<16xi32>
        %swap3A_697 = vector.shape_cast %xor3A_693 : vector<16xi32> to vector<16xi32>
        tpu.vector_store %arg3[%swap3A_694], %swap3A_697 {strides = array<i32>} : memref<16384xi32, #tpu.memory_space<vmem>>, vector<16xi32>,
        %mul3A_698 = arith.constant 256 : i32
        %mul3A_699 = arith.muli %add3A_24, %mul3A_698 : i32
        %add3A_700 = arith.constant 48 : i32
        %add3A_701 = arith.addi %mul3A_699, %add3A_700 : i32
        %add3A_702 = arith.constant 10485760 : i32
        %add3A_703 = arith.addi %add3A_702, %add3A_14 : i32
        %add3A_704 = arith.addi %add3A_703, %add3A_701 : i32
        %add3A_705 = vector.broadcast %add3A_704 : i32 to vector<16xi32>
        %add3A_706 = arith.addi %add3A_705, %iota3A : vector<16xi32>
        %add3A_707 = arith.constant 42 : i32
        %add3A_708 = vector.broadcast %add3A_707 : i32 to vector<16xi32>
        %add3A_709 = arith.addi %add3A_706, %add3A_708 : vector<16xi32>
        %shift_left3A_710 = arith.constant 13 : i32
        %shift_left3A_711 = vector.broadcast %shift_left3A_710 : i32 to vector<16xi32>
        %shift_left3A_712 = arith.shli %add3A_709, %shift_left3A_711 : vector<16xi32>
        %shift_right_logical3A_713 = arith.constant 19 : i32
        %shift_right_logical3A_714 = vector.broadcast %shift_right_logical3A_713 : i32 to vector<16xi32>
        %shift_right_logical3A_715 = arith.shrui %add3A_709, %shift_right_logical3A_714 : vector<16xi32>
        %or3A_716 = arith.ori %shift_left3A_712, %shift_right_logical3A_715 : vector<16xi32>
        %xor3A_717 = arith.xori %or3A_716, %add3A_709 : vector<16xi32>
        %add3A_718 = arith.addi %add3A_709, %xor3A_717 : vector<16xi32>
        %shift_left3A_719 = arith.constant 15 : i32
        %shift_left3A_720 = vector.broadcast %shift_left3A_719 : i32 to vector<16xi32>
        %shift_left3A_721 = arith.shli %xor3A_717, %shift_left3A_720 : vector<16xi32>
        %shift_right_logical3A_722 = arith.constant 17 : i32
        %shift_right_logical3A_723 = vector.broadcast %shift_right_logical3A_722 : i32 to vector<16xi32>
        %shift_right_logical3A_724 = arith.shrui %xor3A_717, %shift_right_logical3A_723 : vector<16xi32>
        %or3A_725 = arith.ori %shift_left3A_721, %shift_right_logical3A_724 : vector<16xi32>
        %xor3A_726 = arith.xori %or3A_725, %add3A_718 : vector<16xi32>
        %add3A_727 = arith.addi %add3A_718, %xor3A_726 : vector<16xi32>
        %shift_left3A_728 = arith.constant 26 : i32
        %shift_left3A_729 = vector.broadcast %shift_left3A_728 : i32 to vector<16xi32>
        %shift_left3A_730 = arith.shli %xor3A_726, %shift_left3A_729 : vector<16xi32>
        %shift_right_logical3A_731 = arith.constant 6 : i32
        %shift_right_logical3A_732 = vector.broadcast %shift_right_logical3A_731 : i32 to vector<16xi32>
        %shift_right_logical3A_733 = arith.shrui %xor3A_726, %shift_right_logical3A_732 : vector<16xi32>
        %or3A_734 = arith.ori %shift_left3A_730, %shift_right_logical3A_733 : vector<16xi32>
        %xor3A_735 = arith.xori %or3A_734, %add3A_727 : vector<16xi32>
        %add3A_736 = arith.addi %add3A_727, %xor3A_735 : vector<16xi32>
        %shift_left3A_737 = arith.constant 6 : i32
        %shift_left3A_738 = vector.broadcast %shift_left3A_737 : i32 to vector<16xi32>
        %shift_left3A_739 = arith.shli %xor3A_735, %shift_left3A_738 : vector<16xi32>
        %shift_right_logical3A_740 = arith.constant 26 : i32
        %shift_right_logical3A_741 = vector.broadcast %shift_right_logical3A_740 : i32 to vector<16xi32>
        %shift_right_logical3A_742 = arith.shrui %xor3A_735, %shift_right_logical3A_741 : vector<16xi32>
        %or3A_743 = arith.ori %shift_left3A_739, %shift_right_logical3A_742 : vector<16xi32>
        %xor3A_744 = arith.xori %or3A_743, %add3A_736 : vector<16xi32>
        %add3A_745 = arith.constant 42 : i32
        %add3A_746 = vector.broadcast %add3A_745 : i32 to vector<16xi32>
        %add3A_747 = arith.addi %add3A_736, %add3A_746 : vector<16xi32>
        %add3A_748 = arith.constant 466689009 : i32
        %add3A_749 = vector.broadcast %add3A_748 : i32 to vector<16xi32>
        %add3A_750 = arith.addi %xor3A_744, %add3A_749 : vector<16xi32>
        %add3A_751 = arith.addi %add3A_747, %add3A_750 : vector<16xi32>
        %shift_left3A_752 = arith.constant 17 : i32
        %shift_left3A_753 = vector.broadcast %shift_left3A_752 : i32 to vector<16xi32>
        %shift_left3A_754 = arith.shli %add3A_750, %shift_left3A_753 : vector<16xi32>
        %shift_right_logical3A_755 = arith.constant 15 : i32
        %shift_right_logical3A_756 = vector.broadcast %shift_right_logical3A_755 : i32 to vector<16xi32>
        %shift_right_logical3A_757 = arith.shrui %add3A_750, %shift_right_logical3A_756 : vector<16xi32>
        %or3A_758 = arith.ori %shift_left3A_754, %shift_right_logical3A_757 : vector<16xi32>
        %xor3A_759 = arith.xori %or3A_758, %add3A_751 : vector<16xi32>
        %add3A_760 = arith.addi %add3A_751, %xor3A_759 : vector<16xi32>
        %shift_left3A_761 = arith.constant 29 : i32
        %shift_left3A_762 = vector.broadcast %shift_left3A_761 : i32 to vector<16xi32>
        %shift_left3A_763 = arith.shli %xor3A_759, %shift_left3A_762 : vector<16xi32>
        %shift_right_logical3A_764 = arith.constant 3 : i32
        %shift_right_logical3A_765 = vector.broadcast %shift_right_logical3A_764 : i32 to vector<16xi32>
        %shift_right_logical3A_766 = arith.shrui %xor3A_759, %shift_right_logical3A_765 : vector<16xi32>
        %or3A_767 = arith.ori %shift_left3A_763, %shift_right_logical3A_766 : vector<16xi32>
        %xor3A_768 = arith.xori %or3A_767, %add3A_760 : vector<16xi32>
        %add3A_769 = arith.addi %add3A_760, %xor3A_768 : vector<16xi32>
        %shift_left3A_770 = arith.constant 16 : i32
        %shift_left3A_771 = vector.broadcast %shift_left3A_770 : i32 to vector<16xi32>
        %shift_left3A_772 = arith.shli %xor3A_768, %shift_left3A_771 : vector<16xi32>
        %shift_right_logical3A_773 = arith.constant 16 : i32
        %shift_right_logical3A_774 = vector.broadcast %shift_right_logical3A_773 : i32 to vector<16xi32>
        %shift_right_logical3A_775 = arith.shrui %xor3A_768, %shift_right_logical3A_774 : vector<16xi32>
        %or3A_776 = arith.ori %shift_left3A_772, %shift_right_logical3A_775 : vector<16xi32>
        %xor3A_777 = arith.xori %or3A_776, %add3A_769 : vector<16xi32>
        %add3A_778 = arith.addi %add3A_769, %xor3A_777 : vector<16xi32>
        %shift_left3A_779 = arith.constant 24 : i32
        %shift_left3A_780 = vector.broadcast %shift_left3A_779 : i32 to vector<16xi32>
        %shift_left3A_781 = arith.shli %xor3A_777, %shift_left3A_780 : vector<16xi32>
        %shift_right_logical3A_782 = arith.constant 8 : i32
        %shift_right_logical3A_783 = vector.broadcast %shift_right_logical3A_782 : i32 to vector<16xi32>
        %shift_right_logical3A_784 = arith.shrui %xor3A_777, %shift_right_logical3A_783 : vector<16xi32>
        %or3A_785 = arith.ori %shift_left3A_781, %shift_right_logical3A_784 : vector<16xi32>
        %xor3A_786 = arith.xori %or3A_785, %add3A_778 : vector<16xi32>
        %add3A_787 = arith.constant 466689008 : i32
        %add3A_788 = vector.broadcast %add3A_787 : i32 to vector<16xi32>
        %add3A_789 = arith.addi %add3A_778, %add3A_788 : vector<16xi32>
        %add3A_790 = arith.constant 2 : i32
        %add3A_791 = vector.broadcast %add3A_790 : i32 to vector<16xi32>
        %add3A_792 = arith.addi %xor3A_786, %add3A_791 : vector<16xi32>
        %add3A_793 = arith.addi %add3A_789, %add3A_792 : vector<16xi32>
        %shift_left3A_794 = arith.constant 13 : i32
        %shift_left3A_795 = vector.broadcast %shift_left3A_794 : i32 to vector<16xi32>
        %shift_left3A_796 = arith.shli %add3A_792, %shift_left3A_795 : vector<16xi32>
        %shift_right_logical3A_797 = arith.constant 19 : i32
        %shift_right_logical3A_798 = vector.broadcast %shift_right_logical3A_797 : i32 to vector<16xi32>
        %shift_right_logical3A_799 = arith.shrui %add3A_792, %shift_right_logical3A_798 : vector<16xi32>
        %or3A_800 = arith.ori %shift_left3A_796, %shift_right_logical3A_799 : vector<16xi32>
        %xor3A_801 = arith.xori %or3A_800, %add3A_793 : vector<16xi32>
        %add3A_802 = arith.addi %add3A_793, %xor3A_801 : vector<16xi32>
        %shift_left3A_803 = arith.constant 15 : i32
        %shift_left3A_804 = vector.broadcast %shift_left3A_803 : i32 to vector<16xi32>
        %shift_left3A_805 = arith.shli %xor3A_801, %shift_left3A_804 : vector<16xi32>
        %shift_right_logical3A_806 = arith.constant 17 : i32
        %shift_right_logical3A_807 = vector.broadcast %shift_right_logical3A_806 : i32 to vector<16xi32>
        %shift_right_logical3A_808 = arith.shrui %xor3A_801, %shift_right_logical3A_807 : vector<16xi32>
        %or3A_809 = arith.ori %shift_left3A_805, %shift_right_logical3A_808 : vector<16xi32>
        %xor3A_810 = arith.xori %or3A_809, %add3A_802 : vector<16xi32>
        %add3A_811 = arith.addi %add3A_802, %xor3A_810 : vector<16xi32>
        %shift_left3A_812 = arith.constant 26 : i32
        %shift_left3A_813 = vector.broadcast %shift_left3A_812 : i32 to vector<16xi32>
        %shift_left3A_814 = arith.shli %xor3A_810, %shift_left3A_813 : vector<16xi32>
        %shift_right_logical3A_815 = arith.constant 6 : i32
        %shift_right_logical3A_816 = vector.broadcast %shift_right_logical3A_815 : i32 to vector<16xi32>
        %shift_right_logical3A_817 = arith.shrui %xor3A_810, %shift_right_logical3A_816 : vector<16xi32>
        %or3A_818 = arith.ori %shift_left3A_814, %shift_right_logical3A_817 : vector<16xi32>
        %xor3A_819 = arith.xori %or3A_818, %add3A_811 : vector<16xi32>
        %add3A_820 = arith.addi %add3A_811, %xor3A_819 : vector<16xi32>
        %shift_left3A_821 = arith.constant 6 : i32
        %shift_left3A_822 = vector.broadcast %shift_left3A_821 : i32 to vector<16xi32>
        %shift_left3A_823 = arith.shli %xor3A_819, %shift_left3A_822 : vector<16xi32>
        %shift_right_logical3A_824 = arith.constant 26 : i32
        %shift_right_logical3A_825 = vector.broadcast %shift_right_logical3A_824 : i32 to vector<16xi32>
        %shift_right_logical3A_826 = arith.shrui %xor3A_819, %shift_right_logical3A_825 : vector<16xi32>
        %or3A_827 = arith.ori %shift_left3A_823, %shift_right_logical3A_826 : vector<16xi32>
        %xor3A_828 = arith.xori %or3A_827, %add3A_820 : vector<16xi32>
        %add3A_829 = arith.constant 0 : i32
        %add3A_830 = vector.broadcast %add3A_829 : i32 to vector<16xi32>
        %add3A_831 = arith.addi %add3A_820, %add3A_830 : vector<16xi32>
        %add3A_832 = arith.constant 45 : i32
        %add3A_833 = vector.broadcast %add3A_832 : i32 to vector<16xi32>
        %add3A_834 = arith.addi %xor3A_828, %add3A_833 : vector<16xi32>
        %add3A_835 = arith.addi %add3A_831, %add3A_834 : vector<16xi32>
        %shift_left3A_836 = arith.constant 17 : i32
        %shift_left3A_837 = vector.broadcast %shift_left3A_836 : i32 to vector<16xi32>
        %shift_left3A_838 = arith.shli %add3A_834, %shift_left3A_837 : vector<16xi32>
        %shift_right_logical3A_839 = arith.constant 15 : i32
        %shift_right_logical3A_840 = vector.broadcast %shift_right_logical3A_839 : i32 to vector<16xi32>
        %shift_right_logical3A_841 = arith.shrui %add3A_834, %shift_right_logical3A_840 : vector<16xi32>
        %or3A_842 = arith.ori %shift_left3A_838, %shift_right_logical3A_841 : vector<16xi32>
        %xor3A_843 = arith.xori %or3A_842, %add3A_835 : vector<16xi32>
        %add3A_844 = arith.addi %add3A_835, %xor3A_843 : vector<16xi32>
        %shift_left3A_845 = arith.constant 29 : i32
        %shift_left3A_846 = vector.broadcast %shift_left3A_845 : i32 to vector<16xi32>
        %shift_left3A_847 = arith.shli %xor3A_843, %shift_left3A_846 : vector<16xi32>
        %shift_right_logical3A_848 = arith.constant 3 : i32
        %shift_right_logical3A_849 = vector.broadcast %shift_right_logical3A_848 : i32 to vector<16xi32>
        %shift_right_logical3A_850 = arith.shrui %xor3A_843, %shift_right_logical3A_849 : vector<16xi32>
        %or3A_851 = arith.ori %shift_left3A_847, %shift_right_logical3A_850 : vector<16xi32>
        %xor3A_852 = arith.xori %or3A_851, %add3A_844 : vector<16xi32>
        %add3A_853 = arith.addi %add3A_844, %xor3A_852 : vector<16xi32>
        %shift_left3A_854 = arith.constant 16 : i32
        %shift_left3A_855 = vector.broadcast %shift_left3A_854 : i32 to vector<16xi32>
        %shift_left3A_856 = arith.shli %xor3A_852, %shift_left3A_855 : vector<16xi32>
        %shift_right_logical3A_857 = arith.constant 16 : i32
        %shift_right_logical3A_858 = vector.broadcast %shift_right_logical3A_857 : i32 to vector<16xi32>
        %shift_right_logical3A_859 = arith.shrui %xor3A_852, %shift_right_logical3A_858 : vector<16xi32>
        %or3A_860 = arith.ori %shift_left3A_856, %shift_right_logical3A_859 : vector<16xi32>
        %xor3A_861 = arith.xori %or3A_860, %add3A_853 : vector<16xi32>
        %add3A_862 = arith.addi %add3A_853, %xor3A_861 : vector<16xi32>
        %shift_left3A_863 = arith.constant 24 : i32
        %shift_left3A_864 = vector.broadcast %shift_left3A_863 : i32 to vector<16xi32>
        %shift_left3A_865 = arith.shli %xor3A_861, %shift_left3A_864 : vector<16xi32>
        %shift_right_logical3A_866 = arith.constant 8 : i32
        %shift_right_logical3A_867 = vector.broadcast %shift_right_logical3A_866 : i32 to vector<16xi32>
        %shift_right_logical3A_868 = arith.shrui %xor3A_861, %shift_right_logical3A_867 : vector<16xi32>
        %or3A_869 = arith.ori %shift_left3A_865, %shift_right_logical3A_868 : vector<16xi32>
        %xor3A_870 = arith.xori %or3A_869, %add3A_862 : vector<16xi32>
        %add3A_871 = arith.constant 42 : i32
        %add3A_872 = vector.broadcast %add3A_871 : i32 to vector<16xi32>
        %add3A_873 = arith.addi %add3A_862, %add3A_872 : vector<16xi32>
        %add3A_874 = arith.constant 466689012 : i32
        %add3A_875 = vector.broadcast %add3A_874 : i32 to vector<16xi32>
        %add3A_876 = arith.addi %xor3A_870, %add3A_875 : vector<16xi32>
        %add3A_877 = arith.addi %add3A_873, %add3A_876 : vector<16xi32>
        %shift_left3A_878 = arith.constant 13 : i32
        %shift_left3A_879 = vector.broadcast %shift_left3A_878 : i32 to vector<16xi32>
        %shift_left3A_880 = arith.shli %add3A_876, %shift_left3A_879 : vector<16xi32>
        %shift_right_logical3A_881 = arith.constant 19 : i32
        %shift_right_logical3A_882 = vector.broadcast %shift_right_logical3A_881 : i32 to vector<16xi32>
        %shift_right_logical3A_883 = arith.shrui %add3A_876, %shift_right_logical3A_882 : vector<16xi32>
        %or3A_884 = arith.ori %shift_left3A_880, %shift_right_logical3A_883 : vector<16xi32>
        %xor3A_885 = arith.xori %or3A_884, %add3A_877 : vector<16xi32>
        %add3A_886 = arith.addi %add3A_877, %xor3A_885 : vector<16xi32>
        %shift_left3A_887 = arith.constant 15 : i32
        %shift_left3A_888 = vector.broadcast %shift_left3A_887 : i32 to vector<16xi32>
        %shift_left3A_889 = arith.shli %xor3A_885, %shift_left3A_888 : vector<16xi32>
        %shift_right_logical3A_890 = arith.constant 17 : i32
        %shift_right_logical3A_891 = vector.broadcast %shift_right_logical3A_890 : i32 to vector<16xi32>
        %shift_right_logical3A_892 = arith.shrui %xor3A_885, %shift_right_logical3A_891 : vector<16xi32>
        %or3A_893 = arith.ori %shift_left3A_889, %shift_right_logical3A_892 : vector<16xi32>
        %xor3A_894 = arith.xori %or3A_893, %add3A_886 : vector<16xi32>
        %add3A_895 = arith.addi %add3A_886, %xor3A_894 : vector<16xi32>
        %shift_left3A_896 = arith.constant 26 : i32
        %shift_left3A_897 = vector.broadcast %shift_left3A_896 : i32 to vector<16xi32>
        %shift_left3A_898 = arith.shli %xor3A_894, %shift_left3A_897 : vector<16xi32>
        %shift_right_logical3A_899 = arith.constant 6 : i32
        %shift_right_logical3A_900 = vector.broadcast %shift_right_logical3A_899 : i32 to vector<16xi32>
        %shift_right_logical3A_901 = arith.shrui %xor3A_894, %shift_right_logical3A_900 : vector<16xi32>
        %or3A_902 = arith.ori %shift_left3A_898, %shift_right_logical3A_901 : vector<16xi32>
        %xor3A_903 = arith.xori %or3A_902, %add3A_895 : vector<16xi32>
        %add3A_904 = arith.addi %add3A_895, %xor3A_903 : vector<16xi32>
        %shift_left3A_905 = arith.constant 6 : i32
        %shift_left3A_906 = vector.broadcast %shift_left3A_905 : i32 to vector<16xi32>
        %shift_left3A_907 = arith.shli %xor3A_903, %shift_left3A_906 : vector<16xi32>
        %shift_right_logical3A_908 = arith.constant 26 : i32
        %shift_right_logical3A_909 = vector.broadcast %shift_right_logical3A_908 : i32 to vector<16xi32>
        %shift_right_logical3A_910 = arith.shrui %xor3A_903, %shift_right_logical3A_909 : vector<16xi32>
        %or3A_911 = arith.ori %shift_left3A_907, %shift_right_logical3A_910 : vector<16xi32>
        %xor3A_912 = arith.xori %or3A_911, %add3A_904 : vector<16xi32>
        %add3A_913 = arith.constant 466689008 : i32
        %add3A_914 = vector.broadcast %add3A_913 : i32 to vector<16xi32>
        %add3A_915 = arith.addi %add3A_904, %add3A_914 : vector<16xi32>
        %add3A_916 = arith.constant 5 : i32
        %add3A_917 = vector.broadcast %add3A_916 : i32 to vector<16xi32>
        %add3A_918 = arith.addi %xor3A_912, %add3A_917 : vector<16xi32>
        %xor3A_919 = arith.xori %add3A_915, %add3A_918 : vector<16xi32>
        %swap3A_920 = arith.index_cast %add3A_701 : i32 to index
        %swap3A_921 = tpu.vector_load %arg3[%swap3A_920] {strides = array<i32>} : memref<16384xi32, #tpu.memory_space<vmem>>, vector<16xi32>,
        %swap3A_922 = vector.shape_cast %swap3A_921 : vector<16xi32> to vector<16xi32>
        %swap3A_923 = vector.shape_cast %xor3A_919 : vector<16xi32> to vector<16xi32>
        tpu.vector_store %arg3[%swap3A_920], %swap3A_923 {strides = array<i32>} : memref<16384xi32, #tpu.memory_space<vmem>>, vector<16xi32>,
        %mul3A_924 = arith.constant 256 : i32
        %mul3A_925 = arith.muli %add3A_24, %mul3A_924 : i32
        %add3A_926 = arith.constant 64 : i32
        %add3A_927 = arith.addi %mul3A_925, %add3A_926 : i32
        %add3A_928 = arith.constant 10485760 : i32
        %add3A_929 = arith.addi %add3A_928, %add3A_14 : i32
        %add3A_930 = arith.addi %add3A_929, %add3A_927 : i32
        %add3A_931 = vector.broadcast %add3A_930 : i32 to vector<16xi32>
        %add3A_932 = arith.addi %add3A_931, %iota3A : vector<16xi32>
        %add3A_933 = arith.constant 42 : i32
        %add3A_934 = vector.broadcast %add3A_933 : i32 to vector<16xi32>
        %add3A_935 = arith.addi %add3A_932, %add3A_934 : vector<16xi32>
        %shift_left3A_936 = arith.constant 13 : i32
        %shift_left3A_937 = vector.broadcast %shift_left3A_936 : i32 to vector<16xi32>
        %shift_left3A_938 = arith.shli %add3A_935, %shift_left3A_937 : vector<16xi32>
        %shift_right_logical3A_939 = arith.constant 19 : i32
        %shift_right_logical3A_940 = vector.broadcast %shift_right_logical3A_939 : i32 to vector<16xi32>
        %shift_right_logical3A_941 = arith.shrui %add3A_935, %shift_right_logical3A_940 : vector<16xi32>
        %or3A_942 = arith.ori %shift_left3A_938, %shift_right_logical3A_941 : vector<16xi32>
        %xor3A_943 = arith.xori %or3A_942, %add3A_935 : vector<16xi32>
        %add3A_944 = arith.addi %add3A_935, %xor3A_943 : vector<16xi32>
        %shift_left3A_945 = arith.constant 15 : i32
        %shift_left3A_946 = vector.broadcast %shift_left3A_945 : i32 to vector<16xi32>
        %shift_left3A_947 = arith.shli %xor3A_943, %shift_left3A_946 : vector<16xi32>
        %shift_right_logical3A_948 = arith.constant 17 : i32
        %shift_right_logical3A_949 = vector.broadcast %shift_right_logical3A_948 : i32 to vector<16xi32>
        %shift_right_logical3A_950 = arith.shrui %xor3A_943, %shift_right_logical3A_949 : vector<16xi32>
        %or3A_951 = arith.ori %shift_left3A_947, %shift_right_logical3A_950 : vector<16xi32>
        %xor3A_952 = arith.xori %or3A_951, %add3A_944 : vector<16xi32>
        %add3A_953 = arith.addi %add3A_944, %xor3A_952 : vector<16xi32>
        %shift_left3A_954 = arith.constant 26 : i32
        %shift_left3A_955 = vector.broadcast %shift_left3A_954 : i32 to vector<16xi32>
        %shift_left3A_956 = arith.shli %xor3A_952, %shift_left3A_955 : vector<16xi32>
        %shift_right_logical3A_957 = arith.constant 6 : i32
        %shift_right_logical3A_958 = vector.broadcast %shift_right_logical3A_957 : i32 to vector<16xi32>
        %shift_right_logical3A_959 = arith.shrui %xor3A_952, %shift_right_logical3A_958 : vector<16xi32>
        %or3A_960 = arith.ori %shift_left3A_956, %shift_right_logical3A_959 : vector<16xi32>
        %xor3A_961 = arith.xori %or3A_960, %add3A_953 : vector<16xi32>
        %add3A_962 = arith.addi %add3A_953, %xor3A_961 : vector<16xi32>
        %shift_left3A_963 = arith.constant 6 : i32
        %shift_left3A_964 = vector.broadcast %shift_left3A_963 : i32 to vector<16xi32>
        %shift_left3A_965 = arith.shli %xor3A_961, %shift_left3A_964 : vector<16xi32>
        %shift_right_logical3A_966 = arith.constant 26 : i32
        %shift_right_logical3A_967 = vector.broadcast %shift_right_logical3A_966 : i32 to vector<16xi32>
        %shift_right_logical3A_968 = arith.shrui %xor3A_961, %shift_right_logical3A_967 : vector<16xi32>
        %or3A_969 = arith.ori %shift_left3A_965, %shift_right_logical3A_968 : vector<16xi32>
        %xor3A_970 = arith.xori %or3A_969, %add3A_962 : vector<16xi32>
        %add3A_971 = arith.constant 42 : i32
        %add3A_972 = vector.broadcast %add3A_971 : i32 to vector<16xi32>
        %add3A_973 = arith.addi %add3A_962, %add3A_972 : vector<16xi32>
        %add3A_974 = arith.constant 466689009 : i32
        %add3A_975 = vector.broadcast %add3A_974 : i32 to vector<16xi32>
        %add3A_976 = arith.addi %xor3A_970, %add3A_975 : vector<16xi32>
        %add3A_977 = arith.addi %add3A_973, %add3A_976 : vector<16xi32>
        %shift_left3A_978 = arith.constant 17 : i32
        %shift_left3A_979 = vector.broadcast %shift_left3A_978 : i32 to vector<16xi32>
        %shift_left3A_980 = arith.shli %add3A_976, %shift_left3A_979 : vector<16xi32>
        %shift_right_logical3A_981 = arith.constant 15 : i32
        %shift_right_logical3A_982 = vector.broadcast %shift_right_logical3A_981 : i32 to vector<16xi32>
        %shift_right_logical3A_983 = arith.shrui %add3A_976, %shift_right_logical3A_982 : vector<16xi32>
        %or3A_984 = arith.ori %shift_left3A_980, %shift_right_logical3A_983 : vector<16xi32>
        %xor3A_985 = arith.xori %or3A_984, %add3A_977 : vector<16xi32>
        %add3A_986 = arith.addi %add3A_977, %xor3A_985 : vector<16xi32>
        %shift_left3A_987 = arith.constant 29 : i32
        %shift_left3A_988 = vector.broadcast %shift_left3A_987 : i32 to vector<16xi32>
        %shift_left3A_989 = arith.shli %xor3A_985, %shift_left3A_988 : vector<16xi32>
        %shift_right_logical3A_990 = arith.constant 3 : i32
        %shift_right_logical3A_991 = vector.broadcast %shift_right_logical3A_990 : i32 to vector<16xi32>
        %shift_right_logical3A_992 = arith.shrui %xor3A_985, %shift_right_logical3A_991 : vector<16xi32>
        %or3A_993 = arith.ori %shift_left3A_989, %shift_right_logical3A_992 : vector<16xi32>
        %xor3A_994 = arith.xori %or3A_993, %add3A_986 : vector<16xi32>
        %add3A_995 = arith.addi %add3A_986, %xor3A_994 : vector<16xi32>
        %shift_left3A_996 = arith.constant 16 : i32
        %shift_left3A_997 = vector.broadcast %shift_left3A_996 : i32 to vector<16xi32>
        %shift_left3A_998 = arith.shli %xor3A_994, %shift_left3A_997 : vector<16xi32>
        %shift_right_logical3A_999 = arith.constant 16 : i32
        %shift_right_logical3A_1000 = vector.broadcast %shift_right_logical3A_999 : i32 to vector<16xi32>
        %shift_right_logical3A_1001 = arith.shrui %xor3A_994, %shift_right_logical3A_1000 : vector<16xi32>
        %or3A_1002 = arith.ori %shift_left3A_998, %shift_right_logical3A_1001 : vector<16xi32>
        %xor3A_1003 = arith.xori %or3A_1002, %add3A_995 : vector<16xi32>
        %add3A_1004 = arith.addi %add3A_995, %xor3A_1003 : vector<16xi32>
        %shift_left3A_1005 = arith.constant 24 : i32
        %shift_left3A_1006 = vector.broadcast %shift_left3A_1005 : i32 to vector<16xi32>
        %shift_left3A_1007 = arith.shli %xor3A_1003, %shift_left3A_1006 : vector<16xi32>
        %shift_right_logical3A_1008 = arith.constant 8 : i32
        %shift_right_logical3A_1009 = vector.broadcast %shift_right_logical3A_1008 : i32 to vector<16xi32>
        %shift_right_logical3A_1010 = arith.shrui %xor3A_1003, %shift_right_logical3A_1009 : vector<16xi32>
        %or3A_1011 = arith.ori %shift_left3A_1007, %shift_right_logical3A_1010 : vector<16xi32>
        %xor3A_1012 = arith.xori %or3A_1011, %add3A_1004 : vector<16xi32>
        %add3A_1013 = arith.constant 466689008 : i32
        %add3A_1014 = vector.broadcast %add3A_1013 : i32 to vector<16xi32>
        %add3A_1015 = arith.addi %add3A_1004, %add3A_1014 : vector<16xi32>
        %add3A_1016 = arith.constant 2 : i32
        %add3A_1017 = vector.broadcast %add3A_1016 : i32 to vector<16xi32>
        %add3A_1018 = arith.addi %xor3A_1012, %add3A_1017 : vector<16xi32>
        %add3A_1019 = arith.addi %add3A_1015, %add3A_1018 : vector<16xi32>
        %shift_left3A_1020 = arith.constant 13 : i32
        %shift_left3A_1021 = vector.broadcast %shift_left3A_1020 : i32 to vector<16xi32>
        %shift_left3A_1022 = arith.shli %add3A_1018, %shift_left3A_1021 : vector<16xi32>
        %shift_right_logical3A_1023 = arith.constant 19 : i32
        %shift_right_logical3A_1024 = vector.broadcast %shift_right_logical3A_1023 : i32 to vector<16xi32>
        %shift_right_logical3A_1025 = arith.shrui %add3A_1018, %shift_right_logical3A_1024 : vector<16xi32>
        %or3A_1026 = arith.ori %shift_left3A_1022, %shift_right_logical3A_1025 : vector<16xi32>
        %xor3A_1027 = arith.xori %or3A_1026, %add3A_1019 : vector<16xi32>
        %add3A_1028 = arith.addi %add3A_1019, %xor3A_1027 : vector<16xi32>
        %shift_left3A_1029 = arith.constant 15 : i32
        %shift_left3A_1030 = vector.broadcast %shift_left3A_1029 : i32 to vector<16xi32>
        %shift_left3A_1031 = arith.shli %xor3A_1027, %shift_left3A_1030 : vector<16xi32>
        %shift_right_logical3A_1032 = arith.constant 17 : i32
        %shift_right_logical3A_1033 = vector.broadcast %shift_right_logical3A_1032 : i32 to vector<16xi32>
        %shift_right_logical3A_1034 = arith.shrui %xor3A_1027, %shift_right_logical3A_1033 : vector<16xi32>
        %or3A_1035 = arith.ori %shift_left3A_1031, %shift_right_logical3A_1034 : vector<16xi32>
        %xor3A_1036 = arith.xori %or3A_1035, %add3A_1028 : vector<16xi32>
        %add3A_1037 = arith.addi %add3A_1028, %xor3A_1036 : vector<16xi32>
        %shift_left3A_1038 = arith.constant 26 : i32
        %shift_left3A_1039 = vector.broadcast %shift_left3A_1038 : i32 to vector<16xi32>
        %shift_left3A_1040 = arith.shli %xor3A_1036, %shift_left3A_1039 : vector<16xi32>
        %shift_right_logical3A_1041 = arith.constant 6 : i32
        %shift_right_logical3A_1042 = vector.broadcast %shift_right_logical3A_1041 : i32 to vector<16xi32>
        %shift_right_logical3A_1043 = arith.shrui %xor3A_1036, %shift_right_logical3A_1042 : vector<16xi32>
        %or3A_1044 = arith.ori %shift_left3A_1040, %shift_right_logical3A_1043 : vector<16xi32>
        %xor3A_1045 = arith.xori %or3A_1044, %add3A_1037 : vector<16xi32>
        %add3A_1046 = arith.addi %add3A_1037, %xor3A_1045 : vector<16xi32>
        %shift_left3A_1047 = arith.constant 6 : i32
        %shift_left3A_1048 = vector.broadcast %shift_left3A_1047 : i32 to vector<16xi32>
        %shift_left3A_1049 = arith.shli %xor3A_1045, %shift_left3A_1048 : vector<16xi32>
        %shift_right_logical3A_1050 = arith.constant 26 : i32
        %shift_right_logical3A_1051 = vector.broadcast %shift_right_logical3A_1050 : i32 to vector<16xi32>
        %shift_right_logical3A_1052 = arith.shrui %xor3A_1045, %shift_right_logical3A_1051 : vector<16xi32>
        %or3A_1053 = arith.ori %shift_left3A_1049, %shift_right_logical3A_1052 : vector<16xi32>
        %xor3A_1054 = arith.xori %or3A_1053, %add3A_1046 : vector<16xi32>
        %add3A_1055 = arith.constant 0 : i32
        %add3A_1056 = vector.broadcast %add3A_1055 : i32 to vector<16xi32>
        %add3A_1057 = arith.addi %add3A_1046, %add3A_1056 : vector<16xi32>
        %add3A_1058 = arith.constant 45 : i32
        %add3A_1059 = vector.broadcast %add3A_1058 : i32 to vector<16xi32>
        %add3A_1060 = arith.addi %xor3A_1054, %add3A_1059 : vector<16xi32>
        %add3A_1061 = arith.addi %add3A_1057, %add3A_1060 : vector<16xi32>
        %shift_left3A_1062 = arith.constant 17 : i32
        %shift_left3A_1063 = vector.broadcast %shift_left3A_1062 : i32 to vector<16xi32>
        %shift_left3A_1064 = arith.shli %add3A_1060, %shift_left3A_1063 : vector<16xi32>
        %shift_right_logical3A_1065 = arith.constant 15 : i32
        %shift_right_logical3A_1066 = vector.broadcast %shift_right_logical3A_1065 : i32 to vector<16xi32>
        %shift_right_logical3A_1067 = arith.shrui %add3A_1060, %shift_right_logical3A_1066 : vector<16xi32>
        %or3A_1068 = arith.ori %shift_left3A_1064, %shift_right_logical3A_1067 : vector<16xi32>
        %xor3A_1069 = arith.xori %or3A_1068, %add3A_1061 : vector<16xi32>
        %add3A_1070 = arith.addi %add3A_1061, %xor3A_1069 : vector<16xi32>
        %shift_left3A_1071 = arith.constant 29 : i32
        %shift_left3A_1072 = vector.broadcast %shift_left3A_1071 : i32 to vector<16xi32>
        %shift_left3A_1073 = arith.shli %xor3A_1069, %shift_left3A_1072 : vector<16xi32>
        %shift_right_logical3A_1074 = arith.constant 3 : i32
        %shift_right_logical3A_1075 = vector.broadcast %shift_right_logical3A_1074 : i32 to vector<16xi32>
        %shift_right_logical3A_1076 = arith.shrui %xor3A_1069, %shift_right_logical3A_1075 : vector<16xi32>
        %or3A_1077 = arith.ori %shift_left3A_1073, %shift_right_logical3A_1076 : vector<16xi32>
        %xor3A_1078 = arith.xori %or3A_1077, %add3A_1070 : vector<16xi32>
        %add3A_1079 = arith.addi %add3A_1070, %xor3A_1078 : vector<16xi32>
        %shift_left3A_1080 = arith.constant 16 : i32
        %shift_left3A_1081 = vector.broadcast %shift_left3A_1080 : i32 to vector<16xi32>
        %shift_left3A_1082 = arith.shli %xor3A_1078, %shift_left3A_1081 : vector<16xi32>
        %shift_right_logical3A_1083 = arith.constant 16 : i32
        %shift_right_logical3A_1084 = vector.broadcast %shift_right_logical3A_1083 : i32 to vector<16xi32>
        %shift_right_logical3A_1085 = arith.shrui %xor3A_1078, %shift_right_logical3A_1084 : vector<16xi32>
        %or3A_1086 = arith.ori %shift_left3A_1082, %shift_right_logical3A_1085 : vector<16xi32>
        %xor3A_1087 = arith.xori %or3A_1086, %add3A_1079 : vector<16xi32>
        %add3A_1088 = arith.addi %add3A_1079, %xor3A_1087 : vector<16xi32>
        %shift_left3A_1089 = arith.constant 24 : i32
        %shift_left3A_1090 = vector.broadcast %shift_left3A_1089 : i32 to vector<16xi32>
        %shift_left3A_1091 = arith.shli %xor3A_1087, %shift_left3A_1090 : vector<16xi32>
        %shift_right_logical3A_1092 = arith.constant 8 : i32
        %shift_right_logical3A_1093 = vector.broadcast %shift_right_logical3A_1092 : i32 to vector<16xi32>
        %shift_right_logical3A_1094 = arith.shrui %xor3A_1087, %shift_right_logical3A_1093 : vector<16xi32>
        %or3A_1095 = arith.ori %shift_left3A_1091, %shift_right_logical3A_1094 : vector<16xi32>
        %xor3A_1096 = arith.xori %or3A_1095, %add3A_1088 : vector<16xi32>
        %add3A_1097 = arith.constant 42 : i32
        %add3A_1098 = vector.broadcast %add3A_1097 : i32 to vector<16xi32>
        %add3A_1099 = arith.addi %add3A_1088, %add3A_1098 : vector<16xi32>
        %add3A_1100 = arith.constant 466689012 : i32
        %add3A_1101 = vector.broadcast %add3A_1100 : i32 to vector<16xi32>
        %add3A_1102 = arith.addi %xor3A_1096, %add3A_1101 : vector<16xi32>
        %add3A_1103 = arith.addi %add3A_1099, %add3A_1102 : vector<16xi32>
        %shift_left3A_1104 = arith.constant 13 : i32
        %shift_left3A_1105 = vector.broadcast %shift_left3A_1104 : i32 to vector<16xi32>
        %shift_left3A_1106 = arith.shli %add3A_1102, %shift_left3A_1105 : vector<16xi32>
        %shift_right_logical3A_1107 = arith.constant 19 : i32
        %shift_right_logical3A_1108 = vector.broadcast %shift_right_logical3A_1107 : i32 to vector<16xi32>
        %shift_right_logical3A_1109 = arith.shrui %add3A_1102, %shift_right_logical3A_1108 : vector<16xi32>
        %or3A_1110 = arith.ori %shift_left3A_1106, %shift_right_logical3A_1109 : vector<16xi32>
        %xor3A_1111 = arith.xori %or3A_1110, %add3A_1103 : vector<16xi32>
        %add3A_1112 = arith.addi %add3A_1103, %xor3A_1111 : vector<16xi32>
        %shift_left3A_1113 = arith.constant 15 : i32
        %shift_left3A_1114 = vector.broadcast %shift_left3A_1113 : i32 to vector<16xi32>
        %shift_left3A_1115 = arith.shli %xor3A_1111, %shift_left3A_1114 : vector<16xi32>
        %shift_right_logical3A_1116 = arith.constant 17 : i32
        %shift_right_logical3A_1117 = vector.broadcast %shift_right_logical3A_1116 : i32 to vector<16xi32>
        %shift_right_logical3A_1118 = arith.shrui %xor3A_1111, %shift_right_logical3A_1117 : vector<16xi32>
        %or3A_1119 = arith.ori %shift_left3A_1115, %shift_right_logical3A_1118 : vector<16xi32>
        %xor3A_1120 = arith.xori %or3A_1119, %add3A_1112 : vector<16xi32>
        %add3A_1121 = arith.addi %add3A_1112, %xor3A_1120 : vector<16xi32>
        %shift_left3A_1122 = arith.constant 26 : i32
        %shift_left3A_1123 = vector.broadcast %shift_left3A_1122 : i32 to vector<16xi32>
        %shift_left3A_1124 = arith.shli %xor3A_1120, %shift_left3A_1123 : vector<16xi32>
        %shift_right_logical3A_1125 = arith.constant 6 : i32
        %shift_right_logical3A_1126 = vector.broadcast %shift_right_logical3A_1125 : i32 to vector<16xi32>
        %shift_right_logical3A_1127 = arith.shrui %xor3A_1120, %shift_right_logical3A_1126 : vector<16xi32>
        %or3A_1128 = arith.ori %shift_left3A_1124, %shift_right_logical3A_1127 : vector<16xi32>
        %xor3A_1129 = arith.xori %or3A_1128, %add3A_1121 : vector<16xi32>
        %add3A_1130 = arith.addi %add3A_1121, %xor3A_1129 : vector<16xi32>
        %shift_left3A_1131 = arith.constant 6 : i32
        %shift_left3A_1132 = vector.broadcast %shift_left3A_1131 : i32 to vector<16xi32>
        %shift_left3A_1133 = arith.shli %xor3A_1129, %shift_left3A_1132 : vector<16xi32>
        %shift_right_logical3A_1134 = arith.constant 26 : i32
        %shift_right_logical3A_1135 = vector.broadcast %shift_right_logical3A_1134 : i32 to vector<16xi32>
        %shift_right_logical3A_1136 = arith.shrui %xor3A_1129, %shift_right_logical3A_1135 : vector<16xi32>
        %or3A_1137 = arith.ori %shift_left3A_1133, %shift_right_logical3A_1136 : vector<16xi32>
        %xor3A_1138 = arith.xori %or3A_1137, %add3A_1130 : vector<16xi32>
        %add3A_1139 = arith.constant 466689008 : i32
        %add3A_1140 = vector.broadcast %add3A_1139 : i32 to vector<16xi32>
        %add3A_1141 = arith.addi %add3A_1130, %add3A_1140 : vector<16xi32>
        %add3A_1142 = arith.constant 5 : i32
        %add3A_1143 = vector.broadcast %add3A_1142 : i32 to vector<16xi32>
        %add3A_1144 = arith.addi %xor3A_1138, %add3A_1143 : vector<16xi32>
        %xor3A_1145 = arith.xori %add3A_1141, %add3A_1144 : vector<16xi32>
        %swap3A_1146 = arith.index_cast %add3A_927 : i32 to index
        %swap3A_1147 = tpu.vector_load %arg3[%swap3A_1146] {strides = array<i32>} : memref<16384xi32, #tpu.memory_space<vmem>>, vector<16xi32>,
        %swap3A_1148 = vector.shape_cast %swap3A_1147 : vector<16xi32> to vector<16xi32>
        %swap3A_1149 = vector.shape_cast %xor3A_1145 : vector<16xi32> to vector<16xi32>
        tpu.vector_store %arg3[%swap3A_1146], %swap3A_1149 {strides = array<i32>} : memref<16384xi32, #tpu.memory_space<vmem>>, vector<16xi32>,
        %mul3A_1150 = arith.constant 256 : i32
        %mul3A_1151 = arith.muli %add3A_24, %mul3A_1150 : i32
        %add3A_1152 = arith.constant 80 : i32
        %add3A_1153 = arith.addi %mul3A_1151, %add3A_1152 : i32
        %add3A_1154 = arith.constant 10485760 : i32
        %add3A_1155 = arith.addi %add3A_1154, %add3A_14 : i32
        %add3A_1156 = arith.addi %add3A_1155, %add3A_1153 : i32
        %add3A_1157 = vector.broadcast %add3A_1156 : i32 to vector<16xi32>
        %add3A_1158 = arith.addi %add3A_1157, %iota3A : vector<16xi32>
        %add3A_1159 = arith.constant 42 : i32
        %add3A_1160 = vector.broadcast %add3A_1159 : i32 to vector<16xi32>
        %add3A_1161 = arith.addi %add3A_1158, %add3A_1160 : vector<16xi32>
        %shift_left3A_1162 = arith.constant 13 : i32
        %shift_left3A_1163 = vector.broadcast %shift_left3A_1162 : i32 to vector<16xi32>
        %shift_left3A_1164 = arith.shli %add3A_1161, %shift_left3A_1163 : vector<16xi32>
        %shift_right_logical3A_1165 = arith.constant 19 : i32
        %shift_right_logical3A_1166 = vector.broadcast %shift_right_logical3A_1165 : i32 to vector<16xi32>
        %shift_right_logical3A_1167 = arith.shrui %add3A_1161, %shift_right_logical3A_1166 : vector<16xi32>
        %or3A_1168 = arith.ori %shift_left3A_1164, %shift_right_logical3A_1167 : vector<16xi32>
        %xor3A_1169 = arith.xori %or3A_1168, %add3A_1161 : vector<16xi32>
        %add3A_1170 = arith.addi %add3A_1161, %xor3A_1169 : vector<16xi32>
        %shift_left3A_1171 = arith.constant 15 : i32
        %shift_left3A_1172 = vector.broadcast %shift_left3A_1171 : i32 to vector<16xi32>
        %shift_left3A_1173 = arith.shli %xor3A_1169, %shift_left3A_1172 : vector<16xi32>
        %shift_right_logical3A_1174 = arith.constant 17 : i32
        %shift_right_logical3A_1175 = vector.broadcast %shift_right_logical3A_1174 : i32 to vector<16xi32>
        %shift_right_logical3A_1176 = arith.shrui %xor3A_1169, %shift_right_logical3A_1175 : vector<16xi32>
        %or3A_1177 = arith.ori %shift_left3A_1173, %shift_right_logical3A_1176 : vector<16xi32>
        %xor3A_1178 = arith.xori %or3A_1177, %add3A_1170 : vector<16xi32>
        %add3A_1179 = arith.addi %add3A_1170, %xor3A_1178 : vector<16xi32>
        %shift_left3A_1180 = arith.constant 26 : i32
        %shift_left3A_1181 = vector.broadcast %shift_left3A_1180 : i32 to vector<16xi32>
        %shift_left3A_1182 = arith.shli %xor3A_1178, %shift_left3A_1181 : vector<16xi32>
        %shift_right_logical3A_1183 = arith.constant 6 : i32
        %shift_right_logical3A_1184 = vector.broadcast %shift_right_logical3A_1183 : i32 to vector<16xi32>
        %shift_right_logical3A_1185 = arith.shrui %xor3A_1178, %shift_right_logical3A_1184 : vector<16xi32>
        %or3A_1186 = arith.ori %shift_left3A_1182, %shift_right_logical3A_1185 : vector<16xi32>
        %xor3A_1187 = arith.xori %or3A_1186, %add3A_1179 : vector<16xi32>
        %add3A_1188 = arith.addi %add3A_1179, %xor3A_1187 : vector<16xi32>
        %shift_left3A_1189 = arith.constant 6 : i32
        %shift_left3A_1190 = vector.broadcast %shift_left3A_1189 : i32 to vector<16xi32>
        %shift_left3A_1191 = arith.shli %xor3A_1187, %shift_left3A_1190 : vector<16xi32>
        %shift_right_logical3A_1192 = arith.constant 26 : i32
        %shift_right_logical3A_1193 = vector.broadcast %shift_right_logical3A_1192 : i32 to vector<16xi32>
        %shift_right_logical3A_1194 = arith.shrui %xor3A_1187, %shift_right_logical3A_1193 : vector<16xi32>
        %or3A_1195 = arith.ori %shift_left3A_1191, %shift_right_logical3A_1194 : vector<16xi32>
        %xor3A_1196 = arith.xori %or3A_1195, %add3A_1188 : vector<16xi32>
        %add3A_1197 = arith.constant 42 : i32
        %add3A_1198 = vector.broadcast %add3A_1197 : i32 to vector<16xi32>
        %add3A_1199 = arith.addi %add3A_1188, %add3A_1198 : vector<16xi32>
        %add3A_1200 = arith.constant 466689009 : i32
        %add3A_1201 = vector.broadcast %add3A_1200 : i32 to vector<16xi32>
        %add3A_1202 = arith.addi %xor3A_1196, %add3A_1201 : vector<16xi32>
        %add3A_1203 = arith.addi %add3A_1199, %add3A_1202 : vector<16xi32>
        %shift_left3A_1204 = arith.constant 17 : i32
        %shift_left3A_1205 = vector.broadcast %shift_left3A_1204 : i32 to vector<16xi32>
        %shift_left3A_1206 = arith.shli %add3A_1202, %shift_left3A_1205 : vector<16xi32>
        %shift_right_logical3A_1207 = arith.constant 15 : i32
        %shift_right_logical3A_1208 = vector.broadcast %shift_right_logical3A_1207 : i32 to vector<16xi32>
        %shift_right_logical3A_1209 = arith.shrui %add3A_1202, %shift_right_logical3A_1208 : vector<16xi32>
        %or3A_1210 = arith.ori %shift_left3A_1206, %shift_right_logical3A_1209 : vector<16xi32>
        %xor3A_1211 = arith.xori %or3A_1210, %add3A_1203 : vector<16xi32>
        %add3A_1212 = arith.addi %add3A_1203, %xor3A_1211 : vector<16xi32>
        %shift_left3A_1213 = arith.constant 29 : i32
        %shift_left3A_1214 = vector.broadcast %shift_left3A_1213 : i32 to vector<16xi32>
        %shift_left3A_1215 = arith.shli %xor3A_1211, %shift_left3A_1214 : vector<16xi32>
        %shift_right_logical3A_1216 = arith.constant 3 : i32
        %shift_right_logical3A_1217 = vector.broadcast %shift_right_logical3A_1216 : i32 to vector<16xi32>
        %shift_right_logical3A_1218 = arith.shrui %xor3A_1211, %shift_right_logical3A_1217 : vector<16xi32>
        %or3A_1219 = arith.ori %shift_left3A_1215, %shift_right_logical3A_1218 : vector<16xi32>
        %xor3A_1220 = arith.xori %or3A_1219, %add3A_1212 : vector<16xi32>
        %add3A_1221 = arith.addi %add3A_1212, %xor3A_1220 : vector<16xi32>
        %shift_left3A_1222 = arith.constant 16 : i32
        %shift_left3A_1223 = vector.broadcast %shift_left3A_1222 : i32 to vector<16xi32>
        %shift_left3A_1224 = arith.shli %xor3A_1220, %shift_left3A_1223 : vector<16xi32>
        %shift_right_logical3A_1225 = arith.constant 16 : i32
        %shift_right_logical3A_1226 = vector.broadcast %shift_right_logical3A_1225 : i32 to vector<16xi32>
        %shift_right_logical3A_1227 = arith.shrui %xor3A_1220, %shift_right_logical3A_1226 : vector<16xi32>
        %or3A_1228 = arith.ori %shift_left3A_1224, %shift_right_logical3A_1227 : vector<16xi32>
        %xor3A_1229 = arith.xori %or3A_1228, %add3A_1221 : vector<16xi32>
        %add3A_1230 = arith.addi %add3A_1221, %xor3A_1229 : vector<16xi32>
        %shift_left3A_1231 = arith.constant 24 : i32
        %shift_left3A_1232 = vector.broadcast %shift_left3A_1231 : i32 to vector<16xi32>
        %shift_left3A_1233 = arith.shli %xor3A_1229, %shift_left3A_1232 : vector<16xi32>
        %shift_right_logical3A_1234 = arith.constant 8 : i32
        %shift_right_logical3A_1235 = vector.broadcast %shift_right_logical3A_1234 : i32 to vector<16xi32>
        %shift_right_logical3A_1236 = arith.shrui %xor3A_1229, %shift_right_logical3A_1235 : vector<16xi32>
        %or3A_1237 = arith.ori %shift_left3A_1233, %shift_right_logical3A_1236 : vector<16xi32>
        %xor3A_1238 = arith.xori %or3A_1237, %add3A_1230 : vector<16xi32>
        %add3A_1239 = arith.constant 466689008 : i32
        %add3A_1240 = vector.broadcast %add3A_1239 : i32 to vector<16xi32>
        %add3A_1241 = arith.addi %add3A_1230, %add3A_1240 : vector<16xi32>
        %add3A_1242 = arith.constant 2 : i32
        %add3A_1243 = vector.broadcast %add3A_1242 : i32 to vector<16xi32>
        %add3A_1244 = arith.addi %xor3A_1238, %add3A_1243 : vector<16xi32>
        %add3A_1245 = arith.addi %add3A_1241, %add3A_1244 : vector<16xi32>
        %shift_left3A_1246 = arith.constant 13 : i32
        %shift_left3A_1247 = vector.broadcast %shift_left3A_1246 : i32 to vector<16xi32>
        %shift_left3A_1248 = arith.shli %add3A_1244, %shift_left3A_1247 : vector<16xi32>
        %shift_right_logical3A_1249 = arith.constant 19 : i32
        %shift_right_logical3A_1250 = vector.broadcast %shift_right_logical3A_1249 : i32 to vector<16xi32>
        %shift_right_logical3A_1251 = arith.shrui %add3A_1244, %shift_right_logical3A_1250 : vector<16xi32>
        %or3A_1252 = arith.ori %shift_left3A_1248, %shift_right_logical3A_1251 : vector<16xi32>
        %xor3A_1253 = arith.xori %or3A_1252, %add3A_1245 : vector<16xi32>
        %add3A_1254 = arith.addi %add3A_1245, %xor3A_1253 : vector<16xi32>
        %shift_left3A_1255 = arith.constant 15 : i32
        %shift_left3A_1256 = vector.broadcast %shift_left3A_1255 : i32 to vector<16xi32>
        %shift_left3A_1257 = arith.shli %xor3A_1253, %shift_left3A_1256 : vector<16xi32>
        %shift_right_logical3A_1258 = arith.constant 17 : i32
        %shift_right_logical3A_1259 = vector.broadcast %shift_right_logical3A_1258 : i32 to vector<16xi32>
        %shift_right_logical3A_1260 = arith.shrui %xor3A_1253, %shift_right_logical3A_1259 : vector<16xi32>
        %or3A_1261 = arith.ori %shift_left3A_1257, %shift_right_logical3A_1260 : vector<16xi32>
        %xor3A_1262 = arith.xori %or3A_1261, %add3A_1254 : vector<16xi32>
        %add3A_1263 = arith.addi %add3A_1254, %xor3A_1262 : vector<16xi32>
        %shift_left3A_1264 = arith.constant 26 : i32
        %shift_left3A_1265 = vector.broadcast %shift_left3A_1264 : i32 to vector<16xi32>
        %shift_left3A_1266 = arith.shli %xor3A_1262, %shift_left3A_1265 : vector<16xi32>
        %shift_right_logical3A_1267 = arith.constant 6 : i32
        %shift_right_logical3A_1268 = vector.broadcast %shift_right_logical3A_1267 : i32 to vector<16xi32>
        %shift_right_logical3A_1269 = arith.shrui %xor3A_1262, %shift_right_logical3A_1268 : vector<16xi32>
        %or3A_1270 = arith.ori %shift_left3A_1266, %shift_right_logical3A_1269 : vector<16xi32>
        %xor3A_1271 = arith.xori %or3A_1270, %add3A_1263 : vector<16xi32>
        %add3A_1272 = arith.addi %add3A_1263, %xor3A_1271 : vector<16xi32>
        %shift_left3A_1273 = arith.constant 6 : i32
        %shift_left3A_1274 = vector.broadcast %shift_left3A_1273 : i32 to vector<16xi32>
        %shift_left3A_1275 = arith.shli %xor3A_1271, %shift_left3A_1274 : vector<16xi32>
        %shift_right_logical3A_1276 = arith.constant 26 : i32
        %shift_right_logical3A_1277 = vector.broadcast %shift_right_logical3A_1276 : i32 to vector<16xi32>
        %shift_right_logical3A_1278 = arith.shrui %xor3A_1271, %shift_right_logical3A_1277 : vector<16xi32>
        %or3A_1279 = arith.ori %shift_left3A_1275, %shift_right_logical3A_1278 : vector<16xi32>
        %xor3A_1280 = arith.xori %or3A_1279, %add3A_1272 : vector<16xi32>
        %add3A_1281 = arith.constant 0 : i32
        %add3A_1282 = vector.broadcast %add3A_1281 : i32 to vector<16xi32>
        %add3A_1283 = arith.addi %add3A_1272, %add3A_1282 : vector<16xi32>
        %add3A_1284 = arith.constant 45 : i32
        %add3A_1285 = vector.broadcast %add3A_1284 : i32 to vector<16xi32>
        %add3A_1286 = arith.addi %xor3A_1280, %add3A_1285 : vector<16xi32>
        %add3A_1287 = arith.addi %add3A_1283, %add3A_1286 : vector<16xi32>
        %shift_left3A_1288 = arith.constant 17 : i32
        %shift_left3A_1289 = vector.broadcast %shift_left3A_1288 : i32 to vector<16xi32>
        %shift_left3A_1290 = arith.shli %add3A_1286, %shift_left3A_1289 : vector<16xi32>
        %shift_right_logical3A_1291 = arith.constant 15 : i32
        %shift_right_logical3A_1292 = vector.broadcast %shift_right_logical3A_1291 : i32 to vector<16xi32>
        %shift_right_logical3A_1293 = arith.shrui %add3A_1286, %shift_right_logical3A_1292 : vector<16xi32>
        %or3A_1294 = arith.ori %shift_left3A_1290, %shift_right_logical3A_1293 : vector<16xi32>
        %xor3A_1295 = arith.xori %or3A_1294, %add3A_1287 : vector<16xi32>
        %add3A_1296 = arith.addi %add3A_1287, %xor3A_1295 : vector<16xi32>
        %shift_left3A_1297 = arith.constant 29 : i32
        %shift_left3A_1298 = vector.broadcast %shift_left3A_1297 : i32 to vector<16xi32>
        %shift_left3A_1299 = arith.shli %xor3A_1295, %shift_left3A_1298 : vector<16xi32>
        %shift_right_logical3A_1300 = arith.constant 3 : i32
        %shift_right_logical3A_1301 = vector.broadcast %shift_right_logical3A_1300 : i32 to vector<16xi32>
        %shift_right_logical3A_1302 = arith.shrui %xor3A_1295, %shift_right_logical3A_1301 : vector<16xi32>
        %or3A_1303 = arith.ori %shift_left3A_1299, %shift_right_logical3A_1302 : vector<16xi32>
        %xor3A_1304 = arith.xori %or3A_1303, %add3A_1296 : vector<16xi32>
        %add3A_1305 = arith.addi %add3A_1296, %xor3A_1304 : vector<16xi32>
        %shift_left3A_1306 = arith.constant 16 : i32
        %shift_left3A_1307 = vector.broadcast %shift_left3A_1306 : i32 to vector<16xi32>
        %shift_left3A_1308 = arith.shli %xor3A_1304, %shift_left3A_1307 : vector<16xi32>
        %shift_right_logical3A_1309 = arith.constant 16 : i32
        %shift_right_logical3A_1310 = vector.broadcast %shift_right_logical3A_1309 : i32 to vector<16xi32>
        %shift_right_logical3A_1311 = arith.shrui %xor3A_1304, %shift_right_logical3A_1310 : vector<16xi32>
        %or3A_1312 = arith.ori %shift_left3A_1308, %shift_right_logical3A_1311 : vector<16xi32>
        %xor3A_1313 = arith.xori %or3A_1312, %add3A_1305 : vector<16xi32>
        %add3A_1314 = arith.addi %add3A_1305, %xor3A_1313 : vector<16xi32>
        %shift_left3A_1315 = arith.constant 24 : i32
        %shift_left3A_1316 = vector.broadcast %shift_left3A_1315 : i32 to vector<16xi32>
        %shift_left3A_1317 = arith.shli %xor3A_1313, %shift_left3A_1316 : vector<16xi32>
        %shift_right_logical3A_1318 = arith.constant 8 : i32
        %shift_right_logical3A_1319 = vector.broadcast %shift_right_logical3A_1318 : i32 to vector<16xi32>
        %shift_right_logical3A_1320 = arith.shrui %xor3A_1313, %shift_right_logical3A_1319 : vector<16xi32>
        %or3A_1321 = arith.ori %shift_left3A_1317, %shift_right_logical3A_1320 : vector<16xi32>
        %xor3A_1322 = arith.xori %or3A_1321, %add3A_1314 : vector<16xi32>
        %add3A_1323 = arith.constant 42 : i32
        %add3A_1324 = vector.broadcast %add3A_1323 : i32 to vector<16xi32>
        %add3A_1325 = arith.addi %add3A_1314, %add3A_1324 : vector<16xi32>
        %add3A_1326 = arith.constant 466689012 : i32
        %add3A_1327 = vector.broadcast %add3A_1326 : i32 to vector<16xi32>
        %add3A_1328 = arith.addi %xor3A_1322, %add3A_1327 : vector<16xi32>
        %add3A_1329 = arith.addi %add3A_1325, %add3A_1328 : vector<16xi32>
        %shift_left3A_1330 = arith.constant 13 : i32
        %shift_left3A_1331 = vector.broadcast %shift_left3A_1330 : i32 to vector<16xi32>
        %shift_left3A_1332 = arith.shli %add3A_1328, %shift_left3A_1331 : vector<16xi32>
        %shift_right_logical3A_1333 = arith.constant 19 : i32
        %shift_right_logical3A_1334 = vector.broadcast %shift_right_logical3A_1333 : i32 to vector<16xi32>
        %shift_right_logical3A_1335 = arith.shrui %add3A_1328, %shift_right_logical3A_1334 : vector<16xi32>
        %or3A_1336 = arith.ori %shift_left3A_1332, %shift_right_logical3A_1335 : vector<16xi32>
        %xor3A_1337 = arith.xori %or3A_1336, %add3A_1329 : vector<16xi32>
        %add3A_1338 = arith.addi %add3A_1329, %xor3A_1337 : vector<16xi32>
        %shift_left3A_1339 = arith.constant 15 : i32
        %shift_left3A_1340 = vector.broadcast %shift_left3A_1339 : i32 to vector<16xi32>
        %shift_left3A_1341 = arith.shli %xor3A_1337, %shift_left3A_1340 : vector<16xi32>
        %shift_right_logical3A_1342 = arith.constant 17 : i32
        %shift_right_logical3A_1343 = vector.broadcast %shift_right_logical3A_1342 : i32 to vector<16xi32>
        %shift_right_logical3A_1344 = arith.shrui %xor3A_1337, %shift_right_logical3A_1343 : vector<16xi32>
        %or3A_1345 = arith.ori %shift_left3A_1341, %shift_right_logical3A_1344 : vector<16xi32>
        %xor3A_1346 = arith.xori %or3A_1345, %add3A_1338 : vector<16xi32>
        %add3A_1347 = arith.addi %add3A_1338, %xor3A_1346 : vector<16xi32>
        %shift_left3A_1348 = arith.constant 26 : i32
        %shift_left3A_1349 = vector.broadcast %shift_left3A_1348 : i32 to vector<16xi32>
        %shift_left3A_1350 = arith.shli %xor3A_1346, %shift_left3A_1349 : vector<16xi32>
        %shift_right_logical3A_1351 = arith.constant 6 : i32
        %shift_right_logical3A_1352 = vector.broadcast %shift_right_logical3A_1351 : i32 to vector<16xi32>
        %shift_right_logical3A_1353 = arith.shrui %xor3A_1346, %shift_right_logical3A_1352 : vector<16xi32>
        %or3A_1354 = arith.ori %shift_left3A_1350, %shift_right_logical3A_1353 : vector<16xi32>
        %xor3A_1355 = arith.xori %or3A_1354, %add3A_1347 : vector<16xi32>
        %add3A_1356 = arith.addi %add3A_1347, %xor3A_1355 : vector<16xi32>
        %shift_left3A_1357 = arith.constant 6 : i32
        %shift_left3A_1358 = vector.broadcast %shift_left3A_1357 : i32 to vector<16xi32>
        %shift_left3A_1359 = arith.shli %xor3A_1355, %shift_left3A_1358 : vector<16xi32>
        %shift_right_logical3A_1360 = arith.constant 26 : i32
        %shift_right_logical3A_1361 = vector.broadcast %shift_right_logical3A_1360 : i32 to vector<16xi32>
        %shift_right_logical3A_1362 = arith.shrui %xor3A_1355, %shift_right_logical3A_1361 : vector<16xi32>
        %or3A_1363 = arith.ori %shift_left3A_1359, %shift_right_logical3A_1362 : vector<16xi32>
        %xor3A_1364 = arith.xori %or3A_1363, %add3A_1356 : vector<16xi32>
        %add3A_1365 = arith.constant 466689008 : i32
        %add3A_1366 = vector.broadcast %add3A_1365 : i32 to vector<16xi32>
        %add3A_1367 = arith.addi %add3A_1356, %add3A_1366 : vector<16xi32>
        %add3A_1368 = arith.constant 5 : i32
        %add3A_1369 = vector.broadcast %add3A_1368 : i32 to vector<16xi32>
        %add3A_1370 = arith.addi %xor3A_1364, %add3A_1369 : vector<16xi32>
        %xor3A_1371 = arith.xori %add3A_1367, %add3A_1370 : vector<16xi32>
        %swap3A_1372 = arith.index_cast %add3A_1153 : i32 to index
        %swap3A_1373 = tpu.vector_load %arg3[%swap3A_1372] {strides = array<i32>} : memref<16384xi32, #tpu.memory_space<vmem>>, vector<16xi32>,
        %swap3A_1374 = vector.shape_cast %swap3A_1373 : vector<16xi32> to vector<16xi32>
        %swap3A_1375 = vector.shape_cast %xor3A_1371 : vector<16xi32> to vector<16xi32>
        tpu.vector_store %arg3[%swap3A_1372], %swap3A_1375 {strides = array<i32>} : memref<16384xi32, #tpu.memory_space<vmem>>, vector<16xi32>,
        %mul3A_1376 = arith.constant 256 : i32
        %mul3A_1377 = arith.muli %add3A_24, %mul3A_1376 : i32
        %add3A_1378 = arith.constant 96 : i32
        %add3A_1379 = arith.addi %mul3A_1377, %add3A_1378 : i32
        %add3A_1380 = arith.constant 10485760 : i32
        %add3A_1381 = arith.addi %add3A_1380, %add3A_14 : i32
        %add3A_1382 = arith.addi %add3A_1381, %add3A_1379 : i32
        %add3A_1383 = vector.broadcast %add3A_1382 : i32 to vector<16xi32>
        %add3A_1384 = arith.addi %add3A_1383, %iota3A : vector<16xi32>
        %add3A_1385 = arith.constant 42 : i32
        %add3A_1386 = vector.broadcast %add3A_1385 : i32 to vector<16xi32>
        %add3A_1387 = arith.addi %add3A_1384, %add3A_1386 : vector<16xi32>
        %shift_left3A_1388 = arith.constant 13 : i32
        %shift_left3A_1389 = vector.broadcast %shift_left3A_1388 : i32 to vector<16xi32>
        %shift_left3A_1390 = arith.shli %add3A_1387, %shift_left3A_1389 : vector<16xi32>
        %shift_right_logical3A_1391 = arith.constant 19 : i32
        %shift_right_logical3A_1392 = vector.broadcast %shift_right_logical3A_1391 : i32 to vector<16xi32>
        %shift_right_logical3A_1393 = arith.shrui %add3A_1387, %shift_right_logical3A_1392 : vector<16xi32>
        %or3A_1394 = arith.ori %shift_left3A_1390, %shift_right_logical3A_1393 : vector<16xi32>
        %xor3A_1395 = arith.xori %or3A_1394, %add3A_1387 : vector<16xi32>
        %add3A_1396 = arith.addi %add3A_1387, %xor3A_1395 : vector<16xi32>
        %shift_left3A_1397 = arith.constant 15 : i32
        %shift_left3A_1398 = vector.broadcast %shift_left3A_1397 : i32 to vector<16xi32>
        %shift_left3A_1399 = arith.shli %xor3A_1395, %shift_left3A_1398 : vector<16xi32>
        %shift_right_logical3A_1400 = arith.constant 17 : i32
        %shift_right_logical3A_1401 = vector.broadcast %shift_right_logical3A_1400 : i32 to vector<16xi32>
        %shift_right_logical3A_1402 = arith.shrui %xor3A_1395, %shift_right_logical3A_1401 : vector<16xi32>
        %or3A_1403 = arith.ori %shift_left3A_1399, %shift_right_logical3A_1402 : vector<16xi32>
        %xor3A_1404 = arith.xori %or3A_1403, %add3A_1396 : vector<16xi32>
        %add3A_1405 = arith.addi %add3A_1396, %xor3A_1404 : vector<16xi32>
        %shift_left3A_1406 = arith.constant 26 : i32
        %shift_left3A_1407 = vector.broadcast %shift_left3A_1406 : i32 to vector<16xi32>
        %shift_left3A_1408 = arith.shli %xor3A_1404, %shift_left3A_1407 : vector<16xi32>
        %shift_right_logical3A_1409 = arith.constant 6 : i32
        %shift_right_logical3A_1410 = vector.broadcast %shift_right_logical3A_1409 : i32 to vector<16xi32>
        %shift_right_logical3A_1411 = arith.shrui %xor3A_1404, %shift_right_logical3A_1410 : vector<16xi32>
        %or3A_1412 = arith.ori %shift_left3A_1408, %shift_right_logical3A_1411 : vector<16xi32>
        %xor3A_1413 = arith.xori %or3A_1412, %add3A_1405 : vector<16xi32>
        %add3A_1414 = arith.addi %add3A_1405, %xor3A_1413 : vector<16xi32>
        %shift_left3A_1415 = arith.constant 6 : i32
        %shift_left3A_1416 = vector.broadcast %shift_left3A_1415 : i32 to vector<16xi32>
        %shift_left3A_1417 = arith.shli %xor3A_1413, %shift_left3A_1416 : vector<16xi32>
        %shift_right_logical3A_1418 = arith.constant 26 : i32
        %shift_right_logical3A_1419 = vector.broadcast %shift_right_logical3A_1418 : i32 to vector<16xi32>
        %shift_right_logical3A_1420 = arith.shrui %xor3A_1413, %shift_right_logical3A_1419 : vector<16xi32>
        %or3A_1421 = arith.ori %shift_left3A_1417, %shift_right_logical3A_1420 : vector<16xi32>
        %xor3A_1422 = arith.xori %or3A_1421, %add3A_1414 : vector<16xi32>
        %add3A_1423 = arith.constant 42 : i32
        %add3A_1424 = vector.broadcast %add3A_1423 : i32 to vector<16xi32>
        %add3A_1425 = arith.addi %add3A_1414, %add3A_1424 : vector<16xi32>
        %add3A_1426 = arith.constant 466689009 : i32
        %add3A_1427 = vector.broadcast %add3A_1426 : i32 to vector<16xi32>
        %add3A_1428 = arith.addi %xor3A_1422, %add3A_1427 : vector<16xi32>
        %add3A_1429 = arith.addi %add3A_1425, %add3A_1428 : vector<16xi32>
        %shift_left3A_1430 = arith.constant 17 : i32
        %shift_left3A_1431 = vector.broadcast %shift_left3A_1430 : i32 to vector<16xi32>
        %shift_left3A_1432 = arith.shli %add3A_1428, %shift_left3A_1431 : vector<16xi32>
        %shift_right_logical3A_1433 = arith.constant 15 : i32
        %shift_right_logical3A_1434 = vector.broadcast %shift_right_logical3A_1433 : i32 to vector<16xi32>
        %shift_right_logical3A_1435 = arith.shrui %add3A_1428, %shift_right_logical3A_1434 : vector<16xi32>
        %or3A_1436 = arith.ori %shift_left3A_1432, %shift_right_logical3A_1435 : vector<16xi32>
        %xor3A_1437 = arith.xori %or3A_1436, %add3A_1429 : vector<16xi32>
        %add3A_1438 = arith.addi %add3A_1429, %xor3A_1437 : vector<16xi32>
        %shift_left3A_1439 = arith.constant 29 : i32
        %shift_left3A_1440 = vector.broadcast %shift_left3A_1439 : i32 to vector<16xi32>
        %shift_left3A_1441 = arith.shli %xor3A_1437, %shift_left3A_1440 : vector<16xi32>
        %shift_right_logical3A_1442 = arith.constant 3 : i32
        %shift_right_logical3A_1443 = vector.broadcast %shift_right_logical3A_1442 : i32 to vector<16xi32>
        %shift_right_logical3A_1444 = arith.shrui %xor3A_1437, %shift_right_logical3A_1443 : vector<16xi32>
        %or3A_1445 = arith.ori %shift_left3A_1441, %shift_right_logical3A_1444 : vector<16xi32>
        %xor3A_1446 = arith.xori %or3A_1445, %add3A_1438 : vector<16xi32>
        %add3A_1447 = arith.addi %add3A_1438, %xor3A_1446 : vector<16xi32>
        %shift_left3A_1448 = arith.constant 16 : i32
        %shift_left3A_1449 = vector.broadcast %shift_left3A_1448 : i32 to vector<16xi32>
        %shift_left3A_1450 = arith.shli %xor3A_1446, %shift_left3A_1449 : vector<16xi32>
        %shift_right_logical3A_1451 = arith.constant 16 : i32
        %shift_right_logical3A_1452 = vector.broadcast %shift_right_logical3A_1451 : i32 to vector<16xi32>
        %shift_right_logical3A_1453 = arith.shrui %xor3A_1446, %shift_right_logical3A_1452 : vector<16xi32>
        %or3A_1454 = arith.ori %shift_left3A_1450, %shift_right_logical3A_1453 : vector<16xi32>
        %xor3A_1455 = arith.xori %or3A_1454, %add3A_1447 : vector<16xi32>
        %add3A_1456 = arith.addi %add3A_1447, %xor3A_1455 : vector<16xi32>
        %shift_left3A_1457 = arith.constant 24 : i32
        %shift_left3A_1458 = vector.broadcast %shift_left3A_1457 : i32 to vector<16xi32>
        %shift_left3A_1459 = arith.shli %xor3A_1455, %shift_left3A_1458 : vector<16xi32>
        %shift_right_logical3A_1460 = arith.constant 8 : i32
        %shift_right_logical3A_1461 = vector.broadcast %shift_right_logical3A_1460 : i32 to vector<16xi32>
        %shift_right_logical3A_1462 = arith.shrui %xor3A_1455, %shift_right_logical3A_1461 : vector<16xi32>
        %or3A_1463 = arith.ori %shift_left3A_1459, %shift_right_logical3A_1462 : vector<16xi32>
        %xor3A_1464 = arith.xori %or3A_1463, %add3A_1456 : vector<16xi32>
        %add3A_1465 = arith.constant 466689008 : i32
        %add3A_1466 = vector.broadcast %add3A_1465 : i32 to vector<16xi32>
        %add3A_1467 = arith.addi %add3A_1456, %add3A_1466 : vector<16xi32>
        %add3A_1468 = arith.constant 2 : i32
        %add3A_1469 = vector.broadcast %add3A_1468 : i32 to vector<16xi32>
        %add3A_1470 = arith.addi %xor3A_1464, %add3A_1469 : vector<16xi32>
        %add3A_1471 = arith.addi %add3A_1467, %add3A_1470 : vector<16xi32>
        %shift_left3A_1472 = arith.constant 13 : i32
        %shift_left3A_1473 = vector.broadcast %shift_left3A_1472 : i32 to vector<16xi32>
        %shift_left3A_1474 = arith.shli %add3A_1470, %shift_left3A_1473 : vector<16xi32>
        %shift_right_logical3A_1475 = arith.constant 19 : i32
        %shift_right_logical3A_1476 = vector.broadcast %shift_right_logical3A_1475 : i32 to vector<16xi32>
        %shift_right_logical3A_1477 = arith.shrui %add3A_1470, %shift_right_logical3A_1476 : vector<16xi32>
        %or3A_1478 = arith.ori %shift_left3A_1474, %shift_right_logical3A_1477 : vector<16xi32>
        %xor3A_1479 = arith.xori %or3A_1478, %add3A_1471 : vector<16xi32>
        %add3A_1480 = arith.addi %add3A_1471, %xor3A_1479 : vector<16xi32>
        %shift_left3A_1481 = arith.constant 15 : i32
        %shift_left3A_1482 = vector.broadcast %shift_left3A_1481 : i32 to vector<16xi32>
        %shift_left3A_1483 = arith.shli %xor3A_1479, %shift_left3A_1482 : vector<16xi32>
        %shift_right_logical3A_1484 = arith.constant 17 : i32
        %shift_right_logical3A_1485 = vector.broadcast %shift_right_logical3A_1484 : i32 to vector<16xi32>
        %shift_right_logical3A_1486 = arith.shrui %xor3A_1479, %shift_right_logical3A_1485 : vector<16xi32>
        %or3A_1487 = arith.ori %shift_left3A_1483, %shift_right_logical3A_1486 : vector<16xi32>
        %xor3A_1488 = arith.xori %or3A_1487, %add3A_1480 : vector<16xi32>
        %add3A_1489 = arith.addi %add3A_1480, %xor3A_1488 : vector<16xi32>
        %shift_left3A_1490 = arith.constant 26 : i32
        %shift_left3A_1491 = vector.broadcast %shift_left3A_1490 : i32 to vector<16xi32>
        %shift_left3A_1492 = arith.shli %xor3A_1488, %shift_left3A_1491 : vector<16xi32>
        %shift_right_logical3A_1493 = arith.constant 6 : i32
        %shift_right_logical3A_1494 = vector.broadcast %shift_right_logical3A_1493 : i32 to vector<16xi32>
        %shift_right_logical3A_1495 = arith.shrui %xor3A_1488, %shift_right_logical3A_1494 : vector<16xi32>
        %or3A_1496 = arith.ori %shift_left3A_1492, %shift_right_logical3A_1495 : vector<16xi32>
        %xor3A_1497 = arith.xori %or3A_1496, %add3A_1489 : vector<16xi32>
        %add3A_1498 = arith.addi %add3A_1489, %xor3A_1497 : vector<16xi32>
        %shift_left3A_1499 = arith.constant 6 : i32
        %shift_left3A_1500 = vector.broadcast %shift_left3A_1499 : i32 to vector<16xi32>
        %shift_left3A_1501 = arith.shli %xor3A_1497, %shift_left3A_1500 : vector<16xi32>
        %shift_right_logical3A_1502 = arith.constant 26 : i32
        %shift_right_logical3A_1503 = vector.broadcast %shift_right_logical3A_1502 : i32 to vector<16xi32>
        %shift_right_logical3A_1504 = arith.shrui %xor3A_1497, %shift_right_logical3A_1503 : vector<16xi32>
        %or3A_1505 = arith.ori %shift_left3A_1501, %shift_right_logical3A_1504 : vector<16xi32>
        %xor3A_1506 = arith.xori %or3A_1505, %add3A_1498 : vector<16xi32>
        %add3A_1507 = arith.constant 0 : i32
        %add3A_1508 = vector.broadcast %add3A_1507 : i32 to vector<16xi32>
        %add3A_1509 = arith.addi %add3A_1498, %add3A_1508 : vector<16xi32>
        %add3A_1510 = arith.constant 45 : i32
        %add3A_1511 = vector.broadcast %add3A_1510 : i32 to vector<16xi32>
        %add3A_1512 = arith.addi %xor3A_1506, %add3A_1511 : vector<16xi32>
        %add3A_1513 = arith.addi %add3A_1509, %add3A_1512 : vector<16xi32>
        %shift_left3A_1514 = arith.constant 17 : i32
        %shift_left3A_1515 = vector.broadcast %shift_left3A_1514 : i32 to vector<16xi32>
        %shift_left3A_1516 = arith.shli %add3A_1512, %shift_left3A_1515 : vector<16xi32>
        %shift_right_logical3A_1517 = arith.constant 15 : i32
        %shift_right_logical3A_1518 = vector.broadcast %shift_right_logical3A_1517 : i32 to vector<16xi32>
        %shift_right_logical3A_1519 = arith.shrui %add3A_1512, %shift_right_logical3A_1518 : vector<16xi32>
        %or3A_1520 = arith.ori %shift_left3A_1516, %shift_right_logical3A_1519 : vector<16xi32>
        %xor3A_1521 = arith.xori %or3A_1520, %add3A_1513 : vector<16xi32>
        %add3A_1522 = arith.addi %add3A_1513, %xor3A_1521 : vector<16xi32>
        %shift_left3A_1523 = arith.constant 29 : i32
        %shift_left3A_1524 = vector.broadcast %shift_left3A_1523 : i32 to vector<16xi32>
        %shift_left3A_1525 = arith.shli %xor3A_1521, %shift_left3A_1524 : vector<16xi32>
        %shift_right_logical3A_1526 = arith.constant 3 : i32
        %shift_right_logical3A_1527 = vector.broadcast %shift_right_logical3A_1526 : i32 to vector<16xi32>
        %shift_right_logical3A_1528 = arith.shrui %xor3A_1521, %shift_right_logical3A_1527 : vector<16xi32>
        %or3A_1529 = arith.ori %shift_left3A_1525, %shift_right_logical3A_1528 : vector<16xi32>
        %xor3A_1530 = arith.xori %or3A_1529, %add3A_1522 : vector<16xi32>
        %add3A_1531 = arith.addi %add3A_1522, %xor3A_1530 : vector<16xi32>
        %shift_left3A_1532 = arith.constant 16 : i32
        %shift_left3A_1533 = vector.broadcast %shift_left3A_1532 : i32 to vector<16xi32>
        %shift_left3A_1534 = arith.shli %xor3A_1530, %shift_left3A_1533 : vector<16xi32>
        %shift_right_logical3A_1535 = arith.constant 16 : i32
        %shift_right_logical3A_1536 = vector.broadcast %shift_right_logical3A_1535 : i32 to vector<16xi32>
        %shift_right_logical3A_1537 = arith.shrui %xor3A_1530, %shift_right_logical3A_1536 : vector<16xi32>
        %or3A_1538 = arith.ori %shift_left3A_1534, %shift_right_logical3A_1537 : vector<16xi32>
        %xor3A_1539 = arith.xori %or3A_1538, %add3A_1531 : vector<16xi32>
        %add3A_1540 = arith.addi %add3A_1531, %xor3A_1539 : vector<16xi32>
        %shift_left3A_1541 = arith.constant 24 : i32
        %shift_left3A_1542 = vector.broadcast %shift_left3A_1541 : i32 to vector<16xi32>
        %shift_left3A_1543 = arith.shli %xor3A_1539, %shift_left3A_1542 : vector<16xi32>
        %shift_right_logical3A_1544 = arith.constant 8 : i32
        %shift_right_logical3A_1545 = vector.broadcast %shift_right_logical3A_1544 : i32 to vector<16xi32>
        %shift_right_logical3A_1546 = arith.shrui %xor3A_1539, %shift_right_logical3A_1545 : vector<16xi32>
        %or3A_1547 = arith.ori %shift_left3A_1543, %shift_right_logical3A_1546 : vector<16xi32>
        %xor3A_1548 = arith.xori %or3A_1547, %add3A_1540 : vector<16xi32>
        %add3A_1549 = arith.constant 42 : i32
        %add3A_1550 = vector.broadcast %add3A_1549 : i32 to vector<16xi32>
        %add3A_1551 = arith.addi %add3A_1540, %add3A_1550 : vector<16xi32>
        %add3A_1552 = arith.constant 466689012 : i32
        %add3A_1553 = vector.broadcast %add3A_1552 : i32 to vector<16xi32>
        %add3A_1554 = arith.addi %xor3A_1548, %add3A_1553 : vector<16xi32>
        %add3A_1555 = arith.addi %add3A_1551, %add3A_1554 : vector<16xi32>
        %shift_left3A_1556 = arith.constant 13 : i32
        %shift_left3A_1557 = vector.broadcast %shift_left3A_1556 : i32 to vector<16xi32>
        %shift_left3A_1558 = arith.shli %add3A_1554, %shift_left3A_1557 : vector<16xi32>
        %shift_right_logical3A_1559 = arith.constant 19 : i32
        %shift_right_logical3A_1560 = vector.broadcast %shift_right_logical3A_1559 : i32 to vector<16xi32>
        %shift_right_logical3A_1561 = arith.shrui %add3A_1554, %shift_right_logical3A_1560 : vector<16xi32>
        %or3A_1562 = arith.ori %shift_left3A_1558, %shift_right_logical3A_1561 : vector<16xi32>
        %xor3A_1563 = arith.xori %or3A_1562, %add3A_1555 : vector<16xi32>
        %add3A_1564 = arith.addi %add3A_1555, %xor3A_1563 : vector<16xi32>
        %shift_left3A_1565 = arith.constant 15 : i32
        %shift_left3A_1566 = vector.broadcast %shift_left3A_1565 : i32 to vector<16xi32>
        %shift_left3A_1567 = arith.shli %xor3A_1563, %shift_left3A_1566 : vector<16xi32>
        %shift_right_logical3A_1568 = arith.constant 17 : i32
        %shift_right_logical3A_1569 = vector.broadcast %shift_right_logical3A_1568 : i32 to vector<16xi32>
        %shift_right_logical3A_1570 = arith.shrui %xor3A_1563, %shift_right_logical3A_1569 : vector<16xi32>
        %or3A_1571 = arith.ori %shift_left3A_1567, %shift_right_logical3A_1570 : vector<16xi32>
        %xor3A_1572 = arith.xori %or3A_1571, %add3A_1564 : vector<16xi32>
        %add3A_1573 = arith.addi %add3A_1564, %xor3A_1572 : vector<16xi32>
        %shift_left3A_1574 = arith.constant 26 : i32
        %shift_left3A_1575 = vector.broadcast %shift_left3A_1574 : i32 to vector<16xi32>
        %shift_left3A_1576 = arith.shli %xor3A_1572, %shift_left3A_1575 : vector<16xi32>
        %shift_right_logical3A_1577 = arith.constant 6 : i32
        %shift_right_logical3A_1578 = vector.broadcast %shift_right_logical3A_1577 : i32 to vector<16xi32>
        %shift_right_logical3A_1579 = arith.shrui %xor3A_1572, %shift_right_logical3A_1578 : vector<16xi32>
        %or3A_1580 = arith.ori %shift_left3A_1576, %shift_right_logical3A_1579 : vector<16xi32>
        %xor3A_1581 = arith.xori %or3A_1580, %add3A_1573 : vector<16xi32>
        %add3A_1582 = arith.addi %add3A_1573, %xor3A_1581 : vector<16xi32>
        %shift_left3A_1583 = arith.constant 6 : i32
        %shift_left3A_1584 = vector.broadcast %shift_left3A_1583 : i32 to vector<16xi32>
        %shift_left3A_1585 = arith.shli %xor3A_1581, %shift_left3A_1584 : vector<16xi32>
        %shift_right_logical3A_1586 = arith.constant 26 : i32
        %shift_right_logical3A_1587 = vector.broadcast %shift_right_logical3A_1586 : i32 to vector<16xi32>
        %shift_right_logical3A_1588 = arith.shrui %xor3A_1581, %shift_right_logical3A_1587 : vector<16xi32>
        %or3A_1589 = arith.ori %shift_left3A_1585, %shift_right_logical3A_1588 : vector<16xi32>
        %xor3A_1590 = arith.xori %or3A_1589, %add3A_1582 : vector<16xi32>
        %add3A_1591 = arith.constant 466689008 : i32
        %add3A_1592 = vector.broadcast %add3A_1591 : i32 to vector<16xi32>
        %add3A_1593 = arith.addi %add3A_1582, %add3A_1592 : vector<16xi32>
        %add3A_1594 = arith.constant 5 : i32
        %add3A_1595 = vector.broadcast %add3A_1594 : i32 to vector<16xi32>
        %add3A_1596 = arith.addi %xor3A_1590, %add3A_1595 : vector<16xi32>
        %xor3A_1597 = arith.xori %add3A_1593, %add3A_1596 : vector<16xi32>
        %swap3A_1598 = arith.index_cast %add3A_1379 : i32 to index
        %swap3A_1599 = tpu.vector_load %arg3[%swap3A_1598] {strides = array<i32>} : memref<16384xi32, #tpu.memory_space<vmem>>, vector<16xi32>,
        %swap3A_1600 = vector.shape_cast %swap3A_1599 : vector<16xi32> to vector<16xi32>
        %swap3A_1601 = vector.shape_cast %xor3A_1597 : vector<16xi32> to vector<16xi32>
        tpu.vector_store %arg3[%swap3A_1598], %swap3A_1601 {strides = array<i32>} : memref<16384xi32, #tpu.memory_space<vmem>>, vector<16xi32>,
        %mul3A_1602 = arith.constant 256 : i32
        %mul3A_1603 = arith.muli %add3A_24, %mul3A_1602 : i32
        %add3A_1604 = arith.constant 112 : i32
        %add3A_1605 = arith.addi %mul3A_1603, %add3A_1604 : i32
        %add3A_1606 = arith.constant 10485760 : i32
        %add3A_1607 = arith.addi %add3A_1606, %add3A_14 : i32
        %add3A_1608 = arith.addi %add3A_1607, %add3A_1605 : i32
        %add3A_1609 = vector.broadcast %add3A_1608 : i32 to vector<16xi32>
        %add3A_1610 = arith.addi %add3A_1609, %iota3A : vector<16xi32>
        %add3A_1611 = arith.constant 42 : i32
        %add3A_1612 = vector.broadcast %add3A_1611 : i32 to vector<16xi32>
        %add3A_1613 = arith.addi %add3A_1610, %add3A_1612 : vector<16xi32>
        %shift_left3A_1614 = arith.constant 13 : i32
        %shift_left3A_1615 = vector.broadcast %shift_left3A_1614 : i32 to vector<16xi32>
        %shift_left3A_1616 = arith.shli %add3A_1613, %shift_left3A_1615 : vector<16xi32>
        %shift_right_logical3A_1617 = arith.constant 19 : i32
        %shift_right_logical3A_1618 = vector.broadcast %shift_right_logical3A_1617 : i32 to vector<16xi32>
        %shift_right_logical3A_1619 = arith.shrui %add3A_1613, %shift_right_logical3A_1618 : vector<16xi32>
        %or3A_1620 = arith.ori %shift_left3A_1616, %shift_right_logical3A_1619 : vector<16xi32>
        %xor3A_1621 = arith.xori %or3A_1620, %add3A_1613 : vector<16xi32>
        %add3A_1622 = arith.addi %add3A_1613, %xor3A_1621 : vector<16xi32>
        %shift_left3A_1623 = arith.constant 15 : i32
        %shift_left3A_1624 = vector.broadcast %shift_left3A_1623 : i32 to vector<16xi32>
        %shift_left3A_1625 = arith.shli %xor3A_1621, %shift_left3A_1624 : vector<16xi32>
        %shift_right_logical3A_1626 = arith.constant 17 : i32
        %shift_right_logical3A_1627 = vector.broadcast %shift_right_logical3A_1626 : i32 to vector<16xi32>
        %shift_right_logical3A_1628 = arith.shrui %xor3A_1621, %shift_right_logical3A_1627 : vector<16xi32>
        %or3A_1629 = arith.ori %shift_left3A_1625, %shift_right_logical3A_1628 : vector<16xi32>
        %xor3A_1630 = arith.xori %or3A_1629, %add3A_1622 : vector<16xi32>
        %add3A_1631 = arith.addi %add3A_1622, %xor3A_1630 : vector<16xi32>
        %shift_left3A_1632 = arith.constant 26 : i32
        %shift_left3A_1633 = vector.broadcast %shift_left3A_1632 : i32 to vector<16xi32>
        %shift_left3A_1634 = arith.shli %xor3A_1630, %shift_left3A_1633 : vector<16xi32>
        %shift_right_logical3A_1635 = arith.constant 6 : i32
        %shift_right_logical3A_1636 = vector.broadcast %shift_right_logical3A_1635 : i32 to vector<16xi32>
        %shift_right_logical3A_1637 = arith.shrui %xor3A_1630, %shift_right_logical3A_1636 : vector<16xi32>
        %or3A_1638 = arith.ori %shift_left3A_1634, %shift_right_logical3A_1637 : vector<16xi32>
        %xor3A_1639 = arith.xori %or3A_1638, %add3A_1631 : vector<16xi32>
        %add3A_1640 = arith.addi %add3A_1631, %xor3A_1639 : vector<16xi32>
        %shift_left3A_1641 = arith.constant 6 : i32
        %shift_left3A_1642 = vector.broadcast %shift_left3A_1641 : i32 to vector<16xi32>
        %shift_left3A_1643 = arith.shli %xor3A_1639, %shift_left3A_1642 : vector<16xi32>
        %shift_right_logical3A_1644 = arith.constant 26 : i32
        %shift_right_logical3A_1645 = vector.broadcast %shift_right_logical3A_1644 : i32 to vector<16xi32>
        %shift_right_logical3A_1646 = arith.shrui %xor3A_1639, %shift_right_logical3A_1645 : vector<16xi32>
        %or3A_1647 = arith.ori %shift_left3A_1643, %shift_right_logical3A_1646 : vector<16xi32>
        %xor3A_1648 = arith.xori %or3A_1647, %add3A_1640 : vector<16xi32>
        %add3A_1649 = arith.constant 42 : i32
        %add3A_1650 = vector.broadcast %add3A_1649 : i32 to vector<16xi32>
        %add3A_1651 = arith.addi %add3A_1640, %add3A_1650 : vector<16xi32>
        %add3A_1652 = arith.constant 466689009 : i32
        %add3A_1653 = vector.broadcast %add3A_1652 : i32 to vector<16xi32>
        %add3A_1654 = arith.addi %xor3A_1648, %add3A_1653 : vector<16xi32>
        %add3A_1655 = arith.addi %add3A_1651, %add3A_1654 : vector<16xi32>
        %shift_left3A_1656 = arith.constant 17 : i32
        %shift_left3A_1657 = vector.broadcast %shift_left3A_1656 : i32 to vector<16xi32>
        %shift_left3A_1658 = arith.shli %add3A_1654, %shift_left3A_1657 : vector<16xi32>
        %shift_right_logical3A_1659 = arith.constant 15 : i32
        %shift_right_logical3A_1660 = vector.broadcast %shift_right_logical3A_1659 : i32 to vector<16xi32>
        %shift_right_logical3A_1661 = arith.shrui %add3A_1654, %shift_right_logical3A_1660 : vector<16xi32>
        %or3A_1662 = arith.ori %shift_left3A_1658, %shift_right_logical3A_1661 : vector<16xi32>
        %xor3A_1663 = arith.xori %or3A_1662, %add3A_1655 : vector<16xi32>
        %add3A_1664 = arith.addi %add3A_1655, %xor3A_1663 : vector<16xi32>
        %shift_left3A_1665 = arith.constant 29 : i32
        %shift_left3A_1666 = vector.broadcast %shift_left3A_1665 : i32 to vector<16xi32>
        %shift_left3A_1667 = arith.shli %xor3A_1663, %shift_left3A_1666 : vector<16xi32>
        %shift_right_logical3A_1668 = arith.constant 3 : i32
        %shift_right_logical3A_1669 = vector.broadcast %shift_right_logical3A_1668 : i32 to vector<16xi32>
        %shift_right_logical3A_1670 = arith.shrui %xor3A_1663, %shift_right_logical3A_1669 : vector<16xi32>
        %or3A_1671 = arith.ori %shift_left3A_1667, %shift_right_logical3A_1670 : vector<16xi32>
        %xor3A_1672 = arith.xori %or3A_1671, %add3A_1664 : vector<16xi32>
        %add3A_1673 = arith.addi %add3A_1664, %xor3A_1672 : vector<16xi32>
        %shift_left3A_1674 = arith.constant 16 : i32
        %shift_left3A_1675 = vector.broadcast %shift_left3A_1674 : i32 to vector<16xi32>
        %shift_left3A_1676 = arith.shli %xor3A_1672, %shift_left3A_1675 : vector<16xi32>
        %shift_right_logical3A_1677 = arith.constant 16 : i32
        %shift_right_logical3A_1678 = vector.broadcast %shift_right_logical3A_1677 : i32 to vector<16xi32>
        %shift_right_logical3A_1679 = arith.shrui %xor3A_1672, %shift_right_logical3A_1678 : vector<16xi32>
        %or3A_1680 = arith.ori %shift_left3A_1676, %shift_right_logical3A_1679 : vector<16xi32>
        %xor3A_1681 = arith.xori %or3A_1680, %add3A_1673 : vector<16xi32>
        %add3A_1682 = arith.addi %add3A_1673, %xor3A_1681 : vector<16xi32>
        %shift_left3A_1683 = arith.constant 24 : i32
        %shift_left3A_1684 = vector.broadcast %shift_left3A_1683 : i32 to vector<16xi32>
        %shift_left3A_1685 = arith.shli %xor3A_1681, %shift_left3A_1684 : vector<16xi32>
        %shift_right_logical3A_1686 = arith.constant 8 : i32
        %shift_right_logical3A_1687 = vector.broadcast %shift_right_logical3A_1686 : i32 to vector<16xi32>
        %shift_right_logical3A_1688 = arith.shrui %xor3A_1681, %shift_right_logical3A_1687 : vector<16xi32>
        %or3A_1689 = arith.ori %shift_left3A_1685, %shift_right_logical3A_1688 : vector<16xi32>
        %xor3A_1690 = arith.xori %or3A_1689, %add3A_1682 : vector<16xi32>
        %add3A_1691 = arith.constant 466689008 : i32
        %add3A_1692 = vector.broadcast %add3A_1691 : i32 to vector<16xi32>
        %add3A_1693 = arith.addi %add3A_1682, %add3A_1692 : vector<16xi32>
        %add3A_1694 = arith.constant 2 : i32
        %add3A_1695 = vector.broadcast %add3A_1694 : i32 to vector<16xi32>
        %add3A_1696 = arith.addi %xor3A_1690, %add3A_1695 : vector<16xi32>
        %add3A_1697 = arith.addi %add3A_1693, %add3A_1696 : vector<16xi32>
        %shift_left3A_1698 = arith.constant 13 : i32
        %shift_left3A_1699 = vector.broadcast %shift_left3A_1698 : i32 to vector<16xi32>
        %shift_left3A_1700 = arith.shli %add3A_1696, %shift_left3A_1699 : vector<16xi32>
        %shift_right_logical3A_1701 = arith.constant 19 : i32
        %shift_right_logical3A_1702 = vector.broadcast %shift_right_logical3A_1701 : i32 to vector<16xi32>
        %shift_right_logical3A_1703 = arith.shrui %add3A_1696, %shift_right_logical3A_1702 : vector<16xi32>
        %or3A_1704 = arith.ori %shift_left3A_1700, %shift_right_logical3A_1703 : vector<16xi32>
        %xor3A_1705 = arith.xori %or3A_1704, %add3A_1697 : vector<16xi32>
        %add3A_1706 = arith.addi %add3A_1697, %xor3A_1705 : vector<16xi32>
        %shift_left3A_1707 = arith.constant 15 : i32
        %shift_left3A_1708 = vector.broadcast %shift_left3A_1707 : i32 to vector<16xi32>
        %shift_left3A_1709 = arith.shli %xor3A_1705, %shift_left3A_1708 : vector<16xi32>
        %shift_right_logical3A_1710 = arith.constant 17 : i32
        %shift_right_logical3A_1711 = vector.broadcast %shift_right_logical3A_1710 : i32 to vector<16xi32>
        %shift_right_logical3A_1712 = arith.shrui %xor3A_1705, %shift_right_logical3A_1711 : vector<16xi32>
        %or3A_1713 = arith.ori %shift_left3A_1709, %shift_right_logical3A_1712 : vector<16xi32>
        %xor3A_1714 = arith.xori %or3A_1713, %add3A_1706 : vector<16xi32>
        %add3A_1715 = arith.addi %add3A_1706, %xor3A_1714 : vector<16xi32>
        %shift_left3A_1716 = arith.constant 26 : i32
        %shift_left3A_1717 = vector.broadcast %shift_left3A_1716 : i32 to vector<16xi32>
        %shift_left3A_1718 = arith.shli %xor3A_1714, %shift_left3A_1717 : vector<16xi32>
        %shift_right_logical3A_1719 = arith.constant 6 : i32
        %shift_right_logical3A_1720 = vector.broadcast %shift_right_logical3A_1719 : i32 to vector<16xi32>
        %shift_right_logical3A_1721 = arith.shrui %xor3A_1714, %shift_right_logical3A_1720 : vector<16xi32>
        %or3A_1722 = arith.ori %shift_left3A_1718, %shift_right_logical3A_1721 : vector<16xi32>
        %xor3A_1723 = arith.xori %or3A_1722, %add3A_1715 : vector<16xi32>
        %add3A_1724 = arith.addi %add3A_1715, %xor3A_1723 : vector<16xi32>
        %shift_left3A_1725 = arith.constant 6 : i32
        %shift_left3A_1726 = vector.broadcast %shift_left3A_1725 : i32 to vector<16xi32>
        %shift_left3A_1727 = arith.shli %xor3A_1723, %shift_left3A_1726 : vector<16xi32>
        %shift_right_logical3A_1728 = arith.constant 26 : i32
        %shift_right_logical3A_1729 = vector.broadcast %shift_right_logical3A_1728 : i32 to vector<16xi32>
        %shift_right_logical3A_1730 = arith.shrui %xor3A_1723, %shift_right_logical3A_1729 : vector<16xi32>
        %or3A_1731 = arith.ori %shift_left3A_1727, %shift_right_logical3A_1730 : vector<16xi32>
        %xor3A_1732 = arith.xori %or3A_1731, %add3A_1724 : vector<16xi32>
        %add3A_1733 = arith.constant 0 : i32
        %add3A_1734 = vector.broadcast %add3A_1733 : i32 to vector<16xi32>
        %add3A_1735 = arith.addi %add3A_1724, %add3A_1734 : vector<16xi32>
        %add3A_1736 = arith.constant 45 : i32
        %add3A_1737 = vector.broadcast %add3A_1736 : i32 to vector<16xi32>
        %add3A_1738 = arith.addi %xor3A_1732, %add3A_1737 : vector<16xi32>
        %add3A_1739 = arith.addi %add3A_1735, %add3A_1738 : vector<16xi32>
        %shift_left3A_1740 = arith.constant 17 : i32
        %shift_left3A_1741 = vector.broadcast %shift_left3A_1740 : i32 to vector<16xi32>
        %shift_left3A_1742 = arith.shli %add3A_1738, %shift_left3A_1741 : vector<16xi32>
        %shift_right_logical3A_1743 = arith.constant 15 : i32
        %shift_right_logical3A_1744 = vector.broadcast %shift_right_logical3A_1743 : i32 to vector<16xi32>
        %shift_right_logical3A_1745 = arith.shrui %add3A_1738, %shift_right_logical3A_1744 : vector<16xi32>
        %or3A_1746 = arith.ori %shift_left3A_1742, %shift_right_logical3A_1745 : vector<16xi32>
        %xor3A_1747 = arith.xori %or3A_1746, %add3A_1739 : vector<16xi32>
        %add3A_1748 = arith.addi %add3A_1739, %xor3A_1747 : vector<16xi32>
        %shift_left3A_1749 = arith.constant 29 : i32
        %shift_left3A_1750 = vector.broadcast %shift_left3A_1749 : i32 to vector<16xi32>
        %shift_left3A_1751 = arith.shli %xor3A_1747, %shift_left3A_1750 : vector<16xi32>
        %shift_right_logical3A_1752 = arith.constant 3 : i32
        %shift_right_logical3A_1753 = vector.broadcast %shift_right_logical3A_1752 : i32 to vector<16xi32>
        %shift_right_logical3A_1754 = arith.shrui %xor3A_1747, %shift_right_logical3A_1753 : vector<16xi32>
        %or3A_1755 = arith.ori %shift_left3A_1751, %shift_right_logical3A_1754 : vector<16xi32>
        %xor3A_1756 = arith.xori %or3A_1755, %add3A_1748 : vector<16xi32>
        %add3A_1757 = arith.addi %add3A_1748, %xor3A_1756 : vector<16xi32>
        %shift_left3A_1758 = arith.constant 16 : i32
        %shift_left3A_1759 = vector.broadcast %shift_left3A_1758 : i32 to vector<16xi32>
        %shift_left3A_1760 = arith.shli %xor3A_1756, %shift_left3A_1759 : vector<16xi32>
        %shift_right_logical3A_1761 = arith.constant 16 : i32
        %shift_right_logical3A_1762 = vector.broadcast %shift_right_logical3A_1761 : i32 to vector<16xi32>
        %shift_right_logical3A_1763 = arith.shrui %xor3A_1756, %shift_right_logical3A_1762 : vector<16xi32>
        %or3A_1764 = arith.ori %shift_left3A_1760, %shift_right_logical3A_1763 : vector<16xi32>
        %xor3A_1765 = arith.xori %or3A_1764, %add3A_1757 : vector<16xi32>
        %add3A_1766 = arith.addi %add3A_1757, %xor3A_1765 : vector<16xi32>
        %shift_left3A_1767 = arith.constant 24 : i32
        %shift_left3A_1768 = vector.broadcast %shift_left3A_1767 : i32 to vector<16xi32>
        %shift_left3A_1769 = arith.shli %xor3A_1765, %shift_left3A_1768 : vector<16xi32>
        %shift_right_logical3A_1770 = arith.constant 8 : i32
        %shift_right_logical3A_1771 = vector.broadcast %shift_right_logical3A_1770 : i32 to vector<16xi32>
        %shift_right_logical3A_1772 = arith.shrui %xor3A_1765, %shift_right_logical3A_1771 : vector<16xi32>
        %or3A_1773 = arith.ori %shift_left3A_1769, %shift_right_logical3A_1772 : vector<16xi32>
        %xor3A_1774 = arith.xori %or3A_1773, %add3A_1766 : vector<16xi32>
        %add3A_1775 = arith.constant 42 : i32
        %add3A_1776 = vector.broadcast %add3A_1775 : i32 to vector<16xi32>
        %add3A_1777 = arith.addi %add3A_1766, %add3A_1776 : vector<16xi32>
        %add3A_1778 = arith.constant 466689012 : i32
        %add3A_1779 = vector.broadcast %add3A_1778 : i32 to vector<16xi32>
        %add3A_1780 = arith.addi %xor3A_1774, %add3A_1779 : vector<16xi32>
        %add3A_1781 = arith.addi %add3A_1777, %add3A_1780 : vector<16xi32>
        %shift_left3A_1782 = arith.constant 13 : i32
        %shift_left3A_1783 = vector.broadcast %shift_left3A_1782 : i32 to vector<16xi32>
        %shift_left3A_1784 = arith.shli %add3A_1780, %shift_left3A_1783 : vector<16xi32>
        %shift_right_logical3A_1785 = arith.constant 19 : i32
        %shift_right_logical3A_1786 = vector.broadcast %shift_right_logical3A_1785 : i32 to vector<16xi32>
        %shift_right_logical3A_1787 = arith.shrui %add3A_1780, %shift_right_logical3A_1786 : vector<16xi32>
        %or3A_1788 = arith.ori %shift_left3A_1784, %shift_right_logical3A_1787 : vector<16xi32>
        %xor3A_1789 = arith.xori %or3A_1788, %add3A_1781 : vector<16xi32>
        %add3A_1790 = arith.addi %add3A_1781, %xor3A_1789 : vector<16xi32>
        %shift_left3A_1791 = arith.constant 15 : i32
        %shift_left3A_1792 = vector.broadcast %shift_left3A_1791 : i32 to vector<16xi32>
        %shift_left3A_1793 = arith.shli %xor3A_1789, %shift_left3A_1792 : vector<16xi32>
        %shift_right_logical3A_1794 = arith.constant 17 : i32
        %shift_right_logical3A_1795 = vector.broadcast %shift_right_logical3A_1794 : i32 to vector<16xi32>
        %shift_right_logical3A_1796 = arith.shrui %xor3A_1789, %shift_right_logical3A_1795 : vector<16xi32>
        %or3A_1797 = arith.ori %shift_left3A_1793, %shift_right_logical3A_1796 : vector<16xi32>
        %xor3A_1798 = arith.xori %or3A_1797, %add3A_1790 : vector<16xi32>
        %add3A_1799 = arith.addi %add3A_1790, %xor3A_1798 : vector<16xi32>
        %shift_left3A_1800 = arith.constant 26 : i32
        %shift_left3A_1801 = vector.broadcast %shift_left3A_1800 : i32 to vector<16xi32>
        %shift_left3A_1802 = arith.shli %xor3A_1798, %shift_left3A_1801 : vector<16xi32>
        %shift_right_logical3A_1803 = arith.constant 6 : i32
        %shift_right_logical3A_1804 = vector.broadcast %shift_right_logical3A_1803 : i32 to vector<16xi32>
        %shift_right_logical3A_1805 = arith.shrui %xor3A_1798, %shift_right_logical3A_1804 : vector<16xi32>
        %or3A_1806 = arith.ori %shift_left3A_1802, %shift_right_logical3A_1805 : vector<16xi32>
        %xor3A_1807 = arith.xori %or3A_1806, %add3A_1799 : vector<16xi32>
        %add3A_1808 = arith.addi %add3A_1799, %xor3A_1807 : vector<16xi32>
        %shift_left3A_1809 = arith.constant 6 : i32
        %shift_left3A_1810 = vector.broadcast %shift_left3A_1809 : i32 to vector<16xi32>
        %shift_left3A_1811 = arith.shli %xor3A_1807, %shift_left3A_1810 : vector<16xi32>
        %shift_right_logical3A_1812 = arith.constant 26 : i32
        %shift_right_logical3A_1813 = vector.broadcast %shift_right_logical3A_1812 : i32 to vector<16xi32>
        %shift_right_logical3A_1814 = arith.shrui %xor3A_1807, %shift_right_logical3A_1813 : vector<16xi32>
        %or3A_1815 = arith.ori %shift_left3A_1811, %shift_right_logical3A_1814 : vector<16xi32>
        %xor3A_1816 = arith.xori %or3A_1815, %add3A_1808 : vector<16xi32>
        %add3A_1817 = arith.constant 466689008 : i32
        %add3A_1818 = vector.broadcast %add3A_1817 : i32 to vector<16xi32>
        %add3A_1819 = arith.addi %add3A_1808, %add3A_1818 : vector<16xi32>
        %add3A_1820 = arith.constant 5 : i32
        %add3A_1821 = vector.broadcast %add3A_1820 : i32 to vector<16xi32>
        %add3A_1822 = arith.addi %xor3A_1816, %add3A_1821 : vector<16xi32>
        %xor3A_1823 = arith.xori %add3A_1819, %add3A_1822 : vector<16xi32>
        %swap3A_1824 = arith.index_cast %add3A_1605 : i32 to index
        %swap3A_1825 = tpu.vector_load %arg3[%swap3A_1824] {strides = array<i32>} : memref<16384xi32, #tpu.memory_space<vmem>>, vector<16xi32>,
        %swap3A_1826 = vector.shape_cast %swap3A_1825 : vector<16xi32> to vector<16xi32>
        %swap3A_1827 = vector.shape_cast %xor3A_1823 : vector<16xi32> to vector<16xi32>
        tpu.vector_store %arg3[%swap3A_1824], %swap3A_1827 {strides = array<i32>} : memref<16384xi32, #tpu.memory_space<vmem>>, vector<16xi32>,
        %mul3A_1828 = arith.constant 256 : i32
        %mul3A_1829 = arith.muli %add3A_24, %mul3A_1828 : i32
        %add3A_1830 = arith.constant 128 : i32
        %add3A_1831 = arith.addi %mul3A_1829, %add3A_1830 : i32
        %add3A_1832 = arith.constant 10485760 : i32
        %add3A_1833 = arith.addi %add3A_1832, %add3A_14 : i32
        %add3A_1834 = arith.addi %add3A_1833, %add3A_1831 : i32
        %add3A_1835 = vector.broadcast %add3A_1834 : i32 to vector<16xi32>
        %add3A_1836 = arith.addi %add3A_1835, %iota3A : vector<16xi32>
        %add3A_1837 = arith.constant 42 : i32
        %add3A_1838 = vector.broadcast %add3A_1837 : i32 to vector<16xi32>
        %add3A_1839 = arith.addi %add3A_1836, %add3A_1838 : vector<16xi32>
        %shift_left3A_1840 = arith.constant 13 : i32
        %shift_left3A_1841 = vector.broadcast %shift_left3A_1840 : i32 to vector<16xi32>
        %shift_left3A_1842 = arith.shli %add3A_1839, %shift_left3A_1841 : vector<16xi32>
        %shift_right_logical3A_1843 = arith.constant 19 : i32
        %shift_right_logical3A_1844 = vector.broadcast %shift_right_logical3A_1843 : i32 to vector<16xi32>
        %shift_right_logical3A_1845 = arith.shrui %add3A_1839, %shift_right_logical3A_1844 : vector<16xi32>
        %or3A_1846 = arith.ori %shift_left3A_1842, %shift_right_logical3A_1845 : vector<16xi32>
        %xor3A_1847 = arith.xori %or3A_1846, %add3A_1839 : vector<16xi32>
        %add3A_1848 = arith.addi %add3A_1839, %xor3A_1847 : vector<16xi32>
        %shift_left3A_1849 = arith.constant 15 : i32
        %shift_left3A_1850 = vector.broadcast %shift_left3A_1849 : i32 to vector<16xi32>
        %shift_left3A_1851 = arith.shli %xor3A_1847, %shift_left3A_1850 : vector<16xi32>
        %shift_right_logical3A_1852 = arith.constant 17 : i32
        %shift_right_logical3A_1853 = vector.broadcast %shift_right_logical3A_1852 : i32 to vector<16xi32>
        %shift_right_logical3A_1854 = arith.shrui %xor3A_1847, %shift_right_logical3A_1853 : vector<16xi32>
        %or3A_1855 = arith.ori %shift_left3A_1851, %shift_right_logical3A_1854 : vector<16xi32>
        %xor3A_1856 = arith.xori %or3A_1855, %add3A_1848 : vector<16xi32>
        %add3A_1857 = arith.addi %add3A_1848, %xor3A_1856 : vector<16xi32>
        %shift_left3A_1858 = arith.constant 26 : i32
        %shift_left3A_1859 = vector.broadcast %shift_left3A_1858 : i32 to vector<16xi32>
        %shift_left3A_1860 = arith.shli %xor3A_1856, %shift_left3A_1859 : vector<16xi32>
        %shift_right_logical3A_1861 = arith.constant 6 : i32
        %shift_right_logical3A_1862 = vector.broadcast %shift_right_logical3A_1861 : i32 to vector<16xi32>
        %shift_right_logical3A_1863 = arith.shrui %xor3A_1856, %shift_right_logical3A_1862 : vector<16xi32>
        %or3A_1864 = arith.ori %shift_left3A_1860, %shift_right_logical3A_1863 : vector<16xi32>
        %xor3A_1865 = arith.xori %or3A_1864, %add3A_1857 : vector<16xi32>
        %add3A_1866 = arith.addi %add3A_1857, %xor3A_1865 : vector<16xi32>
        %shift_left3A_1867 = arith.constant 6 : i32
        %shift_left3A_1868 = vector.broadcast %shift_left3A_1867 : i32 to vector<16xi32>
        %shift_left3A_1869 = arith.shli %xor3A_1865, %shift_left3A_1868 : vector<16xi32>
        %shift_right_logical3A_1870 = arith.constant 26 : i32
        %shift_right_logical3A_1871 = vector.broadcast %shift_right_logical3A_1870 : i32 to vector<16xi32>
        %shift_right_logical3A_1872 = arith.shrui %xor3A_1865, %shift_right_logical3A_1871 : vector<16xi32>
        %or3A_1873 = arith.ori %shift_left3A_1869, %shift_right_logical3A_1872 : vector<16xi32>
        %xor3A_1874 = arith.xori %or3A_1873, %add3A_1866 : vector<16xi32>
        %add3A_1875 = arith.constant 42 : i32
        %add3A_1876 = vector.broadcast %add3A_1875 : i32 to vector<16xi32>
        %add3A_1877 = arith.addi %add3A_1866, %add3A_1876 : vector<16xi32>
        %add3A_1878 = arith.constant 466689009 : i32
        %add3A_1879 = vector.broadcast %add3A_1878 : i32 to vector<16xi32>
        %add3A_1880 = arith.addi %xor3A_1874, %add3A_1879 : vector<16xi32>
        %add3A_1881 = arith.addi %add3A_1877, %add3A_1880 : vector<16xi32>
        %shift_left3A_1882 = arith.constant 17 : i32
        %shift_left3A_1883 = vector.broadcast %shift_left3A_1882 : i32 to vector<16xi32>
        %shift_left3A_1884 = arith.shli %add3A_1880, %shift_left3A_1883 : vector<16xi32>
        %shift_right_logical3A_1885 = arith.constant 15 : i32
        %shift_right_logical3A_1886 = vector.broadcast %shift_right_logical3A_1885 : i32 to vector<16xi32>
        %shift_right_logical3A_1887 = arith.shrui %add3A_1880, %shift_right_logical3A_1886 : vector<16xi32>
        %or3A_1888 = arith.ori %shift_left3A_1884, %shift_right_logical3A_1887 : vector<16xi32>
        %xor3A_1889 = arith.xori %or3A_1888, %add3A_1881 : vector<16xi32>
        %add3A_1890 = arith.addi %add3A_1881, %xor3A_1889 : vector<16xi32>
        %shift_left3A_1891 = arith.constant 29 : i32
        %shift_left3A_1892 = vector.broadcast %shift_left3A_1891 : i32 to vector<16xi32>
        %shift_left3A_1893 = arith.shli %xor3A_1889, %shift_left3A_1892 : vector<16xi32>
        %shift_right_logical3A_1894 = arith.constant 3 : i32
        %shift_right_logical3A_1895 = vector.broadcast %shift_right_logical3A_1894 : i32 to vector<16xi32>
        %shift_right_logical3A_1896 = arith.shrui %xor3A_1889, %shift_right_logical3A_1895 : vector<16xi32>
        %or3A_1897 = arith.ori %shift_left3A_1893, %shift_right_logical3A_1896 : vector<16xi32>
        %xor3A_1898 = arith.xori %or3A_1897, %add3A_1890 : vector<16xi32>
        %add3A_1899 = arith.addi %add3A_1890, %xor3A_1898 : vector<16xi32>
        %shift_left3A_1900 = arith.constant 16 : i32
        %shift_left3A_1901 = vector.broadcast %shift_left3A_1900 : i32 to vector<16xi32>
        %shift_left3A_1902 = arith.shli %xor3A_1898, %shift_left3A_1901 : vector<16xi32>
        %shift_right_logical3A_1903 = arith.constant 16 : i32
        %shift_right_logical3A_1904 = vector.broadcast %shift_right_logical3A_1903 : i32 to vector<16xi32>
        %shift_right_logical3A_1905 = arith.shrui %xor3A_1898, %shift_right_logical3A_1904 : vector<16xi32>
        %or3A_1906 = arith.ori %shift_left3A_1902, %shift_right_logical3A_1905 : vector<16xi32>
        %xor3A_1907 = arith.xori %or3A_1906, %add3A_1899 : vector<16xi32>
        %add3A_1908 = arith.addi %add3A_1899, %xor3A_1907 : vector<16xi32>
        %shift_left3A_1909 = arith.constant 24 : i32
        %shift_left3A_1910 = vector.broadcast %shift_left3A_1909 : i32 to vector<16xi32>
        %shift_left3A_1911 = arith.shli %xor3A_1907, %shift_left3A_1910 : vector<16xi32>
        %shift_right_logical3A_1912 = arith.constant 8 : i32
        %shift_right_logical3A_1913 = vector.broadcast %shift_right_logical3A_1912 : i32 to vector<16xi32>
        %shift_right_logical3A_1914 = arith.shrui %xor3A_1907, %shift_right_logical3A_1913 : vector<16xi32>
        %or3A_1915 = arith.ori %shift_left3A_1911, %shift_right_logical3A_1914 : vector<16xi32>
        %xor3A_1916 = arith.xori %or3A_1915, %add3A_1908 : vector<16xi32>
        %add3A_1917 = arith.constant 466689008 : i32
        %add3A_1918 = vector.broadcast %add3A_1917 : i32 to vector<16xi32>
        %add3A_1919 = arith.addi %add3A_1908, %add3A_1918 : vector<16xi32>
        %add3A_1920 = arith.constant 2 : i32
        %add3A_1921 = vector.broadcast %add3A_1920 : i32 to vector<16xi32>
        %add3A_1922 = arith.addi %xor3A_1916, %add3A_1921 : vector<16xi32>
        %add3A_1923 = arith.addi %add3A_1919, %add3A_1922 : vector<16xi32>
        %shift_left3A_1924 = arith.constant 13 : i32
        %shift_left3A_1925 = vector.broadcast %shift_left3A_1924 : i32 to vector<16xi32>
        %shift_left3A_1926 = arith.shli %add3A_1922, %shift_left3A_1925 : vector<16xi32>
        %shift_right_logical3A_1927 = arith.constant 19 : i32
        %shift_right_logical3A_1928 = vector.broadcast %shift_right_logical3A_1927 : i32 to vector<16xi32>
        %shift_right_logical3A_1929 = arith.shrui %add3A_1922, %shift_right_logical3A_1928 : vector<16xi32>
        %or3A_1930 = arith.ori %shift_left3A_1926, %shift_right_logical3A_1929 : vector<16xi32>
        %xor3A_1931 = arith.xori %or3A_1930, %add3A_1923 : vector<16xi32>
        %add3A_1932 = arith.addi %add3A_1923, %xor3A_1931 : vector<16xi32>
        %shift_left3A_1933 = arith.constant 15 : i32
        %shift_left3A_1934 = vector.broadcast %shift_left3A_1933 : i32 to vector<16xi32>
        %shift_left3A_1935 = arith.shli %xor3A_1931, %shift_left3A_1934 : vector<16xi32>
        %shift_right_logical3A_1936 = arith.constant 17 : i32
        %shift_right_logical3A_1937 = vector.broadcast %shift_right_logical3A_1936 : i32 to vector<16xi32>
        %shift_right_logical3A_1938 = arith.shrui %xor3A_1931, %shift_right_logical3A_1937 : vector<16xi32>
        %or3A_1939 = arith.ori %shift_left3A_1935, %shift_right_logical3A_1938 : vector<16xi32>
        %xor3A_1940 = arith.xori %or3A_1939, %add3A_1932 : vector<16xi32>
        %add3A_1941 = arith.addi %add3A_1932, %xor3A_1940 : vector<16xi32>
        %shift_left3A_1942 = arith.constant 26 : i32
        %shift_left3A_1943 = vector.broadcast %shift_left3A_1942 : i32 to vector<16xi32>
        %shift_left3A_1944 = arith.shli %xor3A_1940, %shift_left3A_1943 : vector<16xi32>
        %shift_right_logical3A_1945 = arith.constant 6 : i32
        %shift_right_logical3A_1946 = vector.broadcast %shift_right_logical3A_1945 : i32 to vector<16xi32>
        %shift_right_logical3A_1947 = arith.shrui %xor3A_1940, %shift_right_logical3A_1946 : vector<16xi32>
        %or3A_1948 = arith.ori %shift_left3A_1944, %shift_right_logical3A_1947 : vector<16xi32>
        %xor3A_1949 = arith.xori %or3A_1948, %add3A_1941 : vector<16xi32>
        %add3A_1950 = arith.addi %add3A_1941, %xor3A_1949 : vector<16xi32>
        %shift_left3A_1951 = arith.constant 6 : i32
        %shift_left3A_1952 = vector.broadcast %shift_left3A_1951 : i32 to vector<16xi32>
        %shift_left3A_1953 = arith.shli %xor3A_1949, %shift_left3A_1952 : vector<16xi32>
        %shift_right_logical3A_1954 = arith.constant 26 : i32
        %shift_right_logical3A_1955 = vector.broadcast %shift_right_logical3A_1954 : i32 to vector<16xi32>
        %shift_right_logical3A_1956 = arith.shrui %xor3A_1949, %shift_right_logical3A_1955 : vector<16xi32>
        %or3A_1957 = arith.ori %shift_left3A_1953, %shift_right_logical3A_1956 : vector<16xi32>
        %xor3A_1958 = arith.xori %or3A_1957, %add3A_1950 : vector<16xi32>
        %add3A_1959 = arith.constant 0 : i32
        %add3A_1960 = vector.broadcast %add3A_1959 : i32 to vector<16xi32>
        %add3A_1961 = arith.addi %add3A_1950, %add3A_1960 : vector<16xi32>
        %add3A_1962 = arith.constant 45 : i32
        %add3A_1963 = vector.broadcast %add3A_1962 : i32 to vector<16xi32>
        %add3A_1964 = arith.addi %xor3A_1958, %add3A_1963 : vector<16xi32>
        %add3A_1965 = arith.addi %add3A_1961, %add3A_1964 : vector<16xi32>
        %shift_left3A_1966 = arith.constant 17 : i32
        %shift_left3A_1967 = vector.broadcast %shift_left3A_1966 : i32 to vector<16xi32>
        %shift_left3A_1968 = arith.shli %add3A_1964, %shift_left3A_1967 : vector<16xi32>
        %shift_right_logical3A_1969 = arith.constant 15 : i32
        %shift_right_logical3A_1970 = vector.broadcast %shift_right_logical3A_1969 : i32 to vector<16xi32>
        %shift_right_logical3A_1971 = arith.shrui %add3A_1964, %shift_right_logical3A_1970 : vector<16xi32>
        %or3A_1972 = arith.ori %shift_left3A_1968, %shift_right_logical3A_1971 : vector<16xi32>
        %xor3A_1973 = arith.xori %or3A_1972, %add3A_1965 : vector<16xi32>
        %add3A_1974 = arith.addi %add3A_1965, %xor3A_1973 : vector<16xi32>
        %shift_left3A_1975 = arith.constant 29 : i32
        %shift_left3A_1976 = vector.broadcast %shift_left3A_1975 : i32 to vector<16xi32>
        %shift_left3A_1977 = arith.shli %xor3A_1973, %shift_left3A_1976 : vector<16xi32>
        %shift_right_logical3A_1978 = arith.constant 3 : i32
        %shift_right_logical3A_1979 = vector.broadcast %shift_right_logical3A_1978 : i32 to vector<16xi32>
        %shift_right_logical3A_1980 = arith.shrui %xor3A_1973, %shift_right_logical3A_1979 : vector<16xi32>
        %or3A_1981 = arith.ori %shift_left3A_1977, %shift_right_logical3A_1980 : vector<16xi32>
        %xor3A_1982 = arith.xori %or3A_1981, %add3A_1974 : vector<16xi32>
        %add3A_1983 = arith.addi %add3A_1974, %xor3A_1982 : vector<16xi32>
        %shift_left3A_1984 = arith.constant 16 : i32
        %shift_left3A_1985 = vector.broadcast %shift_left3A_1984 : i32 to vector<16xi32>
        %shift_left3A_1986 = arith.shli %xor3A_1982, %shift_left3A_1985 : vector<16xi32>
        %shift_right_logical3A_1987 = arith.constant 16 : i32
        %shift_right_logical3A_1988 = vector.broadcast %shift_right_logical3A_1987 : i32 to vector<16xi32>
        %shift_right_logical3A_1989 = arith.shrui %xor3A_1982, %shift_right_logical3A_1988 : vector<16xi32>
        %or3A_1990 = arith.ori %shift_left3A_1986, %shift_right_logical3A_1989 : vector<16xi32>
        %xor3A_1991 = arith.xori %or3A_1990, %add3A_1983 : vector<16xi32>
        %add3A_1992 = arith.addi %add3A_1983, %xor3A_1991 : vector<16xi32>
        %shift_left3A_1993 = arith.constant 24 : i32
        %shift_left3A_1994 = vector.broadcast %shift_left3A_1993 : i32 to vector<16xi32>
        %shift_left3A_1995 = arith.shli %xor3A_1991, %shift_left3A_1994 : vector<16xi32>
        %shift_right_logical3A_1996 = arith.constant 8 : i32
        %shift_right_logical3A_1997 = vector.broadcast %shift_right_logical3A_1996 : i32 to vector<16xi32>
        %shift_right_logical3A_1998 = arith.shrui %xor3A_1991, %shift_right_logical3A_1997 : vector<16xi32>
        %or3A_1999 = arith.ori %shift_left3A_1995, %shift_right_logical3A_1998 : vector<16xi32>
        %xor3A_2000 = arith.xori %or3A_1999, %add3A_1992 : vector<16xi32>
        %add3A_2001 = arith.constant 42 : i32
        %add3A_2002 = vector.broadcast %add3A_2001 : i32 to vector<16xi32>
        %add3A_2003 = arith.addi %add3A_1992, %add3A_2002 : vector<16xi32>
        %add3A_2004 = arith.constant 466689012 : i32
        %add3A_2005 = vector.broadcast %add3A_2004 : i32 to vector<16xi32>
        %add3A_2006 = arith.addi %xor3A_2000, %add3A_2005 : vector<16xi32>
        %add3A_2007 = arith.addi %add3A_2003, %add3A_2006 : vector<16xi32>
        %shift_left3A_2008 = arith.constant 13 : i32
        %shift_left3A_2009 = vector.broadcast %shift_left3A_2008 : i32 to vector<16xi32>
        %shift_left3A_2010 = arith.shli %add3A_2006, %shift_left3A_2009 : vector<16xi32>
        %shift_right_logical3A_2011 = arith.constant 19 : i32
        %shift_right_logical3A_2012 = vector.broadcast %shift_right_logical3A_2011 : i32 to vector<16xi32>
        %shift_right_logical3A_2013 = arith.shrui %add3A_2006, %shift_right_logical3A_2012 : vector<16xi32>
        %or3A_2014 = arith.ori %shift_left3A_2010, %shift_right_logical3A_2013 : vector<16xi32>
        %xor3A_2015 = arith.xori %or3A_2014, %add3A_2007 : vector<16xi32>
        %add3A_2016 = arith.addi %add3A_2007, %xor3A_2015 : vector<16xi32>
        %shift_left3A_2017 = arith.constant 15 : i32
        %shift_left3A_2018 = vector.broadcast %shift_left3A_2017 : i32 to vector<16xi32>
        %shift_left3A_2019 = arith.shli %xor3A_2015, %shift_left3A_2018 : vector<16xi32>
        %shift_right_logical3A_2020 = arith.constant 17 : i32
        %shift_right_logical3A_2021 = vector.broadcast %shift_right_logical3A_2020 : i32 to vector<16xi32>
        %shift_right_logical3A_2022 = arith.shrui %xor3A_2015, %shift_right_logical3A_2021 : vector<16xi32>
        %or3A_2023 = arith.ori %shift_left3A_2019, %shift_right_logical3A_2022 : vector<16xi32>
        %xor3A_2024 = arith.xori %or3A_2023, %add3A_2016 : vector<16xi32>
        %add3A_2025 = arith.addi %add3A_2016, %xor3A_2024 : vector<16xi32>
        %shift_left3A_2026 = arith.constant 26 : i32
        %shift_left3A_2027 = vector.broadcast %shift_left3A_2026 : i32 to vector<16xi32>
        %shift_left3A_2028 = arith.shli %xor3A_2024, %shift_left3A_2027 : vector<16xi32>
        %shift_right_logical3A_2029 = arith.constant 6 : i32
        %shift_right_logical3A_2030 = vector.broadcast %shift_right_logical3A_2029 : i32 to vector<16xi32>
        %shift_right_logical3A_2031 = arith.shrui %xor3A_2024, %shift_right_logical3A_2030 : vector<16xi32>
        %or3A_2032 = arith.ori %shift_left3A_2028, %shift_right_logical3A_2031 : vector<16xi32>
        %xor3A_2033 = arith.xori %or3A_2032, %add3A_2025 : vector<16xi32>
        %add3A_2034 = arith.addi %add3A_2025, %xor3A_2033 : vector<16xi32>
        %shift_left3A_2035 = arith.constant 6 : i32
        %shift_left3A_2036 = vector.broadcast %shift_left3A_2035 : i32 to vector<16xi32>
        %shift_left3A_2037 = arith.shli %xor3A_2033, %shift_left3A_2036 : vector<16xi32>
        %shift_right_logical3A_2038 = arith.constant 26 : i32
        %shift_right_logical3A_2039 = vector.broadcast %shift_right_logical3A_2038 : i32 to vector<16xi32>
        %shift_right_logical3A_2040 = arith.shrui %xor3A_2033, %shift_right_logical3A_2039 : vector<16xi32>
        %or3A_2041 = arith.ori %shift_left3A_2037, %shift_right_logical3A_2040 : vector<16xi32>
        %xor3A_2042 = arith.xori %or3A_2041, %add3A_2034 : vector<16xi32>
        %add3A_2043 = arith.constant 466689008 : i32
        %add3A_2044 = vector.broadcast %add3A_2043 : i32 to vector<16xi32>
        %add3A_2045 = arith.addi %add3A_2034, %add3A_2044 : vector<16xi32>
        %add3A_2046 = arith.constant 5 : i32
        %add3A_2047 = vector.broadcast %add3A_2046 : i32 to vector<16xi32>
        %add3A_2048 = arith.addi %xor3A_2042, %add3A_2047 : vector<16xi32>
        %xor3A_2049 = arith.xori %add3A_2045, %add3A_2048 : vector<16xi32>
        %swap3A_2050 = arith.index_cast %add3A_1831 : i32 to index
        %swap3A_2051 = tpu.vector_load %arg3[%swap3A_2050] {strides = array<i32>} : memref<16384xi32, #tpu.memory_space<vmem>>, vector<16xi32>,
        %swap3A_2052 = vector.shape_cast %swap3A_2051 : vector<16xi32> to vector<16xi32>
        %swap3A_2053 = vector.shape_cast %xor3A_2049 : vector<16xi32> to vector<16xi32>
        tpu.vector_store %arg3[%swap3A_2050], %swap3A_2053 {strides = array<i32>} : memref<16384xi32, #tpu.memory_space<vmem>>, vector<16xi32>,
        %mul3A_2054 = arith.constant 256 : i32
        %mul3A_2055 = arith.muli %add3A_24, %mul3A_2054 : i32
        %add3A_2056 = arith.constant 144 : i32
        %add3A_2057 = arith.addi %mul3A_2055, %add3A_2056 : i32
        %add3A_2058 = arith.constant 10485760 : i32
        %add3A_2059 = arith.addi %add3A_2058, %add3A_14 : i32
        %add3A_2060 = arith.addi %add3A_2059, %add3A_2057 : i32
        %add3A_2061 = vector.broadcast %add3A_2060 : i32 to vector<16xi32>
        %add3A_2062 = arith.addi %add3A_2061, %iota3A : vector<16xi32>
        %add3A_2063 = arith.constant 42 : i32
        %add3A_2064 = vector.broadcast %add3A_2063 : i32 to vector<16xi32>
        %add3A_2065 = arith.addi %add3A_2062, %add3A_2064 : vector<16xi32>
        %shift_left3A_2066 = arith.constant 13 : i32
        %shift_left3A_2067 = vector.broadcast %shift_left3A_2066 : i32 to vector<16xi32>
        %shift_left3A_2068 = arith.shli %add3A_2065, %shift_left3A_2067 : vector<16xi32>
        %shift_right_logical3A_2069 = arith.constant 19 : i32
        %shift_right_logical3A_2070 = vector.broadcast %shift_right_logical3A_2069 : i32 to vector<16xi32>
        %shift_right_logical3A_2071 = arith.shrui %add3A_2065, %shift_right_logical3A_2070 : vector<16xi32>
        %or3A_2072 = arith.ori %shift_left3A_2068, %shift_right_logical3A_2071 : vector<16xi32>
        %xor3A_2073 = arith.xori %or3A_2072, %add3A_2065 : vector<16xi32>
        %add3A_2074 = arith.addi %add3A_2065, %xor3A_2073 : vector<16xi32>
        %shift_left3A_2075 = arith.constant 15 : i32
        %shift_left3A_2076 = vector.broadcast %shift_left3A_2075 : i32 to vector<16xi32>
        %shift_left3A_2077 = arith.shli %xor3A_2073, %shift_left3A_2076 : vector<16xi32>
        %shift_right_logical3A_2078 = arith.constant 17 : i32
        %shift_right_logical3A_2079 = vector.broadcast %shift_right_logical3A_2078 : i32 to vector<16xi32>
        %shift_right_logical3A_2080 = arith.shrui %xor3A_2073, %shift_right_logical3A_2079 : vector<16xi32>
        %or3A_2081 = arith.ori %shift_left3A_2077, %shift_right_logical3A_2080 : vector<16xi32>
        %xor3A_2082 = arith.xori %or3A_2081, %add3A_2074 : vector<16xi32>
        %add3A_2083 = arith.addi %add3A_2074, %xor3A_2082 : vector<16xi32>
        %shift_left3A_2084 = arith.constant 26 : i32
        %shift_left3A_2085 = vector.broadcast %shift_left3A_2084 : i32 to vector<16xi32>
        %shift_left3A_2086 = arith.shli %xor3A_2082, %shift_left3A_2085 : vector<16xi32>
        %shift_right_logical3A_2087 = arith.constant 6 : i32
        %shift_right_logical3A_2088 = vector.broadcast %shift_right_logical3A_2087 : i32 to vector<16xi32>
        %shift_right_logical3A_2089 = arith.shrui %xor3A_2082, %shift_right_logical3A_2088 : vector<16xi32>
        %or3A_2090 = arith.ori %shift_left3A_2086, %shift_right_logical3A_2089 : vector<16xi32>
        %xor3A_2091 = arith.xori %or3A_2090, %add3A_2083 : vector<16xi32>
        %add3A_2092 = arith.addi %add3A_2083, %xor3A_2091 : vector<16xi32>
        %shift_left3A_2093 = arith.constant 6 : i32
        %shift_left3A_2094 = vector.broadcast %shift_left3A_2093 : i32 to vector<16xi32>
        %shift_left3A_2095 = arith.shli %xor3A_2091, %shift_left3A_2094 : vector<16xi32>
        %shift_right_logical3A_2096 = arith.constant 26 : i32
        %shift_right_logical3A_2097 = vector.broadcast %shift_right_logical3A_2096 : i32 to vector<16xi32>
        %shift_right_logical3A_2098 = arith.shrui %xor3A_2091, %shift_right_logical3A_2097 : vector<16xi32>
        %or3A_2099 = arith.ori %shift_left3A_2095, %shift_right_logical3A_2098 : vector<16xi32>
        %xor3A_2100 = arith.xori %or3A_2099, %add3A_2092 : vector<16xi32>
        %add3A_2101 = arith.constant 42 : i32
        %add3A_2102 = vector.broadcast %add3A_2101 : i32 to vector<16xi32>
        %add3A_2103 = arith.addi %add3A_2092, %add3A_2102 : vector<16xi32>
        %add3A_2104 = arith.constant 466689009 : i32
        %add3A_2105 = vector.broadcast %add3A_2104 : i32 to vector<16xi32>
        %add3A_2106 = arith.addi %xor3A_2100, %add3A_2105 : vector<16xi32>
        %add3A_2107 = arith.addi %add3A_2103, %add3A_2106 : vector<16xi32>
        %shift_left3A_2108 = arith.constant 17 : i32
        %shift_left3A_2109 = vector.broadcast %shift_left3A_2108 : i32 to vector<16xi32>
        %shift_left3A_2110 = arith.shli %add3A_2106, %shift_left3A_2109 : vector<16xi32>
        %shift_right_logical3A_2111 = arith.constant 15 : i32
        %shift_right_logical3A_2112 = vector.broadcast %shift_right_logical3A_2111 : i32 to vector<16xi32>
        %shift_right_logical3A_2113 = arith.shrui %add3A_2106, %shift_right_logical3A_2112 : vector<16xi32>
        %or3A_2114 = arith.ori %shift_left3A_2110, %shift_right_logical3A_2113 : vector<16xi32>
        %xor3A_2115 = arith.xori %or3A_2114, %add3A_2107 : vector<16xi32>
        %add3A_2116 = arith.addi %add3A_2107, %xor3A_2115 : vector<16xi32>
        %shift_left3A_2117 = arith.constant 29 : i32
        %shift_left3A_2118 = vector.broadcast %shift_left3A_2117 : i32 to vector<16xi32>
        %shift_left3A_2119 = arith.shli %xor3A_2115, %shift_left3A_2118 : vector<16xi32>
        %shift_right_logical3A_2120 = arith.constant 3 : i32
        %shift_right_logical3A_2121 = vector.broadcast %shift_right_logical3A_2120 : i32 to vector<16xi32>
        %shift_right_logical3A_2122 = arith.shrui %xor3A_2115, %shift_right_logical3A_2121 : vector<16xi32>
        %or3A_2123 = arith.ori %shift_left3A_2119, %shift_right_logical3A_2122 : vector<16xi32>
        %xor3A_2124 = arith.xori %or3A_2123, %add3A_2116 : vector<16xi32>
        %add3A_2125 = arith.addi %add3A_2116, %xor3A_2124 : vector<16xi32>
        %shift_left3A_2126 = arith.constant 16 : i32
        %shift_left3A_2127 = vector.broadcast %shift_left3A_2126 : i32 to vector<16xi32>
        %shift_left3A_2128 = arith.shli %xor3A_2124, %shift_left3A_2127 : vector<16xi32>
        %shift_right_logical3A_2129 = arith.constant 16 : i32
        %shift_right_logical3A_2130 = vector.broadcast %shift_right_logical3A_2129 : i32 to vector<16xi32>
        %shift_right_logical3A_2131 = arith.shrui %xor3A_2124, %shift_right_logical3A_2130 : vector<16xi32>
        %or3A_2132 = arith.ori %shift_left3A_2128, %shift_right_logical3A_2131 : vector<16xi32>
        %xor3A_2133 = arith.xori %or3A_2132, %add3A_2125 : vector<16xi32>
        %add3A_2134 = arith.addi %add3A_2125, %xor3A_2133 : vector<16xi32>
        %shift_left3A_2135 = arith.constant 24 : i32
        %shift_left3A_2136 = vector.broadcast %shift_left3A_2135 : i32 to vector<16xi32>
        %shift_left3A_2137 = arith.shli %xor3A_2133, %shift_left3A_2136 : vector<16xi32>
        %shift_right_logical3A_2138 = arith.constant 8 : i32
        %shift_right_logical3A_2139 = vector.broadcast %shift_right_logical3A_2138 : i32 to vector<16xi32>
        %shift_right_logical3A_2140 = arith.shrui %xor3A_2133, %shift_right_logical3A_2139 : vector<16xi32>
        %or3A_2141 = arith.ori %shift_left3A_2137, %shift_right_logical3A_2140 : vector<16xi32>
        %xor3A_2142 = arith.xori %or3A_2141, %add3A_2134 : vector<16xi32>
        %add3A_2143 = arith.constant 466689008 : i32
        %add3A_2144 = vector.broadcast %add3A_2143 : i32 to vector<16xi32>
        %add3A_2145 = arith.addi %add3A_2134, %add3A_2144 : vector<16xi32>
        %add3A_2146 = arith.constant 2 : i32
        %add3A_2147 = vector.broadcast %add3A_2146 : i32 to vector<16xi32>
        %add3A_2148 = arith.addi %xor3A_2142, %add3A_2147 : vector<16xi32>
        %add3A_2149 = arith.addi %add3A_2145, %add3A_2148 : vector<16xi32>
        %shift_left3A_2150 = arith.constant 13 : i32
        %shift_left3A_2151 = vector.broadcast %shift_left3A_2150 : i32 to vector<16xi32>
        %shift_left3A_2152 = arith.shli %add3A_2148, %shift_left3A_2151 : vector<16xi32>
        %shift_right_logical3A_2153 = arith.constant 19 : i32
        %shift_right_logical3A_2154 = vector.broadcast %shift_right_logical3A_2153 : i32 to vector<16xi32>
        %shift_right_logical3A_2155 = arith.shrui %add3A_2148, %shift_right_logical3A_2154 : vector<16xi32>
        %or3A_2156 = arith.ori %shift_left3A_2152, %shift_right_logical3A_2155 : vector<16xi32>
        %xor3A_2157 = arith.xori %or3A_2156, %add3A_2149 : vector<16xi32>
        %add3A_2158 = arith.addi %add3A_2149, %xor3A_2157 : vector<16xi32>
        %shift_left3A_2159 = arith.constant 15 : i32
        %shift_left3A_2160 = vector.broadcast %shift_left3A_2159 : i32 to vector<16xi32>
        %shift_left3A_2161 = arith.shli %xor3A_2157, %shift_left3A_2160 : vector<16xi32>
        %shift_right_logical3A_2162 = arith.constant 17 : i32
        %shift_right_logical3A_2163 = vector.broadcast %shift_right_logical3A_2162 : i32 to vector<16xi32>
        %shift_right_logical3A_2164 = arith.shrui %xor3A_2157, %shift_right_logical3A_2163 : vector<16xi32>
        %or3A_2165 = arith.ori %shift_left3A_2161, %shift_right_logical3A_2164 : vector<16xi32>
        %xor3A_2166 = arith.xori %or3A_2165, %add3A_2158 : vector<16xi32>
        %add3A_2167 = arith.addi %add3A_2158, %xor3A_2166 : vector<16xi32>
        %shift_left3A_2168 = arith.constant 26 : i32
        %shift_left3A_2169 = vector.broadcast %shift_left3A_2168 : i32 to vector<16xi32>
        %shift_left3A_2170 = arith.shli %xor3A_2166, %shift_left3A_2169 : vector<16xi32>
        %shift_right_logical3A_2171 = arith.constant 6 : i32
        %shift_right_logical3A_2172 = vector.broadcast %shift_right_logical3A_2171 : i32 to vector<16xi32>
        %shift_right_logical3A_2173 = arith.shrui %xor3A_2166, %shift_right_logical3A_2172 : vector<16xi32>
        %or3A_2174 = arith.ori %shift_left3A_2170, %shift_right_logical3A_2173 : vector<16xi32>
        %xor3A_2175 = arith.xori %or3A_2174, %add3A_2167 : vector<16xi32>
        %add3A_2176 = arith.addi %add3A_2167, %xor3A_2175 : vector<16xi32>
        %shift_left3A_2177 = arith.constant 6 : i32
        %shift_left3A_2178 = vector.broadcast %shift_left3A_2177 : i32 to vector<16xi32>
        %shift_left3A_2179 = arith.shli %xor3A_2175, %shift_left3A_2178 : vector<16xi32>
        %shift_right_logical3A_2180 = arith.constant 26 : i32
        %shift_right_logical3A_2181 = vector.broadcast %shift_right_logical3A_2180 : i32 to vector<16xi32>
        %shift_right_logical3A_2182 = arith.shrui %xor3A_2175, %shift_right_logical3A_2181 : vector<16xi32>
        %or3A_2183 = arith.ori %shift_left3A_2179, %shift_right_logical3A_2182 : vector<16xi32>
        %xor3A_2184 = arith.xori %or3A_2183, %add3A_2176 : vector<16xi32>
        %add3A_2185 = arith.constant 0 : i32
        %add3A_2186 = vector.broadcast %add3A_2185 : i32 to vector<16xi32>
        %add3A_2187 = arith.addi %add3A_2176, %add3A_2186 : vector<16xi32>
        %add3A_2188 = arith.constant 45 : i32
        %add3A_2189 = vector.broadcast %add3A_2188 : i32 to vector<16xi32>
        %add3A_2190 = arith.addi %xor3A_2184, %add3A_2189 : vector<16xi32>
        %add3A_2191 = arith.addi %add3A_2187, %add3A_2190 : vector<16xi32>
        %shift_left3A_2192 = arith.constant 17 : i32
        %shift_left3A_2193 = vector.broadcast %shift_left3A_2192 : i32 to vector<16xi32>
        %shift_left3A_2194 = arith.shli %add3A_2190, %shift_left3A_2193 : vector<16xi32>
        %shift_right_logical3A_2195 = arith.constant 15 : i32
        %shift_right_logical3A_2196 = vector.broadcast %shift_right_logical3A_2195 : i32 to vector<16xi32>
        %shift_right_logical3A_2197 = arith.shrui %add3A_2190, %shift_right_logical3A_2196 : vector<16xi32>
        %or3A_2198 = arith.ori %shift_left3A_2194, %shift_right_logical3A_2197 : vector<16xi32>
        %xor3A_2199 = arith.xori %or3A_2198, %add3A_2191 : vector<16xi32>
        %add3A_2200 = arith.addi %add3A_2191, %xor3A_2199 : vector<16xi32>
        %shift_left3A_2201 = arith.constant 29 : i32
        %shift_left3A_2202 = vector.broadcast %shift_left3A_2201 : i32 to vector<16xi32>
        %shift_left3A_2203 = arith.shli %xor3A_2199, %shift_left3A_2202 : vector<16xi32>
        %shift_right_logical3A_2204 = arith.constant 3 : i32
        %shift_right_logical3A_2205 = vector.broadcast %shift_right_logical3A_2204 : i32 to vector<16xi32>
        %shift_right_logical3A_2206 = arith.shrui %xor3A_2199, %shift_right_logical3A_2205 : vector<16xi32>
        %or3A_2207 = arith.ori %shift_left3A_2203, %shift_right_logical3A_2206 : vector<16xi32>
        %xor3A_2208 = arith.xori %or3A_2207, %add3A_2200 : vector<16xi32>
        %add3A_2209 = arith.addi %add3A_2200, %xor3A_2208 : vector<16xi32>
        %shift_left3A_2210 = arith.constant 16 : i32
        %shift_left3A_2211 = vector.broadcast %shift_left3A_2210 : i32 to vector<16xi32>
        %shift_left3A_2212 = arith.shli %xor3A_2208, %shift_left3A_2211 : vector<16xi32>
        %shift_right_logical3A_2213 = arith.constant 16 : i32
        %shift_right_logical3A_2214 = vector.broadcast %shift_right_logical3A_2213 : i32 to vector<16xi32>
        %shift_right_logical3A_2215 = arith.shrui %xor3A_2208, %shift_right_logical3A_2214 : vector<16xi32>
        %or3A_2216 = arith.ori %shift_left3A_2212, %shift_right_logical3A_2215 : vector<16xi32>
        %xor3A_2217 = arith.xori %or3A_2216, %add3A_2209 : vector<16xi32>
        %add3A_2218 = arith.addi %add3A_2209, %xor3A_2217 : vector<16xi32>
        %shift_left3A_2219 = arith.constant 24 : i32
        %shift_left3A_2220 = vector.broadcast %shift_left3A_2219 : i32 to vector<16xi32>
        %shift_left3A_2221 = arith.shli %xor3A_2217, %shift_left3A_2220 : vector<16xi32>
        %shift_right_logical3A_2222 = arith.constant 8 : i32
        %shift_right_logical3A_2223 = vector.broadcast %shift_right_logical3A_2222 : i32 to vector<16xi32>
        %shift_right_logical3A_2224 = arith.shrui %xor3A_2217, %shift_right_logical3A_2223 : vector<16xi32>
        %or3A_2225 = arith.ori %shift_left3A_2221, %shift_right_logical3A_2224 : vector<16xi32>
        %xor3A_2226 = arith.xori %or3A_2225, %add3A_2218 : vector<16xi32>
        %add3A_2227 = arith.constant 42 : i32
        %add3A_2228 = vector.broadcast %add3A_2227 : i32 to vector<16xi32>
        %add3A_2229 = arith.addi %add3A_2218, %add3A_2228 : vector<16xi32>
        %add3A_2230 = arith.constant 466689012 : i32
        %add3A_2231 = vector.broadcast %add3A_2230 : i32 to vector<16xi32>
        %add3A_2232 = arith.addi %xor3A_2226, %add3A_2231 : vector<16xi32>
        %add3A_2233 = arith.addi %add3A_2229, %add3A_2232 : vector<16xi32>
        %shift_left3A_2234 = arith.constant 13 : i32
        %shift_left3A_2235 = vector.broadcast %shift_left3A_2234 : i32 to vector<16xi32>
        %shift_left3A_2236 = arith.shli %add3A_2232, %shift_left3A_2235 : vector<16xi32>
        %shift_right_logical3A_2237 = arith.constant 19 : i32
        %shift_right_logical3A_2238 = vector.broadcast %shift_right_logical3A_2237 : i32 to vector<16xi32>
        %shift_right_logical3A_2239 = arith.shrui %add3A_2232, %shift_right_logical3A_2238 : vector<16xi32>
        %or3A_2240 = arith.ori %shift_left3A_2236, %shift_right_logical3A_2239 : vector<16xi32>
        %xor3A_2241 = arith.xori %or3A_2240, %add3A_2233 : vector<16xi32>
        %add3A_2242 = arith.addi %add3A_2233, %xor3A_2241 : vector<16xi32>
        %shift_left3A_2243 = arith.constant 15 : i32
        %shift_left3A_2244 = vector.broadcast %shift_left3A_2243 : i32 to vector<16xi32>
        %shift_left3A_2245 = arith.shli %xor3A_2241, %shift_left3A_2244 : vector<16xi32>
        %shift_right_logical3A_2246 = arith.constant 17 : i32
        %shift_right_logical3A_2247 = vector.broadcast %shift_right_logical3A_2246 : i32 to vector<16xi32>
        %shift_right_logical3A_2248 = arith.shrui %xor3A_2241, %shift_right_logical3A_2247 : vector<16xi32>
        %or3A_2249 = arith.ori %shift_left3A_2245, %shift_right_logical3A_2248 : vector<16xi32>
        %xor3A_2250 = arith.xori %or3A_2249, %add3A_2242 : vector<16xi32>
        %add3A_2251 = arith.addi %add3A_2242, %xor3A_2250 : vector<16xi32>
        %shift_left3A_2252 = arith.constant 26 : i32
        %shift_left3A_2253 = vector.broadcast %shift_left3A_2252 : i32 to vector<16xi32>
        %shift_left3A_2254 = arith.shli %xor3A_2250, %shift_left3A_2253 : vector<16xi32>
        %shift_right_logical3A_2255 = arith.constant 6 : i32
        %shift_right_logical3A_2256 = vector.broadcast %shift_right_logical3A_2255 : i32 to vector<16xi32>
        %shift_right_logical3A_2257 = arith.shrui %xor3A_2250, %shift_right_logical3A_2256 : vector<16xi32>
        %or3A_2258 = arith.ori %shift_left3A_2254, %shift_right_logical3A_2257 : vector<16xi32>
        %xor3A_2259 = arith.xori %or3A_2258, %add3A_2251 : vector<16xi32>
        %add3A_2260 = arith.addi %add3A_2251, %xor3A_2259 : vector<16xi32>
        %shift_left3A_2261 = arith.constant 6 : i32
        %shift_left3A_2262 = vector.broadcast %shift_left3A_2261 : i32 to vector<16xi32>
        %shift_left3A_2263 = arith.shli %xor3A_2259, %shift_left3A_2262 : vector<16xi32>
        %shift_right_logical3A_2264 = arith.constant 26 : i32
        %shift_right_logical3A_2265 = vector.broadcast %shift_right_logical3A_2264 : i32 to vector<16xi32>
        %shift_right_logical3A_2266 = arith.shrui %xor3A_2259, %shift_right_logical3A_2265 : vector<16xi32>
        %or3A_2267 = arith.ori %shift_left3A_2263, %shift_right_logical3A_2266 : vector<16xi32>
        %xor3A_2268 = arith.xori %or3A_2267, %add3A_2260 : vector<16xi32>
        %add3A_2269 = arith.constant 466689008 : i32
        %add3A_2270 = vector.broadcast %add3A_2269 : i32 to vector<16xi32>
        %add3A_2271 = arith.addi %add3A_2260, %add3A_2270 : vector<16xi32>
        %add3A_2272 = arith.constant 5 : i32
        %add3A_2273 = vector.broadcast %add3A_2272 : i32 to vector<16xi32>
        %add3A_2274 = arith.addi %xor3A_2268, %add3A_2273 : vector<16xi32>
        %xor3A_2275 = arith.xori %add3A_2271, %add3A_2274 : vector<16xi32>
        %swap3A_2276 = arith.index_cast %add3A_2057 : i32 to index
        %swap3A_2277 = tpu.vector_load %arg3[%swap3A_2276] {strides = array<i32>} : memref<16384xi32, #tpu.memory_space<vmem>>, vector<16xi32>,
        %swap3A_2278 = vector.shape_cast %swap3A_2277 : vector<16xi32> to vector<16xi32>
        %swap3A_2279 = vector.shape_cast %xor3A_2275 : vector<16xi32> to vector<16xi32>
        tpu.vector_store %arg3[%swap3A_2276], %swap3A_2279 {strides = array<i32>} : memref<16384xi32, #tpu.memory_space<vmem>>, vector<16xi32>,
        %mul3A_2280 = arith.constant 256 : i32
        %mul3A_2281 = arith.muli %add3A_24, %mul3A_2280 : i32
        %add3A_2282 = arith.constant 160 : i32
        %add3A_2283 = arith.addi %mul3A_2281, %add3A_2282 : i32
        %add3A_2284 = arith.constant 10485760 : i32
        %add3A_2285 = arith.addi %add3A_2284, %add3A_14 : i32
        %add3A_2286 = arith.addi %add3A_2285, %add3A_2283 : i32
        %add3A_2287 = vector.broadcast %add3A_2286 : i32 to vector<16xi32>
        %add3A_2288 = arith.addi %add3A_2287, %iota3A : vector<16xi32>
        %add3A_2289 = arith.constant 42 : i32
        %add3A_2290 = vector.broadcast %add3A_2289 : i32 to vector<16xi32>
        %add3A_2291 = arith.addi %add3A_2288, %add3A_2290 : vector<16xi32>
        %shift_left3A_2292 = arith.constant 13 : i32
        %shift_left3A_2293 = vector.broadcast %shift_left3A_2292 : i32 to vector<16xi32>
        %shift_left3A_2294 = arith.shli %add3A_2291, %shift_left3A_2293 : vector<16xi32>
        %shift_right_logical3A_2295 = arith.constant 19 : i32
        %shift_right_logical3A_2296 = vector.broadcast %shift_right_logical3A_2295 : i32 to vector<16xi32>
        %shift_right_logical3A_2297 = arith.shrui %add3A_2291, %shift_right_logical3A_2296 : vector<16xi32>
        %or3A_2298 = arith.ori %shift_left3A_2294, %shift_right_logical3A_2297 : vector<16xi32>
        %xor3A_2299 = arith.xori %or3A_2298, %add3A_2291 : vector<16xi32>
        %add3A_2300 = arith.addi %add3A_2291, %xor3A_2299 : vector<16xi32>
        %shift_left3A_2301 = arith.constant 15 : i32
        %shift_left3A_2302 = vector.broadcast %shift_left3A_2301 : i32 to vector<16xi32>
        %shift_left3A_2303 = arith.shli %xor3A_2299, %shift_left3A_2302 : vector<16xi32>
        %shift_right_logical3A_2304 = arith.constant 17 : i32
        %shift_right_logical3A_2305 = vector.broadcast %shift_right_logical3A_2304 : i32 to vector<16xi32>
        %shift_right_logical3A_2306 = arith.shrui %xor3A_2299, %shift_right_logical3A_2305 : vector<16xi32>
        %or3A_2307 = arith.ori %shift_left3A_2303, %shift_right_logical3A_2306 : vector<16xi32>
        %xor3A_2308 = arith.xori %or3A_2307, %add3A_2300 : vector<16xi32>
        %add3A_2309 = arith.addi %add3A_2300, %xor3A_2308 : vector<16xi32>
        %shift_left3A_2310 = arith.constant 26 : i32
        %shift_left3A_2311 = vector.broadcast %shift_left3A_2310 : i32 to vector<16xi32>
        %shift_left3A_2312 = arith.shli %xor3A_2308, %shift_left3A_2311 : vector<16xi32>
        %shift_right_logical3A_2313 = arith.constant 6 : i32
        %shift_right_logical3A_2314 = vector.broadcast %shift_right_logical3A_2313 : i32 to vector<16xi32>
        %shift_right_logical3A_2315 = arith.shrui %xor3A_2308, %shift_right_logical3A_2314 : vector<16xi32>
        %or3A_2316 = arith.ori %shift_left3A_2312, %shift_right_logical3A_2315 : vector<16xi32>
        %xor3A_2317 = arith.xori %or3A_2316, %add3A_2309 : vector<16xi32>
        %add3A_2318 = arith.addi %add3A_2309, %xor3A_2317 : vector<16xi32>
        %shift_left3A_2319 = arith.constant 6 : i32
        %shift_left3A_2320 = vector.broadcast %shift_left3A_2319 : i32 to vector<16xi32>
        %shift_left3A_2321 = arith.shli %xor3A_2317, %shift_left3A_2320 : vector<16xi32>
        %shift_right_logical3A_2322 = arith.constant 26 : i32
        %shift_right_logical3A_2323 = vector.broadcast %shift_right_logical3A_2322 : i32 to vector<16xi32>
        %shift_right_logical3A_2324 = arith.shrui %xor3A_2317, %shift_right_logical3A_2323 : vector<16xi32>
        %or3A_2325 = arith.ori %shift_left3A_2321, %shift_right_logical3A_2324 : vector<16xi32>
        %xor3A_2326 = arith.xori %or3A_2325, %add3A_2318 : vector<16xi32>
        %add3A_2327 = arith.constant 42 : i32
        %add3A_2328 = vector.broadcast %add3A_2327 : i32 to vector<16xi32>
        %add3A_2329 = arith.addi %add3A_2318, %add3A_2328 : vector<16xi32>
        %add3A_2330 = arith.constant 466689009 : i32
        %add3A_2331 = vector.broadcast %add3A_2330 : i32 to vector<16xi32>
        %add3A_2332 = arith.addi %xor3A_2326, %add3A_2331 : vector<16xi32>
        %add3A_2333 = arith.addi %add3A_2329, %add3A_2332 : vector<16xi32>
        %shift_left3A_2334 = arith.constant 17 : i32
        %shift_left3A_2335 = vector.broadcast %shift_left3A_2334 : i32 to vector<16xi32>
        %shift_left3A_2336 = arith.shli %add3A_2332, %shift_left3A_2335 : vector<16xi32>
        %shift_right_logical3A_2337 = arith.constant 15 : i32
        %shift_right_logical3A_2338 = vector.broadcast %shift_right_logical3A_2337 : i32 to vector<16xi32>
        %shift_right_logical3A_2339 = arith.shrui %add3A_2332, %shift_right_logical3A_2338 : vector<16xi32>
        %or3A_2340 = arith.ori %shift_left3A_2336, %shift_right_logical3A_2339 : vector<16xi32>
        %xor3A_2341 = arith.xori %or3A_2340, %add3A_2333 : vector<16xi32>
        %add3A_2342 = arith.addi %add3A_2333, %xor3A_2341 : vector<16xi32>
        %shift_left3A_2343 = arith.constant 29 : i32
        %shift_left3A_2344 = vector.broadcast %shift_left3A_2343 : i32 to vector<16xi32>
        %shift_left3A_2345 = arith.shli %xor3A_2341, %shift_left3A_2344 : vector<16xi32>
        %shift_right_logical3A_2346 = arith.constant 3 : i32
        %shift_right_logical3A_2347 = vector.broadcast %shift_right_logical3A_2346 : i32 to vector<16xi32>
        %shift_right_logical3A_2348 = arith.shrui %xor3A_2341, %shift_right_logical3A_2347 : vector<16xi32>
        %or3A_2349 = arith.ori %shift_left3A_2345, %shift_right_logical3A_2348 : vector<16xi32>
        %xor3A_2350 = arith.xori %or3A_2349, %add3A_2342 : vector<16xi32>
        %add3A_2351 = arith.addi %add3A_2342, %xor3A_2350 : vector<16xi32>
        %shift_left3A_2352 = arith.constant 16 : i32
        %shift_left3A_2353 = vector.broadcast %shift_left3A_2352 : i32 to vector<16xi32>
        %shift_left3A_2354 = arith.shli %xor3A_2350, %shift_left3A_2353 : vector<16xi32>
        %shift_right_logical3A_2355 = arith.constant 16 : i32
        %shift_right_logical3A_2356 = vector.broadcast %shift_right_logical3A_2355 : i32 to vector<16xi32>
        %shift_right_logical3A_2357 = arith.shrui %xor3A_2350, %shift_right_logical3A_2356 : vector<16xi32>
        %or3A_2358 = arith.ori %shift_left3A_2354, %shift_right_logical3A_2357 : vector<16xi32>
        %xor3A_2359 = arith.xori %or3A_2358, %add3A_2351 : vector<16xi32>
        %add3A_2360 = arith.addi %add3A_2351, %xor3A_2359 : vector<16xi32>
        %shift_left3A_2361 = arith.constant 24 : i32
        %shift_left3A_2362 = vector.broadcast %shift_left3A_2361 : i32 to vector<16xi32>
        %shift_left3A_2363 = arith.shli %xor3A_2359, %shift_left3A_2362 : vector<16xi32>
        %shift_right_logical3A_2364 = arith.constant 8 : i32
        %shift_right_logical3A_2365 = vector.broadcast %shift_right_logical3A_2364 : i32 to vector<16xi32>
        %shift_right_logical3A_2366 = arith.shrui %xor3A_2359, %shift_right_logical3A_2365 : vector<16xi32>
        %or3A_2367 = arith.ori %shift_left3A_2363, %shift_right_logical3A_2366 : vector<16xi32>
        %xor3A_2368 = arith.xori %or3A_2367, %add3A_2360 : vector<16xi32>
        %add3A_2369 = arith.constant 466689008 : i32
        %add3A_2370 = vector.broadcast %add3A_2369 : i32 to vector<16xi32>
        %add3A_2371 = arith.addi %add3A_2360, %add3A_2370 : vector<16xi32>
        %add3A_2372 = arith.constant 2 : i32
        %add3A_2373 = vector.broadcast %add3A_2372 : i32 to vector<16xi32>
        %add3A_2374 = arith.addi %xor3A_2368, %add3A_2373 : vector<16xi32>
        %add3A_2375 = arith.addi %add3A_2371, %add3A_2374 : vector<16xi32>
        %shift_left3A_2376 = arith.constant 13 : i32
        %shift_left3A_2377 = vector.broadcast %shift_left3A_2376 : i32 to vector<16xi32>
        %shift_left3A_2378 = arith.shli %add3A_2374, %shift_left3A_2377 : vector<16xi32>
        %shift_right_logical3A_2379 = arith.constant 19 : i32
        %shift_right_logical3A_2380 = vector.broadcast %shift_right_logical3A_2379 : i32 to vector<16xi32>
        %shift_right_logical3A_2381 = arith.shrui %add3A_2374, %shift_right_logical3A_2380 : vector<16xi32>
        %or3A_2382 = arith.ori %shift_left3A_2378, %shift_right_logical3A_2381 : vector<16xi32>
        %xor3A_2383 = arith.xori %or3A_2382, %add3A_2375 : vector<16xi32>
        %add3A_2384 = arith.addi %add3A_2375, %xor3A_2383 : vector<16xi32>
        %shift_left3A_2385 = arith.constant 15 : i32
        %shift_left3A_2386 = vector.broadcast %shift_left3A_2385 : i32 to vector<16xi32>
        %shift_left3A_2387 = arith.shli %xor3A_2383, %shift_left3A_2386 : vector<16xi32>
        %shift_right_logical3A_2388 = arith.constant 17 : i32
        %shift_right_logical3A_2389 = vector.broadcast %shift_right_logical3A_2388 : i32 to vector<16xi32>
        %shift_right_logical3A_2390 = arith.shrui %xor3A_2383, %shift_right_logical3A_2389 : vector<16xi32>
        %or3A_2391 = arith.ori %shift_left3A_2387, %shift_right_logical3A_2390 : vector<16xi32>
        %xor3A_2392 = arith.xori %or3A_2391, %add3A_2384 : vector<16xi32>
        %add3A_2393 = arith.addi %add3A_2384, %xor3A_2392 : vector<16xi32>
        %shift_left3A_2394 = arith.constant 26 : i32
        %shift_left3A_2395 = vector.broadcast %shift_left3A_2394 : i32 to vector<16xi32>
        %shift_left3A_2396 = arith.shli %xor3A_2392, %shift_left3A_2395 : vector<16xi32>
        %shift_right_logical3A_2397 = arith.constant 6 : i32
        %shift_right_logical3A_2398 = vector.broadcast %shift_right_logical3A_2397 : i32 to vector<16xi32>
        %shift_right_logical3A_2399 = arith.shrui %xor3A_2392, %shift_right_logical3A_2398 : vector<16xi32>
        %or3A_2400 = arith.ori %shift_left3A_2396, %shift_right_logical3A_2399 : vector<16xi32>
        %xor3A_2401 = arith.xori %or3A_2400, %add3A_2393 : vector<16xi32>
        %add3A_2402 = arith.addi %add3A_2393, %xor3A_2401 : vector<16xi32>
        %shift_left3A_2403 = arith.constant 6 : i32
        %shift_left3A_2404 = vector.broadcast %shift_left3A_2403 : i32 to vector<16xi32>
        %shift_left3A_2405 = arith.shli %xor3A_2401, %shift_left3A_2404 : vector<16xi32>
        %shift_right_logical3A_2406 = arith.constant 26 : i32
        %shift_right_logical3A_2407 = vector.broadcast %shift_right_logical3A_2406 : i32 to vector<16xi32>
        %shift_right_logical3A_2408 = arith.shrui %xor3A_2401, %shift_right_logical3A_2407 : vector<16xi32>
        %or3A_2409 = arith.ori %shift_left3A_2405, %shift_right_logical3A_2408 : vector<16xi32>
        %xor3A_2410 = arith.xori %or3A_2409, %add3A_2402 : vector<16xi32>
        %add3A_2411 = arith.constant 0 : i32
        %add3A_2412 = vector.broadcast %add3A_2411 : i32 to vector<16xi32>
        %add3A_2413 = arith.addi %add3A_2402, %add3A_2412 : vector<16xi32>
        %add3A_2414 = arith.constant 45 : i32
        %add3A_2415 = vector.broadcast %add3A_2414 : i32 to vector<16xi32>
        %add3A_2416 = arith.addi %xor3A_2410, %add3A_2415 : vector<16xi32>
        %add3A_2417 = arith.addi %add3A_2413, %add3A_2416 : vector<16xi32>
        %shift_left3A_2418 = arith.constant 17 : i32
        %shift_left3A_2419 = vector.broadcast %shift_left3A_2418 : i32 to vector<16xi32>
        %shift_left3A_2420 = arith.shli %add3A_2416, %shift_left3A_2419 : vector<16xi32>
        %shift_right_logical3A_2421 = arith.constant 15 : i32
        %shift_right_logical3A_2422 = vector.broadcast %shift_right_logical3A_2421 : i32 to vector<16xi32>
        %shift_right_logical3A_2423 = arith.shrui %add3A_2416, %shift_right_logical3A_2422 : vector<16xi32>
        %or3A_2424 = arith.ori %shift_left3A_2420, %shift_right_logical3A_2423 : vector<16xi32>
        %xor3A_2425 = arith.xori %or3A_2424, %add3A_2417 : vector<16xi32>
        %add3A_2426 = arith.addi %add3A_2417, %xor3A_2425 : vector<16xi32>
        %shift_left3A_2427 = arith.constant 29 : i32
        %shift_left3A_2428 = vector.broadcast %shift_left3A_2427 : i32 to vector<16xi32>
        %shift_left3A_2429 = arith.shli %xor3A_2425, %shift_left3A_2428 : vector<16xi32>
        %shift_right_logical3A_2430 = arith.constant 3 : i32
        %shift_right_logical3A_2431 = vector.broadcast %shift_right_logical3A_2430 : i32 to vector<16xi32>
        %shift_right_logical3A_2432 = arith.shrui %xor3A_2425, %shift_right_logical3A_2431 : vector<16xi32>
        %or3A_2433 = arith.ori %shift_left3A_2429, %shift_right_logical3A_2432 : vector<16xi32>
        %xor3A_2434 = arith.xori %or3A_2433, %add3A_2426 : vector<16xi32>
        %add3A_2435 = arith.addi %add3A_2426, %xor3A_2434 : vector<16xi32>
        %shift_left3A_2436 = arith.constant 16 : i32
        %shift_left3A_2437 = vector.broadcast %shift_left3A_2436 : i32 to vector<16xi32>
        %shift_left3A_2438 = arith.shli %xor3A_2434, %shift_left3A_2437 : vector<16xi32>
        %shift_right_logical3A_2439 = arith.constant 16 : i32
        %shift_right_logical3A_2440 = vector.broadcast %shift_right_logical3A_2439 : i32 to vector<16xi32>
        %shift_right_logical3A_2441 = arith.shrui %xor3A_2434, %shift_right_logical3A_2440 : vector<16xi32>
        %or3A_2442 = arith.ori %shift_left3A_2438, %shift_right_logical3A_2441 : vector<16xi32>
        %xor3A_2443 = arith.xori %or3A_2442, %add3A_2435 : vector<16xi32>
        %add3A_2444 = arith.addi %add3A_2435, %xor3A_2443 : vector<16xi32>
        %shift_left3A_2445 = arith.constant 24 : i32
        %shift_left3A_2446 = vector.broadcast %shift_left3A_2445 : i32 to vector<16xi32>
        %shift_left3A_2447 = arith.shli %xor3A_2443, %shift_left3A_2446 : vector<16xi32>
        %shift_right_logical3A_2448 = arith.constant 8 : i32
        %shift_right_logical3A_2449 = vector.broadcast %shift_right_logical3A_2448 : i32 to vector<16xi32>
        %shift_right_logical3A_2450 = arith.shrui %xor3A_2443, %shift_right_logical3A_2449 : vector<16xi32>
        %or3A_2451 = arith.ori %shift_left3A_2447, %shift_right_logical3A_2450 : vector<16xi32>
        %xor3A_2452 = arith.xori %or3A_2451, %add3A_2444 : vector<16xi32>
        %add3A_2453 = arith.constant 42 : i32
        %add3A_2454 = vector.broadcast %add3A_2453 : i32 to vector<16xi32>
        %add3A_2455 = arith.addi %add3A_2444, %add3A_2454 : vector<16xi32>
        %add3A_2456 = arith.constant 466689012 : i32
        %add3A_2457 = vector.broadcast %add3A_2456 : i32 to vector<16xi32>
        %add3A_2458 = arith.addi %xor3A_2452, %add3A_2457 : vector<16xi32>
        %add3A_2459 = arith.addi %add3A_2455, %add3A_2458 : vector<16xi32>
        %shift_left3A_2460 = arith.constant 13 : i32
        %shift_left3A_2461 = vector.broadcast %shift_left3A_2460 : i32 to vector<16xi32>
        %shift_left3A_2462 = arith.shli %add3A_2458, %shift_left3A_2461 : vector<16xi32>
        %shift_right_logical3A_2463 = arith.constant 19 : i32
        %shift_right_logical3A_2464 = vector.broadcast %shift_right_logical3A_2463 : i32 to vector<16xi32>
        %shift_right_logical3A_2465 = arith.shrui %add3A_2458, %shift_right_logical3A_2464 : vector<16xi32>
        %or3A_2466 = arith.ori %shift_left3A_2462, %shift_right_logical3A_2465 : vector<16xi32>
        %xor3A_2467 = arith.xori %or3A_2466, %add3A_2459 : vector<16xi32>
        %add3A_2468 = arith.addi %add3A_2459, %xor3A_2467 : vector<16xi32>
        %shift_left3A_2469 = arith.constant 15 : i32
        %shift_left3A_2470 = vector.broadcast %shift_left3A_2469 : i32 to vector<16xi32>
        %shift_left3A_2471 = arith.shli %xor3A_2467, %shift_left3A_2470 : vector<16xi32>
        %shift_right_logical3A_2472 = arith.constant 17 : i32
        %shift_right_logical3A_2473 = vector.broadcast %shift_right_logical3A_2472 : i32 to vector<16xi32>
        %shift_right_logical3A_2474 = arith.shrui %xor3A_2467, %shift_right_logical3A_2473 : vector<16xi32>
        %or3A_2475 = arith.ori %shift_left3A_2471, %shift_right_logical3A_2474 : vector<16xi32>
        %xor3A_2476 = arith.xori %or3A_2475, %add3A_2468 : vector<16xi32>
        %add3A_2477 = arith.addi %add3A_2468, %xor3A_2476 : vector<16xi32>
        %shift_left3A_2478 = arith.constant 26 : i32
        %shift_left3A_2479 = vector.broadcast %shift_left3A_2478 : i32 to vector<16xi32>
        %shift_left3A_2480 = arith.shli %xor3A_2476, %shift_left3A_2479 : vector<16xi32>
        %shift_right_logical3A_2481 = arith.constant 6 : i32
        %shift_right_logical3A_2482 = vector.broadcast %shift_right_logical3A_2481 : i32 to vector<16xi32>
        %shift_right_logical3A_2483 = arith.shrui %xor3A_2476, %shift_right_logical3A_2482 : vector<16xi32>
        %or3A_2484 = arith.ori %shift_left3A_2480, %shift_right_logical3A_2483 : vector<16xi32>
        %xor3A_2485 = arith.xori %or3A_2484, %add3A_2477 : vector<16xi32>
        %add3A_2486 = arith.addi %add3A_2477, %xor3A_2485 : vector<16xi32>
        %shift_left3A_2487 = arith.constant 6 : i32
        %shift_left3A_2488 = vector.broadcast %shift_left3A_2487 : i32 to vector<16xi32>
        %shift_left3A_2489 = arith.shli %xor3A_2485, %shift_left3A_2488 : vector<16xi32>
        %shift_right_logical3A_2490 = arith.constant 26 : i32
        %shift_right_logical3A_2491 = vector.broadcast %shift_right_logical3A_2490 : i32 to vector<16xi32>
        %shift_right_logical3A_2492 = arith.shrui %xor3A_2485, %shift_right_logical3A_2491 : vector<16xi32>
        %or3A_2493 = arith.ori %shift_left3A_2489, %shift_right_logical3A_2492 : vector<16xi32>
        %xor3A_2494 = arith.xori %or3A_2493, %add3A_2486 : vector<16xi32>
        %add3A_2495 = arith.constant 466689008 : i32
        %add3A_2496 = vector.broadcast %add3A_2495 : i32 to vector<16xi32>
        %add3A_2497 = arith.addi %add3A_2486, %add3A_2496 : vector<16xi32>
        %add3A_2498 = arith.constant 5 : i32
        %add3A_2499 = vector.broadcast %add3A_2498 : i32 to vector<16xi32>
        %add3A_2500 = arith.addi %xor3A_2494, %add3A_2499 : vector<16xi32>
        %xor3A_2501 = arith.xori %add3A_2497, %add3A_2500 : vector<16xi32>
        %swap3A_2502 = arith.index_cast %add3A_2283 : i32 to index
        %swap3A_2503 = tpu.vector_load %arg3[%swap3A_2502] {strides = array<i32>} : memref<16384xi32, #tpu.memory_space<vmem>>, vector<16xi32>,
        %swap3A_2504 = vector.shape_cast %swap3A_2503 : vector<16xi32> to vector<16xi32>
        %swap3A_2505 = vector.shape_cast %xor3A_2501 : vector<16xi32> to vector<16xi32>
        tpu.vector_store %arg3[%swap3A_2502], %swap3A_2505 {strides = array<i32>} : memref<16384xi32, #tpu.memory_space<vmem>>, vector<16xi32>,
        %mul3A_2506 = arith.constant 256 : i32
        %mul3A_2507 = arith.muli %add3A_24, %mul3A_2506 : i32
        %add3A_2508 = arith.constant 176 : i32
        %add3A_2509 = arith.addi %mul3A_2507, %add3A_2508 : i32
        %add3A_2510 = arith.constant 10485760 : i32
        %add3A_2511 = arith.addi %add3A_2510, %add3A_14 : i32
        %add3A_2512 = arith.addi %add3A_2511, %add3A_2509 : i32
        %add3A_2513 = vector.broadcast %add3A_2512 : i32 to vector<16xi32>
        %add3A_2514 = arith.addi %add3A_2513, %iota3A : vector<16xi32>
        %add3A_2515 = arith.constant 42 : i32
        %add3A_2516 = vector.broadcast %add3A_2515 : i32 to vector<16xi32>
        %add3A_2517 = arith.addi %add3A_2514, %add3A_2516 : vector<16xi32>
        %shift_left3A_2518 = arith.constant 13 : i32
        %shift_left3A_2519 = vector.broadcast %shift_left3A_2518 : i32 to vector<16xi32>
        %shift_left3A_2520 = arith.shli %add3A_2517, %shift_left3A_2519 : vector<16xi32>
        %shift_right_logical3A_2521 = arith.constant 19 : i32
        %shift_right_logical3A_2522 = vector.broadcast %shift_right_logical3A_2521 : i32 to vector<16xi32>
        %shift_right_logical3A_2523 = arith.shrui %add3A_2517, %shift_right_logical3A_2522 : vector<16xi32>
        %or3A_2524 = arith.ori %shift_left3A_2520, %shift_right_logical3A_2523 : vector<16xi32>
        %xor3A_2525 = arith.xori %or3A_2524, %add3A_2517 : vector<16xi32>
        %add3A_2526 = arith.addi %add3A_2517, %xor3A_2525 : vector<16xi32>
        %shift_left3A_2527 = arith.constant 15 : i32
        %shift_left3A_2528 = vector.broadcast %shift_left3A_2527 : i32 to vector<16xi32>
        %shift_left3A_2529 = arith.shli %xor3A_2525, %shift_left3A_2528 : vector<16xi32>
        %shift_right_logical3A_2530 = arith.constant 17 : i32
        %shift_right_logical3A_2531 = vector.broadcast %shift_right_logical3A_2530 : i32 to vector<16xi32>
        %shift_right_logical3A_2532 = arith.shrui %xor3A_2525, %shift_right_logical3A_2531 : vector<16xi32>
        %or3A_2533 = arith.ori %shift_left3A_2529, %shift_right_logical3A_2532 : vector<16xi32>
        %xor3A_2534 = arith.xori %or3A_2533, %add3A_2526 : vector<16xi32>
        %add3A_2535 = arith.addi %add3A_2526, %xor3A_2534 : vector<16xi32>
        %shift_left3A_2536 = arith.constant 26 : i32
        %shift_left3A_2537 = vector.broadcast %shift_left3A_2536 : i32 to vector<16xi32>
        %shift_left3A_2538 = arith.shli %xor3A_2534, %shift_left3A_2537 : vector<16xi32>
        %shift_right_logical3A_2539 = arith.constant 6 : i32
        %shift_right_logical3A_2540 = vector.broadcast %shift_right_logical3A_2539 : i32 to vector<16xi32>
        %shift_right_logical3A_2541 = arith.shrui %xor3A_2534, %shift_right_logical3A_2540 : vector<16xi32>
        %or3A_2542 = arith.ori %shift_left3A_2538, %shift_right_logical3A_2541 : vector<16xi32>
        %xor3A_2543 = arith.xori %or3A_2542, %add3A_2535 : vector<16xi32>
        %add3A_2544 = arith.addi %add3A_2535, %xor3A_2543 : vector<16xi32>
        %shift_left3A_2545 = arith.constant 6 : i32
        %shift_left3A_2546 = vector.broadcast %shift_left3A_2545 : i32 to vector<16xi32>
        %shift_left3A_2547 = arith.shli %xor3A_2543, %shift_left3A_2546 : vector<16xi32>
        %shift_right_logical3A_2548 = arith.constant 26 : i32
        %shift_right_logical3A_2549 = vector.broadcast %shift_right_logical3A_2548 : i32 to vector<16xi32>
        %shift_right_logical3A_2550 = arith.shrui %xor3A_2543, %shift_right_logical3A_2549 : vector<16xi32>
        %or3A_2551 = arith.ori %shift_left3A_2547, %shift_right_logical3A_2550 : vector<16xi32>
        %xor3A_2552 = arith.xori %or3A_2551, %add3A_2544 : vector<16xi32>
        %add3A_2553 = arith.constant 42 : i32
        %add3A_2554 = vector.broadcast %add3A_2553 : i32 to vector<16xi32>
        %add3A_2555 = arith.addi %add3A_2544, %add3A_2554 : vector<16xi32>
        %add3A_2556 = arith.constant 466689009 : i32
        %add3A_2557 = vector.broadcast %add3A_2556 : i32 to vector<16xi32>
        %add3A_2558 = arith.addi %xor3A_2552, %add3A_2557 : vector<16xi32>
        %add3A_2559 = arith.addi %add3A_2555, %add3A_2558 : vector<16xi32>
        %shift_left3A_2560 = arith.constant 17 : i32
        %shift_left3A_2561 = vector.broadcast %shift_left3A_2560 : i32 to vector<16xi32>
        %shift_left3A_2562 = arith.shli %add3A_2558, %shift_left3A_2561 : vector<16xi32>
        %shift_right_logical3A_2563 = arith.constant 15 : i32
        %shift_right_logical3A_2564 = vector.broadcast %shift_right_logical3A_2563 : i32 to vector<16xi32>
        %shift_right_logical3A_2565 = arith.shrui %add3A_2558, %shift_right_logical3A_2564 : vector<16xi32>
        %or3A_2566 = arith.ori %shift_left3A_2562, %shift_right_logical3A_2565 : vector<16xi32>
        %xor3A_2567 = arith.xori %or3A_2566, %add3A_2559 : vector<16xi32>
        %add3A_2568 = arith.addi %add3A_2559, %xor3A_2567 : vector<16xi32>
        %shift_left3A_2569 = arith.constant 29 : i32
        %shift_left3A_2570 = vector.broadcast %shift_left3A_2569 : i32 to vector<16xi32>
        %shift_left3A_2571 = arith.shli %xor3A_2567, %shift_left3A_2570 : vector<16xi32>
        %shift_right_logical3A_2572 = arith.constant 3 : i32
        %shift_right_logical3A_2573 = vector.broadcast %shift_right_logical3A_2572 : i32 to vector<16xi32>
        %shift_right_logical3A_2574 = arith.shrui %xor3A_2567, %shift_right_logical3A_2573 : vector<16xi32>
        %or3A_2575 = arith.ori %shift_left3A_2571, %shift_right_logical3A_2574 : vector<16xi32>
        %xor3A_2576 = arith.xori %or3A_2575, %add3A_2568 : vector<16xi32>
        %add3A_2577 = arith.addi %add3A_2568, %xor3A_2576 : vector<16xi32>
        %shift_left3A_2578 = arith.constant 16 : i32
        %shift_left3A_2579 = vector.broadcast %shift_left3A_2578 : i32 to vector<16xi32>
        %shift_left3A_2580 = arith.shli %xor3A_2576, %shift_left3A_2579 : vector<16xi32>
        %shift_right_logical3A_2581 = arith.constant 16 : i32
        %shift_right_logical3A_2582 = vector.broadcast %shift_right_logical3A_2581 : i32 to vector<16xi32>
        %shift_right_logical3A_2583 = arith.shrui %xor3A_2576, %shift_right_logical3A_2582 : vector<16xi32>
        %or3A_2584 = arith.ori %shift_left3A_2580, %shift_right_logical3A_2583 : vector<16xi32>
        %xor3A_2585 = arith.xori %or3A_2584, %add3A_2577 : vector<16xi32>
        %add3A_2586 = arith.addi %add3A_2577, %xor3A_2585 : vector<16xi32>
        %shift_left3A_2587 = arith.constant 24 : i32
        %shift_left3A_2588 = vector.broadcast %shift_left3A_2587 : i32 to vector<16xi32>
        %shift_left3A_2589 = arith.shli %xor3A_2585, %shift_left3A_2588 : vector<16xi32>
        %shift_right_logical3A_2590 = arith.constant 8 : i32
        %shift_right_logical3A_2591 = vector.broadcast %shift_right_logical3A_2590 : i32 to vector<16xi32>
        %shift_right_logical3A_2592 = arith.shrui %xor3A_2585, %shift_right_logical3A_2591 : vector<16xi32>
        %or3A_2593 = arith.ori %shift_left3A_2589, %shift_right_logical3A_2592 : vector<16xi32>
        %xor3A_2594 = arith.xori %or3A_2593, %add3A_2586 : vector<16xi32>
        %add3A_2595 = arith.constant 466689008 : i32
        %add3A_2596 = vector.broadcast %add3A_2595 : i32 to vector<16xi32>
        %add3A_2597 = arith.addi %add3A_2586, %add3A_2596 : vector<16xi32>
        %add3A_2598 = arith.constant 2 : i32
        %add3A_2599 = vector.broadcast %add3A_2598 : i32 to vector<16xi32>
        %add3A_2600 = arith.addi %xor3A_2594, %add3A_2599 : vector<16xi32>
        %add3A_2601 = arith.addi %add3A_2597, %add3A_2600 : vector<16xi32>
        %shift_left3A_2602 = arith.constant 13 : i32
        %shift_left3A_2603 = vector.broadcast %shift_left3A_2602 : i32 to vector<16xi32>
        %shift_left3A_2604 = arith.shli %add3A_2600, %shift_left3A_2603 : vector<16xi32>
        %shift_right_logical3A_2605 = arith.constant 19 : i32
        %shift_right_logical3A_2606 = vector.broadcast %shift_right_logical3A_2605 : i32 to vector<16xi32>
        %shift_right_logical3A_2607 = arith.shrui %add3A_2600, %shift_right_logical3A_2606 : vector<16xi32>
        %or3A_2608 = arith.ori %shift_left3A_2604, %shift_right_logical3A_2607 : vector<16xi32>
        %xor3A_2609 = arith.xori %or3A_2608, %add3A_2601 : vector<16xi32>
        %add3A_2610 = arith.addi %add3A_2601, %xor3A_2609 : vector<16xi32>
        %shift_left3A_2611 = arith.constant 15 : i32
        %shift_left3A_2612 = vector.broadcast %shift_left3A_2611 : i32 to vector<16xi32>
        %shift_left3A_2613 = arith.shli %xor3A_2609, %shift_left3A_2612 : vector<16xi32>
        %shift_right_logical3A_2614 = arith.constant 17 : i32
        %shift_right_logical3A_2615 = vector.broadcast %shift_right_logical3A_2614 : i32 to vector<16xi32>
        %shift_right_logical3A_2616 = arith.shrui %xor3A_2609, %shift_right_logical3A_2615 : vector<16xi32>
        %or3A_2617 = arith.ori %shift_left3A_2613, %shift_right_logical3A_2616 : vector<16xi32>
        %xor3A_2618 = arith.xori %or3A_2617, %add3A_2610 : vector<16xi32>
        %add3A_2619 = arith.addi %add3A_2610, %xor3A_2618 : vector<16xi32>
        %shift_left3A_2620 = arith.constant 26 : i32
        %shift_left3A_2621 = vector.broadcast %shift_left3A_2620 : i32 to vector<16xi32>
        %shift_left3A_2622 = arith.shli %xor3A_2618, %shift_left3A_2621 : vector<16xi32>
        %shift_right_logical3A_2623 = arith.constant 6 : i32
        %shift_right_logical3A_2624 = vector.broadcast %shift_right_logical3A_2623 : i32 to vector<16xi32>
        %shift_right_logical3A_2625 = arith.shrui %xor3A_2618, %shift_right_logical3A_2624 : vector<16xi32>
        %or3A_2626 = arith.ori %shift_left3A_2622, %shift_right_logical3A_2625 : vector<16xi32>
        %xor3A_2627 = arith.xori %or3A_2626, %add3A_2619 : vector<16xi32>
        %add3A_2628 = arith.addi %add3A_2619, %xor3A_2627 : vector<16xi32>
        %shift_left3A_2629 = arith.constant 6 : i32
        %shift_left3A_2630 = vector.broadcast %shift_left3A_2629 : i32 to vector<16xi32>
        %shift_left3A_2631 = arith.shli %xor3A_2627, %shift_left3A_2630 : vector<16xi32>
        %shift_right_logical3A_2632 = arith.constant 26 : i32
        %shift_right_logical3A_2633 = vector.broadcast %shift_right_logical3A_2632 : i32 to vector<16xi32>
        %shift_right_logical3A_2634 = arith.shrui %xor3A_2627, %shift_right_logical3A_2633 : vector<16xi32>
        %or3A_2635 = arith.ori %shift_left3A_2631, %shift_right_logical3A_2634 : vector<16xi32>
        %xor3A_2636 = arith.xori %or3A_2635, %add3A_2628 : vector<16xi32>
        %add3A_2637 = arith.constant 0 : i32
        %add3A_2638 = vector.broadcast %add3A_2637 : i32 to vector<16xi32>
        %add3A_2639 = arith.addi %add3A_2628, %add3A_2638 : vector<16xi32>
        %add3A_2640 = arith.constant 45 : i32
        %add3A_2641 = vector.broadcast %add3A_2640 : i32 to vector<16xi32>
        %add3A_2642 = arith.addi %xor3A_2636, %add3A_2641 : vector<16xi32>
        %add3A_2643 = arith.addi %add3A_2639, %add3A_2642 : vector<16xi32>
        %shift_left3A_2644 = arith.constant 17 : i32
        %shift_left3A_2645 = vector.broadcast %shift_left3A_2644 : i32 to vector<16xi32>
        %shift_left3A_2646 = arith.shli %add3A_2642, %shift_left3A_2645 : vector<16xi32>
        %shift_right_logical3A_2647 = arith.constant 15 : i32
        %shift_right_logical3A_2648 = vector.broadcast %shift_right_logical3A_2647 : i32 to vector<16xi32>
        %shift_right_logical3A_2649 = arith.shrui %add3A_2642, %shift_right_logical3A_2648 : vector<16xi32>
        %or3A_2650 = arith.ori %shift_left3A_2646, %shift_right_logical3A_2649 : vector<16xi32>
        %xor3A_2651 = arith.xori %or3A_2650, %add3A_2643 : vector<16xi32>
        %add3A_2652 = arith.addi %add3A_2643, %xor3A_2651 : vector<16xi32>
        %shift_left3A_2653 = arith.constant 29 : i32
        %shift_left3A_2654 = vector.broadcast %shift_left3A_2653 : i32 to vector<16xi32>
        %shift_left3A_2655 = arith.shli %xor3A_2651, %shift_left3A_2654 : vector<16xi32>
        %shift_right_logical3A_2656 = arith.constant 3 : i32
        %shift_right_logical3A_2657 = vector.broadcast %shift_right_logical3A_2656 : i32 to vector<16xi32>
        %shift_right_logical3A_2658 = arith.shrui %xor3A_2651, %shift_right_logical3A_2657 : vector<16xi32>
        %or3A_2659 = arith.ori %shift_left3A_2655, %shift_right_logical3A_2658 : vector<16xi32>
        %xor3A_2660 = arith.xori %or3A_2659, %add3A_2652 : vector<16xi32>
        %add3A_2661 = arith.addi %add3A_2652, %xor3A_2660 : vector<16xi32>
        %shift_left3A_2662 = arith.constant 16 : i32
        %shift_left3A_2663 = vector.broadcast %shift_left3A_2662 : i32 to vector<16xi32>
        %shift_left3A_2664 = arith.shli %xor3A_2660, %shift_left3A_2663 : vector<16xi32>
        %shift_right_logical3A_2665 = arith.constant 16 : i32
        %shift_right_logical3A_2666 = vector.broadcast %shift_right_logical3A_2665 : i32 to vector<16xi32>
        %shift_right_logical3A_2667 = arith.shrui %xor3A_2660, %shift_right_logical3A_2666 : vector<16xi32>
        %or3A_2668 = arith.ori %shift_left3A_2664, %shift_right_logical3A_2667 : vector<16xi32>
        %xor3A_2669 = arith.xori %or3A_2668, %add3A_2661 : vector<16xi32>
        %add3A_2670 = arith.addi %add3A_2661, %xor3A_2669 : vector<16xi32>
        %shift_left3A_2671 = arith.constant 24 : i32
        %shift_left3A_2672 = vector.broadcast %shift_left3A_2671 : i32 to vector<16xi32>
        %shift_left3A_2673 = arith.shli %xor3A_2669, %shift_left3A_2672 : vector<16xi32>
        %shift_right_logical3A_2674 = arith.constant 8 : i32
        %shift_right_logical3A_2675 = vector.broadcast %shift_right_logical3A_2674 : i32 to vector<16xi32>
        %shift_right_logical3A_2676 = arith.shrui %xor3A_2669, %shift_right_logical3A_2675 : vector<16xi32>
        %or3A_2677 = arith.ori %shift_left3A_2673, %shift_right_logical3A_2676 : vector<16xi32>
        %xor3A_2678 = arith.xori %or3A_2677, %add3A_2670 : vector<16xi32>
        %add3A_2679 = arith.constant 42 : i32
        %add3A_2680 = vector.broadcast %add3A_2679 : i32 to vector<16xi32>
        %add3A_2681 = arith.addi %add3A_2670, %add3A_2680 : vector<16xi32>
        %add3A_2682 = arith.constant 466689012 : i32
        %add3A_2683 = vector.broadcast %add3A_2682 : i32 to vector<16xi32>
        %add3A_2684 = arith.addi %xor3A_2678, %add3A_2683 : vector<16xi32>
        %add3A_2685 = arith.addi %add3A_2681, %add3A_2684 : vector<16xi32>
        %shift_left3A_2686 = arith.constant 13 : i32
        %shift_left3A_2687 = vector.broadcast %shift_left3A_2686 : i32 to vector<16xi32>
        %shift_left3A_2688 = arith.shli %add3A_2684, %shift_left3A_2687 : vector<16xi32>
        %shift_right_logical3A_2689 = arith.constant 19 : i32
        %shift_right_logical3A_2690 = vector.broadcast %shift_right_logical3A_2689 : i32 to vector<16xi32>
        %shift_right_logical3A_2691 = arith.shrui %add3A_2684, %shift_right_logical3A_2690 : vector<16xi32>
        %or3A_2692 = arith.ori %shift_left3A_2688, %shift_right_logical3A_2691 : vector<16xi32>
        %xor3A_2693 = arith.xori %or3A_2692, %add3A_2685 : vector<16xi32>
        %add3A_2694 = arith.addi %add3A_2685, %xor3A_2693 : vector<16xi32>
        %shift_left3A_2695 = arith.constant 15 : i32
        %shift_left3A_2696 = vector.broadcast %shift_left3A_2695 : i32 to vector<16xi32>
        %shift_left3A_2697 = arith.shli %xor3A_2693, %shift_left3A_2696 : vector<16xi32>
        %shift_right_logical3A_2698 = arith.constant 17 : i32
        %shift_right_logical3A_2699 = vector.broadcast %shift_right_logical3A_2698 : i32 to vector<16xi32>
        %shift_right_logical3A_2700 = arith.shrui %xor3A_2693, %shift_right_logical3A_2699 : vector<16xi32>
        %or3A_2701 = arith.ori %shift_left3A_2697, %shift_right_logical3A_2700 : vector<16xi32>
        %xor3A_2702 = arith.xori %or3A_2701, %add3A_2694 : vector<16xi32>
        %add3A_2703 = arith.addi %add3A_2694, %xor3A_2702 : vector<16xi32>
        %shift_left3A_2704 = arith.constant 26 : i32
        %shift_left3A_2705 = vector.broadcast %shift_left3A_2704 : i32 to vector<16xi32>
        %shift_left3A_2706 = arith.shli %xor3A_2702, %shift_left3A_2705 : vector<16xi32>
        %shift_right_logical3A_2707 = arith.constant 6 : i32
        %shift_right_logical3A_2708 = vector.broadcast %shift_right_logical3A_2707 : i32 to vector<16xi32>
        %shift_right_logical3A_2709 = arith.shrui %xor3A_2702, %shift_right_logical3A_2708 : vector<16xi32>
        %or3A_2710 = arith.ori %shift_left3A_2706, %shift_right_logical3A_2709 : vector<16xi32>
        %xor3A_2711 = arith.xori %or3A_2710, %add3A_2703 : vector<16xi32>
        %add3A_2712 = arith.addi %add3A_2703, %xor3A_2711 : vector<16xi32>
        %shift_left3A_2713 = arith.constant 6 : i32
        %shift_left3A_2714 = vector.broadcast %shift_left3A_2713 : i32 to vector<16xi32>
        %shift_left3A_2715 = arith.shli %xor3A_2711, %shift_left3A_2714 : vector<16xi32>
        %shift_right_logical3A_2716 = arith.constant 26 : i32
        %shift_right_logical3A_2717 = vector.broadcast %shift_right_logical3A_2716 : i32 to vector<16xi32>
        %shift_right_logical3A_2718 = arith.shrui %xor3A_2711, %shift_right_logical3A_2717 : vector<16xi32>
        %or3A_2719 = arith.ori %shift_left3A_2715, %shift_right_logical3A_2718 : vector<16xi32>
        %xor3A_2720 = arith.xori %or3A_2719, %add3A_2712 : vector<16xi32>
        %add3A_2721 = arith.constant 466689008 : i32
        %add3A_2722 = vector.broadcast %add3A_2721 : i32 to vector<16xi32>
        %add3A_2723 = arith.addi %add3A_2712, %add3A_2722 : vector<16xi32>
        %add3A_2724 = arith.constant 5 : i32
        %add3A_2725 = vector.broadcast %add3A_2724 : i32 to vector<16xi32>
        %add3A_2726 = arith.addi %xor3A_2720, %add3A_2725 : vector<16xi32>
        %xor3A_2727 = arith.xori %add3A_2723, %add3A_2726 : vector<16xi32>
        %swap3A_2728 = arith.index_cast %add3A_2509 : i32 to index
        %swap3A_2729 = tpu.vector_load %arg3[%swap3A_2728] {strides = array<i32>} : memref<16384xi32, #tpu.memory_space<vmem>>, vector<16xi32>,
        %swap3A_2730 = vector.shape_cast %swap3A_2729 : vector<16xi32> to vector<16xi32>
        %swap3A_2731 = vector.shape_cast %xor3A_2727 : vector<16xi32> to vector<16xi32>
        tpu.vector_store %arg3[%swap3A_2728], %swap3A_2731 {strides = array<i32>} : memref<16384xi32, #tpu.memory_space<vmem>>, vector<16xi32>,
        %mul3A_2732 = arith.constant 256 : i32
        %mul3A_2733 = arith.muli %add3A_24, %mul3A_2732 : i32
        %add3A_2734 = arith.constant 192 : i32
        %add3A_2735 = arith.addi %mul3A_2733, %add3A_2734 : i32
        %add3A_2736 = arith.constant 10485760 : i32
        %add3A_2737 = arith.addi %add3A_2736, %add3A_14 : i32
        %add3A_2738 = arith.addi %add3A_2737, %add3A_2735 : i32
        %add3A_2739 = vector.broadcast %add3A_2738 : i32 to vector<16xi32>
        %add3A_2740 = arith.addi %add3A_2739, %iota3A : vector<16xi32>
        %add3A_2741 = arith.constant 42 : i32
        %add3A_2742 = vector.broadcast %add3A_2741 : i32 to vector<16xi32>
        %add3A_2743 = arith.addi %add3A_2740, %add3A_2742 : vector<16xi32>
        %shift_left3A_2744 = arith.constant 13 : i32
        %shift_left3A_2745 = vector.broadcast %shift_left3A_2744 : i32 to vector<16xi32>
        %shift_left3A_2746 = arith.shli %add3A_2743, %shift_left3A_2745 : vector<16xi32>
        %shift_right_logical3A_2747 = arith.constant 19 : i32
        %shift_right_logical3A_2748 = vector.broadcast %shift_right_logical3A_2747 : i32 to vector<16xi32>
        %shift_right_logical3A_2749 = arith.shrui %add3A_2743, %shift_right_logical3A_2748 : vector<16xi32>
        %or3A_2750 = arith.ori %shift_left3A_2746, %shift_right_logical3A_2749 : vector<16xi32>
        %xor3A_2751 = arith.xori %or3A_2750, %add3A_2743 : vector<16xi32>
        %add3A_2752 = arith.addi %add3A_2743, %xor3A_2751 : vector<16xi32>
        %shift_left3A_2753 = arith.constant 15 : i32
        %shift_left3A_2754 = vector.broadcast %shift_left3A_2753 : i32 to vector<16xi32>
        %shift_left3A_2755 = arith.shli %xor3A_2751, %shift_left3A_2754 : vector<16xi32>
        %shift_right_logical3A_2756 = arith.constant 17 : i32
        %shift_right_logical3A_2757 = vector.broadcast %shift_right_logical3A_2756 : i32 to vector<16xi32>
        %shift_right_logical3A_2758 = arith.shrui %xor3A_2751, %shift_right_logical3A_2757 : vector<16xi32>
        %or3A_2759 = arith.ori %shift_left3A_2755, %shift_right_logical3A_2758 : vector<16xi32>
        %xor3A_2760 = arith.xori %or3A_2759, %add3A_2752 : vector<16xi32>
        %add3A_2761 = arith.addi %add3A_2752, %xor3A_2760 : vector<16xi32>
        %shift_left3A_2762 = arith.constant 26 : i32
        %shift_left3A_2763 = vector.broadcast %shift_left3A_2762 : i32 to vector<16xi32>
        %shift_left3A_2764 = arith.shli %xor3A_2760, %shift_left3A_2763 : vector<16xi32>
        %shift_right_logical3A_2765 = arith.constant 6 : i32
        %shift_right_logical3A_2766 = vector.broadcast %shift_right_logical3A_2765 : i32 to vector<16xi32>
        %shift_right_logical3A_2767 = arith.shrui %xor3A_2760, %shift_right_logical3A_2766 : vector<16xi32>
        %or3A_2768 = arith.ori %shift_left3A_2764, %shift_right_logical3A_2767 : vector<16xi32>
        %xor3A_2769 = arith.xori %or3A_2768, %add3A_2761 : vector<16xi32>
        %add3A_2770 = arith.addi %add3A_2761, %xor3A_2769 : vector<16xi32>
        %shift_left3A_2771 = arith.constant 6 : i32
        %shift_left3A_2772 = vector.broadcast %shift_left3A_2771 : i32 to vector<16xi32>
        %shift_left3A_2773 = arith.shli %xor3A_2769, %shift_left3A_2772 : vector<16xi32>
        %shift_right_logical3A_2774 = arith.constant 26 : i32
        %shift_right_logical3A_2775 = vector.broadcast %shift_right_logical3A_2774 : i32 to vector<16xi32>
        %shift_right_logical3A_2776 = arith.shrui %xor3A_2769, %shift_right_logical3A_2775 : vector<16xi32>
        %or3A_2777 = arith.ori %shift_left3A_2773, %shift_right_logical3A_2776 : vector<16xi32>
        %xor3A_2778 = arith.xori %or3A_2777, %add3A_2770 : vector<16xi32>
        %add3A_2779 = arith.constant 42 : i32
        %add3A_2780 = vector.broadcast %add3A_2779 : i32 to vector<16xi32>
        %add3A_2781 = arith.addi %add3A_2770, %add3A_2780 : vector<16xi32>
        %add3A_2782 = arith.constant 466689009 : i32
        %add3A_2783 = vector.broadcast %add3A_2782 : i32 to vector<16xi32>
        %add3A_2784 = arith.addi %xor3A_2778, %add3A_2783 : vector<16xi32>
        %add3A_2785 = arith.addi %add3A_2781, %add3A_2784 : vector<16xi32>
        %shift_left3A_2786 = arith.constant 17 : i32
        %shift_left3A_2787 = vector.broadcast %shift_left3A_2786 : i32 to vector<16xi32>
        %shift_left3A_2788 = arith.shli %add3A_2784, %shift_left3A_2787 : vector<16xi32>
        %shift_right_logical3A_2789 = arith.constant 15 : i32
        %shift_right_logical3A_2790 = vector.broadcast %shift_right_logical3A_2789 : i32 to vector<16xi32>
        %shift_right_logical3A_2791 = arith.shrui %add3A_2784, %shift_right_logical3A_2790 : vector<16xi32>
        %or3A_2792 = arith.ori %shift_left3A_2788, %shift_right_logical3A_2791 : vector<16xi32>
        %xor3A_2793 = arith.xori %or3A_2792, %add3A_2785 : vector<16xi32>
        %add3A_2794 = arith.addi %add3A_2785, %xor3A_2793 : vector<16xi32>
        %shift_left3A_2795 = arith.constant 29 : i32
        %shift_left3A_2796 = vector.broadcast %shift_left3A_2795 : i32 to vector<16xi32>
        %shift_left3A_2797 = arith.shli %xor3A_2793, %shift_left3A_2796 : vector<16xi32>
        %shift_right_logical3A_2798 = arith.constant 3 : i32
        %shift_right_logical3A_2799 = vector.broadcast %shift_right_logical3A_2798 : i32 to vector<16xi32>
        %shift_right_logical3A_2800 = arith.shrui %xor3A_2793, %shift_right_logical3A_2799 : vector<16xi32>
        %or3A_2801 = arith.ori %shift_left3A_2797, %shift_right_logical3A_2800 : vector<16xi32>
        %xor3A_2802 = arith.xori %or3A_2801, %add3A_2794 : vector<16xi32>
        %add3A_2803 = arith.addi %add3A_2794, %xor3A_2802 : vector<16xi32>
        %shift_left3A_2804 = arith.constant 16 : i32
        %shift_left3A_2805 = vector.broadcast %shift_left3A_2804 : i32 to vector<16xi32>
        %shift_left3A_2806 = arith.shli %xor3A_2802, %shift_left3A_2805 : vector<16xi32>
        %shift_right_logical3A_2807 = arith.constant 16 : i32
        %shift_right_logical3A_2808 = vector.broadcast %shift_right_logical3A_2807 : i32 to vector<16xi32>
        %shift_right_logical3A_2809 = arith.shrui %xor3A_2802, %shift_right_logical3A_2808 : vector<16xi32>
        %or3A_2810 = arith.ori %shift_left3A_2806, %shift_right_logical3A_2809 : vector<16xi32>
        %xor3A_2811 = arith.xori %or3A_2810, %add3A_2803 : vector<16xi32>
        %add3A_2812 = arith.addi %add3A_2803, %xor3A_2811 : vector<16xi32>
        %shift_left3A_2813 = arith.constant 24 : i32
        %shift_left3A_2814 = vector.broadcast %shift_left3A_2813 : i32 to vector<16xi32>
        %shift_left3A_2815 = arith.shli %xor3A_2811, %shift_left3A_2814 : vector<16xi32>
        %shift_right_logical3A_2816 = arith.constant 8 : i32
        %shift_right_logical3A_2817 = vector.broadcast %shift_right_logical3A_2816 : i32 to vector<16xi32>
        %shift_right_logical3A_2818 = arith.shrui %xor3A_2811, %shift_right_logical3A_2817 : vector<16xi32>
        %or3A_2819 = arith.ori %shift_left3A_2815, %shift_right_logical3A_2818 : vector<16xi32>
        %xor3A_2820 = arith.xori %or3A_2819, %add3A_2812 : vector<16xi32>
        %add3A_2821 = arith.constant 466689008 : i32
        %add3A_2822 = vector.broadcast %add3A_2821 : i32 to vector<16xi32>
        %add3A_2823 = arith.addi %add3A_2812, %add3A_2822 : vector<16xi32>
        %add3A_2824 = arith.constant 2 : i32
        %add3A_2825 = vector.broadcast %add3A_2824 : i32 to vector<16xi32>
        %add3A_2826 = arith.addi %xor3A_2820, %add3A_2825 : vector<16xi32>
        %add3A_2827 = arith.addi %add3A_2823, %add3A_2826 : vector<16xi32>
        %shift_left3A_2828 = arith.constant 13 : i32
        %shift_left3A_2829 = vector.broadcast %shift_left3A_2828 : i32 to vector<16xi32>
        %shift_left3A_2830 = arith.shli %add3A_2826, %shift_left3A_2829 : vector<16xi32>
        %shift_right_logical3A_2831 = arith.constant 19 : i32
        %shift_right_logical3A_2832 = vector.broadcast %shift_right_logical3A_2831 : i32 to vector<16xi32>
        %shift_right_logical3A_2833 = arith.shrui %add3A_2826, %shift_right_logical3A_2832 : vector<16xi32>
        %or3A_2834 = arith.ori %shift_left3A_2830, %shift_right_logical3A_2833 : vector<16xi32>
        %xor3A_2835 = arith.xori %or3A_2834, %add3A_2827 : vector<16xi32>
        %add3A_2836 = arith.addi %add3A_2827, %xor3A_2835 : vector<16xi32>
        %shift_left3A_2837 = arith.constant 15 : i32
        %shift_left3A_2838 = vector.broadcast %shift_left3A_2837 : i32 to vector<16xi32>
        %shift_left3A_2839 = arith.shli %xor3A_2835, %shift_left3A_2838 : vector<16xi32>
        %shift_right_logical3A_2840 = arith.constant 17 : i32
        %shift_right_logical3A_2841 = vector.broadcast %shift_right_logical3A_2840 : i32 to vector<16xi32>
        %shift_right_logical3A_2842 = arith.shrui %xor3A_2835, %shift_right_logical3A_2841 : vector<16xi32>
        %or3A_2843 = arith.ori %shift_left3A_2839, %shift_right_logical3A_2842 : vector<16xi32>
        %xor3A_2844 = arith.xori %or3A_2843, %add3A_2836 : vector<16xi32>
        %add3A_2845 = arith.addi %add3A_2836, %xor3A_2844 : vector<16xi32>
        %shift_left3A_2846 = arith.constant 26 : i32
        %shift_left3A_2847 = vector.broadcast %shift_left3A_2846 : i32 to vector<16xi32>
        %shift_left3A_2848 = arith.shli %xor3A_2844, %shift_left3A_2847 : vector<16xi32>
        %shift_right_logical3A_2849 = arith.constant 6 : i32
        %shift_right_logical3A_2850 = vector.broadcast %shift_right_logical3A_2849 : i32 to vector<16xi32>
        %shift_right_logical3A_2851 = arith.shrui %xor3A_2844, %shift_right_logical3A_2850 : vector<16xi32>
        %or3A_2852 = arith.ori %shift_left3A_2848, %shift_right_logical3A_2851 : vector<16xi32>
        %xor3A_2853 = arith.xori %or3A_2852, %add3A_2845 : vector<16xi32>
        %add3A_2854 = arith.addi %add3A_2845, %xor3A_2853 : vector<16xi32>
        %shift_left3A_2855 = arith.constant 6 : i32
        %shift_left3A_2856 = vector.broadcast %shift_left3A_2855 : i32 to vector<16xi32>
        %shift_left3A_2857 = arith.shli %xor3A_2853, %shift_left3A_2856 : vector<16xi32>
        %shift_right_logical3A_2858 = arith.constant 26 : i32
        %shift_right_logical3A_2859 = vector.broadcast %shift_right_logical3A_2858 : i32 to vector<16xi32>
        %shift_right_logical3A_2860 = arith.shrui %xor3A_2853, %shift_right_logical3A_2859 : vector<16xi32>
        %or3A_2861 = arith.ori %shift_left3A_2857, %shift_right_logical3A_2860 : vector<16xi32>
        %xor3A_2862 = arith.xori %or3A_2861, %add3A_2854 : vector<16xi32>
        %add3A_2863 = arith.constant 0 : i32
        %add3A_2864 = vector.broadcast %add3A_2863 : i32 to vector<16xi32>
        %add3A_2865 = arith.addi %add3A_2854, %add3A_2864 : vector<16xi32>
        %add3A_2866 = arith.constant 45 : i32
        %add3A_2867 = vector.broadcast %add3A_2866 : i32 to vector<16xi32>
        %add3A_2868 = arith.addi %xor3A_2862, %add3A_2867 : vector<16xi32>
        %add3A_2869 = arith.addi %add3A_2865, %add3A_2868 : vector<16xi32>
        %shift_left3A_2870 = arith.constant 17 : i32
        %shift_left3A_2871 = vector.broadcast %shift_left3A_2870 : i32 to vector<16xi32>
        %shift_left3A_2872 = arith.shli %add3A_2868, %shift_left3A_2871 : vector<16xi32>
        %shift_right_logical3A_2873 = arith.constant 15 : i32
        %shift_right_logical3A_2874 = vector.broadcast %shift_right_logical3A_2873 : i32 to vector<16xi32>
        %shift_right_logical3A_2875 = arith.shrui %add3A_2868, %shift_right_logical3A_2874 : vector<16xi32>
        %or3A_2876 = arith.ori %shift_left3A_2872, %shift_right_logical3A_2875 : vector<16xi32>
        %xor3A_2877 = arith.xori %or3A_2876, %add3A_2869 : vector<16xi32>
        %add3A_2878 = arith.addi %add3A_2869, %xor3A_2877 : vector<16xi32>
        %shift_left3A_2879 = arith.constant 29 : i32
        %shift_left3A_2880 = vector.broadcast %shift_left3A_2879 : i32 to vector<16xi32>
        %shift_left3A_2881 = arith.shli %xor3A_2877, %shift_left3A_2880 : vector<16xi32>
        %shift_right_logical3A_2882 = arith.constant 3 : i32
        %shift_right_logical3A_2883 = vector.broadcast %shift_right_logical3A_2882 : i32 to vector<16xi32>
        %shift_right_logical3A_2884 = arith.shrui %xor3A_2877, %shift_right_logical3A_2883 : vector<16xi32>
        %or3A_2885 = arith.ori %shift_left3A_2881, %shift_right_logical3A_2884 : vector<16xi32>
        %xor3A_2886 = arith.xori %or3A_2885, %add3A_2878 : vector<16xi32>
        %add3A_2887 = arith.addi %add3A_2878, %xor3A_2886 : vector<16xi32>
        %shift_left3A_2888 = arith.constant 16 : i32
        %shift_left3A_2889 = vector.broadcast %shift_left3A_2888 : i32 to vector<16xi32>
        %shift_left3A_2890 = arith.shli %xor3A_2886, %shift_left3A_2889 : vector<16xi32>
        %shift_right_logical3A_2891 = arith.constant 16 : i32
        %shift_right_logical3A_2892 = vector.broadcast %shift_right_logical3A_2891 : i32 to vector<16xi32>
        %shift_right_logical3A_2893 = arith.shrui %xor3A_2886, %shift_right_logical3A_2892 : vector<16xi32>
        %or3A_2894 = arith.ori %shift_left3A_2890, %shift_right_logical3A_2893 : vector<16xi32>
        %xor3A_2895 = arith.xori %or3A_2894, %add3A_2887 : vector<16xi32>
        %add3A_2896 = arith.addi %add3A_2887, %xor3A_2895 : vector<16xi32>
        %shift_left3A_2897 = arith.constant 24 : i32
        %shift_left3A_2898 = vector.broadcast %shift_left3A_2897 : i32 to vector<16xi32>
        %shift_left3A_2899 = arith.shli %xor3A_2895, %shift_left3A_2898 : vector<16xi32>
        %shift_right_logical3A_2900 = arith.constant 8 : i32
        %shift_right_logical3A_2901 = vector.broadcast %shift_right_logical3A_2900 : i32 to vector<16xi32>
        %shift_right_logical3A_2902 = arith.shrui %xor3A_2895, %shift_right_logical3A_2901 : vector<16xi32>
        %or3A_2903 = arith.ori %shift_left3A_2899, %shift_right_logical3A_2902 : vector<16xi32>
        %xor3A_2904 = arith.xori %or3A_2903, %add3A_2896 : vector<16xi32>
        %add3A_2905 = arith.constant 42 : i32
        %add3A_2906 = vector.broadcast %add3A_2905 : i32 to vector<16xi32>
        %add3A_2907 = arith.addi %add3A_2896, %add3A_2906 : vector<16xi32>
        %add3A_2908 = arith.constant 466689012 : i32
        %add3A_2909 = vector.broadcast %add3A_2908 : i32 to vector<16xi32>
        %add3A_2910 = arith.addi %xor3A_2904, %add3A_2909 : vector<16xi32>
        %add3A_2911 = arith.addi %add3A_2907, %add3A_2910 : vector<16xi32>
        %shift_left3A_2912 = arith.constant 13 : i32
        %shift_left3A_2913 = vector.broadcast %shift_left3A_2912 : i32 to vector<16xi32>
        %shift_left3A_2914 = arith.shli %add3A_2910, %shift_left3A_2913 : vector<16xi32>
        %shift_right_logical3A_2915 = arith.constant 19 : i32
        %shift_right_logical3A_2916 = vector.broadcast %shift_right_logical3A_2915 : i32 to vector<16xi32>
        %shift_right_logical3A_2917 = arith.shrui %add3A_2910, %shift_right_logical3A_2916 : vector<16xi32>
        %or3A_2918 = arith.ori %shift_left3A_2914, %shift_right_logical3A_2917 : vector<16xi32>
        %xor3A_2919 = arith.xori %or3A_2918, %add3A_2911 : vector<16xi32>
        %add3A_2920 = arith.addi %add3A_2911, %xor3A_2919 : vector<16xi32>
        %shift_left3A_2921 = arith.constant 15 : i32
        %shift_left3A_2922 = vector.broadcast %shift_left3A_2921 : i32 to vector<16xi32>
        %shift_left3A_2923 = arith.shli %xor3A_2919, %shift_left3A_2922 : vector<16xi32>
        %shift_right_logical3A_2924 = arith.constant 17 : i32
        %shift_right_logical3A_2925 = vector.broadcast %shift_right_logical3A_2924 : i32 to vector<16xi32>
        %shift_right_logical3A_2926 = arith.shrui %xor3A_2919, %shift_right_logical3A_2925 : vector<16xi32>
        %or3A_2927 = arith.ori %shift_left3A_2923, %shift_right_logical3A_2926 : vector<16xi32>
        %xor3A_2928 = arith.xori %or3A_2927, %add3A_2920 : vector<16xi32>
        %add3A_2929 = arith.addi %add3A_2920, %xor3A_2928 : vector<16xi32>
        %shift_left3A_2930 = arith.constant 26 : i32
        %shift_left3A_2931 = vector.broadcast %shift_left3A_2930 : i32 to vector<16xi32>
        %shift_left3A_2932 = arith.shli %xor3A_2928, %shift_left3A_2931 : vector<16xi32>
        %shift_right_logical3A_2933 = arith.constant 6 : i32
        %shift_right_logical3A_2934 = vector.broadcast %shift_right_logical3A_2933 : i32 to vector<16xi32>
        %shift_right_logical3A_2935 = arith.shrui %xor3A_2928, %shift_right_logical3A_2934 : vector<16xi32>
        %or3A_2936 = arith.ori %shift_left3A_2932, %shift_right_logical3A_2935 : vector<16xi32>
        %xor3A_2937 = arith.xori %or3A_2936, %add3A_2929 : vector<16xi32>
        %add3A_2938 = arith.addi %add3A_2929, %xor3A_2937 : vector<16xi32>
        %shift_left3A_2939 = arith.constant 6 : i32
        %shift_left3A_2940 = vector.broadcast %shift_left3A_2939 : i32 to vector<16xi32>
        %shift_left3A_2941 = arith.shli %xor3A_2937, %shift_left3A_2940 : vector<16xi32>
        %shift_right_logical3A_2942 = arith.constant 26 : i32
        %shift_right_logical3A_2943 = vector.broadcast %shift_right_logical3A_2942 : i32 to vector<16xi32>
        %shift_right_logical3A_2944 = arith.shrui %xor3A_2937, %shift_right_logical3A_2943 : vector<16xi32>
        %or3A_2945 = arith.ori %shift_left3A_2941, %shift_right_logical3A_2944 : vector<16xi32>
        %xor3A_2946 = arith.xori %or3A_2945, %add3A_2938 : vector<16xi32>
        %add3A_2947 = arith.constant 466689008 : i32
        %add3A_2948 = vector.broadcast %add3A_2947 : i32 to vector<16xi32>
        %add3A_2949 = arith.addi %add3A_2938, %add3A_2948 : vector<16xi32>
        %add3A_2950 = arith.constant 5 : i32
        %add3A_2951 = vector.broadcast %add3A_2950 : i32 to vector<16xi32>
        %add3A_2952 = arith.addi %xor3A_2946, %add3A_2951 : vector<16xi32>
        %xor3A_2953 = arith.xori %add3A_2949, %add3A_2952 : vector<16xi32>
        %swap3A_2954 = arith.index_cast %add3A_2735 : i32 to index
        %swap3A_2955 = tpu.vector_load %arg3[%swap3A_2954] {strides = array<i32>} : memref<16384xi32, #tpu.memory_space<vmem>>, vector<16xi32>,
        %swap3A_2956 = vector.shape_cast %swap3A_2955 : vector<16xi32> to vector<16xi32>
        %swap3A_2957 = vector.shape_cast %xor3A_2953 : vector<16xi32> to vector<16xi32>
        tpu.vector_store %arg3[%swap3A_2954], %swap3A_2957 {strides = array<i32>} : memref<16384xi32, #tpu.memory_space<vmem>>, vector<16xi32>,
        %mul3A_2958 = arith.constant 256 : i32
        %mul3A_2959 = arith.muli %add3A_24, %mul3A_2958 : i32
        %add3A_2960 = arith.constant 208 : i32
        %add3A_2961 = arith.addi %mul3A_2959, %add3A_2960 : i32
        %add3A_2962 = arith.constant 10485760 : i32
        %add3A_2963 = arith.addi %add3A_2962, %add3A_14 : i32
        %add3A_2964 = arith.addi %add3A_2963, %add3A_2961 : i32
        %add3A_2965 = vector.broadcast %add3A_2964 : i32 to vector<16xi32>
        %add3A_2966 = arith.addi %add3A_2965, %iota3A : vector<16xi32>
        %add3A_2967 = arith.constant 42 : i32
        %add3A_2968 = vector.broadcast %add3A_2967 : i32 to vector<16xi32>
        %add3A_2969 = arith.addi %add3A_2966, %add3A_2968 : vector<16xi32>
        %shift_left3A_2970 = arith.constant 13 : i32
        %shift_left3A_2971 = vector.broadcast %shift_left3A_2970 : i32 to vector<16xi32>
        %shift_left3A_2972 = arith.shli %add3A_2969, %shift_left3A_2971 : vector<16xi32>
        %shift_right_logical3A_2973 = arith.constant 19 : i32
        %shift_right_logical3A_2974 = vector.broadcast %shift_right_logical3A_2973 : i32 to vector<16xi32>
        %shift_right_logical3A_2975 = arith.shrui %add3A_2969, %shift_right_logical3A_2974 : vector<16xi32>
        %or3A_2976 = arith.ori %shift_left3A_2972, %shift_right_logical3A_2975 : vector<16xi32>
        %xor3A_2977 = arith.xori %or3A_2976, %add3A_2969 : vector<16xi32>
        %add3A_2978 = arith.addi %add3A_2969, %xor3A_2977 : vector<16xi32>
        %shift_left3A_2979 = arith.constant 15 : i32
        %shift_left3A_2980 = vector.broadcast %shift_left3A_2979 : i32 to vector<16xi32>
        %shift_left3A_2981 = arith.shli %xor3A_2977, %shift_left3A_2980 : vector<16xi32>
        %shift_right_logical3A_2982 = arith.constant 17 : i32
        %shift_right_logical3A_2983 = vector.broadcast %shift_right_logical3A_2982 : i32 to vector<16xi32>
        %shift_right_logical3A_2984 = arith.shrui %xor3A_2977, %shift_right_logical3A_2983 : vector<16xi32>
        %or3A_2985 = arith.ori %shift_left3A_2981, %shift_right_logical3A_2984 : vector<16xi32>
        %xor3A_2986 = arith.xori %or3A_2985, %add3A_2978 : vector<16xi32>
        %add3A_2987 = arith.addi %add3A_2978, %xor3A_2986 : vector<16xi32>
        %shift_left3A_2988 = arith.constant 26 : i32
        %shift_left3A_2989 = vector.broadcast %shift_left3A_2988 : i32 to vector<16xi32>
        %shift_left3A_2990 = arith.shli %xor3A_2986, %shift_left3A_2989 : vector<16xi32>
        %shift_right_logical3A_2991 = arith.constant 6 : i32
        %shift_right_logical3A_2992 = vector.broadcast %shift_right_logical3A_2991 : i32 to vector<16xi32>
        %shift_right_logical3A_2993 = arith.shrui %xor3A_2986, %shift_right_logical3A_2992 : vector<16xi32>
        %or3A_2994 = arith.ori %shift_left3A_2990, %shift_right_logical3A_2993 : vector<16xi32>
        %xor3A_2995 = arith.xori %or3A_2994, %add3A_2987 : vector<16xi32>
        %add3A_2996 = arith.addi %add3A_2987, %xor3A_2995 : vector<16xi32>
        %shift_left3A_2997 = arith.constant 6 : i32
        %shift_left3A_2998 = vector.broadcast %shift_left3A_2997 : i32 to vector<16xi32>
        %shift_left3A_2999 = arith.shli %xor3A_2995, %shift_left3A_2998 : vector<16xi32>
        %shift_right_logical3A_3000 = arith.constant 26 : i32
        %shift_right_logical3A_3001 = vector.broadcast %shift_right_logical3A_3000 : i32 to vector<16xi32>
        %shift_right_logical3A_3002 = arith.shrui %xor3A_2995, %shift_right_logical3A_3001 : vector<16xi32>
        %or3A_3003 = arith.ori %shift_left3A_2999, %shift_right_logical3A_3002 : vector<16xi32>
        %xor3A_3004 = arith.xori %or3A_3003, %add3A_2996 : vector<16xi32>
        %add3A_3005 = arith.constant 42 : i32
        %add3A_3006 = vector.broadcast %add3A_3005 : i32 to vector<16xi32>
        %add3A_3007 = arith.addi %add3A_2996, %add3A_3006 : vector<16xi32>
        %add3A_3008 = arith.constant 466689009 : i32
        %add3A_3009 = vector.broadcast %add3A_3008 : i32 to vector<16xi32>
        %add3A_3010 = arith.addi %xor3A_3004, %add3A_3009 : vector<16xi32>
        %add3A_3011 = arith.addi %add3A_3007, %add3A_3010 : vector<16xi32>
        %shift_left3A_3012 = arith.constant 17 : i32
        %shift_left3A_3013 = vector.broadcast %shift_left3A_3012 : i32 to vector<16xi32>
        %shift_left3A_3014 = arith.shli %add3A_3010, %shift_left3A_3013 : vector<16xi32>
        %shift_right_logical3A_3015 = arith.constant 15 : i32
        %shift_right_logical3A_3016 = vector.broadcast %shift_right_logical3A_3015 : i32 to vector<16xi32>
        %shift_right_logical3A_3017 = arith.shrui %add3A_3010, %shift_right_logical3A_3016 : vector<16xi32>
        %or3A_3018 = arith.ori %shift_left3A_3014, %shift_right_logical3A_3017 : vector<16xi32>
        %xor3A_3019 = arith.xori %or3A_3018, %add3A_3011 : vector<16xi32>
        %add3A_3020 = arith.addi %add3A_3011, %xor3A_3019 : vector<16xi32>
        %shift_left3A_3021 = arith.constant 29 : i32
        %shift_left3A_3022 = vector.broadcast %shift_left3A_3021 : i32 to vector<16xi32>
        %shift_left3A_3023 = arith.shli %xor3A_3019, %shift_left3A_3022 : vector<16xi32>
        %shift_right_logical3A_3024 = arith.constant 3 : i32
        %shift_right_logical3A_3025 = vector.broadcast %shift_right_logical3A_3024 : i32 to vector<16xi32>
        %shift_right_logical3A_3026 = arith.shrui %xor3A_3019, %shift_right_logical3A_3025 : vector<16xi32>
        %or3A_3027 = arith.ori %shift_left3A_3023, %shift_right_logical3A_3026 : vector<16xi32>
        %xor3A_3028 = arith.xori %or3A_3027, %add3A_3020 : vector<16xi32>
        %add3A_3029 = arith.addi %add3A_3020, %xor3A_3028 : vector<16xi32>
        %shift_left3A_3030 = arith.constant 16 : i32
        %shift_left3A_3031 = vector.broadcast %shift_left3A_3030 : i32 to vector<16xi32>
        %shift_left3A_3032 = arith.shli %xor3A_3028, %shift_left3A_3031 : vector<16xi32>
        %shift_right_logical3A_3033 = arith.constant 16 : i32
        %shift_right_logical3A_3034 = vector.broadcast %shift_right_logical3A_3033 : i32 to vector<16xi32>
        %shift_right_logical3A_3035 = arith.shrui %xor3A_3028, %shift_right_logical3A_3034 : vector<16xi32>
        %or3A_3036 = arith.ori %shift_left3A_3032, %shift_right_logical3A_3035 : vector<16xi32>
        %xor3A_3037 = arith.xori %or3A_3036, %add3A_3029 : vector<16xi32>
        %add3A_3038 = arith.addi %add3A_3029, %xor3A_3037 : vector<16xi32>
        %shift_left3A_3039 = arith.constant 24 : i32
        %shift_left3A_3040 = vector.broadcast %shift_left3A_3039 : i32 to vector<16xi32>
        %shift_left3A_3041 = arith.shli %xor3A_3037, %shift_left3A_3040 : vector<16xi32>
        %shift_right_logical3A_3042 = arith.constant 8 : i32
        %shift_right_logical3A_3043 = vector.broadcast %shift_right_logical3A_3042 : i32 to vector<16xi32>
        %shift_right_logical3A_3044 = arith.shrui %xor3A_3037, %shift_right_logical3A_3043 : vector<16xi32>
        %or3A_3045 = arith.ori %shift_left3A_3041, %shift_right_logical3A_3044 : vector<16xi32>
        %xor3A_3046 = arith.xori %or3A_3045, %add3A_3038 : vector<16xi32>
        %add3A_3047 = arith.constant 466689008 : i32
        %add3A_3048 = vector.broadcast %add3A_3047 : i32 to vector<16xi32>
        %add3A_3049 = arith.addi %add3A_3038, %add3A_3048 : vector<16xi32>
        %add3A_3050 = arith.constant 2 : i32
        %add3A_3051 = vector.broadcast %add3A_3050 : i32 to vector<16xi32>
        %add3A_3052 = arith.addi %xor3A_3046, %add3A_3051 : vector<16xi32>
        %add3A_3053 = arith.addi %add3A_3049, %add3A_3052 : vector<16xi32>
        %shift_left3A_3054 = arith.constant 13 : i32
        %shift_left3A_3055 = vector.broadcast %shift_left3A_3054 : i32 to vector<16xi32>
        %shift_left3A_3056 = arith.shli %add3A_3052, %shift_left3A_3055 : vector<16xi32>
        %shift_right_logical3A_3057 = arith.constant 19 : i32
        %shift_right_logical3A_3058 = vector.broadcast %shift_right_logical3A_3057 : i32 to vector<16xi32>
        %shift_right_logical3A_3059 = arith.shrui %add3A_3052, %shift_right_logical3A_3058 : vector<16xi32>
        %or3A_3060 = arith.ori %shift_left3A_3056, %shift_right_logical3A_3059 : vector<16xi32>
        %xor3A_3061 = arith.xori %or3A_3060, %add3A_3053 : vector<16xi32>
        %add3A_3062 = arith.addi %add3A_3053, %xor3A_3061 : vector<16xi32>
        %shift_left3A_3063 = arith.constant 15 : i32
        %shift_left3A_3064 = vector.broadcast %shift_left3A_3063 : i32 to vector<16xi32>
        %shift_left3A_3065 = arith.shli %xor3A_3061, %shift_left3A_3064 : vector<16xi32>
        %shift_right_logical3A_3066 = arith.constant 17 : i32
        %shift_right_logical3A_3067 = vector.broadcast %shift_right_logical3A_3066 : i32 to vector<16xi32>
        %shift_right_logical3A_3068 = arith.shrui %xor3A_3061, %shift_right_logical3A_3067 : vector<16xi32>
        %or3A_3069 = arith.ori %shift_left3A_3065, %shift_right_logical3A_3068 : vector<16xi32>
        %xor3A_3070 = arith.xori %or3A_3069, %add3A_3062 : vector<16xi32>
        %add3A_3071 = arith.addi %add3A_3062, %xor3A_3070 : vector<16xi32>
        %shift_left3A_3072 = arith.constant 26 : i32
        %shift_left3A_3073 = vector.broadcast %shift_left3A_3072 : i32 to vector<16xi32>
        %shift_left3A_3074 = arith.shli %xor3A_3070, %shift_left3A_3073 : vector<16xi32>
        %shift_right_logical3A_3075 = arith.constant 6 : i32
        %shift_right_logical3A_3076 = vector.broadcast %shift_right_logical3A_3075 : i32 to vector<16xi32>
        %shift_right_logical3A_3077 = arith.shrui %xor3A_3070, %shift_right_logical3A_3076 : vector<16xi32>
        %or3A_3078 = arith.ori %shift_left3A_3074, %shift_right_logical3A_3077 : vector<16xi32>
        %xor3A_3079 = arith.xori %or3A_3078, %add3A_3071 : vector<16xi32>
        %add3A_3080 = arith.addi %add3A_3071, %xor3A_3079 : vector<16xi32>
        %shift_left3A_3081 = arith.constant 6 : i32
        %shift_left3A_3082 = vector.broadcast %shift_left3A_3081 : i32 to vector<16xi32>
        %shift_left3A_3083 = arith.shli %xor3A_3079, %shift_left3A_3082 : vector<16xi32>
        %shift_right_logical3A_3084 = arith.constant 26 : i32
        %shift_right_logical3A_3085 = vector.broadcast %shift_right_logical3A_3084 : i32 to vector<16xi32>
        %shift_right_logical3A_3086 = arith.shrui %xor3A_3079, %shift_right_logical3A_3085 : vector<16xi32>
        %or3A_3087 = arith.ori %shift_left3A_3083, %shift_right_logical3A_3086 : vector<16xi32>
        %xor3A_3088 = arith.xori %or3A_3087, %add3A_3080 : vector<16xi32>
        %add3A_3089 = arith.constant 0 : i32
        %add3A_3090 = vector.broadcast %add3A_3089 : i32 to vector<16xi32>
        %add3A_3091 = arith.addi %add3A_3080, %add3A_3090 : vector<16xi32>
        %add3A_3092 = arith.constant 45 : i32
        %add3A_3093 = vector.broadcast %add3A_3092 : i32 to vector<16xi32>
        %add3A_3094 = arith.addi %xor3A_3088, %add3A_3093 : vector<16xi32>
        %add3A_3095 = arith.addi %add3A_3091, %add3A_3094 : vector<16xi32>
        %shift_left3A_3096 = arith.constant 17 : i32
        %shift_left3A_3097 = vector.broadcast %shift_left3A_3096 : i32 to vector<16xi32>
        %shift_left3A_3098 = arith.shli %add3A_3094, %shift_left3A_3097 : vector<16xi32>
        %shift_right_logical3A_3099 = arith.constant 15 : i32
        %shift_right_logical3A_3100 = vector.broadcast %shift_right_logical3A_3099 : i32 to vector<16xi32>
        %shift_right_logical3A_3101 = arith.shrui %add3A_3094, %shift_right_logical3A_3100 : vector<16xi32>
        %or3A_3102 = arith.ori %shift_left3A_3098, %shift_right_logical3A_3101 : vector<16xi32>
        %xor3A_3103 = arith.xori %or3A_3102, %add3A_3095 : vector<16xi32>
        %add3A_3104 = arith.addi %add3A_3095, %xor3A_3103 : vector<16xi32>
        %shift_left3A_3105 = arith.constant 29 : i32
        %shift_left3A_3106 = vector.broadcast %shift_left3A_3105 : i32 to vector<16xi32>
        %shift_left3A_3107 = arith.shli %xor3A_3103, %shift_left3A_3106 : vector<16xi32>
        %shift_right_logical3A_3108 = arith.constant 3 : i32
        %shift_right_logical3A_3109 = vector.broadcast %shift_right_logical3A_3108 : i32 to vector<16xi32>
        %shift_right_logical3A_3110 = arith.shrui %xor3A_3103, %shift_right_logical3A_3109 : vector<16xi32>
        %or3A_3111 = arith.ori %shift_left3A_3107, %shift_right_logical3A_3110 : vector<16xi32>
        %xor3A_3112 = arith.xori %or3A_3111, %add3A_3104 : vector<16xi32>
        %add3A_3113 = arith.addi %add3A_3104, %xor3A_3112 : vector<16xi32>
        %shift_left3A_3114 = arith.constant 16 : i32
        %shift_left3A_3115 = vector.broadcast %shift_left3A_3114 : i32 to vector<16xi32>
        %shift_left3A_3116 = arith.shli %xor3A_3112, %shift_left3A_3115 : vector<16xi32>
        %shift_right_logical3A_3117 = arith.constant 16 : i32
        %shift_right_logical3A_3118 = vector.broadcast %shift_right_logical3A_3117 : i32 to vector<16xi32>
        %shift_right_logical3A_3119 = arith.shrui %xor3A_3112, %shift_right_logical3A_3118 : vector<16xi32>
        %or3A_3120 = arith.ori %shift_left3A_3116, %shift_right_logical3A_3119 : vector<16xi32>
        %xor3A_3121 = arith.xori %or3A_3120, %add3A_3113 : vector<16xi32>
        %add3A_3122 = arith.addi %add3A_3113, %xor3A_3121 : vector<16xi32>
        %shift_left3A_3123 = arith.constant 24 : i32
        %shift_left3A_3124 = vector.broadcast %shift_left3A_3123 : i32 to vector<16xi32>
        %shift_left3A_3125 = arith.shli %xor3A_3121, %shift_left3A_3124 : vector<16xi32>
        %shift_right_logical3A_3126 = arith.constant 8 : i32
        %shift_right_logical3A_3127 = vector.broadcast %shift_right_logical3A_3126 : i32 to vector<16xi32>
        %shift_right_logical3A_3128 = arith.shrui %xor3A_3121, %shift_right_logical3A_3127 : vector<16xi32>
        %or3A_3129 = arith.ori %shift_left3A_3125, %shift_right_logical3A_3128 : vector<16xi32>
        %xor3A_3130 = arith.xori %or3A_3129, %add3A_3122 : vector<16xi32>
        %add3A_3131 = arith.constant 42 : i32
        %add3A_3132 = vector.broadcast %add3A_3131 : i32 to vector<16xi32>
        %add3A_3133 = arith.addi %add3A_3122, %add3A_3132 : vector<16xi32>
        %add3A_3134 = arith.constant 466689012 : i32
        %add3A_3135 = vector.broadcast %add3A_3134 : i32 to vector<16xi32>
        %add3A_3136 = arith.addi %xor3A_3130, %add3A_3135 : vector<16xi32>
        %add3A_3137 = arith.addi %add3A_3133, %add3A_3136 : vector<16xi32>
        %shift_left3A_3138 = arith.constant 13 : i32
        %shift_left3A_3139 = vector.broadcast %shift_left3A_3138 : i32 to vector<16xi32>
        %shift_left3A_3140 = arith.shli %add3A_3136, %shift_left3A_3139 : vector<16xi32>
        %shift_right_logical3A_3141 = arith.constant 19 : i32
        %shift_right_logical3A_3142 = vector.broadcast %shift_right_logical3A_3141 : i32 to vector<16xi32>
        %shift_right_logical3A_3143 = arith.shrui %add3A_3136, %shift_right_logical3A_3142 : vector<16xi32>
        %or3A_3144 = arith.ori %shift_left3A_3140, %shift_right_logical3A_3143 : vector<16xi32>
        %xor3A_3145 = arith.xori %or3A_3144, %add3A_3137 : vector<16xi32>
        %add3A_3146 = arith.addi %add3A_3137, %xor3A_3145 : vector<16xi32>
        %shift_left3A_3147 = arith.constant 15 : i32
        %shift_left3A_3148 = vector.broadcast %shift_left3A_3147 : i32 to vector<16xi32>
        %shift_left3A_3149 = arith.shli %xor3A_3145, %shift_left3A_3148 : vector<16xi32>
        %shift_right_logical3A_3150 = arith.constant 17 : i32
        %shift_right_logical3A_3151 = vector.broadcast %shift_right_logical3A_3150 : i32 to vector<16xi32>
        %shift_right_logical3A_3152 = arith.shrui %xor3A_3145, %shift_right_logical3A_3151 : vector<16xi32>
        %or3A_3153 = arith.ori %shift_left3A_3149, %shift_right_logical3A_3152 : vector<16xi32>
        %xor3A_3154 = arith.xori %or3A_3153, %add3A_3146 : vector<16xi32>
        %add3A_3155 = arith.addi %add3A_3146, %xor3A_3154 : vector<16xi32>
        %shift_left3A_3156 = arith.constant 26 : i32
        %shift_left3A_3157 = vector.broadcast %shift_left3A_3156 : i32 to vector<16xi32>
        %shift_left3A_3158 = arith.shli %xor3A_3154, %shift_left3A_3157 : vector<16xi32>
        %shift_right_logical3A_3159 = arith.constant 6 : i32
        %shift_right_logical3A_3160 = vector.broadcast %shift_right_logical3A_3159 : i32 to vector<16xi32>
        %shift_right_logical3A_3161 = arith.shrui %xor3A_3154, %shift_right_logical3A_3160 : vector<16xi32>
        %or3A_3162 = arith.ori %shift_left3A_3158, %shift_right_logical3A_3161 : vector<16xi32>
        %xor3A_3163 = arith.xori %or3A_3162, %add3A_3155 : vector<16xi32>
        %add3A_3164 = arith.addi %add3A_3155, %xor3A_3163 : vector<16xi32>
        %shift_left3A_3165 = arith.constant 6 : i32
        %shift_left3A_3166 = vector.broadcast %shift_left3A_3165 : i32 to vector<16xi32>
        %shift_left3A_3167 = arith.shli %xor3A_3163, %shift_left3A_3166 : vector<16xi32>
        %shift_right_logical3A_3168 = arith.constant 26 : i32
        %shift_right_logical3A_3169 = vector.broadcast %shift_right_logical3A_3168 : i32 to vector<16xi32>
        %shift_right_logical3A_3170 = arith.shrui %xor3A_3163, %shift_right_logical3A_3169 : vector<16xi32>
        %or3A_3171 = arith.ori %shift_left3A_3167, %shift_right_logical3A_3170 : vector<16xi32>
        %xor3A_3172 = arith.xori %or3A_3171, %add3A_3164 : vector<16xi32>
        %add3A_3173 = arith.constant 466689008 : i32
        %add3A_3174 = vector.broadcast %add3A_3173 : i32 to vector<16xi32>
        %add3A_3175 = arith.addi %add3A_3164, %add3A_3174 : vector<16xi32>
        %add3A_3176 = arith.constant 5 : i32
        %add3A_3177 = vector.broadcast %add3A_3176 : i32 to vector<16xi32>
        %add3A_3178 = arith.addi %xor3A_3172, %add3A_3177 : vector<16xi32>
        %xor3A_3179 = arith.xori %add3A_3175, %add3A_3178 : vector<16xi32>
        %swap3A_3180 = arith.index_cast %add3A_2961 : i32 to index
        %swap3A_3181 = tpu.vector_load %arg3[%swap3A_3180] {strides = array<i32>} : memref<16384xi32, #tpu.memory_space<vmem>>, vector<16xi32>,
        %swap3A_3182 = vector.shape_cast %swap3A_3181 : vector<16xi32> to vector<16xi32>
        %swap3A_3183 = vector.shape_cast %xor3A_3179 : vector<16xi32> to vector<16xi32>
        tpu.vector_store %arg3[%swap3A_3180], %swap3A_3183 {strides = array<i32>} : memref<16384xi32, #tpu.memory_space<vmem>>, vector<16xi32>,
        %mul3A_3184 = arith.constant 256 : i32
        %mul3A_3185 = arith.muli %add3A_24, %mul3A_3184 : i32
        %add3A_3186 = arith.constant 224 : i32
        %add3A_3187 = arith.addi %mul3A_3185, %add3A_3186 : i32
        %add3A_3188 = arith.constant 10485760 : i32
        %add3A_3189 = arith.addi %add3A_3188, %add3A_14 : i32
        %add3A_3190 = arith.addi %add3A_3189, %add3A_3187 : i32
        %add3A_3191 = vector.broadcast %add3A_3190 : i32 to vector<16xi32>
        %add3A_3192 = arith.addi %add3A_3191, %iota3A : vector<16xi32>
        %add3A_3193 = arith.constant 42 : i32
        %add3A_3194 = vector.broadcast %add3A_3193 : i32 to vector<16xi32>
        %add3A_3195 = arith.addi %add3A_3192, %add3A_3194 : vector<16xi32>
        %shift_left3A_3196 = arith.constant 13 : i32
        %shift_left3A_3197 = vector.broadcast %shift_left3A_3196 : i32 to vector<16xi32>
        %shift_left3A_3198 = arith.shli %add3A_3195, %shift_left3A_3197 : vector<16xi32>
        %shift_right_logical3A_3199 = arith.constant 19 : i32
        %shift_right_logical3A_3200 = vector.broadcast %shift_right_logical3A_3199 : i32 to vector<16xi32>
        %shift_right_logical3A_3201 = arith.shrui %add3A_3195, %shift_right_logical3A_3200 : vector<16xi32>
        %or3A_3202 = arith.ori %shift_left3A_3198, %shift_right_logical3A_3201 : vector<16xi32>
        %xor3A_3203 = arith.xori %or3A_3202, %add3A_3195 : vector<16xi32>
        %add3A_3204 = arith.addi %add3A_3195, %xor3A_3203 : vector<16xi32>
        %shift_left3A_3205 = arith.constant 15 : i32
        %shift_left3A_3206 = vector.broadcast %shift_left3A_3205 : i32 to vector<16xi32>
        %shift_left3A_3207 = arith.shli %xor3A_3203, %shift_left3A_3206 : vector<16xi32>
        %shift_right_logical3A_3208 = arith.constant 17 : i32
        %shift_right_logical3A_3209 = vector.broadcast %shift_right_logical3A_3208 : i32 to vector<16xi32>
        %shift_right_logical3A_3210 = arith.shrui %xor3A_3203, %shift_right_logical3A_3209 : vector<16xi32>
        %or3A_3211 = arith.ori %shift_left3A_3207, %shift_right_logical3A_3210 : vector<16xi32>
        %xor3A_3212 = arith.xori %or3A_3211, %add3A_3204 : vector<16xi32>
        %add3A_3213 = arith.addi %add3A_3204, %xor3A_3212 : vector<16xi32>
        %shift_left3A_3214 = arith.constant 26 : i32
        %shift_left3A_3215 = vector.broadcast %shift_left3A_3214 : i32 to vector<16xi32>
        %shift_left3A_3216 = arith.shli %xor3A_3212, %shift_left3A_3215 : vector<16xi32>
        %shift_right_logical3A_3217 = arith.constant 6 : i32
        %shift_right_logical3A_3218 = vector.broadcast %shift_right_logical3A_3217 : i32 to vector<16xi32>
        %shift_right_logical3A_3219 = arith.shrui %xor3A_3212, %shift_right_logical3A_3218 : vector<16xi32>
        %or3A_3220 = arith.ori %shift_left3A_3216, %shift_right_logical3A_3219 : vector<16xi32>
        %xor3A_3221 = arith.xori %or3A_3220, %add3A_3213 : vector<16xi32>
        %add3A_3222 = arith.addi %add3A_3213, %xor3A_3221 : vector<16xi32>
        %shift_left3A_3223 = arith.constant 6 : i32
        %shift_left3A_3224 = vector.broadcast %shift_left3A_3223 : i32 to vector<16xi32>
        %shift_left3A_3225 = arith.shli %xor3A_3221, %shift_left3A_3224 : vector<16xi32>
        %shift_right_logical3A_3226 = arith.constant 26 : i32
        %shift_right_logical3A_3227 = vector.broadcast %shift_right_logical3A_3226 : i32 to vector<16xi32>
        %shift_right_logical3A_3228 = arith.shrui %xor3A_3221, %shift_right_logical3A_3227 : vector<16xi32>
        %or3A_3229 = arith.ori %shift_left3A_3225, %shift_right_logical3A_3228 : vector<16xi32>
        %xor3A_3230 = arith.xori %or3A_3229, %add3A_3222 : vector<16xi32>
        %add3A_3231 = arith.constant 42 : i32
        %add3A_3232 = vector.broadcast %add3A_3231 : i32 to vector<16xi32>
        %add3A_3233 = arith.addi %add3A_3222, %add3A_3232 : vector<16xi32>
        %add3A_3234 = arith.constant 466689009 : i32
        %add3A_3235 = vector.broadcast %add3A_3234 : i32 to vector<16xi32>
        %add3A_3236 = arith.addi %xor3A_3230, %add3A_3235 : vector<16xi32>
        %add3A_3237 = arith.addi %add3A_3233, %add3A_3236 : vector<16xi32>
        %shift_left3A_3238 = arith.constant 17 : i32
        %shift_left3A_3239 = vector.broadcast %shift_left3A_3238 : i32 to vector<16xi32>
        %shift_left3A_3240 = arith.shli %add3A_3236, %shift_left3A_3239 : vector<16xi32>
        %shift_right_logical3A_3241 = arith.constant 15 : i32
        %shift_right_logical3A_3242 = vector.broadcast %shift_right_logical3A_3241 : i32 to vector<16xi32>
        %shift_right_logical3A_3243 = arith.shrui %add3A_3236, %shift_right_logical3A_3242 : vector<16xi32>
        %or3A_3244 = arith.ori %shift_left3A_3240, %shift_right_logical3A_3243 : vector<16xi32>
        %xor3A_3245 = arith.xori %or3A_3244, %add3A_3237 : vector<16xi32>
        %add3A_3246 = arith.addi %add3A_3237, %xor3A_3245 : vector<16xi32>
        %shift_left3A_3247 = arith.constant 29 : i32
        %shift_left3A_3248 = vector.broadcast %shift_left3A_3247 : i32 to vector<16xi32>
        %shift_left3A_3249 = arith.shli %xor3A_3245, %shift_left3A_3248 : vector<16xi32>
        %shift_right_logical3A_3250 = arith.constant 3 : i32
        %shift_right_logical3A_3251 = vector.broadcast %shift_right_logical3A_3250 : i32 to vector<16xi32>
        %shift_right_logical3A_3252 = arith.shrui %xor3A_3245, %shift_right_logical3A_3251 : vector<16xi32>
        %or3A_3253 = arith.ori %shift_left3A_3249, %shift_right_logical3A_3252 : vector<16xi32>
        %xor3A_3254 = arith.xori %or3A_3253, %add3A_3246 : vector<16xi32>
        %add3A_3255 = arith.addi %add3A_3246, %xor3A_3254 : vector<16xi32>
        %shift_left3A_3256 = arith.constant 16 : i32
        %shift_left3A_3257 = vector.broadcast %shift_left3A_3256 : i32 to vector<16xi32>
        %shift_left3A_3258 = arith.shli %xor3A_3254, %shift_left3A_3257 : vector<16xi32>
        %shift_right_logical3A_3259 = arith.constant 16 : i32
        %shift_right_logical3A_3260 = vector.broadcast %shift_right_logical3A_3259 : i32 to vector<16xi32>
        %shift_right_logical3A_3261 = arith.shrui %xor3A_3254, %shift_right_logical3A_3260 : vector<16xi32>
        %or3A_3262 = arith.ori %shift_left3A_3258, %shift_right_logical3A_3261 : vector<16xi32>
        %xor3A_3263 = arith.xori %or3A_3262, %add3A_3255 : vector<16xi32>
        %add3A_3264 = arith.addi %add3A_3255, %xor3A_3263 : vector<16xi32>
        %shift_left3A_3265 = arith.constant 24 : i32
        %shift_left3A_3266 = vector.broadcast %shift_left3A_3265 : i32 to vector<16xi32>
        %shift_left3A_3267 = arith.shli %xor3A_3263, %shift_left3A_3266 : vector<16xi32>
        %shift_right_logical3A_3268 = arith.constant 8 : i32
        %shift_right_logical3A_3269 = vector.broadcast %shift_right_logical3A_3268 : i32 to vector<16xi32>
        %shift_right_logical3A_3270 = arith.shrui %xor3A_3263, %shift_right_logical3A_3269 : vector<16xi32>
        %or3A_3271 = arith.ori %shift_left3A_3267, %shift_right_logical3A_3270 : vector<16xi32>
        %xor3A_3272 = arith.xori %or3A_3271, %add3A_3264 : vector<16xi32>
        %add3A_3273 = arith.constant 466689008 : i32
        %add3A_3274 = vector.broadcast %add3A_3273 : i32 to vector<16xi32>
        %add3A_3275 = arith.addi %add3A_3264, %add3A_3274 : vector<16xi32>
        %add3A_3276 = arith.constant 2 : i32
        %add3A_3277 = vector.broadcast %add3A_3276 : i32 to vector<16xi32>
        %add3A_3278 = arith.addi %xor3A_3272, %add3A_3277 : vector<16xi32>
        %add3A_3279 = arith.addi %add3A_3275, %add3A_3278 : vector<16xi32>
        %shift_left3A_3280 = arith.constant 13 : i32
        %shift_left3A_3281 = vector.broadcast %shift_left3A_3280 : i32 to vector<16xi32>
        %shift_left3A_3282 = arith.shli %add3A_3278, %shift_left3A_3281 : vector<16xi32>
        %shift_right_logical3A_3283 = arith.constant 19 : i32
        %shift_right_logical3A_3284 = vector.broadcast %shift_right_logical3A_3283 : i32 to vector<16xi32>
        %shift_right_logical3A_3285 = arith.shrui %add3A_3278, %shift_right_logical3A_3284 : vector<16xi32>
        %or3A_3286 = arith.ori %shift_left3A_3282, %shift_right_logical3A_3285 : vector<16xi32>
        %xor3A_3287 = arith.xori %or3A_3286, %add3A_3279 : vector<16xi32>
        %add3A_3288 = arith.addi %add3A_3279, %xor3A_3287 : vector<16xi32>
        %shift_left3A_3289 = arith.constant 15 : i32
        %shift_left3A_3290 = vector.broadcast %shift_left3A_3289 : i32 to vector<16xi32>
        %shift_left3A_3291 = arith.shli %xor3A_3287, %shift_left3A_3290 : vector<16xi32>
        %shift_right_logical3A_3292 = arith.constant 17 : i32
        %shift_right_logical3A_3293 = vector.broadcast %shift_right_logical3A_3292 : i32 to vector<16xi32>
        %shift_right_logical3A_3294 = arith.shrui %xor3A_3287, %shift_right_logical3A_3293 : vector<16xi32>
        %or3A_3295 = arith.ori %shift_left3A_3291, %shift_right_logical3A_3294 : vector<16xi32>
        %xor3A_3296 = arith.xori %or3A_3295, %add3A_3288 : vector<16xi32>
        %add3A_3297 = arith.addi %add3A_3288, %xor3A_3296 : vector<16xi32>
        %shift_left3A_3298 = arith.constant 26 : i32
        %shift_left3A_3299 = vector.broadcast %shift_left3A_3298 : i32 to vector<16xi32>
        %shift_left3A_3300 = arith.shli %xor3A_3296, %shift_left3A_3299 : vector<16xi32>
        %shift_right_logical3A_3301 = arith.constant 6 : i32
        %shift_right_logical3A_3302 = vector.broadcast %shift_right_logical3A_3301 : i32 to vector<16xi32>
        %shift_right_logical3A_3303 = arith.shrui %xor3A_3296, %shift_right_logical3A_3302 : vector<16xi32>
        %or3A_3304 = arith.ori %shift_left3A_3300, %shift_right_logical3A_3303 : vector<16xi32>
        %xor3A_3305 = arith.xori %or3A_3304, %add3A_3297 : vector<16xi32>
        %add3A_3306 = arith.addi %add3A_3297, %xor3A_3305 : vector<16xi32>
        %shift_left3A_3307 = arith.constant 6 : i32
        %shift_left3A_3308 = vector.broadcast %shift_left3A_3307 : i32 to vector<16xi32>
        %shift_left3A_3309 = arith.shli %xor3A_3305, %shift_left3A_3308 : vector<16xi32>
        %shift_right_logical3A_3310 = arith.constant 26 : i32
        %shift_right_logical3A_3311 = vector.broadcast %shift_right_logical3A_3310 : i32 to vector<16xi32>
        %shift_right_logical3A_3312 = arith.shrui %xor3A_3305, %shift_right_logical3A_3311 : vector<16xi32>
        %or3A_3313 = arith.ori %shift_left3A_3309, %shift_right_logical3A_3312 : vector<16xi32>
        %xor3A_3314 = arith.xori %or3A_3313, %add3A_3306 : vector<16xi32>
        %add3A_3315 = arith.constant 0 : i32
        %add3A_3316 = vector.broadcast %add3A_3315 : i32 to vector<16xi32>
        %add3A_3317 = arith.addi %add3A_3306, %add3A_3316 : vector<16xi32>
        %add3A_3318 = arith.constant 45 : i32
        %add3A_3319 = vector.broadcast %add3A_3318 : i32 to vector<16xi32>
        %add3A_3320 = arith.addi %xor3A_3314, %add3A_3319 : vector<16xi32>
        %add3A_3321 = arith.addi %add3A_3317, %add3A_3320 : vector<16xi32>
        %shift_left3A_3322 = arith.constant 17 : i32
        %shift_left3A_3323 = vector.broadcast %shift_left3A_3322 : i32 to vector<16xi32>
        %shift_left3A_3324 = arith.shli %add3A_3320, %shift_left3A_3323 : vector<16xi32>
        %shift_right_logical3A_3325 = arith.constant 15 : i32
        %shift_right_logical3A_3326 = vector.broadcast %shift_right_logical3A_3325 : i32 to vector<16xi32>
        %shift_right_logical3A_3327 = arith.shrui %add3A_3320, %shift_right_logical3A_3326 : vector<16xi32>
        %or3A_3328 = arith.ori %shift_left3A_3324, %shift_right_logical3A_3327 : vector<16xi32>
        %xor3A_3329 = arith.xori %or3A_3328, %add3A_3321 : vector<16xi32>
        %add3A_3330 = arith.addi %add3A_3321, %xor3A_3329 : vector<16xi32>
        %shift_left3A_3331 = arith.constant 29 : i32
        %shift_left3A_3332 = vector.broadcast %shift_left3A_3331 : i32 to vector<16xi32>
        %shift_left3A_3333 = arith.shli %xor3A_3329, %shift_left3A_3332 : vector<16xi32>
        %shift_right_logical3A_3334 = arith.constant 3 : i32
        %shift_right_logical3A_3335 = vector.broadcast %shift_right_logical3A_3334 : i32 to vector<16xi32>
        %shift_right_logical3A_3336 = arith.shrui %xor3A_3329, %shift_right_logical3A_3335 : vector<16xi32>
        %or3A_3337 = arith.ori %shift_left3A_3333, %shift_right_logical3A_3336 : vector<16xi32>
        %xor3A_3338 = arith.xori %or3A_3337, %add3A_3330 : vector<16xi32>
        %add3A_3339 = arith.addi %add3A_3330, %xor3A_3338 : vector<16xi32>
        %shift_left3A_3340 = arith.constant 16 : i32
        %shift_left3A_3341 = vector.broadcast %shift_left3A_3340 : i32 to vector<16xi32>
        %shift_left3A_3342 = arith.shli %xor3A_3338, %shift_left3A_3341 : vector<16xi32>
        %shift_right_logical3A_3343 = arith.constant 16 : i32
        %shift_right_logical3A_3344 = vector.broadcast %shift_right_logical3A_3343 : i32 to vector<16xi32>
        %shift_right_logical3A_3345 = arith.shrui %xor3A_3338, %shift_right_logical3A_3344 : vector<16xi32>
        %or3A_3346 = arith.ori %shift_left3A_3342, %shift_right_logical3A_3345 : vector<16xi32>
        %xor3A_3347 = arith.xori %or3A_3346, %add3A_3339 : vector<16xi32>
        %add3A_3348 = arith.addi %add3A_3339, %xor3A_3347 : vector<16xi32>
        %shift_left3A_3349 = arith.constant 24 : i32
        %shift_left3A_3350 = vector.broadcast %shift_left3A_3349 : i32 to vector<16xi32>
        %shift_left3A_3351 = arith.shli %xor3A_3347, %shift_left3A_3350 : vector<16xi32>
        %shift_right_logical3A_3352 = arith.constant 8 : i32
        %shift_right_logical3A_3353 = vector.broadcast %shift_right_logical3A_3352 : i32 to vector<16xi32>
        %shift_right_logical3A_3354 = arith.shrui %xor3A_3347, %shift_right_logical3A_3353 : vector<16xi32>
        %or3A_3355 = arith.ori %shift_left3A_3351, %shift_right_logical3A_3354 : vector<16xi32>
        %xor3A_3356 = arith.xori %or3A_3355, %add3A_3348 : vector<16xi32>
        %add3A_3357 = arith.constant 42 : i32
        %add3A_3358 = vector.broadcast %add3A_3357 : i32 to vector<16xi32>
        %add3A_3359 = arith.addi %add3A_3348, %add3A_3358 : vector<16xi32>
        %add3A_3360 = arith.constant 466689012 : i32
        %add3A_3361 = vector.broadcast %add3A_3360 : i32 to vector<16xi32>
        %add3A_3362 = arith.addi %xor3A_3356, %add3A_3361 : vector<16xi32>
        %add3A_3363 = arith.addi %add3A_3359, %add3A_3362 : vector<16xi32>
        %shift_left3A_3364 = arith.constant 13 : i32
        %shift_left3A_3365 = vector.broadcast %shift_left3A_3364 : i32 to vector<16xi32>
        %shift_left3A_3366 = arith.shli %add3A_3362, %shift_left3A_3365 : vector<16xi32>
        %shift_right_logical3A_3367 = arith.constant 19 : i32
        %shift_right_logical3A_3368 = vector.broadcast %shift_right_logical3A_3367 : i32 to vector<16xi32>
        %shift_right_logical3A_3369 = arith.shrui %add3A_3362, %shift_right_logical3A_3368 : vector<16xi32>
        %or3A_3370 = arith.ori %shift_left3A_3366, %shift_right_logical3A_3369 : vector<16xi32>
        %xor3A_3371 = arith.xori %or3A_3370, %add3A_3363 : vector<16xi32>
        %add3A_3372 = arith.addi %add3A_3363, %xor3A_3371 : vector<16xi32>
        %shift_left3A_3373 = arith.constant 15 : i32
        %shift_left3A_3374 = vector.broadcast %shift_left3A_3373 : i32 to vector<16xi32>
        %shift_left3A_3375 = arith.shli %xor3A_3371, %shift_left3A_3374 : vector<16xi32>
        %shift_right_logical3A_3376 = arith.constant 17 : i32
        %shift_right_logical3A_3377 = vector.broadcast %shift_right_logical3A_3376 : i32 to vector<16xi32>
        %shift_right_logical3A_3378 = arith.shrui %xor3A_3371, %shift_right_logical3A_3377 : vector<16xi32>
        %or3A_3379 = arith.ori %shift_left3A_3375, %shift_right_logical3A_3378 : vector<16xi32>
        %xor3A_3380 = arith.xori %or3A_3379, %add3A_3372 : vector<16xi32>
        %add3A_3381 = arith.addi %add3A_3372, %xor3A_3380 : vector<16xi32>
        %shift_left3A_3382 = arith.constant 26 : i32
        %shift_left3A_3383 = vector.broadcast %shift_left3A_3382 : i32 to vector<16xi32>
        %shift_left3A_3384 = arith.shli %xor3A_3380, %shift_left3A_3383 : vector<16xi32>
        %shift_right_logical3A_3385 = arith.constant 6 : i32
        %shift_right_logical3A_3386 = vector.broadcast %shift_right_logical3A_3385 : i32 to vector<16xi32>
        %shift_right_logical3A_3387 = arith.shrui %xor3A_3380, %shift_right_logical3A_3386 : vector<16xi32>
        %or3A_3388 = arith.ori %shift_left3A_3384, %shift_right_logical3A_3387 : vector<16xi32>
        %xor3A_3389 = arith.xori %or3A_3388, %add3A_3381 : vector<16xi32>
        %add3A_3390 = arith.addi %add3A_3381, %xor3A_3389 : vector<16xi32>
        %shift_left3A_3391 = arith.constant 6 : i32
        %shift_left3A_3392 = vector.broadcast %shift_left3A_3391 : i32 to vector<16xi32>
        %shift_left3A_3393 = arith.shli %xor3A_3389, %shift_left3A_3392 : vector<16xi32>
        %shift_right_logical3A_3394 = arith.constant 26 : i32
        %shift_right_logical3A_3395 = vector.broadcast %shift_right_logical3A_3394 : i32 to vector<16xi32>
        %shift_right_logical3A_3396 = arith.shrui %xor3A_3389, %shift_right_logical3A_3395 : vector<16xi32>
        %or3A_3397 = arith.ori %shift_left3A_3393, %shift_right_logical3A_3396 : vector<16xi32>
        %xor3A_3398 = arith.xori %or3A_3397, %add3A_3390 : vector<16xi32>
        %add3A_3399 = arith.constant 466689008 : i32
        %add3A_3400 = vector.broadcast %add3A_3399 : i32 to vector<16xi32>
        %add3A_3401 = arith.addi %add3A_3390, %add3A_3400 : vector<16xi32>
        %add3A_3402 = arith.constant 5 : i32
        %add3A_3403 = vector.broadcast %add3A_3402 : i32 to vector<16xi32>
        %add3A_3404 = arith.addi %xor3A_3398, %add3A_3403 : vector<16xi32>
        %xor3A_3405 = arith.xori %add3A_3401, %add3A_3404 : vector<16xi32>
        %swap3A_3406 = arith.index_cast %add3A_3187 : i32 to index
        %swap3A_3407 = tpu.vector_load %arg3[%swap3A_3406] {strides = array<i32>} : memref<16384xi32, #tpu.memory_space<vmem>>, vector<16xi32>,
        %swap3A_3408 = vector.shape_cast %swap3A_3407 : vector<16xi32> to vector<16xi32>
        %swap3A_3409 = vector.shape_cast %xor3A_3405 : vector<16xi32> to vector<16xi32>
        tpu.vector_store %arg3[%swap3A_3406], %swap3A_3409 {strides = array<i32>} : memref<16384xi32, #tpu.memory_space<vmem>>, vector<16xi32>,
        %mul3A_3410 = arith.constant 256 : i32
        %mul3A_3411 = arith.muli %add3A_24, %mul3A_3410 : i32
        %add3A_3412 = arith.constant 240 : i32
        %add3A_3413 = arith.addi %mul3A_3411, %add3A_3412 : i32
        %add3A_3414 = arith.constant 10485760 : i32
        %add3A_3415 = arith.addi %add3A_3414, %add3A_14 : i32
        %add3A_3416 = arith.addi %add3A_3415, %add3A_3413 : i32
        %add3A_3417 = vector.broadcast %add3A_3416 : i32 to vector<16xi32>
        %add3A_3418 = arith.addi %add3A_3417, %iota3A : vector<16xi32>
        %add3A_3419 = arith.constant 42 : i32
        %add3A_3420 = vector.broadcast %add3A_3419 : i32 to vector<16xi32>
        %add3A_3421 = arith.addi %add3A_3418, %add3A_3420 : vector<16xi32>
        %shift_left3A_3422 = arith.constant 13 : i32
        %shift_left3A_3423 = vector.broadcast %shift_left3A_3422 : i32 to vector<16xi32>
        %shift_left3A_3424 = arith.shli %add3A_3421, %shift_left3A_3423 : vector<16xi32>
        %shift_right_logical3A_3425 = arith.constant 19 : i32
        %shift_right_logical3A_3426 = vector.broadcast %shift_right_logical3A_3425 : i32 to vector<16xi32>
        %shift_right_logical3A_3427 = arith.shrui %add3A_3421, %shift_right_logical3A_3426 : vector<16xi32>
        %or3A_3428 = arith.ori %shift_left3A_3424, %shift_right_logical3A_3427 : vector<16xi32>
        %xor3A_3429 = arith.xori %or3A_3428, %add3A_3421 : vector<16xi32>
        %add3A_3430 = arith.addi %add3A_3421, %xor3A_3429 : vector<16xi32>
        %shift_left3A_3431 = arith.constant 15 : i32
        %shift_left3A_3432 = vector.broadcast %shift_left3A_3431 : i32 to vector<16xi32>
        %shift_left3A_3433 = arith.shli %xor3A_3429, %shift_left3A_3432 : vector<16xi32>
        %shift_right_logical3A_3434 = arith.constant 17 : i32
        %shift_right_logical3A_3435 = vector.broadcast %shift_right_logical3A_3434 : i32 to vector<16xi32>
        %shift_right_logical3A_3436 = arith.shrui %xor3A_3429, %shift_right_logical3A_3435 : vector<16xi32>
        %or3A_3437 = arith.ori %shift_left3A_3433, %shift_right_logical3A_3436 : vector<16xi32>
        %xor3A_3438 = arith.xori %or3A_3437, %add3A_3430 : vector<16xi32>
        %add3A_3439 = arith.addi %add3A_3430, %xor3A_3438 : vector<16xi32>
        %shift_left3A_3440 = arith.constant 26 : i32
        %shift_left3A_3441 = vector.broadcast %shift_left3A_3440 : i32 to vector<16xi32>
        %shift_left3A_3442 = arith.shli %xor3A_3438, %shift_left3A_3441 : vector<16xi32>
        %shift_right_logical3A_3443 = arith.constant 6 : i32
        %shift_right_logical3A_3444 = vector.broadcast %shift_right_logical3A_3443 : i32 to vector<16xi32>
        %shift_right_logical3A_3445 = arith.shrui %xor3A_3438, %shift_right_logical3A_3444 : vector<16xi32>
        %or3A_3446 = arith.ori %shift_left3A_3442, %shift_right_logical3A_3445 : vector<16xi32>
        %xor3A_3447 = arith.xori %or3A_3446, %add3A_3439 : vector<16xi32>
        %add3A_3448 = arith.addi %add3A_3439, %xor3A_3447 : vector<16xi32>
        %shift_left3A_3449 = arith.constant 6 : i32
        %shift_left3A_3450 = vector.broadcast %shift_left3A_3449 : i32 to vector<16xi32>
        %shift_left3A_3451 = arith.shli %xor3A_3447, %shift_left3A_3450 : vector<16xi32>
        %shift_right_logical3A_3452 = arith.constant 26 : i32
        %shift_right_logical3A_3453 = vector.broadcast %shift_right_logical3A_3452 : i32 to vector<16xi32>
        %shift_right_logical3A_3454 = arith.shrui %xor3A_3447, %shift_right_logical3A_3453 : vector<16xi32>
        %or3A_3455 = arith.ori %shift_left3A_3451, %shift_right_logical3A_3454 : vector<16xi32>
        %xor3A_3456 = arith.xori %or3A_3455, %add3A_3448 : vector<16xi32>
        %add3A_3457 = arith.constant 42 : i32
        %add3A_3458 = vector.broadcast %add3A_3457 : i32 to vector<16xi32>
        %add3A_3459 = arith.addi %add3A_3448, %add3A_3458 : vector<16xi32>
        %add3A_3460 = arith.constant 466689009 : i32
        %add3A_3461 = vector.broadcast %add3A_3460 : i32 to vector<16xi32>
        %add3A_3462 = arith.addi %xor3A_3456, %add3A_3461 : vector<16xi32>
        %add3A_3463 = arith.addi %add3A_3459, %add3A_3462 : vector<16xi32>
        %shift_left3A_3464 = arith.constant 17 : i32
        %shift_left3A_3465 = vector.broadcast %shift_left3A_3464 : i32 to vector<16xi32>
        %shift_left3A_3466 = arith.shli %add3A_3462, %shift_left3A_3465 : vector<16xi32>
        %shift_right_logical3A_3467 = arith.constant 15 : i32
        %shift_right_logical3A_3468 = vector.broadcast %shift_right_logical3A_3467 : i32 to vector<16xi32>
        %shift_right_logical3A_3469 = arith.shrui %add3A_3462, %shift_right_logical3A_3468 : vector<16xi32>
        %or3A_3470 = arith.ori %shift_left3A_3466, %shift_right_logical3A_3469 : vector<16xi32>
        %xor3A_3471 = arith.xori %or3A_3470, %add3A_3463 : vector<16xi32>
        %add3A_3472 = arith.addi %add3A_3463, %xor3A_3471 : vector<16xi32>
        %shift_left3A_3473 = arith.constant 29 : i32
        %shift_left3A_3474 = vector.broadcast %shift_left3A_3473 : i32 to vector<16xi32>
        %shift_left3A_3475 = arith.shli %xor3A_3471, %shift_left3A_3474 : vector<16xi32>
        %shift_right_logical3A_3476 = arith.constant 3 : i32
        %shift_right_logical3A_3477 = vector.broadcast %shift_right_logical3A_3476 : i32 to vector<16xi32>
        %shift_right_logical3A_3478 = arith.shrui %xor3A_3471, %shift_right_logical3A_3477 : vector<16xi32>
        %or3A_3479 = arith.ori %shift_left3A_3475, %shift_right_logical3A_3478 : vector<16xi32>
        %xor3A_3480 = arith.xori %or3A_3479, %add3A_3472 : vector<16xi32>
        %add3A_3481 = arith.addi %add3A_3472, %xor3A_3480 : vector<16xi32>
        %shift_left3A_3482 = arith.constant 16 : i32
        %shift_left3A_3483 = vector.broadcast %shift_left3A_3482 : i32 to vector<16xi32>
        %shift_left3A_3484 = arith.shli %xor3A_3480, %shift_left3A_3483 : vector<16xi32>
        %shift_right_logical3A_3485 = arith.constant 16 : i32
        %shift_right_logical3A_3486 = vector.broadcast %shift_right_logical3A_3485 : i32 to vector<16xi32>
        %shift_right_logical3A_3487 = arith.shrui %xor3A_3480, %shift_right_logical3A_3486 : vector<16xi32>
        %or3A_3488 = arith.ori %shift_left3A_3484, %shift_right_logical3A_3487 : vector<16xi32>
        %xor3A_3489 = arith.xori %or3A_3488, %add3A_3481 : vector<16xi32>
        %add3A_3490 = arith.addi %add3A_3481, %xor3A_3489 : vector<16xi32>
        %shift_left3A_3491 = arith.constant 24 : i32
        %shift_left3A_3492 = vector.broadcast %shift_left3A_3491 : i32 to vector<16xi32>
        %shift_left3A_3493 = arith.shli %xor3A_3489, %shift_left3A_3492 : vector<16xi32>
        %shift_right_logical3A_3494 = arith.constant 8 : i32
        %shift_right_logical3A_3495 = vector.broadcast %shift_right_logical3A_3494 : i32 to vector<16xi32>
        %shift_right_logical3A_3496 = arith.shrui %xor3A_3489, %shift_right_logical3A_3495 : vector<16xi32>
        %or3A_3497 = arith.ori %shift_left3A_3493, %shift_right_logical3A_3496 : vector<16xi32>
        %xor3A_3498 = arith.xori %or3A_3497, %add3A_3490 : vector<16xi32>
        %add3A_3499 = arith.constant 466689008 : i32
        %add3A_3500 = vector.broadcast %add3A_3499 : i32 to vector<16xi32>
        %add3A_3501 = arith.addi %add3A_3490, %add3A_3500 : vector<16xi32>
        %add3A_3502 = arith.constant 2 : i32
        %add3A_3503 = vector.broadcast %add3A_3502 : i32 to vector<16xi32>
        %add3A_3504 = arith.addi %xor3A_3498, %add3A_3503 : vector<16xi32>
        %add3A_3505 = arith.addi %add3A_3501, %add3A_3504 : vector<16xi32>
        %shift_left3A_3506 = arith.constant 13 : i32
        %shift_left3A_3507 = vector.broadcast %shift_left3A_3506 : i32 to vector<16xi32>
        %shift_left3A_3508 = arith.shli %add3A_3504, %shift_left3A_3507 : vector<16xi32>
        %shift_right_logical3A_3509 = arith.constant 19 : i32
        %shift_right_logical3A_3510 = vector.broadcast %shift_right_logical3A_3509 : i32 to vector<16xi32>
        %shift_right_logical3A_3511 = arith.shrui %add3A_3504, %shift_right_logical3A_3510 : vector<16xi32>
        %or3A_3512 = arith.ori %shift_left3A_3508, %shift_right_logical3A_3511 : vector<16xi32>
        %xor3A_3513 = arith.xori %or3A_3512, %add3A_3505 : vector<16xi32>
        %add3A_3514 = arith.addi %add3A_3505, %xor3A_3513 : vector<16xi32>
        %shift_left3A_3515 = arith.constant 15 : i32
        %shift_left3A_3516 = vector.broadcast %shift_left3A_3515 : i32 to vector<16xi32>
        %shift_left3A_3517 = arith.shli %xor3A_3513, %shift_left3A_3516 : vector<16xi32>
        %shift_right_logical3A_3518 = arith.constant 17 : i32
        %shift_right_logical3A_3519 = vector.broadcast %shift_right_logical3A_3518 : i32 to vector<16xi32>
        %shift_right_logical3A_3520 = arith.shrui %xor3A_3513, %shift_right_logical3A_3519 : vector<16xi32>
        %or3A_3521 = arith.ori %shift_left3A_3517, %shift_right_logical3A_3520 : vector<16xi32>
        %xor3A_3522 = arith.xori %or3A_3521, %add3A_3514 : vector<16xi32>
        %add3A_3523 = arith.addi %add3A_3514, %xor3A_3522 : vector<16xi32>
        %shift_left3A_3524 = arith.constant 26 : i32
        %shift_left3A_3525 = vector.broadcast %shift_left3A_3524 : i32 to vector<16xi32>
        %shift_left3A_3526 = arith.shli %xor3A_3522, %shift_left3A_3525 : vector<16xi32>
        %shift_right_logical3A_3527 = arith.constant 6 : i32
        %shift_right_logical3A_3528 = vector.broadcast %shift_right_logical3A_3527 : i32 to vector<16xi32>
        %shift_right_logical3A_3529 = arith.shrui %xor3A_3522, %shift_right_logical3A_3528 : vector<16xi32>
        %or3A_3530 = arith.ori %shift_left3A_3526, %shift_right_logical3A_3529 : vector<16xi32>
        %xor3A_3531 = arith.xori %or3A_3530, %add3A_3523 : vector<16xi32>
        %add3A_3532 = arith.addi %add3A_3523, %xor3A_3531 : vector<16xi32>
        %shift_left3A_3533 = arith.constant 6 : i32
        %shift_left3A_3534 = vector.broadcast %shift_left3A_3533 : i32 to vector<16xi32>
        %shift_left3A_3535 = arith.shli %xor3A_3531, %shift_left3A_3534 : vector<16xi32>
        %shift_right_logical3A_3536 = arith.constant 26 : i32
        %shift_right_logical3A_3537 = vector.broadcast %shift_right_logical3A_3536 : i32 to vector<16xi32>
        %shift_right_logical3A_3538 = arith.shrui %xor3A_3531, %shift_right_logical3A_3537 : vector<16xi32>
        %or3A_3539 = arith.ori %shift_left3A_3535, %shift_right_logical3A_3538 : vector<16xi32>
        %xor3A_3540 = arith.xori %or3A_3539, %add3A_3532 : vector<16xi32>
        %add3A_3541 = arith.constant 0 : i32
        %add3A_3542 = vector.broadcast %add3A_3541 : i32 to vector<16xi32>
        %add3A_3543 = arith.addi %add3A_3532, %add3A_3542 : vector<16xi32>
        %add3A_3544 = arith.constant 45 : i32
        %add3A_3545 = vector.broadcast %add3A_3544 : i32 to vector<16xi32>
        %add3A_3546 = arith.addi %xor3A_3540, %add3A_3545 : vector<16xi32>
        %add3A_3547 = arith.addi %add3A_3543, %add3A_3546 : vector<16xi32>
        %shift_left3A_3548 = arith.constant 17 : i32
        %shift_left3A_3549 = vector.broadcast %shift_left3A_3548 : i32 to vector<16xi32>
        %shift_left3A_3550 = arith.shli %add3A_3546, %shift_left3A_3549 : vector<16xi32>
        %shift_right_logical3A_3551 = arith.constant 15 : i32
        %shift_right_logical3A_3552 = vector.broadcast %shift_right_logical3A_3551 : i32 to vector<16xi32>
        %shift_right_logical3A_3553 = arith.shrui %add3A_3546, %shift_right_logical3A_3552 : vector<16xi32>
        %or3A_3554 = arith.ori %shift_left3A_3550, %shift_right_logical3A_3553 : vector<16xi32>
        %xor3A_3555 = arith.xori %or3A_3554, %add3A_3547 : vector<16xi32>
        %add3A_3556 = arith.addi %add3A_3547, %xor3A_3555 : vector<16xi32>
        %shift_left3A_3557 = arith.constant 29 : i32
        %shift_left3A_3558 = vector.broadcast %shift_left3A_3557 : i32 to vector<16xi32>
        %shift_left3A_3559 = arith.shli %xor3A_3555, %shift_left3A_3558 : vector<16xi32>
        %shift_right_logical3A_3560 = arith.constant 3 : i32
        %shift_right_logical3A_3561 = vector.broadcast %shift_right_logical3A_3560 : i32 to vector<16xi32>
        %shift_right_logical3A_3562 = arith.shrui %xor3A_3555, %shift_right_logical3A_3561 : vector<16xi32>
        %or3A_3563 = arith.ori %shift_left3A_3559, %shift_right_logical3A_3562 : vector<16xi32>
        %xor3A_3564 = arith.xori %or3A_3563, %add3A_3556 : vector<16xi32>
        %add3A_3565 = arith.addi %add3A_3556, %xor3A_3564 : vector<16xi32>
        %shift_left3A_3566 = arith.constant 16 : i32
        %shift_left3A_3567 = vector.broadcast %shift_left3A_3566 : i32 to vector<16xi32>
        %shift_left3A_3568 = arith.shli %xor3A_3564, %shift_left3A_3567 : vector<16xi32>
        %shift_right_logical3A_3569 = arith.constant 16 : i32
        %shift_right_logical3A_3570 = vector.broadcast %shift_right_logical3A_3569 : i32 to vector<16xi32>
        %shift_right_logical3A_3571 = arith.shrui %xor3A_3564, %shift_right_logical3A_3570 : vector<16xi32>
        %or3A_3572 = arith.ori %shift_left3A_3568, %shift_right_logical3A_3571 : vector<16xi32>
        %xor3A_3573 = arith.xori %or3A_3572, %add3A_3565 : vector<16xi32>
        %add3A_3574 = arith.addi %add3A_3565, %xor3A_3573 : vector<16xi32>
        %shift_left3A_3575 = arith.constant 24 : i32
        %shift_left3A_3576 = vector.broadcast %shift_left3A_3575 : i32 to vector<16xi32>
        %shift_left3A_3577 = arith.shli %xor3A_3573, %shift_left3A_3576 : vector<16xi32>
        %shift_right_logical3A_3578 = arith.constant 8 : i32
        %shift_right_logical3A_3579 = vector.broadcast %shift_right_logical3A_3578 : i32 to vector<16xi32>
        %shift_right_logical3A_3580 = arith.shrui %xor3A_3573, %shift_right_logical3A_3579 : vector<16xi32>
        %or3A_3581 = arith.ori %shift_left3A_3577, %shift_right_logical3A_3580 : vector<16xi32>
        %xor3A_3582 = arith.xori %or3A_3581, %add3A_3574 : vector<16xi32>
        %add3A_3583 = arith.constant 42 : i32
        %add3A_3584 = vector.broadcast %add3A_3583 : i32 to vector<16xi32>
        %add3A_3585 = arith.addi %add3A_3574, %add3A_3584 : vector<16xi32>
        %add3A_3586 = arith.constant 466689012 : i32
        %add3A_3587 = vector.broadcast %add3A_3586 : i32 to vector<16xi32>
        %add3A_3588 = arith.addi %xor3A_3582, %add3A_3587 : vector<16xi32>
        %add3A_3589 = arith.addi %add3A_3585, %add3A_3588 : vector<16xi32>
        %shift_left3A_3590 = arith.constant 13 : i32
        %shift_left3A_3591 = vector.broadcast %shift_left3A_3590 : i32 to vector<16xi32>
        %shift_left3A_3592 = arith.shli %add3A_3588, %shift_left3A_3591 : vector<16xi32>
        %shift_right_logical3A_3593 = arith.constant 19 : i32
        %shift_right_logical3A_3594 = vector.broadcast %shift_right_logical3A_3593 : i32 to vector<16xi32>
        %shift_right_logical3A_3595 = arith.shrui %add3A_3588, %shift_right_logical3A_3594 : vector<16xi32>
        %or3A_3596 = arith.ori %shift_left3A_3592, %shift_right_logical3A_3595 : vector<16xi32>
        %xor3A_3597 = arith.xori %or3A_3596, %add3A_3589 : vector<16xi32>
        %add3A_3598 = arith.addi %add3A_3589, %xor3A_3597 : vector<16xi32>
        %shift_left3A_3599 = arith.constant 15 : i32
        %shift_left3A_3600 = vector.broadcast %shift_left3A_3599 : i32 to vector<16xi32>
        %shift_left3A_3601 = arith.shli %xor3A_3597, %shift_left3A_3600 : vector<16xi32>
        %shift_right_logical3A_3602 = arith.constant 17 : i32
        %shift_right_logical3A_3603 = vector.broadcast %shift_right_logical3A_3602 : i32 to vector<16xi32>
        %shift_right_logical3A_3604 = arith.shrui %xor3A_3597, %shift_right_logical3A_3603 : vector<16xi32>
        %or3A_3605 = arith.ori %shift_left3A_3601, %shift_right_logical3A_3604 : vector<16xi32>
        %xor3A_3606 = arith.xori %or3A_3605, %add3A_3598 : vector<16xi32>
        %add3A_3607 = arith.addi %add3A_3598, %xor3A_3606 : vector<16xi32>
        %shift_left3A_3608 = arith.constant 26 : i32
        %shift_left3A_3609 = vector.broadcast %shift_left3A_3608 : i32 to vector<16xi32>
        %shift_left3A_3610 = arith.shli %xor3A_3606, %shift_left3A_3609 : vector<16xi32>
        %shift_right_logical3A_3611 = arith.constant 6 : i32
        %shift_right_logical3A_3612 = vector.broadcast %shift_right_logical3A_3611 : i32 to vector<16xi32>
        %shift_right_logical3A_3613 = arith.shrui %xor3A_3606, %shift_right_logical3A_3612 : vector<16xi32>
        %or3A_3614 = arith.ori %shift_left3A_3610, %shift_right_logical3A_3613 : vector<16xi32>
        %xor3A_3615 = arith.xori %or3A_3614, %add3A_3607 : vector<16xi32>
        %add3A_3616 = arith.addi %add3A_3607, %xor3A_3615 : vector<16xi32>
        %shift_left3A_3617 = arith.constant 6 : i32
        %shift_left3A_3618 = vector.broadcast %shift_left3A_3617 : i32 to vector<16xi32>
        %shift_left3A_3619 = arith.shli %xor3A_3615, %shift_left3A_3618 : vector<16xi32>
        %shift_right_logical3A_3620 = arith.constant 26 : i32
        %shift_right_logical3A_3621 = vector.broadcast %shift_right_logical3A_3620 : i32 to vector<16xi32>
        %shift_right_logical3A_3622 = arith.shrui %xor3A_3615, %shift_right_logical3A_3621 : vector<16xi32>
        %or3A_3623 = arith.ori %shift_left3A_3619, %shift_right_logical3A_3622 : vector<16xi32>
        %xor3A_3624 = arith.xori %or3A_3623, %add3A_3616 : vector<16xi32>
        %add3A_3625 = arith.constant 466689008 : i32
        %add3A_3626 = vector.broadcast %add3A_3625 : i32 to vector<16xi32>
        %add3A_3627 = arith.addi %add3A_3616, %add3A_3626 : vector<16xi32>
        %add3A_3628 = arith.constant 5 : i32
        %add3A_3629 = vector.broadcast %add3A_3628 : i32 to vector<16xi32>
        %add3A_3630 = arith.addi %xor3A_3624, %add3A_3629 : vector<16xi32>
        %xor3A_3631 = arith.xori %add3A_3627, %add3A_3630 : vector<16xi32>
        %swap3A_3632 = arith.index_cast %add3A_3413 : i32 to index
        %swap3A_3633 = tpu.vector_load %arg3[%swap3A_3632] {strides = array<i32>} : memref<16384xi32, #tpu.memory_space<vmem>>, vector<16xi32>,
        %swap3A_3634 = vector.shape_cast %swap3A_3633 : vector<16xi32> to vector<16xi32>
        %swap3A_3635 = vector.shape_cast %xor3A_3631 : vector<16xi32> to vector<16xi32>
        tpu.vector_store %arg3[%swap3A_3632], %swap3A_3635 {strides = array<i32>} : memref<16384xi32, #tpu.memory_space<vmem>>, vector<16xi32>,
      }
      %scan3A_19 = arith.constant 64 : i32
      "tpu.region"() ({
        %run_scoped3A = tpu.sem_alloc : memref<!tpu.dma_semaphore, #tpu.memory_space<semaphore_mem>>
        %dma_start3A = tpu.memref_slice %arg2[%add3A_14] : memref<6291456xi32, #tpu.memory_space<hbm>> -> memref<16384xi32, #tpu.memory_space<hbm>>
        %dma_start3A_20 = tpu.memref_slice %arg2[%add3A_14] : memref<6291456xi32, #tpu.memory_space<hbm>> -> memref<16384xi32, #tpu.memory_space<hbm>>
        tpu.enqueue_dma source(%arg3 : memref<16384xi32, #tpu.memory_space<vmem>>) target(%dma_start3A_20 : memref<16384xi32, #tpu.memory_space<hbm>>) target_semaphore(%run_scoped3A : memref<!tpu.dma_semaphore, #tpu.memory_space<semaphore_mem>>)
        %dma_wait3A = tpu.memref_slice %arg2[%add3A_14] : memref<6291456xi32, #tpu.memory_space<hbm>> -> memref<16384xi32, #tpu.memory_space<hbm>>
        %dma_wait3A_21 = tpu.memref_slice %arg2[%add3A_14] : memref<6291456xi32, #tpu.memory_space<hbm>> -> memref<16384xi32, #tpu.memory_space<hbm>>
        tpu.wait_dma2 semaphore(%run_scoped3A : memref<!tpu.dma_semaphore, #tpu.memory_space<semaphore_mem>>) src(%arg3 : memref<16384xi32, #tpu.memory_space<vmem>>) dst(%dma_wait3A_21 : memref<16384xi32, #tpu.memory_space<hbm>>)
        tpu.yield
      }) : () -> ()
    }
    %scan3A_6 = arith.constant 12 : i32
    return
  }
}

module attributes {stable_mosaic.version = 14 : i64} {
  func.func @_body_tc(%arg0: i32, %arg1: memref<1xf32, #tpu.memory_space<smem>>, %arg2: memref<256x256xf32, #tpu.memory_space<vmem>>, %arg3: memref<256x4096xf32, #tpu.memory_space<vmem>>, %arg4: memref<256x1xf32, #tpu.memory_space<vmem>>, %arg5: memref<1x4096xf32, #tpu.memory_space<vmem>>, %arg6: memref<256x8xf32, #tpu.memory_space<vmem>>, %arg7: memref<256x8xi32, #tpu.memory_space<vmem>>) attributes {dimension_semantics = [#tpu.dimension_semantics<arbitrary>], iteration_bounds = array<i64: 10>, scalar_prefetch = 0 : i64, scratch_operands = 0 : i64, tpu.core_type = #tpu.core_type<tc>, window_params = [{transform_indices = @transform_0, window_bounds = array<i64: 1>}, {transform_indices = @transform_1, window_bounds = array<i64: 256, 256>}, {pipeline_mode = #tpu.pipeline_mode<synchronous>, transform_indices = @transform_2, window_bounds = array<i64: 256, 4096>}, {transform_indices = @transform_3, window_bounds = array<i64: 256, 1>}, {pipeline_mode = #tpu.pipeline_mode<synchronous>, transform_indices = @transform_4, window_bounds = array<i64: 1, 4096>}, {transform_indices = @transform_5, window_bounds = array<i64: 256, 8>}, {transform_indices = @transform_6, window_bounds = array<i64: 256, 8>}]} {
    %iota3A = tpu.iota {dimensions = array<i32: 0>} : vector<256x4096xi32>
    %iota3A_0 = tpu.iota {dimensions = array<i32: 1>} : vector<256x4096xi32>
    %mul3A = arith.constant 256 : i32
    %mul3A_1 = arith.muli %arg0, %mul3A : i32
    %add3A = vector.broadcast %mul3A_1 : i32 to vector<256x4096xi32>
    %add3A_2 = arith.addi %add3A, %iota3A : vector<256x4096xi32>
    %mul3A_3 = arith.constant 4096 : i32
    %mul3A_4 = vector.broadcast %mul3A_3 : i32 to vector<256x4096xi32>
    %mul3A_5 = arith.muli %add3A_2, %mul3A_4 : vector<256x4096xi32>
    %add3A_6 = arith.addi %mul3A_5, %iota3A_0 : vector<256x4096xi32>
    %add3A_7 = arith.constant 42 : i32
    %add3A_8 = vector.broadcast %add3A_7 : i32 to vector<256x4096xi32>
    %add3A_9 = arith.addi %add3A_6, %add3A_8 : vector<256x4096xi32>
    %shift_left3A = arith.constant 13 : i32
    %shift_left3A_10 = vector.broadcast %shift_left3A : i32 to vector<256x4096xi32>
    %shift_left3A_11 = arith.shli %add3A_9, %shift_left3A_10 : vector<256x4096xi32>
    %shift_right_logical3A = arith.constant 19 : i32
    %shift_right_logical3A_12 = vector.broadcast %shift_right_logical3A : i32 to vector<256x4096xi32>
    %shift_right_logical3A_13 = arith.shrui %add3A_9, %shift_right_logical3A_12 : vector<256x4096xi32>
    %or3A = arith.ori %shift_left3A_11, %shift_right_logical3A_13 : vector<256x4096xi32>
    %xor3A = arith.xori %or3A, %add3A_9 : vector<256x4096xi32>
    %add3A_14 = arith.addi %add3A_9, %xor3A : vector<256x4096xi32>
    %shift_left3A_15 = arith.constant 15 : i32
    %shift_left3A_16 = vector.broadcast %shift_left3A_15 : i32 to vector<256x4096xi32>
    %shift_left3A_17 = arith.shli %xor3A, %shift_left3A_16 : vector<256x4096xi32>
    %shift_right_logical3A_18 = arith.constant 17 : i32
    %shift_right_logical3A_19 = vector.broadcast %shift_right_logical3A_18 : i32 to vector<256x4096xi32>
    %shift_right_logical3A_20 = arith.shrui %xor3A, %shift_right_logical3A_19 : vector<256x4096xi32>
    %or3A_21 = arith.ori %shift_left3A_17, %shift_right_logical3A_20 : vector<256x4096xi32>
    %xor3A_22 = arith.xori %or3A_21, %add3A_14 : vector<256x4096xi32>
    %add3A_23 = arith.addi %add3A_14, %xor3A_22 : vector<256x4096xi32>
    %shift_left3A_24 = arith.constant 26 : i32
    %shift_left3A_25 = vector.broadcast %shift_left3A_24 : i32 to vector<256x4096xi32>
    %shift_left3A_26 = arith.shli %xor3A_22, %shift_left3A_25 : vector<256x4096xi32>
    %shift_right_logical3A_27 = arith.constant 6 : i32
    %shift_right_logical3A_28 = vector.broadcast %shift_right_logical3A_27 : i32 to vector<256x4096xi32>
    %shift_right_logical3A_29 = arith.shrui %xor3A_22, %shift_right_logical3A_28 : vector<256x4096xi32>
    %or3A_30 = arith.ori %shift_left3A_26, %shift_right_logical3A_29 : vector<256x4096xi32>
    %xor3A_31 = arith.xori %or3A_30, %add3A_23 : vector<256x4096xi32>
    %add3A_32 = arith.addi %add3A_23, %xor3A_31 : vector<256x4096xi32>
    %shift_left3A_33 = arith.constant 6 : i32
    %shift_left3A_34 = vector.broadcast %shift_left3A_33 : i32 to vector<256x4096xi32>
    %shift_left3A_35 = arith.shli %xor3A_31, %shift_left3A_34 : vector<256x4096xi32>
    %shift_right_logical3A_36 = arith.constant 26 : i32
    %shift_right_logical3A_37 = vector.broadcast %shift_right_logical3A_36 : i32 to vector<256x4096xi32>
    %shift_right_logical3A_38 = arith.shrui %xor3A_31, %shift_right_logical3A_37 : vector<256x4096xi32>
    %or3A_39 = arith.ori %shift_left3A_35, %shift_right_logical3A_38 : vector<256x4096xi32>
    %xor3A_40 = arith.xori %or3A_39, %add3A_32 : vector<256x4096xi32>
    %add3A_41 = arith.constant 42 : i32
    %add3A_42 = vector.broadcast %add3A_41 : i32 to vector<256x4096xi32>
    %add3A_43 = arith.addi %add3A_32, %add3A_42 : vector<256x4096xi32>
    %add3A_44 = arith.constant 466689009 : i32
    %add3A_45 = vector.broadcast %add3A_44 : i32 to vector<256x4096xi32>
    %add3A_46 = arith.addi %xor3A_40, %add3A_45 : vector<256x4096xi32>
    %add3A_47 = arith.addi %add3A_43, %add3A_46 : vector<256x4096xi32>
    %shift_left3A_48 = arith.constant 17 : i32
    %shift_left3A_49 = vector.broadcast %shift_left3A_48 : i32 to vector<256x4096xi32>
    %shift_left3A_50 = arith.shli %add3A_46, %shift_left3A_49 : vector<256x4096xi32>
    %shift_right_logical3A_51 = arith.constant 15 : i32
    %shift_right_logical3A_52 = vector.broadcast %shift_right_logical3A_51 : i32 to vector<256x4096xi32>
    %shift_right_logical3A_53 = arith.shrui %add3A_46, %shift_right_logical3A_52 : vector<256x4096xi32>
    %or3A_54 = arith.ori %shift_left3A_50, %shift_right_logical3A_53 : vector<256x4096xi32>
    %xor3A_55 = arith.xori %or3A_54, %add3A_47 : vector<256x4096xi32>
    %add3A_56 = arith.addi %add3A_47, %xor3A_55 : vector<256x4096xi32>
    %shift_left3A_57 = arith.constant 29 : i32
    %shift_left3A_58 = vector.broadcast %shift_left3A_57 : i32 to vector<256x4096xi32>
    %shift_left3A_59 = arith.shli %xor3A_55, %shift_left3A_58 : vector<256x4096xi32>
    %shift_right_logical3A_60 = arith.constant 3 : i32
    %shift_right_logical3A_61 = vector.broadcast %shift_right_logical3A_60 : i32 to vector<256x4096xi32>
    %shift_right_logical3A_62 = arith.shrui %xor3A_55, %shift_right_logical3A_61 : vector<256x4096xi32>
    %or3A_63 = arith.ori %shift_left3A_59, %shift_right_logical3A_62 : vector<256x4096xi32>
    %xor3A_64 = arith.xori %or3A_63, %add3A_56 : vector<256x4096xi32>
    %add3A_65 = arith.addi %add3A_56, %xor3A_64 : vector<256x4096xi32>
    %shift_left3A_66 = arith.constant 16 : i32
    %shift_left3A_67 = vector.broadcast %shift_left3A_66 : i32 to vector<256x4096xi32>
    %shift_left3A_68 = arith.shli %xor3A_64, %shift_left3A_67 : vector<256x4096xi32>
    %shift_right_logical3A_69 = arith.constant 16 : i32
    %shift_right_logical3A_70 = vector.broadcast %shift_right_logical3A_69 : i32 to vector<256x4096xi32>
    %shift_right_logical3A_71 = arith.shrui %xor3A_64, %shift_right_logical3A_70 : vector<256x4096xi32>
    %or3A_72 = arith.ori %shift_left3A_68, %shift_right_logical3A_71 : vector<256x4096xi32>
    %xor3A_73 = arith.xori %or3A_72, %add3A_65 : vector<256x4096xi32>
    %add3A_74 = arith.addi %add3A_65, %xor3A_73 : vector<256x4096xi32>
    %shift_left3A_75 = arith.constant 24 : i32
    %shift_left3A_76 = vector.broadcast %shift_left3A_75 : i32 to vector<256x4096xi32>
    %shift_left3A_77 = arith.shli %xor3A_73, %shift_left3A_76 : vector<256x4096xi32>
    %shift_right_logical3A_78 = arith.constant 8 : i32
    %shift_right_logical3A_79 = vector.broadcast %shift_right_logical3A_78 : i32 to vector<256x4096xi32>
    %shift_right_logical3A_80 = arith.shrui %xor3A_73, %shift_right_logical3A_79 : vector<256x4096xi32>
    %or3A_81 = arith.ori %shift_left3A_77, %shift_right_logical3A_80 : vector<256x4096xi32>
    %xor3A_82 = arith.xori %or3A_81, %add3A_74 : vector<256x4096xi32>
    %add3A_83 = arith.constant 466689008 : i32
    %add3A_84 = vector.broadcast %add3A_83 : i32 to vector<256x4096xi32>
    %add3A_85 = arith.addi %add3A_74, %add3A_84 : vector<256x4096xi32>
    %add3A_86 = arith.constant 2 : i32
    %add3A_87 = vector.broadcast %add3A_86 : i32 to vector<256x4096xi32>
    %add3A_88 = arith.addi %xor3A_82, %add3A_87 : vector<256x4096xi32>
    %add3A_89 = arith.addi %add3A_85, %add3A_88 : vector<256x4096xi32>
    %shift_left3A_90 = arith.constant 13 : i32
    %shift_left3A_91 = vector.broadcast %shift_left3A_90 : i32 to vector<256x4096xi32>
    %shift_left3A_92 = arith.shli %add3A_88, %shift_left3A_91 : vector<256x4096xi32>
    %shift_right_logical3A_93 = arith.constant 19 : i32
    %shift_right_logical3A_94 = vector.broadcast %shift_right_logical3A_93 : i32 to vector<256x4096xi32>
    %shift_right_logical3A_95 = arith.shrui %add3A_88, %shift_right_logical3A_94 : vector<256x4096xi32>
    %or3A_96 = arith.ori %shift_left3A_92, %shift_right_logical3A_95 : vector<256x4096xi32>
    %xor3A_97 = arith.xori %or3A_96, %add3A_89 : vector<256x4096xi32>
    %add3A_98 = arith.addi %add3A_89, %xor3A_97 : vector<256x4096xi32>
    %shift_left3A_99 = arith.constant 15 : i32
    %shift_left3A_100 = vector.broadcast %shift_left3A_99 : i32 to vector<256x4096xi32>
    %shift_left3A_101 = arith.shli %xor3A_97, %shift_left3A_100 : vector<256x4096xi32>
    %shift_right_logical3A_102 = arith.constant 17 : i32
    %shift_right_logical3A_103 = vector.broadcast %shift_right_logical3A_102 : i32 to vector<256x4096xi32>
    %shift_right_logical3A_104 = arith.shrui %xor3A_97, %shift_right_logical3A_103 : vector<256x4096xi32>
    %or3A_105 = arith.ori %shift_left3A_101, %shift_right_logical3A_104 : vector<256x4096xi32>
    %xor3A_106 = arith.xori %or3A_105, %add3A_98 : vector<256x4096xi32>
    %add3A_107 = arith.addi %add3A_98, %xor3A_106 : vector<256x4096xi32>
    %shift_left3A_108 = arith.constant 26 : i32
    %shift_left3A_109 = vector.broadcast %shift_left3A_108 : i32 to vector<256x4096xi32>
    %shift_left3A_110 = arith.shli %xor3A_106, %shift_left3A_109 : vector<256x4096xi32>
    %shift_right_logical3A_111 = arith.constant 6 : i32
    %shift_right_logical3A_112 = vector.broadcast %shift_right_logical3A_111 : i32 to vector<256x4096xi32>
    %shift_right_logical3A_113 = arith.shrui %xor3A_106, %shift_right_logical3A_112 : vector<256x4096xi32>
    %or3A_114 = arith.ori %shift_left3A_110, %shift_right_logical3A_113 : vector<256x4096xi32>
    %xor3A_115 = arith.xori %or3A_114, %add3A_107 : vector<256x4096xi32>
    %add3A_116 = arith.addi %add3A_107, %xor3A_115 : vector<256x4096xi32>
    %shift_left3A_117 = arith.constant 6 : i32
    %shift_left3A_118 = vector.broadcast %shift_left3A_117 : i32 to vector<256x4096xi32>
    %shift_left3A_119 = arith.shli %xor3A_115, %shift_left3A_118 : vector<256x4096xi32>
    %shift_right_logical3A_120 = arith.constant 26 : i32
    %shift_right_logical3A_121 = vector.broadcast %shift_right_logical3A_120 : i32 to vector<256x4096xi32>
    %shift_right_logical3A_122 = arith.shrui %xor3A_115, %shift_right_logical3A_121 : vector<256x4096xi32>
    %or3A_123 = arith.ori %shift_left3A_119, %shift_right_logical3A_122 : vector<256x4096xi32>
    %xor3A_124 = arith.xori %or3A_123, %add3A_116 : vector<256x4096xi32>
    %add3A_125 = arith.constant 0 : i32
    %add3A_126 = vector.broadcast %add3A_125 : i32 to vector<256x4096xi32>
    %add3A_127 = arith.addi %add3A_116, %add3A_126 : vector<256x4096xi32>
    %add3A_128 = arith.constant 45 : i32
    %add3A_129 = vector.broadcast %add3A_128 : i32 to vector<256x4096xi32>
    %add3A_130 = arith.addi %xor3A_124, %add3A_129 : vector<256x4096xi32>
    %add3A_131 = arith.addi %add3A_127, %add3A_130 : vector<256x4096xi32>
    %shift_left3A_132 = arith.constant 17 : i32
    %shift_left3A_133 = vector.broadcast %shift_left3A_132 : i32 to vector<256x4096xi32>
    %shift_left3A_134 = arith.shli %add3A_130, %shift_left3A_133 : vector<256x4096xi32>
    %shift_right_logical3A_135 = arith.constant 15 : i32
    %shift_right_logical3A_136 = vector.broadcast %shift_right_logical3A_135 : i32 to vector<256x4096xi32>
    %shift_right_logical3A_137 = arith.shrui %add3A_130, %shift_right_logical3A_136 : vector<256x4096xi32>
    %or3A_138 = arith.ori %shift_left3A_134, %shift_right_logical3A_137 : vector<256x4096xi32>
    %xor3A_139 = arith.xori %or3A_138, %add3A_131 : vector<256x4096xi32>
    %add3A_140 = arith.addi %add3A_131, %xor3A_139 : vector<256x4096xi32>
    %shift_left3A_141 = arith.constant 29 : i32
    %shift_left3A_142 = vector.broadcast %shift_left3A_141 : i32 to vector<256x4096xi32>
    %shift_left3A_143 = arith.shli %xor3A_139, %shift_left3A_142 : vector<256x4096xi32>
    %shift_right_logical3A_144 = arith.constant 3 : i32
    %shift_right_logical3A_145 = vector.broadcast %shift_right_logical3A_144 : i32 to vector<256x4096xi32>
    %shift_right_logical3A_146 = arith.shrui %xor3A_139, %shift_right_logical3A_145 : vector<256x4096xi32>
    %or3A_147 = arith.ori %shift_left3A_143, %shift_right_logical3A_146 : vector<256x4096xi32>
    %xor3A_148 = arith.xori %or3A_147, %add3A_140 : vector<256x4096xi32>
    %add3A_149 = arith.addi %add3A_140, %xor3A_148 : vector<256x4096xi32>
    %shift_left3A_150 = arith.constant 16 : i32
    %shift_left3A_151 = vector.broadcast %shift_left3A_150 : i32 to vector<256x4096xi32>
    %shift_left3A_152 = arith.shli %xor3A_148, %shift_left3A_151 : vector<256x4096xi32>
    %shift_right_logical3A_153 = arith.constant 16 : i32
    %shift_right_logical3A_154 = vector.broadcast %shift_right_logical3A_153 : i32 to vector<256x4096xi32>
    %shift_right_logical3A_155 = arith.shrui %xor3A_148, %shift_right_logical3A_154 : vector<256x4096xi32>
    %or3A_156 = arith.ori %shift_left3A_152, %shift_right_logical3A_155 : vector<256x4096xi32>
    %xor3A_157 = arith.xori %or3A_156, %add3A_149 : vector<256x4096xi32>
    %add3A_158 = arith.addi %add3A_149, %xor3A_157 : vector<256x4096xi32>
    %shift_left3A_159 = arith.constant 24 : i32
    %shift_left3A_160 = vector.broadcast %shift_left3A_159 : i32 to vector<256x4096xi32>
    %shift_left3A_161 = arith.shli %xor3A_157, %shift_left3A_160 : vector<256x4096xi32>
    %shift_right_logical3A_162 = arith.constant 8 : i32
    %shift_right_logical3A_163 = vector.broadcast %shift_right_logical3A_162 : i32 to vector<256x4096xi32>
    %shift_right_logical3A_164 = arith.shrui %xor3A_157, %shift_right_logical3A_163 : vector<256x4096xi32>
    %or3A_165 = arith.ori %shift_left3A_161, %shift_right_logical3A_164 : vector<256x4096xi32>
    %xor3A_166 = arith.xori %or3A_165, %add3A_158 : vector<256x4096xi32>
    %add3A_167 = arith.constant 42 : i32
    %add3A_168 = vector.broadcast %add3A_167 : i32 to vector<256x4096xi32>
    %add3A_169 = arith.addi %add3A_158, %add3A_168 : vector<256x4096xi32>
    %add3A_170 = arith.constant 466689012 : i32
    %add3A_171 = vector.broadcast %add3A_170 : i32 to vector<256x4096xi32>
    %add3A_172 = arith.addi %xor3A_166, %add3A_171 : vector<256x4096xi32>
    %add3A_173 = arith.addi %add3A_169, %add3A_172 : vector<256x4096xi32>
    %shift_left3A_174 = arith.constant 13 : i32
    %shift_left3A_175 = vector.broadcast %shift_left3A_174 : i32 to vector<256x4096xi32>
    %shift_left3A_176 = arith.shli %add3A_172, %shift_left3A_175 : vector<256x4096xi32>
    %shift_right_logical3A_177 = arith.constant 19 : i32
    %shift_right_logical3A_178 = vector.broadcast %shift_right_logical3A_177 : i32 to vector<256x4096xi32>
    %shift_right_logical3A_179 = arith.shrui %add3A_172, %shift_right_logical3A_178 : vector<256x4096xi32>
    %or3A_180 = arith.ori %shift_left3A_176, %shift_right_logical3A_179 : vector<256x4096xi32>
    %xor3A_181 = arith.xori %or3A_180, %add3A_173 : vector<256x4096xi32>
    %add3A_182 = arith.addi %add3A_173, %xor3A_181 : vector<256x4096xi32>
    %shift_left3A_183 = arith.constant 15 : i32
    %shift_left3A_184 = vector.broadcast %shift_left3A_183 : i32 to vector<256x4096xi32>
    %shift_left3A_185 = arith.shli %xor3A_181, %shift_left3A_184 : vector<256x4096xi32>
    %shift_right_logical3A_186 = arith.constant 17 : i32
    %shift_right_logical3A_187 = vector.broadcast %shift_right_logical3A_186 : i32 to vector<256x4096xi32>
    %shift_right_logical3A_188 = arith.shrui %xor3A_181, %shift_right_logical3A_187 : vector<256x4096xi32>
    %or3A_189 = arith.ori %shift_left3A_185, %shift_right_logical3A_188 : vector<256x4096xi32>
    %xor3A_190 = arith.xori %or3A_189, %add3A_182 : vector<256x4096xi32>
    %add3A_191 = arith.addi %add3A_182, %xor3A_190 : vector<256x4096xi32>
    %shift_left3A_192 = arith.constant 26 : i32
    %shift_left3A_193 = vector.broadcast %shift_left3A_192 : i32 to vector<256x4096xi32>
    %shift_left3A_194 = arith.shli %xor3A_190, %shift_left3A_193 : vector<256x4096xi32>
    %shift_right_logical3A_195 = arith.constant 6 : i32
    %shift_right_logical3A_196 = vector.broadcast %shift_right_logical3A_195 : i32 to vector<256x4096xi32>
    %shift_right_logical3A_197 = arith.shrui %xor3A_190, %shift_right_logical3A_196 : vector<256x4096xi32>
    %or3A_198 = arith.ori %shift_left3A_194, %shift_right_logical3A_197 : vector<256x4096xi32>
    %xor3A_199 = arith.xori %or3A_198, %add3A_191 : vector<256x4096xi32>
    %add3A_200 = arith.addi %add3A_191, %xor3A_199 : vector<256x4096xi32>
    %shift_left3A_201 = arith.constant 6 : i32
    %shift_left3A_202 = vector.broadcast %shift_left3A_201 : i32 to vector<256x4096xi32>
    %shift_left3A_203 = arith.shli %xor3A_199, %shift_left3A_202 : vector<256x4096xi32>
    %shift_right_logical3A_204 = arith.constant 26 : i32
    %shift_right_logical3A_205 = vector.broadcast %shift_right_logical3A_204 : i32 to vector<256x4096xi32>
    %shift_right_logical3A_206 = arith.shrui %xor3A_199, %shift_right_logical3A_205 : vector<256x4096xi32>
    %or3A_207 = arith.ori %shift_left3A_203, %shift_right_logical3A_206 : vector<256x4096xi32>
    %xor3A_208 = arith.xori %or3A_207, %add3A_200 : vector<256x4096xi32>
    %add3A_209 = arith.constant 466689008 : i32
    %add3A_210 = vector.broadcast %add3A_209 : i32 to vector<256x4096xi32>
    %add3A_211 = arith.addi %add3A_200, %add3A_210 : vector<256x4096xi32>
    %add3A_212 = arith.constant 5 : i32
    %add3A_213 = vector.broadcast %add3A_212 : i32 to vector<256x4096xi32>
    %add3A_214 = arith.addi %xor3A_208, %add3A_213 : vector<256x4096xi32>
    %xor3A_215 = arith.xori %add3A_211, %add3A_214 : vector<256x4096xi32>
    %get3A = arith.constant 0 : index
    %get3A_216 = arith.constant 0 : index
    %get3A_217 = vector.load %arg2[%get3A, %get3A_216] : memref<256x256xf32, #tpu.memory_space<vmem>>, vector<256x256xf32>
    %get3A_218 = arith.constant 0 : index
    %get3A_219 = arith.constant 0 : index
    %get3A_220 = vector.load %arg3[%get3A_218, %get3A_219] : memref<256x4096xf32, #tpu.memory_space<vmem>>, vector<256x4096xf32>
    %dot_general3A = arith.constant dense<0.000000e+00> : vector<256x4096xf32>
    %dot_general3A_221 = tpu.matmul %get3A_217, %get3A_220, %dot_general3A {dimension_numbers = #tpu.dot_dimension_numbers<[1], [0], [0], [1], [0, 0, 1, 1], [], []>, transpose_lhs_hint = false} : vector<256x256xf32>, vector<256x4096xf32>, vector<256x4096xf32> -> vector<256x4096xf32>
    %get3A_222 = arith.constant 0 : index
    %get3A_223 = arith.constant 0 : index
    %get3A_224 = vector.load %arg4[%get3A_222, %get3A_223] : memref<256x1xf32, #tpu.memory_space<vmem>>, vector<256x1xf32>
    %get3A_225 = arith.constant 0 : index
    %get3A_226 = arith.constant 0 : index
    %get3A_227 = vector.load %arg5[%get3A_225, %get3A_226] : memref<1x4096xf32, #tpu.memory_space<vmem>>, vector<1x4096xf32>
    %add3A_228 = vector.broadcast %get3A_224 : vector<256x1xf32> to vector<256x4096xf32>
    %add3A_229 = vector.broadcast %get3A_227 : vector<1x4096xf32> to vector<256x4096xf32>
    %add3A_230 = arith.addf %add3A_228, %add3A_229 : vector<256x4096xf32>
    %mul3A_231 = arith.constant 2.000000e+00 : f32
    %mul3A_232 = vector.broadcast %mul3A_231 : f32 to vector<256x4096xf32>
    %mul3A_233 = arith.mulf %mul3A_232, %dot_general3A_221 : vector<256x4096xf32>
    %sub3A = arith.subf %add3A_230, %mul3A_233 : vector<256x4096xf32>
    %max3A = arith.constant 0.000000e+00 : f32
    %max3A_234 = vector.broadcast %max3A : f32 to vector<256x4096xf32>
    %max3A_235 = arith.maximumf %sub3A, %max3A_234 : vector<256x4096xf32>
    %shift_right_logical3A_236 = arith.constant 9 : i32
    %shift_right_logical3A_237 = vector.broadcast %shift_right_logical3A_236 : i32 to vector<256x4096xi32>
    %shift_right_logical3A_238 = arith.shrui %xor3A_215, %shift_right_logical3A_237 : vector<256x4096xi32>
    %or3A_239 = arith.constant 1065353216 : i32
    %or3A_240 = vector.broadcast %or3A_239 : i32 to vector<256x4096xi32>
    %or3A_241 = arith.ori %shift_right_logical3A_238, %or3A_240 : vector<256x4096xi32>
    %bitcast_convert_type3A = tpu.bitcast %or3A_241 : vector<256x4096xi32> -> vector<256x4096xf32>
    %sub3A_242 = arith.constant 1.000000e+00 : f32
    %sub3A_243 = vector.broadcast %sub3A_242 : f32 to vector<256x4096xf32>
    %sub3A_244 = arith.subf %bitcast_convert_type3A, %sub3A_243 : vector<256x4096xf32>
    %max3A_245 = arith.constant 0.000000e+00 : f32
    %max3A_246 = vector.broadcast %max3A_245 : f32 to vector<256x4096xf32>
    %max3A_247 = arith.maximumf %sub3A_244, %max3A_246 : vector<256x4096xf32>
    %add3A_248 = arith.constant 9.99999993E-9 : f32
    %add3A_249 = vector.broadcast %add3A_248 : f32 to vector<256x4096xf32>
    %add3A_250 = arith.addf %max3A_247, %add3A_249 : vector<256x4096xf32>
    %get3A_251 = arith.constant 0 : index
    %get3A_252 = memref.load %arg1[%get3A_251] : memref<1xf32, #tpu.memory_space<smem>>
    %jit3A = arith.constant -5.000000e+00 : f32
    %jit3A_253 = arith.constant 5.000000e+00 : f32
    %max3A_254 = arith.maximumf %jit3A, %get3A_252 : f32
    %min3A = arith.minimumf %jit3A_253, %max3A_254 : f32
    %exp3A = math.exp %min3A : f32
    %log3A = math.log %add3A_250 : vector<256x4096xf32>
    %neg3A = arith.constant 0.000000e+00 : f32
    %neg3A_255 = vector.broadcast %neg3A : f32 to vector<256x4096xf32>
    %neg3A_256 = arith.subf %neg3A_255, %log3A : vector<256x4096xf32>
    %log3A_257 = math.log %neg3A_256 : vector<256x4096xf32>
    %mul3A_258 = vector.broadcast %exp3A : f32 to vector<256x4096xf32>
    %mul3A_259 = arith.mulf %max3A_235, %mul3A_258 : vector<256x4096xf32>
    %sub3A_260 = arith.subf %log3A_257, %mul3A_259 : vector<256x4096xf32>
    %reduce_max3A = arith.constant dense<0xFF800000> : vector<256xf32>
    %reduce_max3A_261 = vector.multi_reduction <maximumf>, %sub3A_260, %reduce_max3A [1] : vector<256x4096xf32> to vector<256xf32>
    %broadcast_in_dim3A = vector.shape_cast %reduce_max3A_261 : vector<256xf32> to vector<256x1xf32>
    %ge3A = vector.broadcast %broadcast_in_dim3A : vector<256x1xf32> to vector<256x4096xf32>
    %ge3A_262 = arith.cmpf oge, %sub3A_260, %ge3A : vector<256x4096xf32>
    %jit3A_263 = arith.constant 4096 : i32
    %broadcast_in_dim3A_264 = vector.broadcast %jit3A_263 : i32 to vector<256x4096xi32>
    %select_n3A = arith.select %ge3A_262, %iota3A_0, %broadcast_in_dim3A_264 : vector<256x4096xi1>, vector<256x4096xi32>
    %reduce_min3A = arith.constant dense<2147483647> : vector<256xi32>
    %reduce_min3A_265 = vector.multi_reduction <minsi>, %select_n3A, %reduce_min3A [1] : vector<256x4096xi32> to vector<256xi32>
    %broadcast_in_dim3A_266 = vector.shape_cast %reduce_min3A_265 : vector<256xi32> to vector<256x1xi32>
    %swap3A = arith.constant 0 : index
    %swap3A_267 = arith.constant 0 : index
    %swap3A_268 = vector.load %arg6[%swap3A, %swap3A_267] : memref<256x8xf32, #tpu.memory_space<vmem>>, vector<256x1xf32>
    tpu.vector_store %arg6[%swap3A, %swap3A_267], %broadcast_in_dim3A {strides = array<i32>} : memref<256x8xf32, #tpu.memory_space<vmem>>, vector<256x1xf32>,
    %swap3A_269 = arith.constant 0 : index
    %swap3A_270 = arith.constant 0 : index
    %swap3A_271 = vector.load %arg7[%swap3A_269, %swap3A_270] : memref<256x8xi32, #tpu.memory_space<vmem>>, vector<256x1xi32>
    tpu.vector_store %arg7[%swap3A_269, %swap3A_270], %broadcast_in_dim3A_266 {strides = array<i32>} : memref<256x8xi32, #tpu.memory_space<vmem>>, vector<256x1xi32>,
    %eq3A = vector.broadcast %broadcast_in_dim3A_266 : vector<256x1xi32> to vector<256x4096xi32>
    %eq3A_272 = arith.cmpi eq, %iota3A_0, %eq3A : vector<256x4096xi32>
    %jit3A_273 = arith.constant 0xFF800000 : f32
    %broadcast_in_dim3A_274 = vector.broadcast %jit3A_273 : f32 to vector<256x4096xf32>
    %select_n3A_275 = arith.select %eq3A_272, %broadcast_in_dim3A_274, %sub3A_260 : vector<256x4096xi1>, vector<256x4096xf32>
    %reduce_max3A_276 = arith.constant dense<0xFF800000> : vector<256xf32>
    %reduce_max3A_277 = vector.multi_reduction <maximumf>, %select_n3A_275, %reduce_max3A_276 [1] : vector<256x4096xf32> to vector<256xf32>
    %broadcast_in_dim3A_278 = vector.shape_cast %reduce_max3A_277 : vector<256xf32> to vector<256x1xf32>
    %ge3A_279 = vector.broadcast %broadcast_in_dim3A_278 : vector<256x1xf32> to vector<256x4096xf32>
    %ge3A_280 = arith.cmpf oge, %select_n3A_275, %ge3A_279 : vector<256x4096xf32>
    %jit3A_281 = arith.constant 4096 : i32
    %broadcast_in_dim3A_282 = vector.broadcast %jit3A_281 : i32 to vector<256x4096xi32>
    %select_n3A_283 = arith.select %ge3A_280, %iota3A_0, %broadcast_in_dim3A_282 : vector<256x4096xi1>, vector<256x4096xi32>
    %reduce_min3A_284 = arith.constant dense<2147483647> : vector<256xi32>
    %reduce_min3A_285 = vector.multi_reduction <minsi>, %select_n3A_283, %reduce_min3A_284 [1] : vector<256x4096xi32> to vector<256xi32>
    %broadcast_in_dim3A_286 = vector.shape_cast %reduce_min3A_285 : vector<256xi32> to vector<256x1xi32>
    %swap3A_287 = arith.constant 0 : index
    %swap3A_288 = arith.constant 1 : index
    %swap3A_289 = vector.load %arg6[%swap3A_287, %swap3A_288] : memref<256x8xf32, #tpu.memory_space<vmem>>, vector<256x1xf32>
    tpu.vector_store %arg6[%swap3A_287, %swap3A_288], %broadcast_in_dim3A_278 {strides = array<i32>} : memref<256x8xf32, #tpu.memory_space<vmem>>, vector<256x1xf32>,
    %swap3A_290 = arith.constant 0 : index
    %swap3A_291 = arith.constant 1 : index
    %swap3A_292 = vector.load %arg7[%swap3A_290, %swap3A_291] : memref<256x8xi32, #tpu.memory_space<vmem>>, vector<256x1xi32>
    tpu.vector_store %arg7[%swap3A_290, %swap3A_291], %broadcast_in_dim3A_286 {strides = array<i32>} : memref<256x8xi32, #tpu.memory_space<vmem>>, vector<256x1xi32>,
    %eq3A_293 = vector.broadcast %broadcast_in_dim3A_286 : vector<256x1xi32> to vector<256x4096xi32>
    %eq3A_294 = arith.cmpi eq, %iota3A_0, %eq3A_293 : vector<256x4096xi32>
    %jit3A_295 = arith.constant 0xFF800000 : f32
    %broadcast_in_dim3A_296 = vector.broadcast %jit3A_295 : f32 to vector<256x4096xf32>
    %select_n3A_297 = arith.select %eq3A_294, %broadcast_in_dim3A_296, %select_n3A_275 : vector<256x4096xi1>, vector<256x4096xf32>
    %reduce_max3A_298 = arith.constant dense<0xFF800000> : vector<256xf32>
    %reduce_max3A_299 = vector.multi_reduction <maximumf>, %select_n3A_297, %reduce_max3A_298 [1] : vector<256x4096xf32> to vector<256xf32>
    %broadcast_in_dim3A_300 = vector.shape_cast %reduce_max3A_299 : vector<256xf32> to vector<256x1xf32>
    %ge3A_301 = vector.broadcast %broadcast_in_dim3A_300 : vector<256x1xf32> to vector<256x4096xf32>
    %ge3A_302 = arith.cmpf oge, %select_n3A_297, %ge3A_301 : vector<256x4096xf32>
    %jit3A_303 = arith.constant 4096 : i32
    %broadcast_in_dim3A_304 = vector.broadcast %jit3A_303 : i32 to vector<256x4096xi32>
    %select_n3A_305 = arith.select %ge3A_302, %iota3A_0, %broadcast_in_dim3A_304 : vector<256x4096xi1>, vector<256x4096xi32>
    %reduce_min3A_306 = arith.constant dense<2147483647> : vector<256xi32>
    %reduce_min3A_307 = vector.multi_reduction <minsi>, %select_n3A_305, %reduce_min3A_306 [1] : vector<256x4096xi32> to vector<256xi32>
    %broadcast_in_dim3A_308 = vector.shape_cast %reduce_min3A_307 : vector<256xi32> to vector<256x1xi32>
    %swap3A_309 = arith.constant 0 : index
    %swap3A_310 = arith.constant 2 : index
    %swap3A_311 = vector.load %arg6[%swap3A_309, %swap3A_310] : memref<256x8xf32, #tpu.memory_space<vmem>>, vector<256x1xf32>
    tpu.vector_store %arg6[%swap3A_309, %swap3A_310], %broadcast_in_dim3A_300 {strides = array<i32>} : memref<256x8xf32, #tpu.memory_space<vmem>>, vector<256x1xf32>,
    %swap3A_312 = arith.constant 0 : index
    %swap3A_313 = arith.constant 2 : index
    %swap3A_314 = vector.load %arg7[%swap3A_312, %swap3A_313] : memref<256x8xi32, #tpu.memory_space<vmem>>, vector<256x1xi32>
    tpu.vector_store %arg7[%swap3A_312, %swap3A_313], %broadcast_in_dim3A_308 {strides = array<i32>} : memref<256x8xi32, #tpu.memory_space<vmem>>, vector<256x1xi32>,
    %eq3A_315 = vector.broadcast %broadcast_in_dim3A_308 : vector<256x1xi32> to vector<256x4096xi32>
    %eq3A_316 = arith.cmpi eq, %iota3A_0, %eq3A_315 : vector<256x4096xi32>
    %jit3A_317 = arith.constant 0xFF800000 : f32
    %broadcast_in_dim3A_318 = vector.broadcast %jit3A_317 : f32 to vector<256x4096xf32>
    %select_n3A_319 = arith.select %eq3A_316, %broadcast_in_dim3A_318, %select_n3A_297 : vector<256x4096xi1>, vector<256x4096xf32>
    %reduce_max3A_320 = arith.constant dense<0xFF800000> : vector<256xf32>
    %reduce_max3A_321 = vector.multi_reduction <maximumf>, %select_n3A_319, %reduce_max3A_320 [1] : vector<256x4096xf32> to vector<256xf32>
    %broadcast_in_dim3A_322 = vector.shape_cast %reduce_max3A_321 : vector<256xf32> to vector<256x1xf32>
    %ge3A_323 = vector.broadcast %broadcast_in_dim3A_322 : vector<256x1xf32> to vector<256x4096xf32>
    %ge3A_324 = arith.cmpf oge, %select_n3A_319, %ge3A_323 : vector<256x4096xf32>
    %jit3A_325 = arith.constant 4096 : i32
    %broadcast_in_dim3A_326 = vector.broadcast %jit3A_325 : i32 to vector<256x4096xi32>
    %select_n3A_327 = arith.select %ge3A_324, %iota3A_0, %broadcast_in_dim3A_326 : vector<256x4096xi1>, vector<256x4096xi32>
    %reduce_min3A_328 = arith.constant dense<2147483647> : vector<256xi32>
    %reduce_min3A_329 = vector.multi_reduction <minsi>, %select_n3A_327, %reduce_min3A_328 [1] : vector<256x4096xi32> to vector<256xi32>
    %broadcast_in_dim3A_330 = vector.shape_cast %reduce_min3A_329 : vector<256xi32> to vector<256x1xi32>
    %swap3A_331 = arith.constant 0 : index
    %swap3A_332 = arith.constant 3 : index
    %swap3A_333 = vector.load %arg6[%swap3A_331, %swap3A_332] : memref<256x8xf32, #tpu.memory_space<vmem>>, vector<256x1xf32>
    tpu.vector_store %arg6[%swap3A_331, %swap3A_332], %broadcast_in_dim3A_322 {strides = array<i32>} : memref<256x8xf32, #tpu.memory_space<vmem>>, vector<256x1xf32>,
    %swap3A_334 = arith.constant 0 : index
    %swap3A_335 = arith.constant 3 : index
    %swap3A_336 = vector.load %arg7[%swap3A_334, %swap3A_335] : memref<256x8xi32, #tpu.memory_space<vmem>>, vector<256x1xi32>
    tpu.vector_store %arg7[%swap3A_334, %swap3A_335], %broadcast_in_dim3A_330 {strides = array<i32>} : memref<256x8xi32, #tpu.memory_space<vmem>>, vector<256x1xi32>,
    %eq3A_337 = vector.broadcast %broadcast_in_dim3A_330 : vector<256x1xi32> to vector<256x4096xi32>
    %eq3A_338 = arith.cmpi eq, %iota3A_0, %eq3A_337 : vector<256x4096xi32>
    %jit3A_339 = arith.constant 0xFF800000 : f32
    %broadcast_in_dim3A_340 = vector.broadcast %jit3A_339 : f32 to vector<256x4096xf32>
    %select_n3A_341 = arith.select %eq3A_338, %broadcast_in_dim3A_340, %select_n3A_319 : vector<256x4096xi1>, vector<256x4096xf32>
    %reduce_max3A_342 = arith.constant dense<0xFF800000> : vector<256xf32>
    %reduce_max3A_343 = vector.multi_reduction <maximumf>, %select_n3A_341, %reduce_max3A_342 [1] : vector<256x4096xf32> to vector<256xf32>
    %broadcast_in_dim3A_344 = vector.shape_cast %reduce_max3A_343 : vector<256xf32> to vector<256x1xf32>
    %ge3A_345 = vector.broadcast %broadcast_in_dim3A_344 : vector<256x1xf32> to vector<256x4096xf32>
    %ge3A_346 = arith.cmpf oge, %select_n3A_341, %ge3A_345 : vector<256x4096xf32>
    %jit3A_347 = arith.constant 4096 : i32
    %broadcast_in_dim3A_348 = vector.broadcast %jit3A_347 : i32 to vector<256x4096xi32>
    %select_n3A_349 = arith.select %ge3A_346, %iota3A_0, %broadcast_in_dim3A_348 : vector<256x4096xi1>, vector<256x4096xi32>
    %reduce_min3A_350 = arith.constant dense<2147483647> : vector<256xi32>
    %reduce_min3A_351 = vector.multi_reduction <minsi>, %select_n3A_349, %reduce_min3A_350 [1] : vector<256x4096xi32> to vector<256xi32>
    %broadcast_in_dim3A_352 = vector.shape_cast %reduce_min3A_351 : vector<256xi32> to vector<256x1xi32>
    %swap3A_353 = arith.constant 0 : index
    %swap3A_354 = arith.constant 4 : index
    %swap3A_355 = vector.load %arg6[%swap3A_353, %swap3A_354] : memref<256x8xf32, #tpu.memory_space<vmem>>, vector<256x1xf32>
    tpu.vector_store %arg6[%swap3A_353, %swap3A_354], %broadcast_in_dim3A_344 {strides = array<i32>} : memref<256x8xf32, #tpu.memory_space<vmem>>, vector<256x1xf32>,
    %swap3A_356 = arith.constant 0 : index
    %swap3A_357 = arith.constant 4 : index
    %swap3A_358 = vector.load %arg7[%swap3A_356, %swap3A_357] : memref<256x8xi32, #tpu.memory_space<vmem>>, vector<256x1xi32>
    tpu.vector_store %arg7[%swap3A_356, %swap3A_357], %broadcast_in_dim3A_352 {strides = array<i32>} : memref<256x8xi32, #tpu.memory_space<vmem>>, vector<256x1xi32>,
    %eq3A_359 = vector.broadcast %broadcast_in_dim3A_352 : vector<256x1xi32> to vector<256x4096xi32>
    %eq3A_360 = arith.cmpi eq, %iota3A_0, %eq3A_359 : vector<256x4096xi32>
    %jit3A_361 = arith.constant 0xFF800000 : f32
    %broadcast_in_dim3A_362 = vector.broadcast %jit3A_361 : f32 to vector<256x4096xf32>
    %select_n3A_363 = arith.select %eq3A_360, %broadcast_in_dim3A_362, %select_n3A_341 : vector<256x4096xi1>, vector<256x4096xf32>
    %reduce_max3A_364 = arith.constant dense<0xFF800000> : vector<256xf32>
    %reduce_max3A_365 = vector.multi_reduction <maximumf>, %select_n3A_363, %reduce_max3A_364 [1] : vector<256x4096xf32> to vector<256xf32>
    %broadcast_in_dim3A_366 = vector.shape_cast %reduce_max3A_365 : vector<256xf32> to vector<256x1xf32>
    %ge3A_367 = vector.broadcast %broadcast_in_dim3A_366 : vector<256x1xf32> to vector<256x4096xf32>
    %ge3A_368 = arith.cmpf oge, %select_n3A_363, %ge3A_367 : vector<256x4096xf32>
    %jit3A_369 = arith.constant 4096 : i32
    %broadcast_in_dim3A_370 = vector.broadcast %jit3A_369 : i32 to vector<256x4096xi32>
    %select_n3A_371 = arith.select %ge3A_368, %iota3A_0, %broadcast_in_dim3A_370 : vector<256x4096xi1>, vector<256x4096xi32>
    %reduce_min3A_372 = arith.constant dense<2147483647> : vector<256xi32>
    %reduce_min3A_373 = vector.multi_reduction <minsi>, %select_n3A_371, %reduce_min3A_372 [1] : vector<256x4096xi32> to vector<256xi32>
    %broadcast_in_dim3A_374 = vector.shape_cast %reduce_min3A_373 : vector<256xi32> to vector<256x1xi32>
    %swap3A_375 = arith.constant 0 : index
    %swap3A_376 = arith.constant 5 : index
    %swap3A_377 = vector.load %arg6[%swap3A_375, %swap3A_376] : memref<256x8xf32, #tpu.memory_space<vmem>>, vector<256x1xf32>
    tpu.vector_store %arg6[%swap3A_375, %swap3A_376], %broadcast_in_dim3A_366 {strides = array<i32>} : memref<256x8xf32, #tpu.memory_space<vmem>>, vector<256x1xf32>,
    %swap3A_378 = arith.constant 0 : index
    %swap3A_379 = arith.constant 5 : index
    %swap3A_380 = vector.load %arg7[%swap3A_378, %swap3A_379] : memref<256x8xi32, #tpu.memory_space<vmem>>, vector<256x1xi32>
    tpu.vector_store %arg7[%swap3A_378, %swap3A_379], %broadcast_in_dim3A_374 {strides = array<i32>} : memref<256x8xi32, #tpu.memory_space<vmem>>, vector<256x1xi32>,
    %eq3A_381 = vector.broadcast %broadcast_in_dim3A_374 : vector<256x1xi32> to vector<256x4096xi32>
    %eq3A_382 = arith.cmpi eq, %iota3A_0, %eq3A_381 : vector<256x4096xi32>
    %jit3A_383 = arith.constant 0xFF800000 : f32
    %broadcast_in_dim3A_384 = vector.broadcast %jit3A_383 : f32 to vector<256x4096xf32>
    %select_n3A_385 = arith.select %eq3A_382, %broadcast_in_dim3A_384, %select_n3A_363 : vector<256x4096xi1>, vector<256x4096xf32>
    %reduce_max3A_386 = arith.constant dense<0xFF800000> : vector<256xf32>
    %reduce_max3A_387 = vector.multi_reduction <maximumf>, %select_n3A_385, %reduce_max3A_386 [1] : vector<256x4096xf32> to vector<256xf32>
    %broadcast_in_dim3A_388 = vector.shape_cast %reduce_max3A_387 : vector<256xf32> to vector<256x1xf32>
    %ge3A_389 = vector.broadcast %broadcast_in_dim3A_388 : vector<256x1xf32> to vector<256x4096xf32>
    %ge3A_390 = arith.cmpf oge, %select_n3A_385, %ge3A_389 : vector<256x4096xf32>
    %jit3A_391 = arith.constant 4096 : i32
    %broadcast_in_dim3A_392 = vector.broadcast %jit3A_391 : i32 to vector<256x4096xi32>
    %select_n3A_393 = arith.select %ge3A_390, %iota3A_0, %broadcast_in_dim3A_392 : vector<256x4096xi1>, vector<256x4096xi32>
    %reduce_min3A_394 = arith.constant dense<2147483647> : vector<256xi32>
    %reduce_min3A_395 = vector.multi_reduction <minsi>, %select_n3A_393, %reduce_min3A_394 [1] : vector<256x4096xi32> to vector<256xi32>
    %broadcast_in_dim3A_396 = vector.shape_cast %reduce_min3A_395 : vector<256xi32> to vector<256x1xi32>
    %swap3A_397 = arith.constant 0 : index
    %swap3A_398 = arith.constant 6 : index
    %swap3A_399 = vector.load %arg6[%swap3A_397, %swap3A_398] : memref<256x8xf32, #tpu.memory_space<vmem>>, vector<256x1xf32>
    tpu.vector_store %arg6[%swap3A_397, %swap3A_398], %broadcast_in_dim3A_388 {strides = array<i32>} : memref<256x8xf32, #tpu.memory_space<vmem>>, vector<256x1xf32>,
    %swap3A_400 = arith.constant 0 : index
    %swap3A_401 = arith.constant 6 : index
    %swap3A_402 = vector.load %arg7[%swap3A_400, %swap3A_401] : memref<256x8xi32, #tpu.memory_space<vmem>>, vector<256x1xi32>
    tpu.vector_store %arg7[%swap3A_400, %swap3A_401], %broadcast_in_dim3A_396 {strides = array<i32>} : memref<256x8xi32, #tpu.memory_space<vmem>>, vector<256x1xi32>,
    %eq3A_403 = vector.broadcast %broadcast_in_dim3A_396 : vector<256x1xi32> to vector<256x4096xi32>
    %eq3A_404 = arith.cmpi eq, %iota3A_0, %eq3A_403 : vector<256x4096xi32>
    %jit3A_405 = arith.constant 0xFF800000 : f32
    %broadcast_in_dim3A_406 = vector.broadcast %jit3A_405 : f32 to vector<256x4096xf32>
    %select_n3A_407 = arith.select %eq3A_404, %broadcast_in_dim3A_406, %select_n3A_385 : vector<256x4096xi1>, vector<256x4096xf32>
    %reduce_max3A_408 = arith.constant dense<0xFF800000> : vector<256xf32>
    %reduce_max3A_409 = vector.multi_reduction <maximumf>, %select_n3A_407, %reduce_max3A_408 [1] : vector<256x4096xf32> to vector<256xf32>
    %broadcast_in_dim3A_410 = vector.shape_cast %reduce_max3A_409 : vector<256xf32> to vector<256x1xf32>
    %ge3A_411 = vector.broadcast %broadcast_in_dim3A_410 : vector<256x1xf32> to vector<256x4096xf32>
    %ge3A_412 = arith.cmpf oge, %select_n3A_407, %ge3A_411 : vector<256x4096xf32>
    %jit3A_413 = arith.constant 4096 : i32
    %broadcast_in_dim3A_414 = vector.broadcast %jit3A_413 : i32 to vector<256x4096xi32>
    %select_n3A_415 = arith.select %ge3A_412, %iota3A_0, %broadcast_in_dim3A_414 : vector<256x4096xi1>, vector<256x4096xi32>
    %reduce_min3A_416 = arith.constant dense<2147483647> : vector<256xi32>
    %reduce_min3A_417 = vector.multi_reduction <minsi>, %select_n3A_415, %reduce_min3A_416 [1] : vector<256x4096xi32> to vector<256xi32>
    %broadcast_in_dim3A_418 = vector.shape_cast %reduce_min3A_417 : vector<256xi32> to vector<256x1xi32>
    %swap3A_419 = arith.constant 0 : index
    %swap3A_420 = arith.constant 7 : index
    %swap3A_421 = vector.load %arg6[%swap3A_419, %swap3A_420] : memref<256x8xf32, #tpu.memory_space<vmem>>, vector<256x1xf32>
    tpu.vector_store %arg6[%swap3A_419, %swap3A_420], %broadcast_in_dim3A_410 {strides = array<i32>} : memref<256x8xf32, #tpu.memory_space<vmem>>, vector<256x1xf32>,
    %swap3A_422 = arith.constant 0 : index
    %swap3A_423 = arith.constant 7 : index
    %swap3A_424 = vector.load %arg7[%swap3A_422, %swap3A_423] : memref<256x8xi32, #tpu.memory_space<vmem>>, vector<256x1xi32>
    tpu.vector_store %arg7[%swap3A_422, %swap3A_423], %broadcast_in_dim3A_418 {strides = array<i32>} : memref<256x8xi32, #tpu.memory_space<vmem>>, vector<256x1xi32>,
    return
  }
  func.func @transform_0(%arg0: i32) -> i32 {
    %c0_i32 = arith.constant 0 : i32
    %c0_i32_0 = arith.constant 0 : i32
    return %c0_i32 : i32
  }
  func.func @transform_1(%arg0: i32) -> (i32, i32) {
    %c0_i32 = arith.constant 0 : i32
    %c0_i32_0 = arith.constant 0 : i32
    return %arg0, %c0_i32 : i32, i32
  }
  func.func @transform_2(%arg0: i32) -> (i32, i32) {
    %c0_i32 = arith.constant 0 : i32
    %c0_i32_0 = arith.constant 0 : i32
    %c0_i32_1 = arith.constant 0 : i32
    return %c0_i32, %c0_i32_0 : i32, i32
  }
  func.func @transform_3(%arg0: i32) -> (i32, i32) {
    %c0_i32 = arith.constant 0 : i32
    %c0_i32_0 = arith.constant 0 : i32
    return %arg0, %c0_i32 : i32, i32
  }
  func.func @transform_4(%arg0: i32) -> (i32, i32) {
    %c0_i32 = arith.constant 0 : i32
    %c0_i32_0 = arith.constant 0 : i32
    %c0_i32_1 = arith.constant 0 : i32
    return %c0_i32, %c0_i32_0 : i32, i32
  }
  func.func @transform_5(%arg0: i32) -> (i32, i32) {
    %c0_i32 = arith.constant 0 : i32
    %c0_i32_0 = arith.constant 0 : i32
    return %arg0, %c0_i32 : i32, i32
  }
  func.func @transform_6(%arg0: i32) -> (i32, i32) {
    %c0_i32 = arith.constant 0 : i32
    %c0_i32_0 = arith.constant 0 : i32
    return %arg0, %c0_i32 : i32, i32
  }
}

module attributes {stable_mosaic.version = 14 : i64} {
  func.func @_body_scbits(%arg0: i32, %arg1: memref<1xf32, #tpu.memory_space<smem>>, %arg2: memref<256x256xf32, #tpu.memory_space<vmem>>, %arg3: memref<256x4096xf32, #tpu.memory_space<vmem>>, %arg4: memref<256x1xf32, #tpu.memory_space<vmem>>, %arg5: memref<1x4096xf32, #tpu.memory_space<vmem>>, %arg6: memref<256x4096xi32, #tpu.memory_space<vmem>>, %arg7: memref<256x8xf32, #tpu.memory_space<vmem>>, %arg8: memref<256x8xi32, #tpu.memory_space<vmem>>) attributes {dimension_semantics = [#tpu.dimension_semantics<arbitrary>], iteration_bounds = array<i64: 6>, scalar_prefetch = 0 : i64, scratch_operands = 0 : i64, tpu.core_type = #tpu.core_type<tc>, window_params = [{transform_indices = @transform_0, window_bounds = array<i64: 1>}, {transform_indices = @transform_1, window_bounds = array<i64: 256, 256>}, {pipeline_mode = #tpu.pipeline_mode<synchronous>, transform_indices = @transform_2, window_bounds = array<i64: 256, 4096>}, {transform_indices = @transform_3, window_bounds = array<i64: 256, 1>}, {pipeline_mode = #tpu.pipeline_mode<synchronous>, transform_indices = @transform_4, window_bounds = array<i64: 1, 4096>}, {transform_indices = @transform_5, window_bounds = array<i64: 256, 4096>}, {transform_indices = @transform_6, window_bounds = array<i64: 256, 8>}, {transform_indices = @transform_7, window_bounds = array<i64: 256, 8>}]} {
    %iota3A = tpu.iota {dimensions = array<i32: 1>} : vector<256x4096xi32>
    %get3A = arith.constant 0 : index
    %get3A_0 = arith.constant 0 : index
    %get3A_1 = vector.load %arg6[%get3A, %get3A_0] : memref<256x4096xi32, #tpu.memory_space<vmem>>, vector<256x4096xi32>
    %get3A_2 = arith.constant 0 : index
    %get3A_3 = arith.constant 0 : index
    %get3A_4 = vector.load %arg2[%get3A_2, %get3A_3] : memref<256x256xf32, #tpu.memory_space<vmem>>, vector<256x256xf32>
    %get3A_5 = arith.constant 0 : index
    %get3A_6 = arith.constant 0 : index
    %get3A_7 = vector.load %arg3[%get3A_5, %get3A_6] : memref<256x4096xf32, #tpu.memory_space<vmem>>, vector<256x4096xf32>
    %dot_general3A = arith.constant dense<0.000000e+00> : vector<256x4096xf32>
    %dot_general3A_8 = tpu.matmul %get3A_4, %get3A_7, %dot_general3A {dimension_numbers = #tpu.dot_dimension_numbers<[1], [0], [0], [1], [0, 0, 1, 1], [], []>, transpose_lhs_hint = false} : vector<256x256xf32>, vector<256x4096xf32>, vector<256x4096xf32> -> vector<256x4096xf32>
    %get3A_9 = arith.constant 0 : index
    %get3A_10 = arith.constant 0 : index
    %get3A_11 = vector.load %arg4[%get3A_9, %get3A_10] : memref<256x1xf32, #tpu.memory_space<vmem>>, vector<256x1xf32>
    %get3A_12 = arith.constant 0 : index
    %get3A_13 = arith.constant 0 : index
    %get3A_14 = vector.load %arg5[%get3A_12, %get3A_13] : memref<1x4096xf32, #tpu.memory_space<vmem>>, vector<1x4096xf32>
    %add3A = vector.broadcast %get3A_11 : vector<256x1xf32> to vector<256x4096xf32>
    %add3A_15 = vector.broadcast %get3A_14 : vector<1x4096xf32> to vector<256x4096xf32>
    %add3A_16 = arith.addf %add3A, %add3A_15 : vector<256x4096xf32>
    %mul3A = arith.constant 2.000000e+00 : f32
    %mul3A_17 = vector.broadcast %mul3A : f32 to vector<256x4096xf32>
    %mul3A_18 = arith.mulf %mul3A_17, %dot_general3A_8 : vector<256x4096xf32>
    %sub3A = arith.subf %add3A_16, %mul3A_18 : vector<256x4096xf32>
    %max3A = arith.constant 0.000000e+00 : f32
    %max3A_19 = vector.broadcast %max3A : f32 to vector<256x4096xf32>
    %max3A_20 = arith.maximumf %sub3A, %max3A_19 : vector<256x4096xf32>
    %shift_right_logical3A = arith.constant 9 : i32
    %shift_right_logical3A_21 = vector.broadcast %shift_right_logical3A : i32 to vector<256x4096xi32>
    %shift_right_logical3A_22 = arith.shrui %get3A_1, %shift_right_logical3A_21 : vector<256x4096xi32>
    %or3A = arith.constant 1065353216 : i32
    %or3A_23 = vector.broadcast %or3A : i32 to vector<256x4096xi32>
    %or3A_24 = arith.ori %shift_right_logical3A_22, %or3A_23 : vector<256x4096xi32>
    %bitcast_convert_type3A = tpu.bitcast %or3A_24 : vector<256x4096xi32> -> vector<256x4096xf32>
    %sub3A_25 = arith.constant 1.000000e+00 : f32
    %sub3A_26 = vector.broadcast %sub3A_25 : f32 to vector<256x4096xf32>
    %sub3A_27 = arith.subf %bitcast_convert_type3A, %sub3A_26 : vector<256x4096xf32>
    %max3A_28 = arith.constant 0.000000e+00 : f32
    %max3A_29 = vector.broadcast %max3A_28 : f32 to vector<256x4096xf32>
    %max3A_30 = arith.maximumf %sub3A_27, %max3A_29 : vector<256x4096xf32>
    %add3A_31 = arith.constant 9.99999993E-9 : f32
    %add3A_32 = vector.broadcast %add3A_31 : f32 to vector<256x4096xf32>
    %add3A_33 = arith.addf %max3A_30, %add3A_32 : vector<256x4096xf32>
    %get3A_34 = arith.constant 0 : index
    %get3A_35 = memref.load %arg1[%get3A_34] : memref<1xf32, #tpu.memory_space<smem>>
    %jit3A = arith.constant -5.000000e+00 : f32
    %jit3A_36 = arith.constant 5.000000e+00 : f32
    %max3A_37 = arith.maximumf %jit3A, %get3A_35 : f32
    %min3A = arith.minimumf %jit3A_36, %max3A_37 : f32
    %exp3A = math.exp %min3A : f32
    %log3A = math.log %add3A_33 : vector<256x4096xf32>
    %neg3A = arith.constant 0.000000e+00 : f32
    %neg3A_38 = vector.broadcast %neg3A : f32 to vector<256x4096xf32>
    %neg3A_39 = arith.subf %neg3A_38, %log3A : vector<256x4096xf32>
    %log3A_40 = math.log %neg3A_39 : vector<256x4096xf32>
    %mul3A_41 = vector.broadcast %exp3A : f32 to vector<256x4096xf32>
    %mul3A_42 = arith.mulf %max3A_20, %mul3A_41 : vector<256x4096xf32>
    %sub3A_43 = arith.subf %log3A_40, %mul3A_42 : vector<256x4096xf32>
    %reduce_max3A = arith.constant dense<0xFF800000> : vector<256xf32>
    %reduce_max3A_44 = vector.multi_reduction <maximumf>, %sub3A_43, %reduce_max3A [1] : vector<256x4096xf32> to vector<256xf32>
    %broadcast_in_dim3A = vector.shape_cast %reduce_max3A_44 : vector<256xf32> to vector<256x1xf32>
    %ge3A = vector.broadcast %broadcast_in_dim3A : vector<256x1xf32> to vector<256x4096xf32>
    %ge3A_45 = arith.cmpf oge, %sub3A_43, %ge3A : vector<256x4096xf32>
    %jit3A_46 = arith.constant 4096 : i32
    %broadcast_in_dim3A_47 = vector.broadcast %jit3A_46 : i32 to vector<256x4096xi32>
    %select_n3A = arith.select %ge3A_45, %iota3A, %broadcast_in_dim3A_47 : vector<256x4096xi1>, vector<256x4096xi32>
    %reduce_min3A = arith.constant dense<2147483647> : vector<256xi32>
    %reduce_min3A_48 = vector.multi_reduction <minsi>, %select_n3A, %reduce_min3A [1] : vector<256x4096xi32> to vector<256xi32>
    %broadcast_in_dim3A_49 = vector.shape_cast %reduce_min3A_48 : vector<256xi32> to vector<256x1xi32>
    %swap3A = arith.constant 0 : index
    %swap3A_50 = arith.constant 0 : index
    %swap3A_51 = vector.load %arg7[%swap3A, %swap3A_50] : memref<256x8xf32, #tpu.memory_space<vmem>>, vector<256x1xf32>
    tpu.vector_store %arg7[%swap3A, %swap3A_50], %broadcast_in_dim3A {strides = array<i32>} : memref<256x8xf32, #tpu.memory_space<vmem>>, vector<256x1xf32>,
    %swap3A_52 = arith.constant 0 : index
    %swap3A_53 = arith.constant 0 : index
    %swap3A_54 = vector.load %arg8[%swap3A_52, %swap3A_53] : memref<256x8xi32, #tpu.memory_space<vmem>>, vector<256x1xi32>
    tpu.vector_store %arg8[%swap3A_52, %swap3A_53], %broadcast_in_dim3A_49 {strides = array<i32>} : memref<256x8xi32, #tpu.memory_space<vmem>>, vector<256x1xi32>,
    %eq3A = vector.broadcast %broadcast_in_dim3A_49 : vector<256x1xi32> to vector<256x4096xi32>
    %eq3A_55 = arith.cmpi eq, %iota3A, %eq3A : vector<256x4096xi32>
    %jit3A_56 = arith.constant 0xFF800000 : f32
    %broadcast_in_dim3A_57 = vector.broadcast %jit3A_56 : f32 to vector<256x4096xf32>
    %select_n3A_58 = arith.select %eq3A_55, %broadcast_in_dim3A_57, %sub3A_43 : vector<256x4096xi1>, vector<256x4096xf32>
    %reduce_max3A_59 = arith.constant dense<0xFF800000> : vector<256xf32>
    %reduce_max3A_60 = vector.multi_reduction <maximumf>, %select_n3A_58, %reduce_max3A_59 [1] : vector<256x4096xf32> to vector<256xf32>
    %broadcast_in_dim3A_61 = vector.shape_cast %reduce_max3A_60 : vector<256xf32> to vector<256x1xf32>
    %ge3A_62 = vector.broadcast %broadcast_in_dim3A_61 : vector<256x1xf32> to vector<256x4096xf32>
    %ge3A_63 = arith.cmpf oge, %select_n3A_58, %ge3A_62 : vector<256x4096xf32>
    %jit3A_64 = arith.constant 4096 : i32
    %broadcast_in_dim3A_65 = vector.broadcast %jit3A_64 : i32 to vector<256x4096xi32>
    %select_n3A_66 = arith.select %ge3A_63, %iota3A, %broadcast_in_dim3A_65 : vector<256x4096xi1>, vector<256x4096xi32>
    %reduce_min3A_67 = arith.constant dense<2147483647> : vector<256xi32>
    %reduce_min3A_68 = vector.multi_reduction <minsi>, %select_n3A_66, %reduce_min3A_67 [1] : vector<256x4096xi32> to vector<256xi32>
    %broadcast_in_dim3A_69 = vector.shape_cast %reduce_min3A_68 : vector<256xi32> to vector<256x1xi32>
    %swap3A_70 = arith.constant 0 : index
    %swap3A_71 = arith.constant 1 : index
    %swap3A_72 = vector.load %arg7[%swap3A_70, %swap3A_71] : memref<256x8xf32, #tpu.memory_space<vmem>>, vector<256x1xf32>
    tpu.vector_store %arg7[%swap3A_70, %swap3A_71], %broadcast_in_dim3A_61 {strides = array<i32>} : memref<256x8xf32, #tpu.memory_space<vmem>>, vector<256x1xf32>,
    %swap3A_73 = arith.constant 0 : index
    %swap3A_74 = arith.constant 1 : index
    %swap3A_75 = vector.load %arg8[%swap3A_73, %swap3A_74] : memref<256x8xi32, #tpu.memory_space<vmem>>, vector<256x1xi32>
    tpu.vector_store %arg8[%swap3A_73, %swap3A_74], %broadcast_in_dim3A_69 {strides = array<i32>} : memref<256x8xi32, #tpu.memory_space<vmem>>, vector<256x1xi32>,
    %eq3A_76 = vector.broadcast %broadcast_in_dim3A_69 : vector<256x1xi32> to vector<256x4096xi32>
    %eq3A_77 = arith.cmpi eq, %iota3A, %eq3A_76 : vector<256x4096xi32>
    %jit3A_78 = arith.constant 0xFF800000 : f32
    %broadcast_in_dim3A_79 = vector.broadcast %jit3A_78 : f32 to vector<256x4096xf32>
    %select_n3A_80 = arith.select %eq3A_77, %broadcast_in_dim3A_79, %select_n3A_58 : vector<256x4096xi1>, vector<256x4096xf32>
    %reduce_max3A_81 = arith.constant dense<0xFF800000> : vector<256xf32>
    %reduce_max3A_82 = vector.multi_reduction <maximumf>, %select_n3A_80, %reduce_max3A_81 [1] : vector<256x4096xf32> to vector<256xf32>
    %broadcast_in_dim3A_83 = vector.shape_cast %reduce_max3A_82 : vector<256xf32> to vector<256x1xf32>
    %ge3A_84 = vector.broadcast %broadcast_in_dim3A_83 : vector<256x1xf32> to vector<256x4096xf32>
    %ge3A_85 = arith.cmpf oge, %select_n3A_80, %ge3A_84 : vector<256x4096xf32>
    %jit3A_86 = arith.constant 4096 : i32
    %broadcast_in_dim3A_87 = vector.broadcast %jit3A_86 : i32 to vector<256x4096xi32>
    %select_n3A_88 = arith.select %ge3A_85, %iota3A, %broadcast_in_dim3A_87 : vector<256x4096xi1>, vector<256x4096xi32>
    %reduce_min3A_89 = arith.constant dense<2147483647> : vector<256xi32>
    %reduce_min3A_90 = vector.multi_reduction <minsi>, %select_n3A_88, %reduce_min3A_89 [1] : vector<256x4096xi32> to vector<256xi32>
    %broadcast_in_dim3A_91 = vector.shape_cast %reduce_min3A_90 : vector<256xi32> to vector<256x1xi32>
    %swap3A_92 = arith.constant 0 : index
    %swap3A_93 = arith.constant 2 : index
    %swap3A_94 = vector.load %arg7[%swap3A_92, %swap3A_93] : memref<256x8xf32, #tpu.memory_space<vmem>>, vector<256x1xf32>
    tpu.vector_store %arg7[%swap3A_92, %swap3A_93], %broadcast_in_dim3A_83 {strides = array<i32>} : memref<256x8xf32, #tpu.memory_space<vmem>>, vector<256x1xf32>,
    %swap3A_95 = arith.constant 0 : index
    %swap3A_96 = arith.constant 2 : index
    %swap3A_97 = vector.load %arg8[%swap3A_95, %swap3A_96] : memref<256x8xi32, #tpu.memory_space<vmem>>, vector<256x1xi32>
    tpu.vector_store %arg8[%swap3A_95, %swap3A_96], %broadcast_in_dim3A_91 {strides = array<i32>} : memref<256x8xi32, #tpu.memory_space<vmem>>, vector<256x1xi32>,
    %eq3A_98 = vector.broadcast %broadcast_in_dim3A_91 : vector<256x1xi32> to vector<256x4096xi32>
    %eq3A_99 = arith.cmpi eq, %iota3A, %eq3A_98 : vector<256x4096xi32>
    %jit3A_100 = arith.constant 0xFF800000 : f32
    %broadcast_in_dim3A_101 = vector.broadcast %jit3A_100 : f32 to vector<256x4096xf32>
    %select_n3A_102 = arith.select %eq3A_99, %broadcast_in_dim3A_101, %select_n3A_80 : vector<256x4096xi1>, vector<256x4096xf32>
    %reduce_max3A_103 = arith.constant dense<0xFF800000> : vector<256xf32>
    %reduce_max3A_104 = vector.multi_reduction <maximumf>, %select_n3A_102, %reduce_max3A_103 [1] : vector<256x4096xf32> to vector<256xf32>
    %broadcast_in_dim3A_105 = vector.shape_cast %reduce_max3A_104 : vector<256xf32> to vector<256x1xf32>
    %ge3A_106 = vector.broadcast %broadcast_in_dim3A_105 : vector<256x1xf32> to vector<256x4096xf32>
    %ge3A_107 = arith.cmpf oge, %select_n3A_102, %ge3A_106 : vector<256x4096xf32>
    %jit3A_108 = arith.constant 4096 : i32
    %broadcast_in_dim3A_109 = vector.broadcast %jit3A_108 : i32 to vector<256x4096xi32>
    %select_n3A_110 = arith.select %ge3A_107, %iota3A, %broadcast_in_dim3A_109 : vector<256x4096xi1>, vector<256x4096xi32>
    %reduce_min3A_111 = arith.constant dense<2147483647> : vector<256xi32>
    %reduce_min3A_112 = vector.multi_reduction <minsi>, %select_n3A_110, %reduce_min3A_111 [1] : vector<256x4096xi32> to vector<256xi32>
    %broadcast_in_dim3A_113 = vector.shape_cast %reduce_min3A_112 : vector<256xi32> to vector<256x1xi32>
    %swap3A_114 = arith.constant 0 : index
    %swap3A_115 = arith.constant 3 : index
    %swap3A_116 = vector.load %arg7[%swap3A_114, %swap3A_115] : memref<256x8xf32, #tpu.memory_space<vmem>>, vector<256x1xf32>
    tpu.vector_store %arg7[%swap3A_114, %swap3A_115], %broadcast_in_dim3A_105 {strides = array<i32>} : memref<256x8xf32, #tpu.memory_space<vmem>>, vector<256x1xf32>,
    %swap3A_117 = arith.constant 0 : index
    %swap3A_118 = arith.constant 3 : index
    %swap3A_119 = vector.load %arg8[%swap3A_117, %swap3A_118] : memref<256x8xi32, #tpu.memory_space<vmem>>, vector<256x1xi32>
    tpu.vector_store %arg8[%swap3A_117, %swap3A_118], %broadcast_in_dim3A_113 {strides = array<i32>} : memref<256x8xi32, #tpu.memory_space<vmem>>, vector<256x1xi32>,
    %eq3A_120 = vector.broadcast %broadcast_in_dim3A_113 : vector<256x1xi32> to vector<256x4096xi32>
    %eq3A_121 = arith.cmpi eq, %iota3A, %eq3A_120 : vector<256x4096xi32>
    %jit3A_122 = arith.constant 0xFF800000 : f32
    %broadcast_in_dim3A_123 = vector.broadcast %jit3A_122 : f32 to vector<256x4096xf32>
    %select_n3A_124 = arith.select %eq3A_121, %broadcast_in_dim3A_123, %select_n3A_102 : vector<256x4096xi1>, vector<256x4096xf32>
    %reduce_max3A_125 = arith.constant dense<0xFF800000> : vector<256xf32>
    %reduce_max3A_126 = vector.multi_reduction <maximumf>, %select_n3A_124, %reduce_max3A_125 [1] : vector<256x4096xf32> to vector<256xf32>
    %broadcast_in_dim3A_127 = vector.shape_cast %reduce_max3A_126 : vector<256xf32> to vector<256x1xf32>
    %ge3A_128 = vector.broadcast %broadcast_in_dim3A_127 : vector<256x1xf32> to vector<256x4096xf32>
    %ge3A_129 = arith.cmpf oge, %select_n3A_124, %ge3A_128 : vector<256x4096xf32>
    %jit3A_130 = arith.constant 4096 : i32
    %broadcast_in_dim3A_131 = vector.broadcast %jit3A_130 : i32 to vector<256x4096xi32>
    %select_n3A_132 = arith.select %ge3A_129, %iota3A, %broadcast_in_dim3A_131 : vector<256x4096xi1>, vector<256x4096xi32>
    %reduce_min3A_133 = arith.constant dense<2147483647> : vector<256xi32>
    %reduce_min3A_134 = vector.multi_reduction <minsi>, %select_n3A_132, %reduce_min3A_133 [1] : vector<256x4096xi32> to vector<256xi32>
    %broadcast_in_dim3A_135 = vector.shape_cast %reduce_min3A_134 : vector<256xi32> to vector<256x1xi32>
    %swap3A_136 = arith.constant 0 : index
    %swap3A_137 = arith.constant 4 : index
    %swap3A_138 = vector.load %arg7[%swap3A_136, %swap3A_137] : memref<256x8xf32, #tpu.memory_space<vmem>>, vector<256x1xf32>
    tpu.vector_store %arg7[%swap3A_136, %swap3A_137], %broadcast_in_dim3A_127 {strides = array<i32>} : memref<256x8xf32, #tpu.memory_space<vmem>>, vector<256x1xf32>,
    %swap3A_139 = arith.constant 0 : index
    %swap3A_140 = arith.constant 4 : index
    %swap3A_141 = vector.load %arg8[%swap3A_139, %swap3A_140] : memref<256x8xi32, #tpu.memory_space<vmem>>, vector<256x1xi32>
    tpu.vector_store %arg8[%swap3A_139, %swap3A_140], %broadcast_in_dim3A_135 {strides = array<i32>} : memref<256x8xi32, #tpu.memory_space<vmem>>, vector<256x1xi32>,
    %eq3A_142 = vector.broadcast %broadcast_in_dim3A_135 : vector<256x1xi32> to vector<256x4096xi32>
    %eq3A_143 = arith.cmpi eq, %iota3A, %eq3A_142 : vector<256x4096xi32>
    %jit3A_144 = arith.constant 0xFF800000 : f32
    %broadcast_in_dim3A_145 = vector.broadcast %jit3A_144 : f32 to vector<256x4096xf32>
    %select_n3A_146 = arith.select %eq3A_143, %broadcast_in_dim3A_145, %select_n3A_124 : vector<256x4096xi1>, vector<256x4096xf32>
    %reduce_max3A_147 = arith.constant dense<0xFF800000> : vector<256xf32>
    %reduce_max3A_148 = vector.multi_reduction <maximumf>, %select_n3A_146, %reduce_max3A_147 [1] : vector<256x4096xf32> to vector<256xf32>
    %broadcast_in_dim3A_149 = vector.shape_cast %reduce_max3A_148 : vector<256xf32> to vector<256x1xf32>
    %ge3A_150 = vector.broadcast %broadcast_in_dim3A_149 : vector<256x1xf32> to vector<256x4096xf32>
    %ge3A_151 = arith.cmpf oge, %select_n3A_146, %ge3A_150 : vector<256x4096xf32>
    %jit3A_152 = arith.constant 4096 : i32
    %broadcast_in_dim3A_153 = vector.broadcast %jit3A_152 : i32 to vector<256x4096xi32>
    %select_n3A_154 = arith.select %ge3A_151, %iota3A, %broadcast_in_dim3A_153 : vector<256x4096xi1>, vector<256x4096xi32>
    %reduce_min3A_155 = arith.constant dense<2147483647> : vector<256xi32>
    %reduce_min3A_156 = vector.multi_reduction <minsi>, %select_n3A_154, %reduce_min3A_155 [1] : vector<256x4096xi32> to vector<256xi32>
    %broadcast_in_dim3A_157 = vector.shape_cast %reduce_min3A_156 : vector<256xi32> to vector<256x1xi32>
    %swap3A_158 = arith.constant 0 : index
    %swap3A_159 = arith.constant 5 : index
    %swap3A_160 = vector.load %arg7[%swap3A_158, %swap3A_159] : memref<256x8xf32, #tpu.memory_space<vmem>>, vector<256x1xf32>
    tpu.vector_store %arg7[%swap3A_158, %swap3A_159], %broadcast_in_dim3A_149 {strides = array<i32>} : memref<256x8xf32, #tpu.memory_space<vmem>>, vector<256x1xf32>,
    %swap3A_161 = arith.constant 0 : index
    %swap3A_162 = arith.constant 5 : index
    %swap3A_163 = vector.load %arg8[%swap3A_161, %swap3A_162] : memref<256x8xi32, #tpu.memory_space<vmem>>, vector<256x1xi32>
    tpu.vector_store %arg8[%swap3A_161, %swap3A_162], %broadcast_in_dim3A_157 {strides = array<i32>} : memref<256x8xi32, #tpu.memory_space<vmem>>, vector<256x1xi32>,
    %eq3A_164 = vector.broadcast %broadcast_in_dim3A_157 : vector<256x1xi32> to vector<256x4096xi32>
    %eq3A_165 = arith.cmpi eq, %iota3A, %eq3A_164 : vector<256x4096xi32>
    %jit3A_166 = arith.constant 0xFF800000 : f32
    %broadcast_in_dim3A_167 = vector.broadcast %jit3A_166 : f32 to vector<256x4096xf32>
    %select_n3A_168 = arith.select %eq3A_165, %broadcast_in_dim3A_167, %select_n3A_146 : vector<256x4096xi1>, vector<256x4096xf32>
    %reduce_max3A_169 = arith.constant dense<0xFF800000> : vector<256xf32>
    %reduce_max3A_170 = vector.multi_reduction <maximumf>, %select_n3A_168, %reduce_max3A_169 [1] : vector<256x4096xf32> to vector<256xf32>
    %broadcast_in_dim3A_171 = vector.shape_cast %reduce_max3A_170 : vector<256xf32> to vector<256x1xf32>
    %ge3A_172 = vector.broadcast %broadcast_in_dim3A_171 : vector<256x1xf32> to vector<256x4096xf32>
    %ge3A_173 = arith.cmpf oge, %select_n3A_168, %ge3A_172 : vector<256x4096xf32>
    %jit3A_174 = arith.constant 4096 : i32
    %broadcast_in_dim3A_175 = vector.broadcast %jit3A_174 : i32 to vector<256x4096xi32>
    %select_n3A_176 = arith.select %ge3A_173, %iota3A, %broadcast_in_dim3A_175 : vector<256x4096xi1>, vector<256x4096xi32>
    %reduce_min3A_177 = arith.constant dense<2147483647> : vector<256xi32>
    %reduce_min3A_178 = vector.multi_reduction <minsi>, %select_n3A_176, %reduce_min3A_177 [1] : vector<256x4096xi32> to vector<256xi32>
    %broadcast_in_dim3A_179 = vector.shape_cast %reduce_min3A_178 : vector<256xi32> to vector<256x1xi32>
    %swap3A_180 = arith.constant 0 : index
    %swap3A_181 = arith.constant 6 : index
    %swap3A_182 = vector.load %arg7[%swap3A_180, %swap3A_181] : memref<256x8xf32, #tpu.memory_space<vmem>>, vector<256x1xf32>
    tpu.vector_store %arg7[%swap3A_180, %swap3A_181], %broadcast_in_dim3A_171 {strides = array<i32>} : memref<256x8xf32, #tpu.memory_space<vmem>>, vector<256x1xf32>,
    %swap3A_183 = arith.constant 0 : index
    %swap3A_184 = arith.constant 6 : index
    %swap3A_185 = vector.load %arg8[%swap3A_183, %swap3A_184] : memref<256x8xi32, #tpu.memory_space<vmem>>, vector<256x1xi32>
    tpu.vector_store %arg8[%swap3A_183, %swap3A_184], %broadcast_in_dim3A_179 {strides = array<i32>} : memref<256x8xi32, #tpu.memory_space<vmem>>, vector<256x1xi32>,
    %eq3A_186 = vector.broadcast %broadcast_in_dim3A_179 : vector<256x1xi32> to vector<256x4096xi32>
    %eq3A_187 = arith.cmpi eq, %iota3A, %eq3A_186 : vector<256x4096xi32>
    %jit3A_188 = arith.constant 0xFF800000 : f32
    %broadcast_in_dim3A_189 = vector.broadcast %jit3A_188 : f32 to vector<256x4096xf32>
    %select_n3A_190 = arith.select %eq3A_187, %broadcast_in_dim3A_189, %select_n3A_168 : vector<256x4096xi1>, vector<256x4096xf32>
    %reduce_max3A_191 = arith.constant dense<0xFF800000> : vector<256xf32>
    %reduce_max3A_192 = vector.multi_reduction <maximumf>, %select_n3A_190, %reduce_max3A_191 [1] : vector<256x4096xf32> to vector<256xf32>
    %broadcast_in_dim3A_193 = vector.shape_cast %reduce_max3A_192 : vector<256xf32> to vector<256x1xf32>
    %ge3A_194 = vector.broadcast %broadcast_in_dim3A_193 : vector<256x1xf32> to vector<256x4096xf32>
    %ge3A_195 = arith.cmpf oge, %select_n3A_190, %ge3A_194 : vector<256x4096xf32>
    %jit3A_196 = arith.constant 4096 : i32
    %broadcast_in_dim3A_197 = vector.broadcast %jit3A_196 : i32 to vector<256x4096xi32>
    %select_n3A_198 = arith.select %ge3A_195, %iota3A, %broadcast_in_dim3A_197 : vector<256x4096xi1>, vector<256x4096xi32>
    %reduce_min3A_199 = arith.constant dense<2147483647> : vector<256xi32>
    %reduce_min3A_200 = vector.multi_reduction <minsi>, %select_n3A_198, %reduce_min3A_199 [1] : vector<256x4096xi32> to vector<256xi32>
    %broadcast_in_dim3A_201 = vector.shape_cast %reduce_min3A_200 : vector<256xi32> to vector<256x1xi32>
    %swap3A_202 = arith.constant 0 : index
    %swap3A_203 = arith.constant 7 : index
    %swap3A_204 = vector.load %arg7[%swap3A_202, %swap3A_203] : memref<256x8xf32, #tpu.memory_space<vmem>>, vector<256x1xf32>
    tpu.vector_store %arg7[%swap3A_202, %swap3A_203], %broadcast_in_dim3A_193 {strides = array<i32>} : memref<256x8xf32, #tpu.memory_space<vmem>>, vector<256x1xf32>,
    %swap3A_205 = arith.constant 0 : index
    %swap3A_206 = arith.constant 7 : index
    %swap3A_207 = vector.load %arg8[%swap3A_205, %swap3A_206] : memref<256x8xi32, #tpu.memory_space<vmem>>, vector<256x1xi32>
    tpu.vector_store %arg8[%swap3A_205, %swap3A_206], %broadcast_in_dim3A_201 {strides = array<i32>} : memref<256x8xi32, #tpu.memory_space<vmem>>, vector<256x1xi32>,
    return
  }
  func.func @transform_0(%arg0: i32) -> i32 {
    %c0_i32 = arith.constant 0 : i32
    %c0_i32_0 = arith.constant 0 : i32
    return %c0_i32 : i32
  }
  func.func @transform_1(%arg0: i32) -> (i32, i32) {
    %add3A = arith.constant 10 : i32
    %add3A_0 = arith.addi %arg0, %add3A : i32
    %c0_i32 = arith.constant 0 : i32
    %c0_i32_1 = arith.constant 0 : i32
    return %add3A_0, %c0_i32 : i32, i32
  }
  func.func @transform_2(%arg0: i32) -> (i32, i32) {
    %c0_i32 = arith.constant 0 : i32
    %c0_i32_0 = arith.constant 0 : i32
    %c0_i32_1 = arith.constant 0 : i32
    return %c0_i32, %c0_i32_0 : i32, i32
  }
  func.func @transform_3(%arg0: i32) -> (i32, i32) {
    %add3A = arith.constant 10 : i32
    %add3A_0 = arith.addi %arg0, %add3A : i32
    %c0_i32 = arith.constant 0 : i32
    %c0_i32_1 = arith.constant 0 : i32
    return %add3A_0, %c0_i32 : i32, i32
  }
  func.func @transform_4(%arg0: i32) -> (i32, i32) {
    %c0_i32 = arith.constant 0 : i32
    %c0_i32_0 = arith.constant 0 : i32
    %c0_i32_1 = arith.constant 0 : i32
    return %c0_i32, %c0_i32_0 : i32, i32
  }
  func.func @transform_5(%arg0: i32) -> (i32, i32) {
    %c0_i32 = arith.constant 0 : i32
    %c0_i32_0 = arith.constant 0 : i32
    return %arg0, %c0_i32 : i32, i32
  }
  func.func @transform_6(%arg0: i32) -> (i32, i32) {
    %c0_i32 = arith.constant 0 : i32
    %c0_i32_0 = arith.constant 0 : i32
    return %arg0, %c0_i32 : i32, i32
  }
  func.func @transform_7(%arg0: i32) -> (i32, i32) {
    %c0_i32 = arith.constant 0 : i32
    %c0_i32_0 = arith.constant 0 : i32
    return %arg0, %c0_i32 : i32, i32
  }
}

</mosaic_0001>

<sc_bundles>
// kernel: kernel.5.cloned.1.call-start
scs
__scs_entry_jumppad:
0x0: {  	(pc) =	sbr.rel $0x88, $3  }
0x1: {  	(tag) =	ssettag $0x0;
	lr =	simm.s32 $0x1  }
0x2: {  	[smem:$0x3F9F] =	sst lr;
	_ =	strace $0xD0000000  }
0x3: {  	_ = 	snop  }
0x4: {  	_ = 	snop  }
0x5: {  	_ = 	snop  }
0x6: {  	_ = 	snop  }
0x7: {  	_ = 	snop  }
__scs_overlays_trampoline_lowered:
0x8: {  	[smem:$0x3FAE] =	sst s0  }
0x9: {  	[smem:$0x3FAF] =	sst s1  }
0xa: {  	[smem:$0x3FB0] =	sst s2  }
0xb: {  	[smem:$0x3FB1] =	sst s3  }
0xc: {  	[smem:$0x3FB2] =	sst s4  }
0xd: {  	[smem:$0x3FB3] =	sst s5  }
0xe: {  	[smem:$0x3FB4] =	sst s6  }
0xf: {  	[smem:$0x3FB5] =	sst s7  }
0x10: {  	[smem:$0x3FB6] =	sst s8  }
0x11: {  	[smem:$0x3FB7] =	sst s9;
	s0 =	simm.s32 @!p0 $0x0  }
0x12: {  	s1 =	sld [smem:$0x3F9D];
	s0 =	simm.s32 @p0 $0x1  }
0x13: {  	[smem:$0x3FB8] =	sst s0;
	s0 =	simm.s32 @!p1 $0x0  }
0x14: {  	s2 =	sld [smem:$0x3F9C];
	s0 =	simm.s32 @p1 $0x1  }
0x15: {  	[smem:$0x3FB9] =	sst s0;
	s0 =	simm.s32 @!p2 $0x0  }
0x16: {  	s3 =	sld [smem:$0x3FDB];
	s0 =	simm.s32 @p2 $0x1  }
0x17: {  	s4 =	simm.s32 $0x1BF5;
	[smem:$0x3FBB] =	sst s0  }
0x18: {  	s0 =	sld [smem:$0x3F9E];
	_ =	swait.ge [sflag:s4], $0x0  }
0x19: {  	s7 =	sld [smem:$0x3F9F]  }
0x1a: {  	s8 =	sadd.s32 $0xFFFFE003, lr  }
0x1b: {  	s9 =	sadd.s32 $0xFFFFFEF7, lr;
	s5 =	simm.s32 $0xFFFFFFFF;
	p2 =	slt.u32 s8, $0xFFFFF086  }
0x1c: {  	p1 =	slt.u32 s9, $0xF7A;
	s5 =	simm.s32 @!p2 $0x0  }
0x1d: {  	s5 =	simm.s32 @p1 $0x1;
	p0 =	seq.s32 s7, s2  }
0x1e: {  	s7 =	smul.u32 @!p0 $0xF7A, s2;
	p2 =	seq.s32 @!p0 s5, $0x0  }
0x1f: {  	s9 =	smul.u32 $0xF7A, s1;
	s8 =	simm.s32 @!p0 $0x1BF5;
	p2 =	por !p2, p0  }
0x20: {  	[sflag:s8] =	ssyncset.s32 @!p0 $0xFFFFF086;
	s6 =	sadd.s32 @!p0 s3, s7;
	s7 =	simm.s32 @!p0 $0x108  }
0x21: {  	s3 =	sadd.s32 s3, s9;
	s6 =	sadd.s32 @!p0 $0x88, s6;
	s7 =	simm.s32 @p2 $0x1082  }
0x22: {  	[simem:s7], [sflag:s8] =	dma.local @!p0 [hbm:s6], $0xF7A  }
0x23: {  	s9 =	sor.u32 $0xD0000000, s2;
	s6 =	simm.s32 $0x108;
	_ =	swait.ge @!p0 [sflag:s8], $0x0  }
0x24: {  	s3 =	sadd.s32 $0x88, s3;
	s6 =	simm.s32 @!p1 $0x1082;
	[sflag:s4] =	ssyncset.s32 $0xFFFFF086  }
0x25: {  	[simem:s6], [sflag:s4] =	dma.local [hbm:s3], $0xF7A  }
0x26: {  	[smem:$0x3F9F] =	sst s1;
	(tag) =	ssettag s2;
	_ =	strace s9  }
0x27: {  	s1 =	sld [smem:$0x3FAF]  }
0x28: {  	s2 =	sld [smem:$0x3FB0]  }
0x29: {  	s4 =	sld [smem:$0x3FB2]  }
0x2a: {  	p0 =	seq.s32 s5, $0x0;
	s5 =	sld [smem:$0x3FB3]  }
0x2b: {  	s6 =	sld [smem:$0x3FB4]  }
0x2c: {  	s7 =	sld [smem:$0x3FB5]  }
0x2d: {  	s3 =	simm.s32 $0x108;
	s8 =	sld [smem:$0x3FB6]  }
0x2e: {  	s3 =	simm.s32 @!p0 $0x1082;
	s9 =	sld [smem:$0x3FB7]  }
0x2f: {  	lr =	sadd.s32 s0, s3;
	s0 =	sld [smem:$0x3FAE]  }
0x30: {  	s3 =	sld [smem:$0x3FB1]  }
0x31: {  	[smem:$0x3FBA] =	sst s10  }
0x32: {  	s10 =	sld [smem:$0x3FB8];
	_ =	sdelay $0x3  }
0x33: {  	p0 =	seq.s32 s10, $0x1;
	s10 =	sld [smem:$0x3FBA];
	_ =	sdelay $0x3  }
0x34: {  	[smem:$0x3FBA] =	sst s10  }
0x35: {  	s10 =	sld [smem:$0x3FB9];
	_ =	sdelay $0x3  }
0x36: {  	p1 =	seq.s32 s10, $0x1;
	s10 =	sld [smem:$0x3FBA];
	_ =	sdelay $0x3  }
0x37: {  	[smem:$0x3FBA] =	sst s10  }
0x38: {  	s10 =	sld [smem:$0x3FBB]  }
0x39: {  	_ = 	snop;
	(pc) =	sbr.ind lr, $3  }
0x3a: {  	_ = 	snop  }
0x3b: {  	_ = 	snop  }
0x3c: {  	p2 =	seq.s32 s10, $0x1;
	s10 =	sld [smem:$0x3FBA]  }
0x3d: {  	_ =	shalt  }
0x3e: {  	_ =	shalt  }
0x3f: {  	_ =	shalt  }
0x40: {  	_ =	shalt  }
0x41: {  	_ =	shalt  }
0x42: {  	_ =	shalt  }
0x43: {  	_ =	shalt  }
0x44: {  	_ =	shalt  }
0x45: {  	_ =	shalt  }
0x46: {  	_ =	shalt  }
0x47: {  	_ =	shalt  }
0x48: {  	_ =	shalt  }
0x49: {  	_ =	shalt  }
0x4a: {  	_ =	shalt  }
0x4b: {  	_ =	shalt  }
0x4c: {  	_ =	shalt  }
0x4d: {  	_ =	shalt  }
0x4e: {  	_ =	shalt  }
0x4f: {  	_ =	shalt  }
0x50: {  	_ =	shalt  }
0x51: {  	_ =	shalt  }
0x52: {  	_ =	shalt  }
0x53: {  	_ =	shalt  }
0x54: {  	_ =	shalt  }
0x55: {  	_ =	shalt  }
0x56: {  	_ =	shalt  }
0x57: {  	_ =	shalt  }
0x58: {  	_ =	shalt  }
0x59: {  	_ =	shalt  }
0x5a: {  	_ =	shalt  }
0x5b: {  	_ =	shalt  }
0x5c: {  	_ =	shalt  }
0x5d: {  	_ =	shalt  }
0x5e: {  	_ =	shalt  }
0x5f: {  	_ =	shalt  }
0x60: {  	_ =	shalt  }
0x61: {  	_ =	shalt  }
0x62: {  	_ =	shalt  }
0x63: {  	_ =	shalt  }
0x64: {  	_ =	shalt  }
0x65: {  	_ =	shalt  }
0x66: {  	_ =	shalt  }
0x67: {  	_ =	shalt  }
0x68: {  	_ =	shalt  }
0x69: {  	_ =	shalt  }
0x6a: {  	_ =	shalt  }
0x6b: {  	_ =	shalt  }
0x6c: {  	_ =	shalt  }
0x6d: {  	_ =	shalt  }
0x6e: {  	_ =	shalt  }
0x6f: {  	_ =	shalt  }
0x70: {  	_ =	shalt  }
0x71: {  	_ =	shalt  }
0x72: {  	_ =	shalt  }
0x73: {  	_ =	shalt  }
0x74: {  	_ =	shalt  }
0x75: {  	_ =	shalt  }
0x76: {  	_ =	shalt  }
0x77: {  	_ =	shalt  }
0x78: {  	_ =	shalt  }
0x79: {  	_ =	shalt  }
0x7a: {  	_ =	shalt  }
0x7b: {  	_ =	shalt  }
0x7c: {  	_ =	shalt  }
0x7d: {  	_ =	shalt  }
0x7e: {  	_ =	shalt  }
0x7f: {  	_ =	shalt  }
0x80: {  	_ =	shalt  }
0x81: {  	_ =	shalt  }
0x82: {  	_ =	shalt  }
0x83: {  	_ =	shalt  }
0x84: {  	_ =	shalt  }
0x85: {  	_ =	shalt  }
0x86: {  	_ =	shalt  }
0x87: {  	_ =	shalt  }
.Lfunc_end0:
.L_simem_size_0:
called_computation_lowered:
.L_overlay_start_0:
0x88: {  	s2 =	sld [smem:$0x3FD9]  }
0x89: {  	s3 =	sld [smem:$0x3FFE];
	_ =	sdelay $0x1  }
0x8a: {  	s1 =	srdreg.scid  }
0x8b: {  	s0 =	sand.u32 $0x1, s1  }
0x8c: {  	s16 =	sshll.u32 s0, $0xA;
	s2 =	sadd.s32 s3, s2  }
0x8d: {  	s2 =	sadd.s32 s2, s16  }
0x8e: {  	[smem:$0x3FC6] =	sst s2  }
0x8f: {  	_ = 	snop  }
0x90: {  	(tm) =	ssettm $0x1  }
0x91: {  	s17 =	sld [smem:$0x3FFB];
	_ =	sdelay $0x3  }
0x92: {  	_ =	strace s17  }
0x93: {  	s2 =	sld [smem:$0x3FFC];
	_ =	sdelay $0x3  }
0x94: {  	_ =	strace s2  }
0x95: {  	s2 =	sld [smem:$0x3FFD];
	_ =	sdelay $0x3  }
0x96: {  	_ =	strace s2  }
0x97: {  	_ =	strace $0x8FFFFFFF  }
0x98: {  	s18 =	sld [smem:$0x3FDB];
	_ =	sdelay $0x1  }
0x99: {  	s19 =	simm.s32 $_scs_section_size  }
0x9a: {  	s4 =	simm.s32 $_size__tile_overlayer_lowered;
	s5 =	simm.s32 $_tile_overlayer_lowered  }
0x9b: {  	s22 =	simm.s32 $0x1BFF;
	s21 =	sshll.u32 s5, $0x1;
	s2 =	sadd.s32 s19, s18  }
0x9c: {  	s6 =	simm.s32 $0x0;
	s20 =	sshll.u32 s4, $0x1;
	s4 =	sadd.s32 s21, s2  }
0x9d: {  	[timem:s6], [sflag:s22] =	dma.local [hbm:s4], s20  }
0x9e: {  	_ =	swait.ge [sflag:s22], s20  }
0x9f: {  	s3 =	ssub.s32 $0x0, s20;
	[sflag:s22] =	ssyncset.done $0x0  }
0xa0: {  	[sflag:s22] =	ssyncadd.s32 s3;
	_ =	sdelay $0x1  }
0xa1: {  	s23 =	simm.s32 $0x1B8B  }
0xa2: {  	_ =	swait.ge [sflag:s23], $0x1  }
0xa3: {  	[sflag:s23] =	ssyncset.done $0x0  }
0xa4: {  	s25 =	simm.s32 $0x1B8E;
	s24 =	sld [smem:$0x3FFE];
	[sflag:s23] =	ssyncadd.s32 $0xFFFFFFFF  }
0xa5: {  	s26 =	simm.s32 $execute0_lowered;
	[smem:$0x3FD2] =	sst s25  }
0xa6: {  	s4 =	sshll.u32 s26, $0x1;
	_ =	strace $0x80000046;
	[dreg:$0x1] =	wrdreg $0xFFFFFFFF  }
0xa7: {  	s28 =	simm.s32 $_size_execute0_lowered;
	s2 =	sadd.s32 s2, s4;
	[dreg:$0x0] =	wrdreg $0x0  }
0xa8: {  	s4 =	sshll.u32 s28, $0x1;
	[dreg:$0x2] =	wrdreg s2  }
0xa9: {  	[dreg:$0x3] =	wrdreg s4  }
0xaa: {  	[dreg:$0x4] =	wrdreg $0xC0  }
0xab: {  	_ =	task [dreg:s6], $0x5FFFF  }
0xac: {  	[dreg:$0x1] =	wrdreg $0xFFFFFFFF  }
0xad: {  	[dreg:$0x0] =	wrdreg $0x60  }
0xae: {  	[dreg:$0x2] =	wrdreg s24  }
0xaf: {  	[dreg:$0x3] =	wrdreg $0x9  }
0xb0: {  	_ =	task.clear_ibuf [dreg:s6], $0x4FFFF;
	_ =	strace $0x90000046  }
0xb1: {  	s29 =	simm.s32 $0x9;
	_ =	strace $0x80000048  }
0xb2: {  	_ =	swait.ge [sflag:s29], $0x1  }
0xb3: {  	[sflag:s29] =	ssyncadd.s32 $0xFFFFFFFF  }
0xb4: {  	_ =	strace $0x90000048  }
0xb5: {  	_ =	sfence  }
0xb6: {  	s30 =	sld [smem:$0x0];
	_ =	sdelay $0x2  }
0xb7: {  	s31 =	sshll.u32 s1, $0xD;
	s1 =	sshrl.u32 s1, $0x2  }
0xb8: {  	s3 =	sand.u32 $0x4000, s31;
	s1 =	sadd.s32 s1, s30  }
0xb9: {  	s0 =	sor.u32 s3, s0;
	s1 =	sshll.u32 s1, $0x11  }
0xba: {  	s0 =	sor.u32 s1, s0  }
0xbb: {  	s0 =	sadd.s32 $0x8F2B, s0  }
0xbc: {  	[sflag:s0] =	ssyncadd.remote.s32 $0x1  }
0xbd: {  	_ =	sfence.sel $0xFFFF  }
0xbe: {  	[dreg:$0x0] =	wrdreg $0xFFFFFFFF;
	(pc) =	sbr.abs _section_cstart, $3  }
0xbf: {  	[dreg:$0x1] =	wrdreg $0xFFFFFFFF  }
0xc0: {  	_ =	task.clear_ibuf [dreg:s6], $0x2FFFF;
	_ =	strace $0x9FFFFFFF  }
0xc1: {  	(tm) =	ssettm $0x7FFFFFFF  }
tec
execute0_lowered:
.L_overlay_start_1:
0x0: {  	(tag) =	ssettag $0x1  }
0x1: {  	s3 =	rddreg [dreg:$0x0]  }
0x2: {  	s0 =	rddreg [dreg:$0x1];
	s1 =	simm.s32 $0x0;
	s2 =	srdreg.scid  }
0x3: {  	[smem:$0x7FF] =	sst s1;
	s4 =	sand.u32 $0x1, s2  }
0x4: {  	s2 =	stileid.u32;
	s3 =	sadd.s32 $0x600, s3;
	_ =	strace $0x80000047  }
0x5: {  	s5 =	ssub.s32 $0x2, s4;
	s7 =	sshll.u32 s2, $0x1;
	s8 =	smul.u32 $0x60000, s2  }
0x6: {  	s31 =	smul.u32 $0x30000, s4;
	s6 =	sshrl.u32 s5, $0x1;
	s30 =	sor.u32 s4, s7  }
0x7: {  	v0 =	vlaneseq.u32;
	s7 =	simm.s32 $0x1;
	s5 =	ssub.s32 s5, s6;
	s4 =	smul.u32 $0x30000, s30  }
0x8: {  	v0 =	vadd.s32 $0x2A, v0;
	s6 =	sadd.s32 s31, s8;
	s8 =	simm.s32 $0x0;
	s5 =	smax.u32 s5, $0x1  }
.LBB2_1:
0x9: {  	s9 =	smov.u32 s6;
	s10 =	simm.s32 $0x0  }
.LBB2_2:
0xa: {  	s11 =	sshll.u32 s10, $0xE  }
0xb: {  	s12 =	simm.s32 $0x0;
	s13 =	simm.s32 $0x80;
	s11 =	sadd.s32 s4, s11  }
.LBB2_3:
0xc: {  	s14 =	sadd.s32 s12, s9  }
0xd: {  	s15 =	sadd.s32 $0xA00000, s14  }
0xe: {  	v1 =	vmov s15;
	v2 =	vor.u32 s15, v0  }
0xf: {  	v1 =	vshrl.u32 v1, $0x13;
	v3 =	vshll.u32 v2, $0xD  }
0x10: {  	v1 =	vor.u32 v1, v3  }
0x11: {  	v1 =	vxor.u32 v2, v1  }
0x12: {  	v3 =	vshrl.u32 v1, $0x11;
	v4 =	vshll.u32 v1, $0xF  }
0x13: {  	v1 =	vadd.s32 v2, v1;
	v2 =	vor.u32 v3, v4  }
0x14: {  	v2 =	vxor.u32 v1, v2  }
0x15: {  	v3 =	vshrl.u32 v2, $0x6;
	v42 =	vshll.u32 v2, $0x1A  }
0x16: {  	v1 =	vadd.s32 v1, v2;
	v2 =	vor.u32 v3, v42  }
0x17: {  	v2 =	vxor.u32 v1, v2  }
0x18: {  	v3 =	vshrl.u32 v2, $0x1A;
	v43 =	vshll.u32 v2, $0x6  }
0x19: {  	v1 =	vadd.s32 v1, v2;
	v2 =	vor.u32 v3, v43  }
0x1a: {  	v2 =	vxor.u32 v1, v2  }
0x1b: {  	v2 =	vadd.s32 $0x1BD11BF1, v2  }
0x1c: {  	v1 =	vadd.s32 v2, v1;
	v3 =	vshrl.u32 v2, $0xF;
	v2 =	vshll.u32 v2, $0x11  }
0x1d: {  	v1 =	vadd.s32 $0x2A, v1;
	v2 =	vor.u32 v3, v2  }
0x1e: {  	v2 =	vxor.u32 v1, v2  }
0x1f: {  	v3 =	vshrl.u32 v2, $0x3;
	v44 =	vshll.u32 v2, $0x1D  }
0x20: {  	v1 =	vadd.s32 v1, v2;
	v2 =	vor.u32 v3, v44  }
0x21: {  	v2 =	vxor.u32 v1, v2  }
0x22: {  	v3 =	vshrl.u32 v2, $0x10;
	v45 =	vshll.u32 v2, $0x10  }
0x23: {  	v1 =	vadd.s32 v1, v2;
	v2 =	vor.u32 v3, v45  }
0x24: {  	v2 =	vxor.u32 v1, v2  }
0x25: {  	v3 =	vshrl.u32 v2, $0x8;
	v46 =	vshll.u32 v2, $0x18  }
0x26: {  	v1 =	vadd.s32 v1, v2;
	v2 =	vor.u32 v3, v46  }
0x27: {  	v2 =	vxor.u32 v1, v2  }
0x28: {  	v2 =	vadd.s32 $0x2, v2  }
0x29: {  	v1 =	vadd.s32 v2, v1;
	v3 =	vshrl.u32 v2, $0x13;
	v2 =	vshll.u32 v2, $0xD  }
0x2a: {  	v1 =	vadd.s32 $0x1BD11BF0, v1;
	v2 =	vor.u32 v3, v2  }
0x2b: {  	v2 =	vxor.u32 v1, v2  }
0x2c: {  	v3 =	vshrl.u32 v2, $0x11;
	v47 =	vshll.u32 v2, $0xF  }
0x2d: {  	v1 =	vadd.s32 v1, v2;
	v2 =	vor.u32 v3, v47  }
0x2e: {  	v2 =	vxor.u32 v1, v2  }
0x2f: {  	v3 =	vshrl.u32 v2, $0x6;
	v48 =	vshll.u32 v2, $0x1A  }
0x30: {  	v1 =	vadd.s32 v1, v2;
	v2 =	vor.u32 v3, v48  }
0x31: {  	v2 =	vxor.u32 v1, v2  }
0x32: {  	s17 =	sadd.s32 $0xA00010, s14;
	v3 =	vshrl.u32 v2, $0x1A;
	v49 =	vshll.u32 v2, $0x6  }
0x33: {  	s18 =	sadd.s32 $0xA00020, s14;
	v50 =	vadd.s32 s17, v0;
	v1 =	vadd.s32 v1, v2;
	v2 =	vor.u32 v3, v49  }
0x34: {  	v30 =	vadd.s32 s18, v0;
	v6 =	vshrl.u32 v50, $0x13;
	v2 =	vxor.u32 v1, v2  }
0x35: {  	v7 =	vshll.u32 v50, $0xD;
	v31 =	vshrl.u32 v30, $0x13;
	v2 =	vadd.s32 $0x2D, v2  }
0x36: {  	v32 =	vshll.u32 v30, $0xD;
	v3 =	vshrl.u32 v2, $0xF;
	v5 =	vshll.u32 v2, $0x11  }
0x37: {  	v1 =	vadd.s32 v1, v2;
	v2 =	vor.u32 v3, v5;
	v3 =	vor.u32 v6, v7  }
0x38: {  	v7 =	vor.u32 v31, v32;
	v2 =	vxor.u32 v1, v2;
	v3 =	vxor.u32 v50, v3  }
0x39: {  	v7 =	vxor.u32 v30, v7;
	v51 =	vshrl.u32 v2, $0x3;
	v52 =	vshrl.u32 v3, $0x11  }
0x3a: {  	v53 =	vshll.u32 v3, $0xF;
	v8 =	vshll.u32 v2, $0x1D;
	v3 =	vadd.s32 v50, v3  }
0x3b: {  	v1 =	vadd.s32 v1, v2;
	v34 =	vshrl.u32 v7, $0x11;
	v35 =	vshll.u32 v7, $0xF  }
0x3c: {  	v6 =	vadd.s32 v30, v7;
	v54 =	vor.u32 v52, v53;
	v2 =	vor.u32 v51, v8  }
0x3d: {  	v36 =	vor.u32 v34, v35;
	v4 =	vxor.u32 v3, v54;
	v2 =	vxor.u32 v1, v2  }
0x3e: {  	v7 =	vxor.u32 v6, v36;
	v55 =	vshrl.u32 v4, $0x6;
	v56 =	vshll.u32 v4, $0x1A  }
0x3f: {  	v1 =	vadd.s32 v1, v2;
	v3 =	vadd.s32 v3, v4;
	v58 =	vshrl.u32 v2, $0x10  }
0x40: {  	v2 =	vshll.u32 v2, $0x10;
	v38 =	vshrl.u32 v7, $0x6;
	v39 =	vshll.u32 v7, $0x1A  }
0x41: {  	v6 =	vadd.s32 v6, v7;
	v57 =	vor.u32 v55, v56;
	v2 =	vor.u32 v58, v2  }
0x42: {  	v40 =	vor.u32 v38, v39;
	v4 =	vxor.u32 v3, v57;
	v2 =	vxor.u32 v1, v2  }
0x43: {  	v7 =	vxor.u32 v6, v40;
	v59 =	vshrl.u32 v4, $0x1A;
	v60 =	vshll.u32 v4, $0x6  }
0x44: {  	v3 =	vadd.s32 v3, v4;
	v1 =	vadd.s32 v1, v2;
	v62 =	vshrl.u32 v2, $0x8  }
0x45: {  	v2 =	vshll.u32 v2, $0x18;
	v42 =	vshrl.u32 v7, $0x1A;
	v43 =	vshll.u32 v7, $0x6  }
0x46: {  	v6 =	vadd.s32 v6, v7;
	v61 =	vor.u32 v59, v60;
	v2 =	vor.u32 v62, v2  }
0x47: {  	v44 =	vor.u32 v42, v43;
	v4 =	vxor.u32 v3, v61;
	v2 =	vxor.u32 v1, v2  }
0x48: {  	v7 =	vxor.u32 v6, v44;
	v4 =	vadd.s32 $0x1BD11BF1, v4;
	v2 =	vadd.s32 $0x1BD11BF4, v2  }
0x49: {  	v46 =	vadd.s32 $0x1BD11BF1, v7;
	v3 =	vadd.s32 v4, v3;
	v63 =	vshrl.u32 v4, $0xF  }
0x4a: {  	v4 =	vshll.u32 v4, $0x11;
	v1 =	vadd.s32 v2, v1;
	v12 =	vshrl.u32 v2, $0x13  }
0x4b: {  	v2 =	vshll.u32 v2, $0xD;
	v6 =	vadd.s32 v46, v6;
	v7 =	vshrl.u32 v46, $0xF  }
0x4c: {  	v5 =	vshll.u32 v46, $0x11;
	v3 =	vadd.s32 $0x2A, v3;
	v4 =	vor.u32 v63, v4  }
0x4d: {  	v1 =	vadd.s32 $0x2A, v1;
	v2 =	vor.u32 v12, v2;
	v6 =	vadd.s32 $0x2A, v6  }
0x4e: {  	v5 =	vor.u32 v7, v5;
	v4 =	vxor.u32 v3, v4;
	v2 =	vxor.u32 v1, v2  }
0x4f: {  	v5 =	vxor.u32 v6, v5;
	v9 =	vshrl.u32 v4, $0x3;
	v10 =	vshll.u32 v4, $0x1D  }
0x50: {  	v3 =	vadd.s32 v3, v4;
	v16 =	vshrl.u32 v2, $0x11;
	v19 =	vshll.u32 v2, $0xF  }
0x51: {  	v1 =	vadd.s32 v1, v2;
	v48 =	vshrl.u32 v5, $0x3;
	v49 =	vshll.u32 v5, $0x1D  }
0x52: {  	v5 =	vadd.s32 v6, v5;
	v11 =	vor.u32 v9, v10;
	v2 =	vor.u32 v16, v19  }
0x53: {  	v50 =	vor.u32 v48, v49;
	v4 =	vxor.u32 v3, v11;
	v2 =	vxor.u32 v1, v2  }
0x54: {  	v6 =	vxor.u32 v5, v50;
	v13 =	vshrl.u32 v4, $0x10;
	v14 =	vshll.u32 v4, $0x10  }
0x55: {  	v3 =	vadd.s32 v3, v4;
	v1 =	vadd.s32 v1, v2;
	v22 =	vshrl.u32 v2, $0x6  }
0x56: {  	v2 =	vshll.u32 v2, $0x1A;
	v52 =	vshrl.u32 v6, $0x10;
	v53 =	vshll.u32 v6, $0x10  }
0x57: {  	v5 =	vadd.s32 v5, v6;
	v15 =	vor.u32 v13, v14;
	v2 =	vor.u32 v22, v2  }
0x58: {  	v54 =	vor.u32 v52, v53;
	v4 =	vxor.u32 v3, v15;
	v2 =	vxor.u32 v1, v2  }
0x59: {  	v6 =	vxor.u32 v5, v54;
	v17 =	vshrl.u32 v4, $0x8;
	v18 =	vshll.u32 v4, $0x18  }
0x5a: {  	v3 =	vadd.s32 v3, v4;
	v1 =	vadd.s32 v1, v2;
	v26 =	vshrl.u32 v2, $0x1A  }
0x5b: {  	v55 =	vshrl.u32 v6, $0x8;
	v56 =	vshll.u32 v6, $0x18;
	v20 =	vor.u32 v17, v18  }
0x5c: {  	v5 =	vadd.s32 v5, v6;
	v57 =	vor.u32 v55, v56;
	v4 =	vxor.u32 v3, v20  }
0x5d: {  	v2 =	vshll.u32 v2, $0x6;
	v6 =	vxor.u32 v5, v57;
	v4 =	vadd.s32 $0x2, v4  }
0x5e: {  	v6 =	vadd.s32 $0x2, v6;
	v3 =	vadd.s32 v4, v3;
	v21 =	vshrl.u32 v4, $0x13  }
0x5f: {  	v4 =	vshll.u32 v4, $0xD;
	v5 =	vadd.s32 v6, v5;
	v59 =	vshrl.u32 v6, $0x13  }
0x60: {  	v6 =	vshll.u32 v6, $0xD;
	v3 =	vadd.s32 $0x1BD11BF0, v3;
	v4 =	vor.u32 v21, v4  }
0x61: {  	v5 =	vadd.s32 $0x1BD11BF0, v5;
	v6 =	vor.u32 v59, v6;
	v4 =	vxor.u32 v3, v4  }
0x62: {  	v2 =	vor.u32 v26, v2;
	v6 =	vxor.u32 v5, v6;
	v23 =	vshrl.u32 v4, $0x11  }
0x63: {  	v24 =	vshll.u32 v4, $0xF;
	v3 =	vadd.s32 v3, v4;
	v61 =	vshrl.u32 v6, $0x11  }
0x64: {  	s19 =	sadd.s32 $0xA00030, s14;
	v62 =	vshll.u32 v6, $0xF;
	v5 =	vadd.s32 v5, v6;
	v25 =	vor.u32 v23, v24  }
0x65: {  	v12 =	vor.u32 v61, v62;
	v23 =	vadd.s32 s19, v0;
	v4 =	vxor.u32 v3, v25  }
0x66: {  	v6 =	vxor.u32 v5, v12;
	v25 =	vshrl.u32 v23, $0x13;
	v26 =	vshll.u32 v23, $0xD  }
0x67: {  	v27 =	vshrl.u32 v4, $0x6;
	v28 =	vshll.u32 v4, $0x1A;
	v3 =	vadd.s32 v3, v4  }
0x68: {  	v14 =	vshrl.u32 v6, $0x6;
	v15 =	vshll.u32 v6, $0x1A;
	v29 =	vor.u32 v27, v28  }
0x69: {  	v5 =	vadd.s32 v5, v6;
	v16 =	vor.u32 v14, v15;
	v4 =	vxor.u32 v3, v29  }
0x6a: {  	v28 =	vor.u32 v25, v26;
	v6 =	vxor.u32 v5, v16;
	v9 =	vshrl.u32 v4, $0x1A  }
0x6b: {  	v10 =	vshll.u32 v4, $0x6;
	v3 =	vadd.s32 v3, v4;
	v18 =	vshrl.u32 v6, $0x1A  }
0x6c: {  	v19 =	vshll.u32 v6, $0x6;
	v5 =	vadd.s32 v5, v6;
	v6 =	vxor.u32 v23, v28  }
0x6d: {  	v33 =	vor.u32 v9, v10;
	v30 =	vshrl.u32 v6, $0x11;
	v31 =	vshll.u32 v6, $0xF  }
0x6e: {  	v6 =	vadd.s32 v23, v6;
	v4 =	vxor.u32 v3, v33;
	v33 =	vor.u32 v30, v31  }
0x6f: {  	v2 =	vxor.u32 v1, v2;
	v4 =	vadd.s32 $0x2D, v4;
	v7 =	vxor.u32 v6, v33  }
0x70: {  	v3 =	vadd.s32 v3, v4;
	v37 =	vshrl.u32 v4, $0xF;
	v4 =	vshll.u32 v4, $0x11  }
0x71: {  	v35 =	vshrl.u32 v7, $0x6;
	v36 =	vshll.u32 v7, $0x1A;
	v4 =	vor.u32 v37, v4  }
0x72: {  	v6 =	vadd.s32 v6, v7;
	v37 =	vor.u32 v35, v36;
	v4 =	vxor.u32 v3, v4  }
0x73: {  	v7 =	vxor.u32 v6, v37;
	v41 =	vshrl.u32 v4, $0x3;
	v11 =	vshll.u32 v4, $0x1D  }
0x74: {  	v3 =	vadd.s32 v3, v4;
	v39 =	vshrl.u32 v7, $0x1A;
	v40 =	vshll.u32 v7, $0x6  }
0x75: {  	v6 =	vadd.s32 v6, v7;
	v45 =	vor.u32 v41, v11;
	v41 =	vor.u32 v39, v40  }
0x76: {  	v1 =	vadd.s32 $0x1BD11BF0, v1;
	v4 =	vxor.u32 v3, v45;
	v7 =	vxor.u32 v6, v41  }
0x77: {  	v3 =	vadd.s32 v3, v4;
	v47 =	vshrl.u32 v4, $0x10;
	v4 =	vshll.u32 v4, $0x10  }
0x78: {  	v2 =	vadd.s32 $0x5, v2;
	v7 =	vadd.s32 $0x1BD11BF1, v7;
	v4 =	vor.u32 v47, v4  }
0x79: {  	v6 =	vadd.s32 v7, v6;
	v45 =	vshrl.u32 v7, $0xF;
	v7 =	vshll.u32 v7, $0x11  }
0x7a: {  	v4 =	vxor.u32 v3, v4;
	v6 =	vadd.s32 $0x2A, v6;
	v7 =	vor.u32 v45, v7  }
0x7b: {  	v3 =	vadd.s32 v3, v4;
	v51 =	vshrl.u32 v4, $0x8;
	v4 =	vshll.u32 v4, $0x18  }
0x7c: {  	v1 =	vxor.u32 v1, v2;
	v7 =	vxor.u32 v6, v7;
	v4 =	vor.u32 v51, v4  }
0x7d: {  	v46 =	vshrl.u32 v7, $0x3;
	v47 =	vshll.u32 v7, $0x1D;
	v4 =	vxor.u32 v3, v4  }
0x7e: {  	v6 =	vadd.s32 v6, v7;
	v48 =	vor.u32 v46, v47;
	v4 =	vadd.s32 $0x1BD11BF4, v4  }
0x7f: {  	v20 =	vor.u32 v18, v19;
	v7 =	vxor.u32 v6, v48;
	v3 =	vadd.s32 v4, v3  }
0x80: {  	v58 =	vshrl.u32 v4, $0x13;
	v4 =	vshll.u32 v4, $0xD;
	v50 =	vshrl.u32 v7, $0x10  }
0x81: {  	v51 =	vshll.u32 v7, $0x10;
	v3 =	vadd.s32 $0x2A, v3;
	v4 =	vor.u32 v58, v4  }
0x82: {  	v6 =	vadd.s32 v6, v7;
	v52 =	vor.u32 v50, v51;
	v4 =	vxor.u32 v3, v4  }
0x83: {  	v7 =	vxor.u32 v6, v52;
	v60 =	vshrl.u32 v4, $0x11;
	v63 =	vshll.u32 v4, $0xF  }
0x84: {  	v3 =	vadd.s32 v3, v4;
	v54 =	vshrl.u32 v7, $0x8;
	v55 =	vshll.u32 v7, $0x18  }
0x85: {  	s20 =	sadd.s32 $0xA00040, s14;
	v6 =	vadd.s32 v6, v7;
	v13 =	vor.u32 v60, v63;
	v56 =	vor.u32 v54, v55  }
0x86: {  	v18 =	vor.u32 s20, v0;
	v4 =	vxor.u32 v3, v13;
	v7 =	vxor.u32 v6, v56  }
0x87: {  	v3 =	vadd.s32 v3, v4;
	v17 =	vshrl.u32 v4, $0x6;
	v4 =	vshll.u32 v4, $0x1A  }
0x88: {  	v19 =	vshll.u32 v18, $0xD;
	v7 =	vadd.s32 $0x2, v7;
	v4 =	vor.u32 v17, v4  }
0x89: {  	v6 =	vadd.s32 v7, v6;
	v58 =	vshrl.u32 v7, $0x13;
	v7 =	vshll.u32 v7, $0xD  }
0x8a: {  	v17 =	vmov s20;
	v4 =	vxor.u32 v3, v4;
	v6 =	vadd.s32 $0x1BD11BF0, v6  }
0x8b: {  	v7 =	vor.u32 v58, v7;
	v8 =	vshrl.u32 v17, $0x13;
	v2 =	vadd.s32 v3, v4  }
0x8c: {  	v3 =	vxor.u32 v5, v20;
	v21 =	vshrl.u32 v4, $0x1A;
	v4 =	vshll.u32 v4, $0x6  }
0x8d: {  	v60 =	vxor.u32 v6, v7;
	v8 =	vor.u32 v8, v19;
	v3 =	vadd.s32 $0x2D, v3  }
0x8e: {  	v4 =	vor.u32 v21, v4;
	v7 =	vshrl.u32 v60, $0x11;
	v61 =	vshll.u32 v60, $0xF  }
0x8f: {  	v8 =	vxor.u32 v18, v8;
	v22 =	vshrl.u32 v3, $0xF;
	v24 =	vshll.u32 v3, $0x11  }
0x90: {  	v3 =	vadd.s32 v5, v3;
	v4 =	vxor.u32 v2, v4;
	v2 =	vadd.s32 $0x1BD11BF0, v2  }
0x91: {  	v62 =	vor.u32 v7, v61;
	v23 =	vshll.u32 v8, $0xF;
	v27 =	vor.u32 v22, v24  }
0x92: {  	v22 =	vshrl.u32 v8, $0x11;
	v8 =	vadd.s32 v18, v8;
	v5 =	vxor.u32 v3, v27  }
0x93: {  	v24 =	vor.u32 v22, v23;
	v29 =	vshrl.u32 v5, $0x3;
	v32 =	vshll.u32 v5, $0x1D  }
0x94: {  	v3 =	vadd.s32 v3, v5;
	v9 =	vxor.u32 v8, v24;
	v34 =	vor.u32 v29, v32  }
0x95: {  	v26 =	vshrl.u32 v9, $0x6;
	v27 =	vshll.u32 v9, $0x1A;
	v5 =	vxor.u32 v3, v34  }
0x96: {  	v8 =	vadd.s32 v8, v9;
	v28 =	vor.u32 v26, v27;
	v3 =	vadd.s32 v3, v5  }
0x97: {  	v38 =	vshrl.u32 v5, $0x10;
	v5 =	vshll.u32 v5, $0x10;
	v29 =	vxor.u32 v8, v28  }
0x98: {  	v4 =	vadd.s32 $0x5, v4;
	v5 =	vor.u32 v38, v5;
	v31 =	vshrl.u32 v29, $0x1A  }
0x99: {  	v32 =	vshll.u32 v29, $0x6;
	v7 =	vadd.s32 v8, v29;
	v5 =	vxor.u32 v3, v5  }
0x9a: {  	v34 =	vor.u32 v31, v32;
	v42 =	vshrl.u32 v5, $0x8;
	v43 =	vshll.u32 v5, $0x18  }
0x9b: {  	v3 =	vadd.s32 v3, v5;
	v8 =	vxor.u32 v7, v34;
	v44 =	vor.u32 v42, v43  }
0x9c: {  	v2 =	vxor.u32 v2, v4;
	v8 =	vadd.s32 $0x1BD11BF1, v8;
	v5 =	vxor.u32 v3, v44  }
0x9d: {  	v7 =	vadd.s32 v8, v7;
	v36 =	vshrl.u32 v8, $0xF;
	v8 =	vshll.u32 v8, $0x11  }
0x9e: {  	v5 =	vadd.s32 $0x1BD11BF4, v5;
	v7 =	vadd.s32 $0x2A, v7;
	v8 =	vor.u32 v36, v8  }
0x9f: {  	v3 =	vadd.s32 v5, v3;
	v49 =	vshrl.u32 v5, $0x13;
	v5 =	vshll.u32 v5, $0xD  }
0xa0: {  	v8 =	vxor.u32 v7, v8;
	v3 =	vadd.s32 $0x2A, v3;
	v5 =	vor.u32 v49, v5  }
0xa1: {  	v38 =	vshrl.u32 v8, $0x3;
	v39 =	vshll.u32 v8, $0x1D;
	v5 =	vxor.u32 v3, v5  }
0xa2: {  	v7 =	vadd.s32 v7, v8;
	v40 =	vor.u32 v38, v39;
	v3 =	vadd.s32 v3, v5  }
0xa3: {  	v53 =	vshrl.u32 v5, $0x11;
	v5 =	vshll.u32 v5, $0xF;
	v8 =	vxor.u32 v7, v40  }
0xa4: {  	v5 =	vor.u32 v53, v5;
	v42 =	vshrl.u32 v8, $0x10;
	v43 =	vshll.u32 v8, $0x10  }
0xa5: {  	v7 =	vadd.s32 v7, v8;
	v5 =	vxor.u32 v3, v5;
	v44 =	vor.u32 v42, v43  }
0xa6: {  	v57 =	vshrl.u32 v5, $0x6;
	v59 =	vshll.u32 v5, $0x1A;
	v3 =	vadd.s32 v3, v5  }
0xa7: {  	v5 =	vadd.s32 v6, v60;
	v8 =	vxor.u32 v7, v44;
	v4 =	vor.u32 v57, v59  }
0xa8: {  	v6 =	vxor.u32 v5, v62;
	v45 =	vshrl.u32 v8, $0x8;
	v46 =	vshll.u32 v8, $0x18  }
0xa9: {  	v7 =	vadd.s32 v7, v8;
	v4 =	vxor.u32 v3, v4;
	v5 =	vadd.s32 v5, v6  }
0xaa: {  	v16 =	vshrl.u32 v6, $0x6;
	v6 =	vshll.u32 v6, $0x1A;
	v47 =	vor.u32 v45, v46  }
0xab: {  	v3 =	vadd.s32 v3, v4;
	v63 =	vshrl.u32 v4, $0x1A;
	v6 =	vor.u32 v16, v6  }
0xac: {  	s21 =	sadd.s32 $0xA00050, s14;
	v4 =	vshll.u32 v4, $0x6;
	v8 =	vxor.u32 v7, v47;
	v6 =	vxor.u32 v5, v6  }
0xad: {  	v4 =	vor.u32 v63, v4;
	v8 =	vadd.s32 $0x2, v8;
	v63 =	vadd.s32 s21, v0  }
0xae: {  	v20 =	vshrl.u32 v6, $0x1A;
	v12 =	vshll.u32 v6, $0x6;
	v5 =	vadd.s32 v5, v6  }
0xaf: {  	v4 =	vxor.u32 v3, v4;
	v3 =	vadd.s32 $0x1BD11BF0, v3;
	v7 =	vadd.s32 v8, v7  }
0xb0: {  	v49 =	vshrl.u32 v8, $0x13;
	v8 =	vshll.u32 v8, $0xD;
	v16 =	vshrl.u32 v63, $0x13  }
0xb1: {  	v21 =	vor.u32 v20, v12;
	v7 =	vadd.s32 $0x1BD11BF0, v7;
	v8 =	vor.u32 v49, v8  }
0xb2: {  	v17 =	vshll.u32 v63, $0xD;
	v6 =	vxor.u32 v5, v21;
	v8 =	vxor.u32 v7, v8  }
0xb3: {  	v6 =	vadd.s32 $0x2D, v6;
	v51 =	vshrl.u32 v8, $0x11;
	v52 =	vshll.u32 v8, $0xF  }
0xb4: {  	v5 =	vadd.s32 v5, v6;
	v25 =	vshrl.u32 v6, $0xF;
	v6 =	vshll.u32 v6, $0x11  }
0xb5: {  	v7 =	vadd.s32 v7, v8;
	v53 =	vor.u32 v51, v52;
	v6 =	vor.u32 v25, v6  }
0xb6: {  	v4 =	vadd.s32 $0x5, v4;
	v8 =	vxor.u32 v7, v53;
	v6 =	vxor.u32 v5, v6  }
0xb7: {  	v55 =	vshrl.u32 v8, $0x6;
	v56 =	vshll.u32 v8, $0x1A;
	v7 =	vadd.s32 v7, v8  }
0xb8: {  	v30 =	vshrl.u32 v6, $0x3;
	v33 =	vshll.u32 v6, $0x1D;
	v58 =	vor.u32 v55, v56  }
0xb9: {  	v5 =	vadd.s32 v5, v6;
	v35 =	vor.u32 v30, v33;
	v8 =	vxor.u32 v7, v58  }
0xba: {  	v6 =	vxor.u32 v5, v35;
	v61 =	vadd.s32 v7, v8;
	v62 =	vshrl.u32 v8, $0x1A  }
0xbb: {  	v8 =	vshll.u32 v8, $0x6;
	v5 =	vadd.s32 v5, v6;
	v37 =	vshrl.u32 v6, $0x10  }
0xbc: {  	v6 =	vshll.u32 v6, $0x10;
	v7 =	vor.u32 v62, v8;
	v8 =	vor.u32 v16, v17  }
0xbd: {  	v3 =	vxor.u32 v3, v4;
	v6 =	vor.u32 v37, v6;
	v8 =	vxor.u32 v63, v8  }
0xbe: {  	v7 =	vxor.u32 v61, v7;
	v6 =	vxor.u32 v5, v6;
	v20 =	vshrl.u32 v8, $0x11  }
0xbf: {  	v13 =	vshll.u32 v8, $0xF;
	v8 =	vadd.s32 v63, v8;
	v5 =	vadd.s32 v5, v6  }
0xc0: {  	v41 =	vshrl.u32 v6, $0x8;
	v6 =	vshll.u32 v6, $0x18;
	v21 =	vor.u32 v20, v13  }
0xc1: {  	v7 =	vadd.s32 $0x2D, v7;
	v6 =	vor.u32 v41, v6;
	v9 =	vxor.u32 v8, v21  }
0xc2: {  	v19 =	vshrl.u32 v7, $0xF;
	v6 =	vxor.u32 v5, v6;
	v23 =	vshrl.u32 v9, $0x6  }
0xc3: {  	v24 =	vshll.u32 v9, $0x1A;
	v8 =	vadd.s32 v8, v9;
	v6 =	vadd.s32 $0x1BD11BF4, v6  }
0xc4: {  	v25 =	vor.u32 v23, v24;
	v5 =	vadd.s32 v6, v5;
	v48 =	vshrl.u32 v6, $0x13  }
0xc5: {  	v6 =	vshll.u32 v6, $0xD;
	v9 =	vxor.u32 v8, v25;
	v5 =	vadd.s32 $0x2A, v5  }
0xc6: {  	v6 =	vor.u32 v48, v6;
	v27 =	vshrl.u32 v9, $0x1A;
	v28 =	vshll.u32 v9, $0x6  }
0xc7: {  	v8 =	vadd.s32 v8, v9;
	v6 =	vxor.u32 v5, v6;
	v29 =	vor.u32 v27, v28  }
0xc8: {  	v5 =	vadd.s32 v5, v6;
	v50 =	vshrl.u32 v6, $0x11;
	v6 =	vshll.u32 v6, $0xF  }
0xc9: {  	v14 =	vshll.u32 v7, $0x11;
	v9 =	vxor.u32 v8, v29;
	v6 =	vor.u32 v50, v6  }
0xca: {  	v22 =	vor.u32 v19, v14;
	v9 =	vadd.s32 $0x1BD11BF1, v9;
	v6 =	vxor.u32 v5, v6  }
0xcb: {  	v8 =	vadd.s32 v9, v8;
	v31 =	vshrl.u32 v9, $0xF;
	v9 =	vshll.u32 v9, $0x11  }
0xcc: {  	v54 =	vshrl.u32 v6, $0x6;
	v57 =	vshll.u32 v6, $0x1A;
	v5 =	vadd.s32 v5, v6  }
0xcd: {  	v6 =	vadd.s32 v61, v7;
	v8 =	vadd.s32 $0x2A, v8;
	v9 =	vor.u32 v31, v9  }
0xce: {  	s22 =	sadd.s32 $0xA00060, s14;
	v59 =	vor.u32 v54, v57;
	v7 =	vxor.u32 v6, v22;
	v9 =	vxor.u32 v8, v9  }
0xcf: {  	v57 =	vadd.s32 s22, v0;
	v60 =	vxor.u32 v5, v59;
	v6 =	vadd.s32 v6, v7  }
0xd0: {  	v26 =	vshrl.u32 v7, $0x3;
	v7 =	vshll.u32 v7, $0x1D;
	v33 =	vshrl.u32 v9, $0x3  }
0xd1: {  	v34 =	vshll.u32 v9, $0x1D;
	v8 =	vadd.s32 v8, v9;
	v58 =	vshrl.u32 v57, $0x13  }
0xd2: {  	v59 =	vshll.u32 v57, $0xD;
	v5 =	vadd.s32 v5, v60;
	v18 =	vshrl.u32 v60, $0x1A  }
0xd3: {  	v7 =	vor.u32 v26, v7;
	v4 =	vshll.u32 v60, $0x6;
	v36 =	vor.u32 v33, v34  }
0xd4: {  	v7 =	vxor.u32 v6, v7;
	v4 =	vor.u32 v18, v4;
	v9 =	vxor.u32 v8, v36  }
0xd5: {  	v6 =	vadd.s32 v6, v7;
	v30 =	vshrl.u32 v7, $0x10;
	v7 =	vshll.u32 v7, $0x10  }
0xd6: {  	v38 =	vshrl.u32 v9, $0x10;
	v39 =	vshll.u32 v9, $0x10;
	v8 =	vadd.s32 v8, v9  }
0xd7: {  	v4 =	vxor.u32 v5, v4;
	v7 =	vor.u32 v30, v7;
	v40 =	vor.u32 v38, v39  }
0xd8: {  	v5 =	vadd.s32 $0x1BD11BF0, v5;
	v7 =	vxor.u32 v6, v7;
	v9 =	vxor.u32 v8, v40  }
0xd9: {  	v32 =	vshrl.u32 v7, $0x8;
	v35 =	vshll.u32 v7, $0x18;
	v6 =	vadd.s32 v6, v7  }
0xda: {  	v42 =	vshrl.u32 v9, $0x8;
	v43 =	vshll.u32 v9, $0x18;
	v37 =	vor.u32 v32, v35  }
0xdb: {  	v8 =	vadd.s32 v8, v9;
	v44 =	vor.u32 v42, v43;
	v7 =	vxor.u32 v6, v37  }
0xdc: {  	v4 =	vadd.s32 $0x5, v4;
	v9 =	vxor.u32 v8, v44;
	v7 =	vadd.s32 $0x1BD11BF4, v7  }
0xdd: {  	v9 =	vadd.s32 $0x2, v9;
	v6 =	vadd.s32 v7, v6;
	v41 =	vshrl.u32 v7, $0x13  }
0xde: {  	v7 =	vshll.u32 v7, $0xD;
	v8 =	vadd.s32 v9, v8;
	v45 =	vshrl.u32 v9, $0x13  }
0xdf: {  	v9 =	vshll.u32 v9, $0xD;
	v6 =	vadd.s32 $0x2A, v6;
	v7 =	vor.u32 v41, v7  }
0xe0: {  	v8 =	vadd.s32 $0x1BD11BF0, v8;
	v9 =	vor.u32 v45, v9;
	v7 =	vxor.u32 v6, v7  }
0xe1: {  	v9 =	vxor.u32 v8, v9;
	v6 =	vadd.s32 v6, v7;
	v46 =	vshrl.u32 v7, $0x11  }
0xe2: {  	v7 =	vshll.u32 v7, $0xF;
	v47 =	vshrl.u32 v9, $0x11;
	v48 =	vshll.u32 v9, $0xF  }
0xe3: {  	v8 =	vadd.s32 v8, v9;
	v7 =	vor.u32 v46, v7;
	v49 =	vor.u32 v47, v48  }
0xe4: {  	v4 =	vxor.u32 v5, v4;
	v7 =	vxor.u32 v6, v7;
	v9 =	vxor.u32 v8, v49  }
0xe5: {  	v6 =	vadd.s32 v6, v7;
	v50 =	vshrl.u32 v7, $0x6;
	v7 =	vshll.u32 v7, $0x1A  }
0xe6: {  	s23 =	sadd.s32 $0xA00070, s14;
	v51 =	vshrl.u32 v9, $0x6;
	v52 =	vshll.u32 v9, $0x1A;
	v8 =	vadd.s32 v8, v9  }
0xe7: {  	v7 =	vor.u32 v50, v7;
	v53 =	vor.u32 v51, v52;
	v52 =	vadd.s32 s23, v0  }
0xe8: {  	v7 =	vxor.u32 v6, v7;
	v9 =	vxor.u32 v8, v53;
	v53 =	vshrl.u32 v52, $0x13  }
0xe9: {  	v54 =	vadd.s32 v6, v7;
	v55 =	vadd.s32 v8, v9;
	v56 =	vshrl.u32 v9, $0x1A  }
0xea: {  	v9 =	vshll.u32 v9, $0x6;
	v60 =	vshrl.u32 v7, $0x1A;
	v7 =	vshll.u32 v7, $0x6  }
0xeb: {  	v8 =	vor.u32 v56, v9;
	v9 =	vor.u32 v58, v59;
	v7 =	vor.u32 v60, v7  }
0xec: {  	v5 =	vadd.s32 $0x1BD11BF0, v54;
	v8 =	vxor.u32 v55, v8;
	v9 =	vxor.u32 v57, v9  }
0xed: {  	v7 =	vxor.u32 v54, v7;
	v54 =	vshll.u32 v52, $0xD;
	v8 =	vadd.s32 $0x2D, v8  }
0xee: {  	v62 =	vshrl.u32 v9, $0x11;
	v63 =	vshll.u32 v9, $0xF;
	v9 =	vadd.s32 v57, v9  }
0xef: {  	v61 =	vshrl.u32 v8, $0xF;
	v15 =	vshll.u32 v8, $0x11;
	v14 =	vor.u32 v62, v63  }
0xf0: {  	v6 =	vadd.s32 v55, v8;
	v15 =	vor.u32 v61, v15;
	v10 =	vxor.u32 v9, v14  }
0xf1: {  	v7 =	vadd.s32 $0x5, v7;
	v8 =	vxor.u32 v6, v15;
	v16 =	vshrl.u32 v10, $0x6  }
0xf2: {  	v17 =	vshll.u32 v10, $0x1A;
	v9 =	vadd.s32 v9, v10;
	v6 =	vadd.s32 v6, v8  }
0xf3: {  	v18 =	vor.u32 v16, v17;
	v19 =	vshrl.u32 v8, $0x3;
	v8 =	vshll.u32 v8, $0x1D  }
0xf4: {  	v11 =	vor.u32 v53, v54;
	v10 =	vxor.u32 v9, v18;
	v8 =	vor.u32 v19, v8  }
0xf5: {  	v20 =	vshrl.u32 v10, $0x1A;
	v21 =	vshll.u32 v10, $0x6;
	v8 =	vxor.u32 v6, v8  }
0xf6: {  	v9 =	vadd.s32 v9, v10;
	v22 =	vor.u32 v20, v21;
	v6 =	vadd.s32 v6, v8  }
0xf7: {  	v23 =	vshrl.u32 v8, $0x10;
	v8 =	vshll.u32 v8, $0x10;
	v10 =	vxor.u32 v9, v22  }
0xf8: {  	v5 =	vxor.u32 v5, v7;
	v8 =	vor.u32 v23, v8;
	v10 =	vadd.s32 $0x1BD11BF1, v10  }
0xf9: {  	v9 =	vadd.s32 v10, v9;
	v24 =	vshrl.u32 v10, $0xF;
	v10 =	vshll.u32 v10, $0x11  }
0xfa: {  	v8 =	vxor.u32 v6, v8;
	v9 =	vadd.s32 $0x2A, v9;
	v10 =	vor.u32 v24, v10  }
0xfb: {  	v25 =	vshrl.u32 v8, $0x8;
	v28 =	vshll.u32 v8, $0x18;
	v10 =	vxor.u32 v9, v10  }
0xfc: {  	v6 =	vadd.s32 v6, v8;
	v26 =	vshrl.u32 v10, $0x3;
	v27 =	vshll.u32 v10, $0x1D  }
0xfd: {  	v30 =	vor.u32 v25, v28;
	v9 =	vadd.s32 v9, v10;
	v29 =	vor.u32 v26, v27  }
0xfe: {  	v11 =	vxor.u32 v52, v11;
	v8 =	vxor.u32 v6, v30;
	v10 =	vxor.u32 v9, v29  }
0xff: {  	v8 =	vadd.s32 $0x1BD11BF4, v8;
	v31 =	vshrl.u32 v10, $0x10;
	v32 =	vshll.u32 v10, $0x10  }
0x100: {  	v6 =	vadd.s32 v8, v6;
	v9 =	vadd.s32 v9, v10;
	v33 =	vor.u32 v31, v32  }
0x101: {  	v34 =	vshrl.u32 v8, $0x13;
	v8 =	vshll.u32 v8, $0xD;
	v10 =	vxor.u32 v9, v33  }
0x102: {  	v6 =	vadd.s32 $0x2A, v6;
	v35 =	vshrl.u32 v10, $0x8;
	v36 =	vshll.u32 v10, $0x18  }
0x103: {  	v8 =	vor.u32 v34, v8;
	v9 =	vadd.s32 v9, v10;
	v37 =	vor.u32 v35, v36  }
0x104: {  	v56 =	vshrl.u32 v11, $0x11;
	v8 =	vxor.u32 v6, v8;
	v10 =	vxor.u32 v9, v37  }
0x105: {  	v6 =	vadd.s32 v6, v8;
	v39 =	vshrl.u32 v8, $0x11;
	v10 =	vadd.s32 $0x2, v10  }
0x106: {  	v9 =	vadd.s32 v10, v9;
	v38 =	vshrl.u32 v10, $0x13;
	v10 =	vshll.u32 v10, $0xD  }
0x107: {  	v8 =	vshll.u32 v8, $0xF;
	v9 =	vadd.s32 $0x1BD11BF0, v9;
	v10 =	vor.u32 v38, v10  }
0x108: {  	v57 =	vshll.u32 v11, $0xF;
	v8 =	vor.u32 v39, v8;
	v10 =	vxor.u32 v9, v10  }
0x109: {  	v8 =	vxor.u32 v6, v8;
	v40 =	vshrl.u32 v10, $0x11;
	v41 =	vshll.u32 v10, $0xF  }
0x10a: {  	v6 =	vadd.s32 v6, v8;
	v9 =	vadd.s32 v9, v10;
	v42 =	vor.u32 v40, v41  }
0x10b: {  	v43 =	vshrl.u32 v8, $0x6;
	v8 =	vshll.u32 v8, $0x1A;
	v10 =	vxor.u32 v9, v42  }
0x10c: {  	v8 =	vor.u32 v43, v8;
	v44 =	vshrl.u32 v10, $0x6;
	v45 =	vshll.u32 v10, $0x1A  }
0x10d: {  	v47 =	vxor.u32 v6, v8;
	v9 =	vadd.s32 v9, v10;
	v46 =	vor.u32 v44, v45  }
0x10e: {  	v58 =	vor.u32 v56, v57;
	v6 =	vadd.s32 v6, v47;
	v48 =	vxor.u32 v9, v46  }
0x10f: {  	v50 =	vshrl.u32 v47, $0x1A;
	v10 =	vshrl.u32 v48, $0x1A;
	v49 =	vshll.u32 v48, $0x6  }
0x110: {  	v8 =	vadd.s32 v9, v48;
	v51 =	vor.u32 v10, v49;
	v10 =	vadd.s32 v52, v11  }
0x111: {  	v7 =	vshll.u32 v47, $0x6;
	v9 =	vxor.u32 v8, v51;
	v11 =	vxor.u32 v10, v58  }
0x112: {  	v7 =	vor.u32 v50, v7;
	v9 =	vadd.s32 $0x2D, v9;
	v60 =	vshrl.u32 v11, $0x6  }
0x113: {  	v61 =	vshll.u32 v11, $0x1A;
	v10 =	vadd.s32 v10, v11;
	v8 =	vadd.s32 v8, v9  }
0x114: {  	v55 =	vshrl.u32 v9, $0xF;
	v9 =	vshll.u32 v9, $0x11;
	v62 =	vor.u32 v60, v61  }
0x115: {  	v7 =	vxor.u32 v6, v7;
	v9 =	vor.u32 v55, v9;
	v11 =	vxor.u32 v10, v62  }
0x116: {  	v6 =	vadd.s32 $0x1BD11BF0, v6;
	v9 =	vxor.u32 v8, v9;
	v18 =	vshrl.u32 v11, $0x1A  }
0x117: {  	v19 =	vshll.u32 v11, $0x6;
	v10 =	vadd.s32 v10, v11;
	v8 =	vadd.s32 v8, v9  }
0x118: {  	v59 =	vshrl.u32 v9, $0x3;
	v9 =	vshll.u32 v9, $0x1D;
	v21 =	vor.u32 v18, v19  }
0x119: {  	v7 =	vadd.s32 $0x5, v7;
	v9 =	vor.u32 v59, v9;
	v11 =	vxor.u32 v10, v21  }
0x11a: {  	v6 =	vxor.u32 v6, v7;
	v9 =	vxor.u32 v8, v9;
	v11 =	vadd.s32 $0x1BD11BF1, v11  }
0x11b: {  	v63 =	vshrl.u32 v9, $0x10;
	v20 =	vshll.u32 v9, $0x10;
	v8 =	vadd.s32 v8, v9  }
0x11c: {  	v10 =	vadd.s32 v11, v10;
	v23 =	vshrl.u32 v11, $0xF;
	v11 =	vshll.u32 v11, $0x11  }
0x11d: {  	s24 =	sadd.s32 $0xA00080, s14;
	v22 =	vor.u32 v63, v20;
	v10 =	vadd.s32 $0x2A, v10;
	v11 =	vor.u32 v23, v11  }
0x11e: {  	v45 =	vmov s24;
	v9 =	vxor.u32 v8, v22;
	v11 =	vxor.u32 v10, v11  }
0x11f: {  	v8 =	vadd.s32 v8, v9;
	v24 =	vshrl.u32 v9, $0x8;
	v9 =	vshll.u32 v9, $0x18  }
0x120: {  	v25 =	vshrl.u32 v11, $0x3;
	v26 =	vshll.u32 v11, $0x1D;
	v9 =	vor.u32 v24, v9  }
0x121: {  	v10 =	vadd.s32 v10, v11;
	v27 =	vor.u32 v25, v26;
	v9 =	vxor.u32 v8, v9  }
0x122: {  	v46 =	vor.u32 s24, v0;
	v11 =	vxor.u32 v10, v27;
	v9 =	vadd.s32 $0x1BD11BF4, v9  }
0x123: {  	v28 =	vshrl.u32 v11, $0x10;
	v29 =	vshll.u32 v11, $0x10;
	v10 =	vadd.s32 v10, v11  }
0x124: {  	v8 =	vadd.s32 v9, v8;
	v30 =	vor.u32 v28, v29;
	v31 =	vshrl.u32 v9, $0x13  }
0x125: {  	v9 =	vshll.u32 v9, $0xD;
	v8 =	vadd.s32 $0x2A, v8;
	v11 =	vxor.u32 v10, v30  }
0x126: {  	v9 =	vor.u32 v31, v9;
	v32 =	vshrl.u32 v11, $0x8;
	v33 =	vshll.u32 v11, $0x18  }
0x127: {  	v9 =	vxor.u32 v8, v9;
	v10 =	vadd.s32 v10, v11;
	v34 =	vor.u32 v32, v33  }
0x128: {  	v35 =	vshrl.u32 v9, $0x11;
	v36 =	vshll.u32 v9, $0xF;
	v11 =	vxor.u32 v10, v34  }
0x129: {  	v8 =	vadd.s32 v8, v9;
	v37 =	vor.u32 v35, v36;
	v11 =	vadd.s32 $0x2, v11  }
0x12a: {  	v9 =	vxor.u32 v8, v37;
	v10 =	vadd.s32 v11, v10;
	v38 =	vshrl.u32 v11, $0x13  }
0x12b: {  	v11 =	vshll.u32 v11, $0xD;
	v8 =	vadd.s32 v8, v9;
	v39 =	vshrl.u32 v9, $0x6  }
0x12c: {  	v9 =	vshll.u32 v9, $0x1A;
	v10 =	vadd.s32 $0x1BD11BF0, v10;
	v11 =	vor.u32 v38, v11  }
0x12d: {  	v47 =	vshrl.u32 v45, $0x13;
	v9 =	vor.u32 v39, v9;
	v11 =	vxor.u32 v10, v11  }
0x12e: {  	v43 =	vxor.u32 v8, v9;
	v40 =	vshrl.u32 v11, $0x11;
	v41 =	vshll.u32 v11, $0xF  }
0x12f: {  	v10 =	vadd.s32 v10, v11;
	v49 =	vshrl.u32 v43, $0x1A;
	v7 =	vshll.u32 v43, $0x6  }
0x130: {  	v8 =	vadd.s32 v8, v43;
	v42 =	vor.u32 v40, v41;
	v7 =	vor.u32 v49, v7  }
0x131: {  	v48 =	vshll.u32 v46, $0xD;
	v44 =	vxor.u32 v10, v42;
	v7 =	vxor.u32 v8, v7  }
0x132: {  	v8 =	vadd.s32 $0x1BD11BF0, v8;
	v11 =	vshrl.u32 v44, $0x6;
	v9 =	vshll.u32 v44, $0x1A  }
0x133: {  	s25 =	sadd.s32 $0xA00090, s14;
	v10 =	vadd.s32 v10, v44;
	v7 =	vadd.s32 $0x5, v7;
	v9 =	vor.u32 v11, v9  }
0x134: {  	v11 =	vor.u32 v47, v48;
	v7 =	vxor.u32 v8, v7;
	v48 =	vadd.s32 s25, v0  }
0x135: {  	v9 =	vxor.u32 v10, v9;
	v11 =	vxor.u32 v46, v11;
	v17 =	vshll.u32 v48, $0xD  }
0x136: {  	v10 =	vadd.s32 v10, v9;
	v50 =	vshrl.u32 v9, $0x1A;
	v9 =	vshll.u32 v9, $0x6  }
0x137: {  	v51 =	vshrl.u32 v11, $0x11;
	v16 =	vshll.u32 v11, $0xF;
	v11 =	vadd.s32 v46, v11  }
0x138: {  	v9 =	vor.u32 v50, v9;
	v52 =	vor.u32 v51, v16;
	v50 =	vshrl.u32 v48, $0x13  }
0x139: {  	v9 =	vxor.u32 v10, v9;
	v12 =	vxor.u32 v11, v52;
	v52 =	vor.u32 v50, v17  }
0x13a: {  	v9 =	vadd.s32 $0x2D, v9;
	v53 =	vshrl.u32 v12, $0x6;
	v54 =	vshll.u32 v12, $0x1A  }
0x13b: {  	v11 =	vadd.s32 v11, v12;
	v13 =	vxor.u32 v48, v52;
	v10 =	vadd.s32 v10, v9  }
0x13c: {  	v55 =	vor.u32 v53, v54;
	v56 =	vshrl.u32 v9, $0xF;
	v9 =	vshll.u32 v9, $0x11  }
0x13d: {  	v54 =	vshrl.u32 v13, $0x11;
	v12 =	vxor.u32 v11, v55;
	v9 =	vor.u32 v56, v9  }
0x13e: {  	v55 =	vshll.u32 v13, $0xF;
	v13 =	vadd.s32 v48, v13;
	v57 =	vshrl.u32 v12, $0x1A  }
0x13f: {  	v58 =	vshll.u32 v12, $0x6;
	v9 =	vxor.u32 v10, v9;
	v11 =	vadd.s32 v11, v12  }
0x140: {  	v56 =	vor.u32 v54, v55;
	v59 =	vor.u32 v57, v58;
	v10 =	vadd.s32 v10, v9  }
0x141: {  	v60 =	vshrl.u32 v9, $0x3;
	v9 =	vshll.u32 v9, $0x1D;
	v14 =	vxor.u32 v13, v56  }
0x142: {  	v12 =	vxor.u32 v11, v59;
	v9 =	vor.u32 v60, v9;
	v58 =	vshrl.u32 v14, $0x6  }
0x143: {  	v59 =	vshll.u32 v14, $0x1A;
	v13 =	vadd.s32 v13, v14;
	v12 =	vadd.s32 $0x1BD11BF1, v12  }
0x144: {  	v9 =	vxor.u32 v10, v9;
	v60 =	vor.u32 v58, v59;
	v11 =	vadd.s32 v12, v11  }
0x145: {  	v61 =	vshrl.u32 v12, $0xF;
	v12 =	vshll.u32 v12, $0x11;
	v62 =	vshrl.u32 v9, $0x10  }
0x146: {  	v21 =	vshll.u32 v9, $0x10;
	v11 =	vadd.s32 $0x2A, v11;
	v12 =	vor.u32 v61, v12  }
0x147: {  	v9 =	vadd.s32 v10, v9;
	v23 =	vor.u32 v62, v21;
	v12 =	vxor.u32 v11, v12  }
0x148: {  	v14 =	vxor.u32 v13, v60;
	v10 =	vxor.u32 v9, v23;
	v63 =	vshrl.u32 v12, $0x3  }
0x149: {  	v20 =	vshll.u32 v12, $0x1D;
	v11 =	vadd.s32 v11, v12;
	v9 =	vadd.s32 v9, v10  }
0x14a: {  	v27 =	vshrl.u32 v10, $0x8;
	v10 =	vshll.u32 v10, $0x18;
	v22 =	vor.u32 v63, v20  }
0x14b: {  	v62 =	vshrl.u32 v14, $0x1A;
	v10 =	vor.u32 v27, v10;
	v12 =	vxor.u32 v11, v22  }
0x14c: {  	v10 =	vxor.u32 v9, v10;
	v24 =	vshrl.u32 v12, $0x10;
	v25 =	vshll.u32 v12, $0x10  }
0x14d: {  	v11 =	vadd.s32 v11, v12;
	v10 =	vadd.s32 $0x1BD11BF4, v10;
	v26 =	vor.u32 v24, v25  }
0x14e: {  	v9 =	vadd.s32 v10, v9;
	v31 =	vshrl.u32 v10, $0x13;
	v10 =	vshll.u32 v10, $0xD  }
0x14f: {  	v12 =	vxor.u32 v11, v26;
	v9 =	vadd.s32 $0x2A, v9;
	v10 =	vor.u32 v31, v10  }
0x150: {  	v28 =	vshrl.u32 v12, $0x8;
	v29 =	vshll.u32 v12, $0x18;
	v10 =	vxor.u32 v9, v10  }
0x151: {  	v11 =	vadd.s32 v11, v12;
	v30 =	vor.u32 v28, v29;
	v9 =	vadd.s32 v9, v10  }
0x152: {  	v36 =	vshrl.u32 v10, $0x11;
	v10 =	vshll.u32 v10, $0xF;
	v12 =	vxor.u32 v11, v30  }
0x153: {  	v13 =	vadd.s32 v13, v14;
	v10 =	vor.u32 v36, v10;
	v12 =	vadd.s32 $0x2, v12  }
0x154: {  	v11 =	vadd.s32 v12, v11;
	v32 =	vshrl.u32 v12, $0x13;
	v12 =	vshll.u32 v12, $0xD  }
0x155: {  	v10 =	vxor.u32 v9, v10;
	v11 =	vadd.s32 $0x1BD11BF0, v11;
	v12 =	vor.u32 v32, v12  }
0x156: {  	v63 =	vshll.u32 v14, $0x6;
	v9 =	vadd.s32 v9, v10;
	v12 =	vxor.u32 v11, v12  }
0x157: {  	v40 =	vshrl.u32 v10, $0x6;
	v33 =	vshrl.u32 v12, $0x11;
	v34 =	vshll.u32 v12, $0xF  }
0x158: {  	v10 =	vshll.u32 v10, $0x1A;
	v11 =	vadd.s32 v11, v12;
	v35 =	vor.u32 v33, v34  }
0x159: {  	v20 =	vor.u32 v62, v63;
	v10 =	vor.u32 v40, v10;
	v12 =	vxor.u32 v11, v35  }
0x15a: {  	v10 =	vxor.u32 v9, v10;
	v37 =	vshrl.u32 v12, $0x6;
	v38 =	vshll.u32 v12, $0x1A  }
0x15b: {  	v44 =	vadd.s32 v9, v10;
	v11 =	vadd.s32 v11, v12;
	v39 =	vor.u32 v37, v38  }
0x15c: {  	v46 =	vshrl.u32 v10, $0x1A;
	v10 =	vshll.u32 v10, $0x6;
	v12 =	vxor.u32 v11, v39  }
0x15d: {  	v10 =	vor.u32 v46, v10;
	v41 =	vshrl.u32 v12, $0x1A;
	v42 =	vshll.u32 v12, $0x6  }
0x15e: {  	v10 =	vxor.u32 v44, v10;
	v11 =	vadd.s32 v11, v12;
	v43 =	vor.u32 v41, v42  }
0x15f: {  	v8 =	vadd.s32 $0x1BD11BF0, v44;
	v10 =	vadd.s32 $0x5, v10;
	v12 =	vxor.u32 v11, v43  }
0x160: {  	v21 =	vxor.u32 v13, v20;
	v8 =	vxor.u32 v8, v10;
	v45 =	vadd.s32 $0x2D, v12  }
0x161: {  	v12 =	vadd.s32 $0x1BD11BF1, v21;
	v47 =	vshrl.u32 v45, $0xF;
	v49 =	vshll.u32 v45, $0x11  }
0x162: {  	v9 =	vadd.s32 v11, v45;
	v13 =	vadd.s32 v12, v13;
	v23 =	vshrl.u32 v12, $0xF  }
0x163: {  	s26 =	sadd.s32 $0xA000A0, s14;
	v12 =	vshll.u32 v12, $0x11;
	v51 =	vor.u32 v47, v49;
	v13 =	vadd.s32 $0x2A, v13  }
0x164: {  	v12 =	vor.u32 v23, v12;
	v47 =	vadd.s32 s26, v0;
	v11 =	vxor.u32 v9, v51  }
0x165: {  	v12 =	vxor.u32 v13, v12;
	v48 =	vshrl.u32 v47, $0x13;
	v49 =	vshll.u32 v47, $0xD  }
0x166: {  	v53 =	vshrl.u32 v11, $0x3;
	v18 =	vshll.u32 v11, $0x1D;
	v9 =	vadd.s32 v9, v11  }
0x167: {  	v24 =	vshrl.u32 v12, $0x3;
	v25 =	vshll.u32 v12, $0x1D;
	v12 =	vadd.s32 v13, v12  }
0x168: {  	v15 =	vor.u32 v48, v49;
	v57 =	vor.u32 v53, v18;
	v26 =	vor.u32 v24, v25  }
0x169: {  	v15 =	vxor.u32 v47, v15;
	v11 =	vxor.u32 v9, v57;
	v13 =	vxor.u32 v12, v26  }
0x16a: {  	v53 =	vshrl.u32 v15, $0x11;
	v54 =	vshll.u32 v15, $0xF;
	v14 =	vadd.s32 v47, v15  }
0x16b: {  	v9 =	vadd.s32 v9, v11;
	v61 =	vshrl.u32 v11, $0x10;
	v11 =	vshll.u32 v11, $0x10  }
0x16c: {  	v28 =	vshrl.u32 v13, $0x10;
	v29 =	vshll.u32 v13, $0x10;
	v12 =	vadd.s32 v12, v13  }
0x16d: {  	v55 =	vor.u32 v53, v54;
	v11 =	vor.u32 v61, v11;
	v30 =	vor.u32 v28, v29  }
0x16e: {  	v15 =	vxor.u32 v14, v55;
	v11 =	vxor.u32 v9, v11;
	v13 =	vxor.u32 v12, v30  }
0x16f: {  	v57 =	vshrl.u32 v15, $0x6;
	v58 =	vshll.u32 v15, $0x1A;
	v14 =	vadd.s32 v14, v15  }
0x170: {  	v9 =	vadd.s32 v9, v11;
	v22 =	vshrl.u32 v11, $0x8;
	v11 =	vshll.u32 v11, $0x18  }
0x171: {  	v32 =	vshrl.u32 v13, $0x8;
	v33 =	vshll.u32 v13, $0x18;
	v12 =	vadd.s32 v12, v13  }
0x172: {  	v59 =	vor.u32 v57, v58;
	v11 =	vor.u32 v22, v11;
	v35 =	vor.u32 v32, v33  }
0x173: {  	v15 =	vxor.u32 v14, v59;
	v11 =	vxor.u32 v9, v11;
	v13 =	vxor.u32 v12, v35  }
0x174: {  	v61 =	vshrl.u32 v15, $0x1A;
	v62 =	vshll.u32 v15, $0x6;
	v11 =	vadd.s32 $0x1BD11BF4, v11  }
0x175: {  	v13 =	vadd.s32 $0x2, v13;
	v9 =	vadd.s32 v11, v9;
	v27 =	vshrl.u32 v11, $0x13  }
0x176: {  	v11 =	vshll.u32 v11, $0xD;
	v12 =	vadd.s32 v13, v12;
	v37 =	vshrl.u32 v13, $0x13  }
0x177: {  	v13 =	vshll.u32 v13, $0xD;
	v9 =	vadd.s32 $0x2A, v9;
	v11 =	vor.u32 v27, v11  }
0x178: {  	v12 =	vadd.s32 $0x1BD11BF0, v12;
	v13 =	vor.u32 v37, v13;
	v11 =	vxor.u32 v9, v11  }
0x179: {  	v13 =	vxor.u32 v12, v13;
	v31 =	vshrl.u32 v11, $0x11;
	v34 =	vshll.u32 v11, $0xF  }
0x17a: {  	v9 =	vadd.s32 v9, v11;
	v39 =	vshrl.u32 v13, $0x11;
	v40 =	vshll.u32 v13, $0xF  }
0x17b: {  	v12 =	vadd.s32 v12, v13;
	v36 =	vor.u32 v31, v34;
	v41 =	vor.u32 v39, v40  }
0x17c: {  	v14 =	vadd.s32 v14, v15;
	v11 =	vxor.u32 v9, v36;
	v42 =	vxor.u32 v12, v41  }
0x17d: {  	v9 =	vadd.s32 v9, v11;
	v38 =	vshrl.u32 v11, $0x6;
	v11 =	vshll.u32 v11, $0x1A  }
0x17e: {  	v44 =	vshrl.u32 v42, $0x6;
	v45 =	vshll.u32 v42, $0x1A;
	v11 =	vor.u32 v38, v11  }
0x17f: {  	v10 =	vadd.s32 v12, v42;
	v46 =	vor.u32 v44, v45;
	v11 =	vxor.u32 v9, v11  }
0x180: {  	v63 =	vor.u32 v61, v62;
	v12 =	vxor.u32 v10, v46;
	v9 =	vadd.s32 v9, v11  }
0x181: {  	v43 =	vshrl.u32 v11, $0x1A;
	v50 =	vshrl.u32 v12, $0x1A;
	v51 =	vshll.u32 v12, $0x6  }
0x182: {  	v10 =	vadd.s32 v10, v12;
	v11 =	vshll.u32 v11, $0x6;
	v52 =	vor.u32 v50, v51  }
0x183: {  	s28 =	sadd.s32 $0xA000B0, s14;
	v15 =	vxor.u32 v14, v63;
	v11 =	vor.u32 v43, v11;
	v12 =	vxor.u32 v10, v52  }
0x184: {  	v51 =	vadd.s32 s28, v0;
	v11 =	vxor.u32 v9, v11;
	v12 =	vadd.s32 $0x2D, v12  }
0x185: {  	v10 =	vadd.s32 v10, v12;
	v56 =	vshrl.u32 v12, $0xF;
	v12 =	vshll.u32 v12, $0x11  }
0x186: {  	v9 =	vadd.s32 $0x1BD11BF0, v9;
	v52 =	vshrl.u32 v51, $0x13;
	v12 =	vor.u32 v56, v12  }
0x187: {  	v53 =	vshll.u32 v51, $0xD;
	v11 =	vadd.s32 $0x5, v11;
	v12 =	vxor.u32 v10, v12  }
0x188: {  	v9 =	vxor.u32 v9, v11;
	v60 =	vshrl.u32 v12, $0x3;
	v19 =	vshll.u32 v12, $0x1D  }
0x189: {  	v10 =	vadd.s32 v10, v12;
	v18 =	vor.u32 v60, v19;
	v19 =	vadd.s32 $0x1BD11BF1, v15  }
0x18a: {  	v12 =	vxor.u32 v10, v18;
	v14 =	vadd.s32 v19, v14;
	v15 =	vshrl.u32 v19, $0xF  }
0x18b: {  	v13 =	vshll.u32 v19, $0x11;
	v10 =	vadd.s32 v10, v12;
	v14 =	vadd.s32 $0x2A, v14  }
0x18c: {  	v13 =	vor.u32 v15, v13;
	v20 =	vshrl.u32 v12, $0x10;
	v12 =	vshll.u32 v12, $0x10  }
0x18d: {  	v15 =	vor.u32 v52, v53;
	v13 =	vxor.u32 v14, v13;
	v12 =	vor.u32 v20, v12  }
0x18e: {  	v15 =	vxor.u32 v51, v15;
	v21 =	vshrl.u32 v13, $0x3;
	v22 =	vshll.u32 v13, $0x1D  }
0x18f: {  	v12 =	vxor.u32 v10, v12;
	v13 =	vadd.s32 v14, v13;
	v23 =	vor.u32 v21, v22  }
0x190: {  	v10 =	vadd.s32 v10, v12;
	v24 =	vshrl.u32 v12, $0x8;
	v12 =	vshll.u32 v12, $0x18  }
0x191: {  	v55 =	vshrl.u32 v15, $0x11;
	v14 =	vxor.u32 v13, v23;
	v12 =	vor.u32 v24, v12  }
0x192: {  	v25 =	vshrl.u32 v14, $0x10;
	v26 =	vshll.u32 v14, $0x10;
	v12 =	vxor.u32 v10, v12  }
0x193: {  	v13 =	vadd.s32 v13, v14;
	v27 =	vor.u32 v25, v26;
	v12 =	vadd.s32 $0x1BD11BF4, v12  }
0x194: {  	v56 =	vshll.u32 v15, $0xF;
	v14 =	vxor.u32 v13, v27;
	v10 =	vadd.s32 v12, v10  }
0x195: {  	v31 =	vshrl.u32 v12, $0x13;
	v12 =	vshll.u32 v12, $0xD;
	v28 =	vshrl.u32 v14, $0x8  }
0x196: {  	v29 =	vshll.u32 v14, $0x18;
	v10 =	vadd.s32 $0x2A, v10;
	v12 =	vor.u32 v31, v12  }
0x197: {  	v13 =	vadd.s32 v13, v14;
	v30 =	vor.u32 v28, v29;
	v12 =	vxor.u32 v10, v12  }
0x198: {  	v14 =	vxor.u32 v13, v30;
	v33 =	vshrl.u32 v12, $0x11;
	v36 =	vshll.u32 v12, $0xF  }
0x199: {  	v10 =	vadd.s32 v10, v12;
	v14 =	vadd.s32 $0x2, v14;
	v38 =	vor.u32 v33, v36  }
0x19a: {  	v13 =	vadd.s32 v14, v13;
	v32 =	vshrl.u32 v14, $0x13;
	v14 =	vshll.u32 v14, $0xD  }
0x19b: {  	v12 =	vxor.u32 v10, v38;
	v13 =	vadd.s32 $0x1BD11BF0, v13;
	v14 =	vor.u32 v32, v14  }
0x19c: {  	v10 =	vadd.s32 v10, v12;
	v42 =	vshrl.u32 v12, $0x6;
	v12 =	vshll.u32 v12, $0x1A  }
0x19d: {  	v57 =	vor.u32 v55, v56;
	v14 =	vxor.u32 v13, v14;
	v12 =	vor.u32 v42, v12  }
0x19e: {  	v34 =	vshrl.u32 v14, $0x11;
	v35 =	vshll.u32 v14, $0xF;
	v12 =	vxor.u32 v10, v12  }
0x19f: {  	v13 =	vadd.s32 v13, v14;
	v37 =	vor.u32 v34, v35;
	v10 =	vadd.s32 v10, v12  }
0x1a0: {  	v47 =	vshrl.u32 v12, $0x1A;
	v12 =	vshll.u32 v12, $0x6;
	v14 =	vxor.u32 v13, v37  }
0x1a1: {  	v12 =	vor.u32 v47, v12;
	v39 =	vshrl.u32 v14, $0x6;
	v40 =	vshll.u32 v14, $0x1A  }
0x1a2: {  	v13 =	vadd.s32 v13, v14;
	v12 =	vxor.u32 v10, v12;
	v41 =	vor.u32 v39, v40  }
0x1a3: {  	v10 =	vadd.s32 $0x1BD11BF0, v10;
	v12 =	vadd.s32 $0x5, v12;
	v14 =	vxor.u32 v13, v41  }
0x1a4: {  	v10 =	vxor.u32 v10, v12;
	v43 =	vshrl.u32 v14, $0x1A;
	v44 =	vshll.u32 v14, $0x6  }
0x1a5: {  	s29 =	sadd.s32 $0xA000C0, s14;
	v13 =	vadd.s32 v13, v14;
	v14 =	vadd.s32 v51, v15;
	v45 =	vor.u32 v43, v44  }
0x1a6: {  	v15 =	vxor.u32 v14, v57;
	v44 =	vmov s29;
	v46 =	vxor.u32 v13, v45  }
0x1a7: {  	v59 =	vshrl.u32 v15, $0x6;
	v60 =	vshll.u32 v15, $0x1A;
	v14 =	vadd.s32 v14, v15  }
0x1a8: {  	v45 =	vor.u32 s29, v0;
	v16 =	vshrl.u32 v44, $0x13;
	v11 =	vadd.s32 $0x2D, v46  }
0x1a9: {  	v61 =	vor.u32 v59, v60;
	v46 =	vshll.u32 v45, $0xD;
	v48 =	vshrl.u32 v11, $0xF  }
0x1aa: {  	v49 =	vshll.u32 v11, $0x11;
	v11 =	vadd.s32 v13, v11;
	v15 =	vxor.u32 v14, v61  }
0x1ab: {  	v16 =	vor.u32 v16, v46;
	v50 =	vor.u32 v48, v49;
	v63 =	vshrl.u32 v15, $0x1A  }
0x1ac: {  	v21 =	vshll.u32 v15, $0x6;
	v14 =	vadd.s32 v14, v15;
	v16 =	vxor.u32 v45, v16  }
0x1ad: {  	v13 =	vxor.u32 v11, v50;
	v23 =	vor.u32 v63, v21;
	v49 =	vshrl.u32 v16, $0x11  }
0x1ae: {  	v50 =	vshll.u32 v16, $0xF;
	v16 =	vadd.s32 v45, v16;
	v11 =	vadd.s32 v11, v13  }
0x1af: {  	v54 =	vshrl.u32 v13, $0x3;
	v13 =	vshll.u32 v13, $0x1D;
	v15 =	vxor.u32 v14, v23  }
0x1b0: {  	v51 =	vor.u32 v49, v50;
	v13 =	vor.u32 v54, v13;
	v15 =	vadd.s32 $0x1BD11BF1, v15  }
0x1b1: {  	v17 =	vxor.u32 v16, v51;
	v13 =	vxor.u32 v11, v13;
	v14 =	vadd.s32 v15, v14  }
0x1b2: {  	v25 =	vshrl.u32 v15, $0xF;
	v15 =	vshll.u32 v15, $0x11;
	v53 =	vshrl.u32 v17, $0x6  }
0x1b3: {  	v54 =	vshll.u32 v17, $0x1A;
	v16 =	vadd.s32 v16, v17;
	v11 =	vadd.s32 v11, v13  }
0x1b4: {  	v58 =	vshrl.u32 v13, $0x10;
	v13 =	vshll.u32 v13, $0x10;
	v14 =	vadd.s32 $0x2A, v14  }
0x1b5: {  	v15 =	vor.u32 v25, v15;
	v55 =	vor.u32 v53, v54;
	v13 =	vor.u32 v58, v13  }
0x1b6: {  	v26 =	vxor.u32 v14, v15;
	v17 =	vxor.u32 v16, v55;
	v13 =	vxor.u32 v11, v13  }
0x1b7: {  	v28 =	vshrl.u32 v26, $0x3;
	v29 =	vshll.u32 v26, $0x1D;
	v12 =	vadd.s32 v14, v26  }
0x1b8: {  	v57 =	vshrl.u32 v17, $0x1A;
	v58 =	vshll.u32 v17, $0x6;
	v16 =	vadd.s32 v16, v17  }
0x1b9: {  	v62 =	vshrl.u32 v13, $0x8;
	v22 =	vshll.u32 v13, $0x18;
	v11 =	vadd.s32 v11, v13  }
0x1ba: {  	v30 =	vor.u32 v28, v29;
	v59 =	vor.u32 v57, v58;
	v24 =	vor.u32 v62, v22  }
0x1bb: {  	v14 =	vxor.u32 v12, v30;
	v17 =	vxor.u32 v16, v59;
	v13 =	vxor.u32 v11, v24  }
0x1bc: {  	v31 =	vshrl.u32 v14, $0x10;
	v32 =	vshll.u32 v14, $0x10;
	v12 =	vadd.s32 v12, v14  }
0x1bd: {  	v61 =	vadd.s32 $0x1BD11BF1, v17;
	v13 =	vadd.s32 $0x1BD11BF4, v13;
	v33 =	vor.u32 v31, v32  }
0x1be: {  	v16 =	vadd.s32 v61, v16;
	v17 =	vshrl.u32 v61, $0xF;
	v15 =	vshll.u32 v61, $0x11  }
0x1bf: {  	v11 =	vadd.s32 v13, v11;
	v27 =	vshrl.u32 v13, $0x13;
	v13 =	vshll.u32 v13, $0xD  }
0x1c0: {  	v14 =	vxor.u32 v12, v33;
	v11 =	vadd.s32 $0x2A, v11;
	v13 =	vor.u32 v27, v13  }
0x1c1: {  	v35 =	vshrl.u32 v14, $0x8;
	v36 =	vshll.u32 v14, $0x18;
	v13 =	vxor.u32 v11, v13  }
0x1c2: {  	v12 =	vadd.s32 v12, v14;
	v37 =	vor.u32 v35, v36;
	v11 =	vadd.s32 v11, v13  }
0x1c3: {  	v34 =	vshrl.u32 v13, $0x11;
	v13 =	vshll.u32 v13, $0xF;
	v14 =	vxor.u32 v12, v37  }
0x1c4: {  	v16 =	vadd.s32 $0x2A, v16;
	v13 =	vor.u32 v34, v13;
	v14 =	vadd.s32 $0x2, v14  }
0x1c5: {  	v15 =	vor.u32 v17, v15;
	v13 =	vxor.u32 v11, v13;
	v12 =	vadd.s32 v14, v12  }
0x1c6: {  	v41 =	vshrl.u32 v14, $0x13;
	v14 =	vshll.u32 v14, $0xD;
	v38 =	vshrl.u32 v13, $0x6  }
0x1c7: {  	v39 =	vshll.u32 v13, $0x1A;
	v12 =	vadd.s32 $0x1BD11BF0, v12;
	v14 =	vor.u32 v41, v14  }
0x1c8: {  	v11 =	vadd.s32 v11, v13;
	v40 =	vor.u32 v38, v39;
	v14 =	vxor.u32 v12, v14  }
0x1c9: {  	v12 =	vadd.s32 v12, v14;
	v43 =	vshrl.u32 v14, $0x11;
	v14 =	vshll.u32 v14, $0xF  }
0x1ca: {  	v15 =	vxor.u32 v16, v15;
	v13 =	vxor.u32 v11, v40;
	v14 =	vor.u32 v43, v14  }
0x1cb: {  	v11 =	vadd.s32 v11, v13;
	v42 =	vshrl.u32 v13, $0x1A;
	v14 =	vxor.u32 v12, v14  }
0x1cc: {  	v13 =	vshll.u32 v13, $0x6;
	v47 =	vshrl.u32 v14, $0x6;
	v20 =	vshll.u32 v14, $0x1A  }
0x1cd: {  	v13 =	vor.u32 v42, v13;
	v12 =	vadd.s32 v12, v14;
	v48 =	vor.u32 v47, v20  }
0x1ce: {  	v63 =	vshrl.u32 v15, $0x3;
	v13 =	vxor.u32 v11, v13;
	v14 =	vxor.u32 v12, v48  }
0x1cf: {  	v12 =	vadd.s32 v12, v14;
	v52 =	vshrl.u32 v14, $0x1A;
	v14 =	vshll.u32 v14, $0x6  }
0x1d0: {  	s30 =	sadd.s32 $0xA000D0, s14;
	v11 =	vadd.s32 $0x1BD11BF0, v11;
	v13 =	vadd.s32 $0x5, v13;
	v14 =	vor.u32 v52, v14  }
0x1d1: {  	v11 =	vxor.u32 v11, v13;
	v52 =	vadd.s32 s30, v0;
	v14 =	vxor.u32 v12, v14  }
0x1d2: {  	v54 =	vshrl.u32 v52, $0x13;
	v55 =	vshll.u32 v52, $0xD;
	v14 =	vadd.s32 $0x2D, v14  }
0x1d3: {  	v57 =	vor.u32 v54, v55;
	v56 =	vshrl.u32 v14, $0xF;
	v21 =	vshll.u32 v14, $0x11  }
0x1d4: {  	v12 =	vadd.s32 v12, v14;
	v60 =	vor.u32 v56, v21;
	v21 =	vshll.u32 v15, $0x1D  }
0x1d5: {  	v15 =	vadd.s32 v16, v15;
	v14 =	vxor.u32 v12, v60;
	v22 =	vor.u32 v63, v21  }
0x1d6: {  	v12 =	vadd.s32 v12, v14;
	v62 =	vshrl.u32 v14, $0x3;
	v14 =	vshll.u32 v14, $0x1D  }
0x1d7: {  	v58 =	vxor.u32 v52, v57;
	v16 =	vxor.u32 v15, v22;
	v14 =	vor.u32 v62, v14  }
0x1d8: {  	v24 =	vshrl.u32 v16, $0x10;
	v25 =	vshll.u32 v16, $0x10;
	v14 =	vxor.u32 v12, v14  }
0x1d9: {  	v15 =	vadd.s32 v15, v16;
	v26 =	vor.u32 v24, v25;
	v12 =	vadd.s32 v12, v14  }
0x1da: {  	v23 =	vshrl.u32 v14, $0x10;
	v14 =	vshll.u32 v14, $0x10;
	v16 =	vxor.u32 v15, v26  }
0x1db: {  	v14 =	vor.u32 v23, v14;
	v28 =	vshrl.u32 v16, $0x8;
	v29 =	vshll.u32 v16, $0x18  }
0x1dc: {  	v15 =	vadd.s32 v15, v16;
	v14 =	vxor.u32 v12, v14;
	v31 =	vor.u32 v28, v29  }
0x1dd: {  	v27 =	vshrl.u32 v14, $0x8;
	v30 =	vshll.u32 v14, $0x18;
	v16 =	vxor.u32 v15, v31  }
0x1de: {  	v12 =	vadd.s32 v12, v14;
	v32 =	vor.u32 v27, v30;
	v16 =	vadd.s32 $0x2, v16  }
0x1df: {  	v61 =	vshll.u32 v58, $0xF;
	v14 =	vxor.u32 v12, v32;
	v15 =	vadd.s32 v16, v15  }
0x1e0: {  	v33 =	vshrl.u32 v16, $0x13;
	v16 =	vshll.u32 v16, $0xD;
	v14 =	vadd.s32 $0x1BD11BF4, v14  }
0x1e1: {  	v15 =	vadd.s32 $0x1BD11BF0, v15;
	v16 =	vor.u32 v33, v16;
	v12 =	vadd.s32 v14, v12  }
0x1e2: {  	v16 =	vxor.u32 v15, v16;
	v34 =	vshrl.u32 v14, $0x13;
	v14 =	vshll.u32 v14, $0xD  }
0x1e3: {  	v35 =	vshrl.u32 v16, $0x11;
	v36 =	vshll.u32 v16, $0xF;
	v15 =	vadd.s32 v15, v16  }
0x1e4: {  	v12 =	vadd.s32 $0x2A, v12;
	v14 =	vor.u32 v34, v14;
	v37 =	vor.u32 v35, v36  }
0x1e5: {  	v60 =	vshrl.u32 v58, $0x11;
	v14 =	vxor.u32 v12, v14;
	v16 =	vxor.u32 v15, v37  }
0x1e6: {  	v12 =	vadd.s32 v12, v14;
	v41 =	vshrl.u32 v14, $0x11;
	v14 =	vshll.u32 v14, $0xF  }
0x1e7: {  	v38 =	vshrl.u32 v16, $0x6;
	v39 =	vshll.u32 v16, $0x1A;
	v14 =	vor.u32 v41, v14  }
0x1e8: {  	v15 =	vadd.s32 v15, v16;
	v40 =	vor.u32 v38, v39;
	v14 =	vxor.u32 v12, v14  }
0x1e9: {  	v63 =	vor.u32 v60, v61;
	v16 =	vxor.u32 v15, v40;
	v12 =	vadd.s32 v12, v14  }
0x1ea: {  	v46 =	vshrl.u32 v14, $0x6;
	v14 =	vshll.u32 v14, $0x1A;
	v42 =	vshrl.u32 v16, $0x1A  }
0x1eb: {  	v43 =	vshll.u32 v16, $0x6;
	v15 =	vadd.s32 v15, v16;
	v14 =	vor.u32 v46, v14  }
0x1ec: {  	v16 =	vadd.s32 v52, v58;
	v44 =	vor.u32 v42, v43;
	v14 =	vxor.u32 v12, v14  }
0x1ed: {  	v22 =	vxor.u32 v16, v63;
	v45 =	vxor.u32 v15, v44;
	v12 =	vadd.s32 v12, v14  }
0x1ee: {  	v50 =	vshrl.u32 v14, $0x1A;
	v14 =	vshll.u32 v14, $0x6;
	v18 =	vshrl.u32 v22, $0x6  }
0x1ef: {  	v23 =	vshll.u32 v22, $0x1A;
	v16 =	vadd.s32 v16, v22;
	v13 =	vadd.s32 $0x2D, v45  }
0x1f0: {  	v14 =	vor.u32 v50, v14;
	v24 =	vor.u32 v18, v23;
	v47 =	vshrl.u32 v13, $0xF  }
0x1f1: {  	v48 =	vshll.u32 v13, $0x11;
	v13 =	vadd.s32 v15, v13;
	v17 =	vxor.u32 v16, v24  }
0x1f2: {  	v14 =	vxor.u32 v12, v14;
	v12 =	vadd.s32 $0x1BD11BF0, v12;
	v49 =	vor.u32 v47, v48  }
0x1f3: {  	v26 =	vshrl.u32 v17, $0x1A;
	v27 =	vshll.u32 v17, $0x6;
	v16 =	vadd.s32 v16, v17  }
0x1f4: {  	v14 =	vadd.s32 $0x5, v14;
	v15 =	vxor.u32 v13, v49;
	v28 =	vor.u32 v26, v27  }
0x1f5: {  	v51 =	vshrl.u32 v15, $0x3;
	v53 =	vshll.u32 v15, $0x1D;
	v17 =	vxor.u32 v16, v28  }
0x1f6: {  	s31 =	sadd.s32 $0xA000E0, s14;
	v13 =	vadd.s32 v13, v15;
	v56 =	vor.u32 v51, v53;
	v17 =	vadd.s32 $0x1BD11BF1, v17  }
0x1f7: {  	v48 =	vadd.s32 s31, v0;
	v15 =	vxor.u32 v13, v56;
	v16 =	vadd.s32 v17, v16  }
0x1f8: {  	v29 =	vshrl.u32 v17, $0xF;
	v17 =	vshll.u32 v17, $0x11;
	v59 =	vshrl.u32 v15, $0x10  }
0x1f9: {  	v62 =	vshll.u32 v15, $0x10;
	v16 =	vadd.s32 $0x2A, v16;
	v17 =	vor.u32 v29, v17  }
0x1fa: {  	v13 =	vadd.s32 v13, v15;
	v21 =	vor.u32 v59, v62;
	v17 =	vxor.u32 v16, v17  }
0x1fb: {  	v12 =	vxor.u32 v12, v14;
	v15 =	vxor.u32 v13, v21;
	v31 =	vshrl.u32 v17, $0x3  }
0x1fc: {  	v32 =	vshll.u32 v17, $0x1D;
	v16 =	vadd.s32 v16, v17;
	v13 =	vadd.s32 v13, v15  }
0x1fd: {  	v25 =	vshrl.u32 v15, $0x8;
	v15 =	vshll.u32 v15, $0x18;
	v33 =	vor.u32 v31, v32  }
0x1fe: {  	v50 =	vshrl.u32 v48, $0x13;
	v15 =	vor.u32 v25, v15;
	v17 =	vxor.u32 v16, v33  }
0x1ff: {  	v15 =	vxor.u32 v13, v15;
	v35 =	vshrl.u32 v17, $0x10;
	v36 =	vshll.u32 v17, $0x10  }
0x200: {  	v16 =	vadd.s32 v16, v17;
	v15 =	vadd.s32 $0x1BD11BF4, v15;
	v37 =	vor.u32 v35, v36  }
0x201: {  	v13 =	vadd.s32 v15, v13;
	v30 =	vshrl.u32 v15, $0x13;
	v15 =	vshll.u32 v15, $0xD  }
0x202: {  	v17 =	vxor.u32 v16, v37;
	v13 =	vadd.s32 $0x2A, v13;
	v15 =	vor.u32 v30, v15  }
0x203: {  	v39 =	vshrl.u32 v17, $0x8;
	v40 =	vshll.u32 v17, $0x18;
	v15 =	vxor.u32 v13, v15  }
0x204: {  	v16 =	vadd.s32 v16, v17;
	v42 =	vor.u32 v39, v40;
	v13 =	vadd.s32 v13, v15  }
0x205: {  	v34 =	vshrl.u32 v15, $0x11;
	v15 =	vshll.u32 v15, $0xF;
	v17 =	vxor.u32 v16, v42  }
0x206: {  	v51 =	vshll.u32 v48, $0xD;
	v15 =	vor.u32 v34, v15;
	v45 =	vadd.s32 $0x2, v17  }
0x207: {  	v53 =	vor.u32 v50, v51;
	v15 =	vxor.u32 v13, v15;
	v16 =	vadd.s32 v45, v16  }
0x208: {  	v17 =	vshrl.u32 v45, $0x13;
	v38 =	vshrl.u32 v15, $0x6;
	v41 =	vshll.u32 v15, $0x1A  }
0x209: {  	v13 =	vadd.s32 v13, v15;
	v15 =	vshll.u32 v45, $0xD;
	v16 =	vadd.s32 $0x1BD11BF0, v16  }
0x20a: {  	v43 =	vor.u32 v38, v41;
	v15 =	vor.u32 v17, v15;
	v17 =	vxor.u32 v48, v53  }
0x20b: {  	s14 =	sadd.s32 $0xA000F0, s14;
	v44 =	vxor.u32 v13, v43;
	v15 =	vxor.u32 v16, v15;
	v55 =	vshrl.u32 v17, $0x11  }
0x20c: {  	v56 =	vshll.u32 v17, $0xF;
	v17 =	vadd.s32 v48, v17;
	v43 =	vadd.s32 s14, v0  }
0x20d: {  	v13 =	vadd.s32 v13, v44;
	v46 =	vshrl.u32 v44, $0x1A;
	v14 =	vshll.u32 v44, $0x6  }
0x20e: {  	v47 =	vshrl.u32 v15, $0x11;
	v49 =	vshll.u32 v15, $0xF;
	v15 =	vadd.s32 v16, v15  }
0x20f: {  	v20 =	vor.u32 v55, v56;
	v44 =	vshrl.u32 v43, $0x13;
	v45 =	vshll.u32 v43, $0xD  }
0x210: {  	v14 =	vor.u32 v46, v14;
	v52 =	vor.u32 v47, v49;
	v59 =	vxor.u32 v17, v20  }
0x211: {  	v19 =	vor.u32 v44, v45;
	v14 =	vxor.u32 v13, v14;
	v16 =	vxor.u32 v15, v52  }
0x212: {  	v60 =	vshrl.u32 v59, $0x6;
	v20 =	vshll.u32 v59, $0x1A;
	v17 =	vadd.s32 v17, v59  }
0x213: {  	v13 =	vadd.s32 $0x1BD11BF0, v13;
	v19 =	vxor.u32 v43, v19;
	v54 =	vshrl.u32 v16, $0x6  }
0x214: {  	v57 =	vshll.u32 v16, $0x1A;
	v15 =	vadd.s32 v15, v16;
	v61 =	vor.u32 v60, v20  }
0x215: {  	v14 =	vadd.s32 $0x5, v14;
	v58 =	vor.u32 v54, v57;
	v18 =	vxor.u32 v17, v61  }
0x216: {  	v47 =	vshrl.u32 v19, $0x11;
	v16 =	vxor.u32 v15, v58;
	v63 =	vshrl.u32 v18, $0x1A  }
0x217: {  	v24 =	vshll.u32 v18, $0x6;
	v17 =	vadd.s32 v17, v18;
	v15 =	vadd.s32 v15, v16  }
0x218: {  	v62 =	vshrl.u32 v16, $0x1A;
	v16 =	vshll.u32 v16, $0x6;
	v25 =	vor.u32 v63, v24  }
0x219: {  	v48 =	vshll.u32 v19, $0xF;
	v16 =	vor.u32 v62, v16;
	v18 =	vxor.u32 v17, v25  }
0x21a: {  	v13 =	vxor.u32 v13, v14;
	v16 =	vxor.u32 v15, v16;
	v18 =	vadd.s32 $0x1BD11BF1, v18  }
0x21b: {  	v49 =	vor.u32 v47, v48;
	v16 =	vadd.s32 $0x2D, v16;
	v17 =	vadd.s32 v18, v17  }
0x21c: {  	v27 =	vshrl.u32 v18, $0xF;
	v18 =	vshll.u32 v18, $0x11;
	v26 =	vshrl.u32 v16, $0xF  }
0x21d: {  	v28 =	vshll.u32 v16, $0x11;
	v17 =	vadd.s32 $0x2A, v17;
	v18 =	vor.u32 v27, v18  }
0x21e: {  	v15 =	vadd.s32 v15, v16;
	v29 =	vor.u32 v26, v28;
	v18 =	vxor.u32 v17, v18  }
0x21f: {  	v16 =	vxor.u32 v15, v29;
	v30 =	vshrl.u32 v18, $0x3;
	v31 =	vshll.u32 v18, $0x1D  }
0x220: {  	v17 =	vadd.s32 v17, v18;
	v15 =	vadd.s32 v15, v16;
	v32 =	vor.u32 v30, v31  }
0x221: {  	v33 =	vshrl.u32 v16, $0x3;
	v16 =	vshll.u32 v16, $0x1D;
	v18 =	vxor.u32 v17, v32  }
0x222: {  	v16 =	vor.u32 v33, v16;
	v34 =	vshrl.u32 v18, $0x10;
	v35 =	vshll.u32 v18, $0x10  }
0x223: {  	v16 =	vxor.u32 v15, v16;
	v17 =	vadd.s32 v17, v18;
	v18 =	vadd.s32 v43, v19  }
0x224: {  	v36 =	vor.u32 v34, v35;
	v37 =	vadd.s32 v15, v16;
	v39 =	vshrl.u32 v16, $0x10  }
0x225: {  	v16 =	vshll.u32 v16, $0x10;
	v19 =	vxor.u32 v18, v49;
	v38 =	vxor.u32 v17, v36  }
0x226: {  	v16 =	vor.u32 v39, v16;
	v18 =	vadd.s32 v18, v19;
	v50 =	vshrl.u32 v19, $0x6  }
0x227: {  	v19 =	vshll.u32 v19, $0x1A;
	v40 =	vshrl.u32 v38, $0x8;
	v41 =	vshll.u32 v38, $0x18  }
0x228: {  	v15 =	vadd.s32 v17, v38;
	v16 =	vxor.u32 v37, v16;
	v19 =	vor.u32 v50, v19  }
0x229: {  	v42 =	vor.u32 v40, v41;
	v14 =	vadd.s32 v37, v16;
	v19 =	vxor.u32 v18, v19  }
0x22a: {  	v55 =	vshrl.u32 v16, $0x8;
	v16 =	vshll.u32 v16, $0x18;
	v17 =	vxor.u32 v15, v42  }
0x22b: {  	v18 =	vadd.s32 v18, v19;
	v54 =	vshrl.u32 v19, $0x1A;
	v19 =	vshll.u32 v19, $0x6  }
0x22c: {  	v16 =	vor.u32 v55, v16;
	v17 =	vadd.s32 $0x2, v17;
	v19 =	vor.u32 v54, v19  }
0x22d: {  	v16 =	vxor.u32 v14, v16;
	v15 =	vadd.s32 v17, v15;
	v46 =	vshrl.u32 v17, $0x13  }
0x22e: {  	v17 =	vshll.u32 v17, $0xD;
	v19 =	vxor.u32 v18, v19;
	v16 =	vadd.s32 $0x1BD11BF4, v16  }
0x22f: {  	v17 =	vor.u32 v46, v17;
	v15 =	vadd.s32 $0x1BD11BF0, v15;
	v19 =	vadd.s32 $0x1BD11BF1, v19  }
0x230: {  	v14 =	vadd.s32 v16, v14;
	v36 =	vshrl.u32 v16, $0x13;
	v16 =	vshll.u32 v16, $0xD  }
0x231: {  	v17 =	vxor.u32 v15, v17;
	v18 =	vadd.s32 v19, v18;
	v57 =	vshrl.u32 v19, $0xF  }
0x232: {  	v19 =	vshll.u32 v19, $0x11;
	v14 =	vadd.s32 $0x2A, v14;
	v16 =	vor.u32 v36, v16  }
0x233: {  	v51 =	vshrl.u32 v17, $0x11;
	v52 =	vshll.u32 v17, $0xF;
	v15 =	vadd.s32 v15, v17  }
0x234: {  	v19 =	vor.u32 v57, v19;
	v18 =	vadd.s32 $0x2A, v18;
	v16 =	vxor.u32 v14, v16  }
0x235: {  	v53 =	vor.u32 v51, v52;
	v19 =	vxor.u32 v18, v19;
	v14 =	vadd.s32 v14, v16  }
0x236: {  	v40 =	vshrl.u32 v16, $0x11;
	v16 =	vshll.u32 v16, $0xF;
	v17 =	vxor.u32 v15, v53  }
0x237: {  	v60 =	vshrl.u32 v19, $0x3;
	v61 =	vshll.u32 v19, $0x1D;
	v18 =	vadd.s32 v18, v19  }
0x238: {  	v56 =	vshrl.u32 v17, $0x6;
	v58 =	vshll.u32 v17, $0x1A;
	v62 =	vor.u32 v60, v61  }
0x239: {  	v15 =	vadd.s32 v15, v17;
	v59 =	vor.u32 v56, v58;
	v19 =	vxor.u32 v18, v62  }
0x23a: {  	v16 =	vor.u32 v40, v16;
	v17 =	vxor.u32 v15, v59;
	v24 =	vshrl.u32 v19, $0x10  }
0x23b: {  	v25 =	vshll.u32 v19, $0x10;
	v18 =	vadd.s32 v18, v19;
	v15 =	vadd.s32 v15, v17  }
0x23c: {  	v63 =	vshrl.u32 v17, $0x1A;
	v17 =	vshll.u32 v17, $0x6;
	v26 =	vor.u32 v24, v25  }
0x23d: {  	v16 =	vxor.u32 v14, v16;
	v17 =	vor.u32 v63, v17;
	v19 =	vxor.u32 v18, v26  }
0x23e: {  	v14 =	vadd.s32 v14, v16;
	v17 =	vxor.u32 v15, v17;
	v18 =	vadd.s32 v18, v19  }
0x23f: {  	v27 =	vshrl.u32 v19, $0x8;
	v19 =	vshll.u32 v19, $0x18;
	v17 =	vadd.s32 $0x2D, v17  }
0x240: {  	v19 =	vor.u32 v27, v19;
	v28 =	vshrl.u32 v17, $0xF;
	v29 =	vshll.u32 v17, $0x11  }
0x241: {  	v15 =	vadd.s32 v15, v17;
	v19 =	vxor.u32 v18, v19;
	v30 =	vor.u32 v28, v29  }
0x242: {  	v44 =	vshrl.u32 v16, $0x6;
	v19 =	vadd.s32 $0x2, v19;
	v17 =	vxor.u32 v15, v30  }
0x243: {  	v18 =	vadd.s32 v19, v18;
	v31 =	vshrl.u32 v19, $0x13;
	v19 =	vshll.u32 v19, $0xD  }
0x244: {  	v15 =	vadd.s32 v15, v17;
	v18 =	vadd.s32 $0x1BD11BF0, v18;
	v19 =	vor.u32 v31, v19  }
0x245: {  	v32 =	vshrl.u32 v17, $0x3;
	v17 =	vshll.u32 v17, $0x1D;
	v19 =	vxor.u32 v18, v19  }
0x246: {  	v17 =	vor.u32 v32, v17;
	v33 =	vshrl.u32 v19, $0x11;
	v34 =	vshll.u32 v19, $0xF  }
0x247: {  	v18 =	vadd.s32 v18, v19;
	v17 =	vxor.u32 v15, v17;
	v35 =	vor.u32 v33, v34  }
0x248: {  	v16 =	vshll.u32 v16, $0x1A;
	v15 =	vadd.s32 v15, v17;
	v19 =	vxor.u32 v18, v35  }
0x249: {  	v18 =	vadd.s32 v18, v19;
	v37 =	vshrl.u32 v19, $0x6;
	v19 =	vshll.u32 v19, $0x1A  }
0x24a: {  	v38 =	vshrl.u32 v17, $0x10;
	v17 =	vshll.u32 v17, $0x10;
	v19 =	vor.u32 v37, v19  }
0x24b: {  	v16 =	vor.u32 v44, v16;
	v17 =	vor.u32 v38, v17;
	v19 =	vxor.u32 v18, v19  }
0x24c: {  	v18 =	vadd.s32 v18, v19;
	v39 =	vshrl.u32 v19, $0x1A;
	v19 =	vshll.u32 v19, $0x6  }
0x24d: {  	v16 =	vxor.u32 v14, v16;
	v17 =	vxor.u32 v15, v17;
	v19 =	vor.u32 v39, v19  }
0x24e: {  	v14 =	vadd.s32 v14, v16;
	v15 =	vadd.s32 v15, v17;
	v19 =	vxor.u32 v18, v19  }
0x24f: {  	v42 =	vshrl.u32 v17, $0x8;
	v17 =	vshll.u32 v17, $0x18;
	v19 =	vadd.s32 $0x2D, v19  }
0x250: {  	v18 =	vadd.s32 v18, v19;
	v41 =	vshrl.u32 v19, $0xF;
	v19 =	vshll.u32 v19, $0x11  }
0x251: {  	v48 =	vshrl.u32 v16, $0x1A;
	v17 =	vor.u32 v42, v17;
	v19 =	vor.u32 v41, v19  }
0x252: {  	v16 =	vshll.u32 v16, $0x6;
	v17 =	vxor.u32 v15, v17;
	v19 =	vxor.u32 v18, v19  }
0x253: {  	v18 =	vadd.s32 v18, v19;
	v43 =	vshrl.u32 v19, $0x3;
	v19 =	vshll.u32 v19, $0x1D  }
0x254: {  	v16 =	vor.u32 v48, v16;
	v17 =	vadd.s32 $0x1BD11BF4, v17;
	v19 =	vor.u32 v43, v19  }
0x255: {  	[tilespmem:s13+$0xFFFFFFA0] =	vst v3;
	v3 =	vadd.s32 $0x1BD11BF0, v14;
	v15 =	vadd.s32 v17, v15;
	v19 =	vxor.u32 v18, v19  }
0x256: {  	v18 =	vadd.s32 v18, v19;
	v45 =	vshrl.u32 v19, $0x10;
	v19 =	vshll.u32 v19, $0x10  }
0x257: {  	v46 =	vshrl.u32 v17, $0x13;
	v17 =	vshll.u32 v17, $0xD;
	v19 =	vor.u32 v45, v19  }
0x258: {  	v17 =	vor.u32 v46, v17;
	v15 =	vadd.s32 $0x2A, v15;
	v19 =	vxor.u32 v18, v19  }
0x259: {  	v18 =	vadd.s32 v18, v19;
	v47 =	vshrl.u32 v19, $0x8;
	v19 =	vshll.u32 v19, $0x18  }
0x25a: {  	v16 =	vxor.u32 v14, v16;
	v17 =	vxor.u32 v15, v17;
	v19 =	vor.u32 v47, v19  }
0x25b: {  	v52 =	vadd.s32 $0x5, v16;
	v15 =	vadd.s32 v15, v17;
	v19 =	vxor.u32 v18, v19  }
0x25c: {  	v49 =	vshrl.u32 v17, $0x11;
	v17 =	vshll.u32 v17, $0xF;
	v19 =	vadd.s32 $0x1BD11BF4, v19  }
0x25d: {  	[tilespmem:s13+$0xFFFFFF90] =	vst v2;
	v50 =	vshrl.u32 v19, $0x13;
	v51 =	vshll.u32 v19, $0xD;
	v2 =	vadd.s32 v19, v18  }
0x25e: {  	[tilespmem:s13+$0xFFFFFF80] =	vst v1;
	v1 =	vor.u32 v49, v17;
	v17 =	vor.u32 v50, v51;
	v2 =	vadd.s32 $0x2A, v2  }
0x25f: {  	[tilespmem:s13+$0xFFFFFFB0] =	vst v4;
	v3 =	vxor.u32 v3, v52;
	v1 =	vxor.u32 v15, v1;
	v53 =	vxor.u32 v2, v17  }
0x260: {  	[tilespmem:s13+$0xFFFFFFC0] =	vst v5;
	v55 =	vshrl.u32 v1, $0x6;
	v54 =	vshrl.u32 v53, $0x11;
	v4 =	vshll.u32 v53, $0xF  }
0x261: {  	[tilespmem:s13+$0xFFFFFFD0] =	vst v6;
	v56 =	vshll.u32 v1, $0x1A;
	v2 =	vadd.s32 v2, v53;
	v4 =	vor.u32 v54, v4  }
0x262: {  	[tilespmem:s13+$0xFFFFFFE0] =	vst v7;
	v1 =	vadd.s32 v15, v1;
	v5 =	vor.u32 v55, v56;
	v4 =	vxor.u32 v2, v4  }
0x263: {  	[tilespmem:s13+$0xFFFFFFF0] =	vst v8;
	v5 =	vxor.u32 v1, v5;
	v57 =	vshrl.u32 v4, $0x6;
	v58 =	vshll.u32 v4, $0x1A  }
0x264: {  	[tilespmem:s13+$0x0] =	vst v9;
	v1 =	vadd.s32 v1, v5;
	v2 =	vadd.s32 v2, v4;
	v59 =	vor.u32 v57, v58  }
0x265: {  	[tilespmem:s13+$0x10] =	vst v10;
	v60 =	vshrl.u32 v5, $0x1A;
	v5 =	vshll.u32 v5, $0x6;
	v4 =	vxor.u32 v2, v59  }
0x266: {  	p0 =	sne.s32 s12, $0x3F00;
	[tilespmem:s13+$0x20] =	vst v11;
	v5 =	vor.u32 v60, v5;
	v61 =	vshrl.u32 v4, $0x1A;
	v62 =	vshll.u32 v4, $0x6  }
.Ltmp0:
0x267: {  	[tilespmem:s13+$0x30] =	vst v12;
	v5 =	vxor.u32 v1, v5;
	v2 =	vadd.s32 v2, v4;
	v63 =	vor.u32 v61, v62;
	(pc) =	sbr.rel @p0 .LBB2_3-.Ltmp0, $4  }
0x268: {  	[tilespmem:s13+$0x40] =	vst v13;
	v1 =	vadd.s32 $0x1BD11BF0, v1;
	v5 =	vadd.s32 $0x5, v5;
	v4 =	vxor.u32 v2, v63  }
0x269: {  	[tilespmem:s13+$0x50] =	vst v3;
	v1 =	vxor.u32 v1, v5;
	v2 =	vadd.s32 $0x1BD11BF0, v2;
	v3 =	vadd.s32 $0x5, v4  }
0x26a: {  	[tilespmem:s13+$0x60] =	vst v1;
	v1 =	vxor.u32 v2, v3  }
0x26b: {  	s12 =	sadd.s32 $0x100, s12;
	[tilespmem:s13+$0x70] =	vst v1;
	s13 =	sadd.s32 $0x100, s13  }
0x26c: {  	s10 =	sadd.s32 $0x1, s10  }
0x26d: {  	s11 =	sshrl.u32 s11, $0x3;
	p0 =	sne.s32 s10, $0xC  }
.Ltmp1:
0x26e: {  	s11 =	sadd.s32 s3, s11;
	(pc) =	sbr.rel @p0 .LBB2_2-.Ltmp1, $4  }
0x26f: {  	[hbm4b:s11+s1] =	stream.linear.scatter [tilespmem:s1], [sflag:$0x1], $0x4000, $0x38;
	[tilespmem:$0x4000] =	vst v63  }
0x270: {  	_ =	swait.ge [sflag:s7], $0x4000  }
0x271: {  	[sflag:s7] =	ssyncset.done $0x0  }
0x272: {  	s9 =	sadd.s32 $0x4000, s9;
	[sflag:s7] =	ssyncadd.s32 $0xFFFFC000  }
0x273: {  	s8 =	sadd.s32 $0x1, s8  }
0x274: {  	p0 =	sne.s32 s8, s5  }
.Ltmp2:
0x275: {  	_ = 	snop;
	(pc) =	sbr.rel @p0 .LBB2_1-.Ltmp2, $1  }
0x276: {  	_ =	sdelay $0x3  }
0x277: {  	_ =	sfence.sel $0x180000  }
0x278: {  	[bflag:$0x0] =	sbarrier.arrive $0xFFFF  }
0x279: {  	p0 =	sne.s32 s2, $0x0;
	_ =	strace $0x90000047  }
0x27a: {  	s0 =	sadd.s32 @!p0 $0x100000, s0;
	[bflag:$0x2] =	sbarrier.arrive $0xFFFF  }
0x27b: {  	[sflag:s0] =	ssyncadd.tile.s32 @!p0 $0x1;
	_ =	shalt  }
.Lfunc_end2:
_tile_overlayer_lowered:
.L_overlay_start_2:
0x27c: {  	(tag) =	ssettag $0x2  }
0x27d: {  	s0 =	rddreg [dreg:$0x0];
	s2 =	stileid.u32  }
0x27e: {  	s1 =	rddreg [dreg:$0x1];
	p0 =	sne.s32 s2, $0x0  }
0x27f: {  	s3 =	rddreg [dreg:$0x2];
	[bflag:$0x3] =	sbarrier.arrive $0xFFFF;
	s2 =	simm.s32 @!p0 $0x1C01  }
0x280: {  	[timem:s3], [sflag:s2] =	dma.local @!p0 [hbm:s0], s1  }
0x281: {  	s0 =	simm.s32 @!p0 $0x1  }
0x282: {  	_ =	swait.ge @!p0 [sflag:s0], s1  }
0x283: {  	s1 =	ssub.s32 @!p0 $0x0, s1;
	[sflag:s0] =	ssyncset.done @!p0 $0x0  }
0x284: {  	[sflag:s0] =	ssyncadd.s32 @!p0 s1  }
0x285: {  	[bflag:$0x3] =	sbarrier.arrive $0xFFFF  }
0x286: {  	_ =	shalt  }

</sc_bundles>
